<compile_context>
chip_gen: v7x
topology: tpu7x:2x2x1
jax: 0.10.2.dev20260603
libtpu: 0.0.44.dev20260713+nightly
codegen_flags: <defaults>
</compile_context>

<pallas_src>
import functools

import jax
import jax.numpy as jnp
from jax import lax
from jax.experimental import pallas as pl
from jax.experimental.pallas import tpu as pltpu
from jax.experimental.pallas import tpu_sc as plsc

VOCAB = 1000000
DIM = 64
BATCH = 16384

_NUM_WORKERS = 32
_RPW = BATCH // _NUM_WORKERS
_L = 16
_G = 4
_NG = _RPW // _G


@functools.partial(
    pl.kernel,
    mesh=plsc.VectorSubcoreMesh(core_axis_name="c", subcore_axis_name="s"),
    out_type=jax.ShapeDtypeStruct((DIM, BATCH), jnp.float32),
    scratch_types=[
        pltpu.VMEM((_RPW + 16,), jnp.int32),
        pltpu.VMEM((DIM, 3 * _G * 128), jnp.float32),
        pltpu.VMEM((DIM, 128), jnp.float32),
        pltpu.SemaphoreType.DMA,
    ],
    compiler_params=pltpu.CompilerParams(needs_layout_passes=False),
)
def _gather_kernel(idx_hbm, table_hbm, out_hbm, idx_v, ring_v, cols_v, sem):
    wid = lax.axis_index("s") * 2 + lax.axis_index("c")
    base = wid * _RPW
    pltpu.sync_copy(idx_hbm.at[pl.ds(base, _RPW)], idx_v.at[pl.ds(0, _RPW)])

    lane = lax.iota(jnp.int32, _L)

    def fire(g, par):
        vec = idx_v[pl.ds(g * _G, _L)]
        panel = lax.shift_right_logical(vec, 7)
        for r in range(_G):
            c0 = pl.multiple_of(panel[r] * 128, 128)
            for t in range(8):
                pltpu.make_async_copy(
                    table_hbm.at[pl.ds(t * 8, 8), pl.ds(c0, 128)],
                    ring_v.at[pl.ds(t * 8, 8),
                              pl.ds((par * _G + r) * 128, 128)],
                    sem,
                ).start()

    def drain(par):
        pltpu.make_async_copy(
            table_hbm.at[:, pl.ds(0, _G * 128)],
            ring_v.at[:, pl.ds(par * _G * 128, _G * 128)],
            sem,
        ).wait()

    def extract(g, par):
        vec = idx_v[pl.ds(g * _G, _L)]
        col = lax.bitwise_and(vec, 127)
        for r in range(_G):
            vcol = jnp.full((_L,), (par * _G + r) * 128, jnp.int32) + col[r]
            jcol = jnp.full((_L,), 0, jnp.int32) + ((g * _G + r) & 127)
            for k in range(DIM // _L):
                d = lane + k * _L
                v = plsc.load_gather(ring_v, [d, vcol])
                plsc.store_scatter(cols_v, [d, jcol], v)
        @pl.when((g & 31) == 31)
        def _():
            j0 = pl.multiple_of(g * _G - 124, 128)
            pltpu.sync_copy(cols_v, out_hbm.at[:, pl.ds(base + j0, 128)])

    fire(0, 0)
    fire(1, 1)

    def step(si, _):
        for sub in range(3):
            g = si * 3 + sub
            drain(sub)
            fire(g + 2, (sub + 2) % 3)
            extract(g, sub)
        return 0

    lax.fori_loop(0, (_NG - 2) // 3, step, 0)
    drain(0)
    extract(_NG - 2, 0)
    drain(1)
    extract(_NG - 1, 1)


def kernel(indices, table):
    out_t = _gather_kernel(indices, table.T)
    return out_t.T

# --- scband reference (transcript-rebuilt; emitter-appended) ---
"""Pipeline reference for scband-encoder-model-46952582479940 (READ-ONLY COPY).

The authoritative reference and input builder live on the scoring server;
editing this copy changes nothing except your own understanding.
"""

import jax, jax.numpy as jnp
import numpy as np

VOCAB = 1000000
DIM = 64
BATCH = 16384


def setup_inputs(seed: int = 0) -> dict:
    key = jax.random.key(seed)
    k1, k2 = jax.random.split(key)
    # integer ids standing in for the GO-term string keys of the original dict
    indices = jax.random.randint(k1, (BATCH,), 0, VOCAB, dtype=jnp.int32)
    # learned/loaded vector table standing in for self.go_dict (vocab x def_emb_dim)
    table = jax.random.normal(k2, (VOCAB, DIM), dtype=jnp.float32) * 0.02
    return {"indices": indices, "table": table}


def reference(indices, table):
    # Original forward: for each go_term key, append go_dict[key] (a def_emb_dim
    # float vector) and stack into a FloatTensor[B, def_emb_dim].
    # With string keys mapped to integer ids, this is a pure row gather from the
    # vector table. All generated indices are in-vocab, so the dict-miss
    # zero-vector branch is never taken.
    go_vectors = jnp.take(table, indices, axis=0)
    return go_vectors

if __name__ == "__main__":
    import jax
    _d = setup_inputs()
    print(jax.jit(kernel)(*tuple(_d.values())))

</pallas_src>

<mosaic_0001>
#map = affine_map<(d0, d1) -> (0)>
#map1 = affine_map<(d0, d1) -> (0, 0)>
module attributes {stable_mosaic.version = 14 : i64} {
  func.func @_gather_kernel(%arg0: i32, %arg1: i32, %arg2: memref<16384xi32, #tpu.memory_space<hbm>>, %arg3: memref<64x1000000xf32, #tpu.memory_space<hbm>>, %arg4: memref<64x16384xf32, #tpu.memory_space<hbm>>, %arg5: memref<528xi32, #tpu.memory_space<vmem>>, %arg6: memref<64x1536xf32, #tpu.memory_space<vmem>>, %arg7: memref<64x128xf32, #tpu.memory_space<vmem>>, %arg8: memref<!tpu.dma_semaphore, #tpu.memory_space<semaphore_mem>>) attributes {dimension_semantics = [#tpu.dimension_semantics<core_parallel>, #tpu.dimension_semantics<subcore_parallel>], iteration_bounds = array<i64: 2, 16>, scalar_prefetch = 0 : i64, scratch_operands = 4 : i64, tpu.core_type = #tpu.core_type<sc_vector_subcore>, window_params = [{transform_indices = #map}, {transform_indices = #map1}, {transform_indices = #map1}]} {
    %mul3A = arith.constant 2 : i32
    %mul3A_0 = arith.muli %arg1, %mul3A : i32
    %add3A = arith.addi %mul3A_0, %arg0 : i32
    %mul3A_1 = arith.constant 512 : i32
    %mul3A_2 = arith.muli %add3A, %mul3A_1 : i32
    "tpu.region"() ({
      %run_scoped3A = tpu.sem_alloc : memref<!tpu.dma_semaphore, #tpu.memory_space<semaphore_mem>>
      %dma_start3A_942 = arith.constant 0 : i32
      %dma_start3A_943 = tpu.memref_slice %arg5[%dma_start3A_942] : memref<528xi32, #tpu.memory_space<vmem>> -> memref<512xi32, #tpu.memory_space<vmem>>
      %dma_start3A_944 = tpu.memref_slice %arg2[%mul3A_2] : memref<16384xi32, #tpu.memory_space<hbm>> -> memref<512xi32, #tpu.memory_space<hbm>>
      %dma_start3A_945 = arith.constant 0 : i32
      %dma_start3A_946 = tpu.memref_slice %arg5[%dma_start3A_945] : memref<528xi32, #tpu.memory_space<vmem>> -> memref<512xi32, #tpu.memory_space<vmem>>
      %dma_start3A_947 = tpu.memref_slice %arg2[%mul3A_2] : memref<16384xi32, #tpu.memory_space<hbm>> -> memref<512xi32, #tpu.memory_space<hbm>>
      tpu.enqueue_dma source(%dma_start3A_947 : memref<512xi32, #tpu.memory_space<hbm>>) target(%dma_start3A_946 : memref<512xi32, #tpu.memory_space<vmem>>) target_semaphore(%run_scoped3A : memref<!tpu.dma_semaphore, #tpu.memory_space<semaphore_mem>>)
      %dma_wait3A_948 = arith.constant 0 : i32
      %dma_wait3A_949 = tpu.memref_slice %arg5[%dma_wait3A_948] : memref<528xi32, #tpu.memory_space<vmem>> -> memref<512xi32, #tpu.memory_space<vmem>>
      %dma_wait3A_950 = tpu.memref_slice %arg2[%mul3A_2] : memref<16384xi32, #tpu.memory_space<hbm>> -> memref<512xi32, #tpu.memory_space<hbm>>
      %dma_wait3A_951 = arith.constant 0 : i32
      %dma_wait3A_952 = tpu.memref_slice %arg5[%dma_wait3A_951] : memref<528xi32, #tpu.memory_space<vmem>> -> memref<512xi32, #tpu.memory_space<vmem>>
      %dma_wait3A_953 = tpu.memref_slice %arg2[%mul3A_2] : memref<16384xi32, #tpu.memory_space<hbm>> -> memref<512xi32, #tpu.memory_space<hbm>>
      tpu.wait_dma2 semaphore(%run_scoped3A : memref<!tpu.dma_semaphore, #tpu.memory_space<semaphore_mem>>) src(%dma_wait3A_953 : memref<512xi32, #tpu.memory_space<hbm>>) dst(%dma_wait3A_952 : memref<512xi32, #tpu.memory_space<vmem>>)
      tpu.yield
    }) : () -> ()
    %iota3A = tpu.iota {dimensions = array<i32: 0>} : vector<16xi32>
    %get3A = arith.constant 0 : index
    %get3A_3 = tpu.vector_load %arg5[%get3A] {strides = array<i32>} : memref<528xi32, #tpu.memory_space<vmem>>, vector<16xi32>,
    %shift_right_logical3A = arith.constant 7 : i32
    %shift_right_logical3A_4 = vector.broadcast %shift_right_logical3A : i32 to vector<16xi32>
    %shift_right_logical3A_5 = arith.shrui %get3A_3, %shift_right_logical3A_4 : vector<16xi32>
    %slice3A = vector.extract_strided_slice %shift_right_logical3A_5 {offsets = [0], sizes = [1], strides = [1]} : vector<16xi32> to vector<1xi32>
    %squeeze3A = vector.extract %slice3A[0] : i32 from vector<1xi32>
    %mul3A_6 = arith.constant 128 : i32
    %mul3A_7 = arith.muli %squeeze3A, %mul3A_6 : i32
    %multiple_of3A = tpu.assume_multiple %mul3A_7, 128 : i32
    %dma_start3A = arith.constant 0 : i32
    %dma_start3A_8 = arith.constant 0 : i32
    %dma_start3A_9 = tpu.memref_slice %arg6[%dma_start3A, %dma_start3A_8] : memref<64x1536xf32, #tpu.memory_space<vmem>> -> memref<8x128xf32, #tpu.memory_space<vmem>>
    %dma_start3A_10 = arith.constant 0 : i32
    %dma_start3A_11 = tpu.memref_slice %arg3[%dma_start3A_10, %multiple_of3A] : memref<64x1000000xf32, #tpu.memory_space<hbm>> -> memref<8x128xf32, #tpu.memory_space<hbm>>
    %dma_start3A_12 = arith.constant 0 : i32
    %dma_start3A_13 = arith.constant 0 : i32
    %dma_start3A_14 = tpu.memref_slice %arg6[%dma_start3A_12, %dma_start3A_13] : memref<64x1536xf32, #tpu.memory_space<vmem>> -> memref<8x128xf32, #tpu.memory_space<vmem>>
    %dma_start3A_15 = arith.constant 0 : i32
    %dma_start3A_16 = tpu.memref_slice %arg3[%dma_start3A_15, %multiple_of3A] : memref<64x1000000xf32, #tpu.memory_space<hbm>> -> memref<8x128xf32, #tpu.memory_space<hbm>>
    tpu.enqueue_dma source(%dma_start3A_16 : memref<8x128xf32, #tpu.memory_space<hbm>>) target(%dma_start3A_14 : memref<8x128xf32, #tpu.memory_space<vmem>>) target_semaphore(%arg8 : memref<!tpu.dma_semaphore, #tpu.memory_space<semaphore_mem>>)
    %dma_start3A_17 = arith.constant 8 : i32
    %dma_start3A_18 = arith.constant 0 : i32
    %dma_start3A_19 = tpu.memref_slice %arg6[%dma_start3A_17, %dma_start3A_18] : memref<64x1536xf32, #tpu.memory_space<vmem>> -> memref<8x128xf32, #tpu.memory_space<vmem>>
    %dma_start3A_20 = arith.constant 8 : i32
    %dma_start3A_21 = tpu.memref_slice %arg3[%dma_start3A_20, %multiple_of3A] : memref<64x1000000xf32, #tpu.memory_space<hbm>> -> memref<8x128xf32, #tpu.memory_space<hbm>>
    %dma_start3A_22 = arith.constant 8 : i32
    %dma_start3A_23 = arith.constant 0 : i32
    %dma_start3A_24 = tpu.memref_slice %arg6[%dma_start3A_22, %dma_start3A_23] : memref<64x1536xf32, #tpu.memory_space<vmem>> -> memref<8x128xf32, #tpu.memory_space<vmem>>
    %dma_start3A_25 = arith.constant 8 : i32
    %dma_start3A_26 = tpu.memref_slice %arg3[%dma_start3A_25, %multiple_of3A] : memref<64x1000000xf32, #tpu.memory_space<hbm>> -> memref<8x128xf32, #tpu.memory_space<hbm>>
    tpu.enqueue_dma source(%dma_start3A_26 : memref<8x128xf32, #tpu.memory_space<hbm>>) target(%dma_start3A_24 : memref<8x128xf32, #tpu.memory_space<vmem>>) target_semaphore(%arg8 : memref<!tpu.dma_semaphore, #tpu.memory_space<semaphore_mem>>)
    %dma_start3A_27 = arith.constant 16 : i32
    %dma_start3A_28 = arith.constant 0 : i32
    %dma_start3A_29 = tpu.memref_slice %arg6[%dma_start3A_27, %dma_start3A_28] : memref<64x1536xf32, #tpu.memory_space<vmem>> -> memref<8x128xf32, #tpu.memory_space<vmem>>
    %dma_start3A_30 = arith.constant 16 : i32
    %dma_start3A_31 = tpu.memref_slice %arg3[%dma_start3A_30, %multiple_of3A] : memref<64x1000000xf32, #tpu.memory_space<hbm>> -> memref<8x128xf32, #tpu.memory_space<hbm>>
    %dma_start3A_32 = arith.constant 16 : i32
    %dma_start3A_33 = arith.constant 0 : i32
    %dma_start3A_34 = tpu.memref_slice %arg6[%dma_start3A_32, %dma_start3A_33] : memref<64x1536xf32, #tpu.memory_space<vmem>> -> memref<8x128xf32, #tpu.memory_space<vmem>>
    %dma_start3A_35 = arith.constant 16 : i32
    %dma_start3A_36 = tpu.memref_slice %arg3[%dma_start3A_35, %multiple_of3A] : memref<64x1000000xf32, #tpu.memory_space<hbm>> -> memref<8x128xf32, #tpu.memory_space<hbm>>
    tpu.enqueue_dma source(%dma_start3A_36 : memref<8x128xf32, #tpu.memory_space<hbm>>) target(%dma_start3A_34 : memref<8x128xf32, #tpu.memory_space<vmem>>) target_semaphore(%arg8 : memref<!tpu.dma_semaphore, #tpu.memory_space<semaphore_mem>>)
    %dma_start3A_37 = arith.constant 24 : i32
    %dma_start3A_38 = arith.constant 0 : i32
    %dma_start3A_39 = tpu.memref_slice %arg6[%dma_start3A_37, %dma_start3A_38] : memref<64x1536xf32, #tpu.memory_space<vmem>> -> memref<8x128xf32, #tpu.memory_space<vmem>>
    %dma_start3A_40 = arith.constant 24 : i32
    %dma_start3A_41 = tpu.memref_slice %arg3[%dma_start3A_40, %multiple_of3A] : memref<64x1000000xf32, #tpu.memory_space<hbm>> -> memref<8x128xf32, #tpu.memory_space<hbm>>
    %dma_start3A_42 = arith.constant 24 : i32
    %dma_start3A_43 = arith.constant 0 : i32
    %dma_start3A_44 = tpu.memref_slice %arg6[%dma_start3A_42, %dma_start3A_43] : memref<64x1536xf32, #tpu.memory_space<vmem>> -> memref<8x128xf32, #tpu.memory_space<vmem>>
    %dma_start3A_45 = arith.constant 24 : i32
    %dma_start3A_46 = tpu.memref_slice %arg3[%dma_start3A_45, %multiple_of3A] : memref<64x1000000xf32, #tpu.memory_space<hbm>> -> memref<8x128xf32, #tpu.memory_space<hbm>>
    tpu.enqueue_dma source(%dma_start3A_46 : memref<8x128xf32, #tpu.memory_space<hbm>>) target(%dma_start3A_44 : memref<8x128xf32, #tpu.memory_space<vmem>>) target_semaphore(%arg8 : memref<!tpu.dma_semaphore, #tpu.memory_space<semaphore_mem>>)
    %dma_start3A_47 = arith.constant 32 : i32
    %dma_start3A_48 = arith.constant 0 : i32
    %dma_start3A_49 = tpu.memref_slice %arg6[%dma_start3A_47, %dma_start3A_48] : memref<64x1536xf32, #tpu.memory_space<vmem>> -> memref<8x128xf32, #tpu.memory_space<vmem>>
    %dma_start3A_50 = arith.constant 32 : i32
    %dma_start3A_51 = tpu.memref_slice %arg3[%dma_start3A_50, %multiple_of3A] : memref<64x1000000xf32, #tpu.memory_space<hbm>> -> memref<8x128xf32, #tpu.memory_space<hbm>>
    %dma_start3A_52 = arith.constant 32 : i32
    %dma_start3A_53 = arith.constant 0 : i32
    %dma_start3A_54 = tpu.memref_slice %arg6[%dma_start3A_52, %dma_start3A_53] : memref<64x1536xf32, #tpu.memory_space<vmem>> -> memref<8x128xf32, #tpu.memory_space<vmem>>
    %dma_start3A_55 = arith.constant 32 : i32
    %dma_start3A_56 = tpu.memref_slice %arg3[%dma_start3A_55, %multiple_of3A] : memref<64x1000000xf32, #tpu.memory_space<hbm>> -> memref<8x128xf32, #tpu.memory_space<hbm>>
    tpu.enqueue_dma source(%dma_start3A_56 : memref<8x128xf32, #tpu.memory_space<hbm>>) target(%dma_start3A_54 : memref<8x128xf32, #tpu.memory_space<vmem>>) target_semaphore(%arg8 : memref<!tpu.dma_semaphore, #tpu.memory_space<semaphore_mem>>)
    %dma_start3A_57 = arith.constant 40 : i32
    %dma_start3A_58 = arith.constant 0 : i32
    %dma_start3A_59 = tpu.memref_slice %arg6[%dma_start3A_57, %dma_start3A_58] : memref<64x1536xf32, #tpu.memory_space<vmem>> -> memref<8x128xf32, #tpu.memory_space<vmem>>
    %dma_start3A_60 = arith.constant 40 : i32
    %dma_start3A_61 = tpu.memref_slice %arg3[%dma_start3A_60, %multiple_of3A] : memref<64x1000000xf32, #tpu.memory_space<hbm>> -> memref<8x128xf32, #tpu.memory_space<hbm>>
    %dma_start3A_62 = arith.constant 40 : i32
    %dma_start3A_63 = arith.constant 0 : i32
    %dma_start3A_64 = tpu.memref_slice %arg6[%dma_start3A_62, %dma_start3A_63] : memref<64x1536xf32, #tpu.memory_space<vmem>> -> memref<8x128xf32, #tpu.memory_space<vmem>>
    %dma_start3A_65 = arith.constant 40 : i32
    %dma_start3A_66 = tpu.memref_slice %arg3[%dma_start3A_65, %multiple_of3A] : memref<64x1000000xf32, #tpu.memory_space<hbm>> -> memref<8x128xf32, #tpu.memory_space<hbm>>
    tpu.enqueue_dma source(%dma_start3A_66 : memref<8x128xf32, #tpu.memory_space<hbm>>) target(%dma_start3A_64 : memref<8x128xf32, #tpu.memory_space<vmem>>) target_semaphore(%arg8 : memref<!tpu.dma_semaphore, #tpu.memory_space<semaphore_mem>>)
    %dma_start3A_67 = arith.constant 48 : i32
    %dma_start3A_68 = arith.constant 0 : i32
    %dma_start3A_69 = tpu.memref_slice %arg6[%dma_start3A_67, %dma_start3A_68] : memref<64x1536xf32, #tpu.memory_space<vmem>> -> memref<8x128xf32, #tpu.memory_space<vmem>>
    %dma_start3A_70 = arith.constant 48 : i32
    %dma_start3A_71 = tpu.memref_slice %arg3[%dma_start3A_70, %multiple_of3A] : memref<64x1000000xf32, #tpu.memory_space<hbm>> -> memref<8x128xf32, #tpu.memory_space<hbm>>
    %dma_start3A_72 = arith.constant 48 : i32
    %dma_start3A_73 = arith.constant 0 : i32
    %dma_start3A_74 = tpu.memref_slice %arg6[%dma_start3A_72, %dma_start3A_73] : memref<64x1536xf32, #tpu.memory_space<vmem>> -> memref<8x128xf32, #tpu.memory_space<vmem>>
    %dma_start3A_75 = arith.constant 48 : i32
    %dma_start3A_76 = tpu.memref_slice %arg3[%dma_start3A_75, %multiple_of3A] : memref<64x1000000xf32, #tpu.memory_space<hbm>> -> memref<8x128xf32, #tpu.memory_space<hbm>>
    tpu.enqueue_dma source(%dma_start3A_76 : memref<8x128xf32, #tpu.memory_space<hbm>>) target(%dma_start3A_74 : memref<8x128xf32, #tpu.memory_space<vmem>>) target_semaphore(%arg8 : memref<!tpu.dma_semaphore, #tpu.memory_space<semaphore_mem>>)
    %dma_start3A_77 = arith.constant 56 : i32
    %dma_start3A_78 = arith.constant 0 : i32
    %dma_start3A_79 = tpu.memref_slice %arg6[%dma_start3A_77, %dma_start3A_78] : memref<64x1536xf32, #tpu.memory_space<vmem>> -> memref<8x128xf32, #tpu.memory_space<vmem>>
    %dma_start3A_80 = arith.constant 56 : i32
    %dma_start3A_81 = tpu.memref_slice %arg3[%dma_start3A_80, %multiple_of3A] : memref<64x1000000xf32, #tpu.memory_space<hbm>> -> memref<8x128xf32, #tpu.memory_space<hbm>>
    %dma_start3A_82 = arith.constant 56 : i32
    %dma_start3A_83 = arith.constant 0 : i32
    %dma_start3A_84 = tpu.memref_slice %arg6[%dma_start3A_82, %dma_start3A_83] : memref<64x1536xf32, #tpu.memory_space<vmem>> -> memref<8x128xf32, #tpu.memory_space<vmem>>
    %dma_start3A_85 = arith.constant 56 : i32
    %dma_start3A_86 = tpu.memref_slice %arg3[%dma_start3A_85, %multiple_of3A] : memref<64x1000000xf32, #tpu.memory_space<hbm>> -> memref<8x128xf32, #tpu.memory_space<hbm>>
    tpu.enqueue_dma source(%dma_start3A_86 : memref<8x128xf32, #tpu.memory_space<hbm>>) target(%dma_start3A_84 : memref<8x128xf32, #tpu.memory_space<vmem>>) target_semaphore(%arg8 : memref<!tpu.dma_semaphore, #tpu.memory_space<semaphore_mem>>)
    %slice3A_87 = vector.extract_strided_slice %shift_right_logical3A_5 {offsets = [1], sizes = [1], strides = [1]} : vector<16xi32> to vector<1xi32>
    %squeeze3A_88 = vector.extract %slice3A_87[0] : i32 from vector<1xi32>
    %mul3A_89 = arith.constant 128 : i32
    %mul3A_90 = arith.muli %squeeze3A_88, %mul3A_89 : i32
    %multiple_of3A_91 = tpu.assume_multiple %mul3A_90, 128 : i32
    %dma_start3A_92 = arith.constant 0 : i32
    %dma_start3A_93 = arith.constant 128 : i32
    %dma_start3A_94 = tpu.memref_slice %arg6[%dma_start3A_92, %dma_start3A_93] : memref<64x1536xf32, #tpu.memory_space<vmem>> -> memref<8x128xf32, #tpu.memory_space<vmem>>
    %dma_start3A_95 = arith.constant 0 : i32
    %dma_start3A_96 = tpu.memref_slice %arg3[%dma_start3A_95, %multiple_of3A_91] : memref<64x1000000xf32, #tpu.memory_space<hbm>> -> memref<8x128xf32, #tpu.memory_space<hbm>>
    %dma_start3A_97 = arith.constant 0 : i32
    %dma_start3A_98 = arith.constant 128 : i32
    %dma_start3A_99 = tpu.memref_slice %arg6[%dma_start3A_97, %dma_start3A_98] : memref<64x1536xf32, #tpu.memory_space<vmem>> -> memref<8x128xf32, #tpu.memory_space<vmem>>
    %dma_start3A_100 = arith.constant 0 : i32
    %dma_start3A_101 = tpu.memref_slice %arg3[%dma_start3A_100, %multiple_of3A_91] : memref<64x1000000xf32, #tpu.memory_space<hbm>> -> memref<8x128xf32, #tpu.memory_space<hbm>>
    tpu.enqueue_dma source(%dma_start3A_101 : memref<8x128xf32, #tpu.memory_space<hbm>>) target(%dma_start3A_99 : memref<8x128xf32, #tpu.memory_space<vmem>>) target_semaphore(%arg8 : memref<!tpu.dma_semaphore, #tpu.memory_space<semaphore_mem>>)
    %dma_start3A_102 = arith.constant 8 : i32
    %dma_start3A_103 = arith.constant 128 : i32
    %dma_start3A_104 = tpu.memref_slice %arg6[%dma_start3A_102, %dma_start3A_103] : memref<64x1536xf32, #tpu.memory_space<vmem>> -> memref<8x128xf32, #tpu.memory_space<vmem>>
    %dma_start3A_105 = arith.constant 8 : i32
    %dma_start3A_106 = tpu.memref_slice %arg3[%dma_start3A_105, %multiple_of3A_91] : memref<64x1000000xf32, #tpu.memory_space<hbm>> -> memref<8x128xf32, #tpu.memory_space<hbm>>
    %dma_start3A_107 = arith.constant 8 : i32
    %dma_start3A_108 = arith.constant 128 : i32
    %dma_start3A_109 = tpu.memref_slice %arg6[%dma_start3A_107, %dma_start3A_108] : memref<64x1536xf32, #tpu.memory_space<vmem>> -> memref<8x128xf32, #tpu.memory_space<vmem>>
    %dma_start3A_110 = arith.constant 8 : i32
    %dma_start3A_111 = tpu.memref_slice %arg3[%dma_start3A_110, %multiple_of3A_91] : memref<64x1000000xf32, #tpu.memory_space<hbm>> -> memref<8x128xf32, #tpu.memory_space<hbm>>
    tpu.enqueue_dma source(%dma_start3A_111 : memref<8x128xf32, #tpu.memory_space<hbm>>) target(%dma_start3A_109 : memref<8x128xf32, #tpu.memory_space<vmem>>) target_semaphore(%arg8 : memref<!tpu.dma_semaphore, #tpu.memory_space<semaphore_mem>>)
    %dma_start3A_112 = arith.constant 16 : i32
    %dma_start3A_113 = arith.constant 128 : i32
    %dma_start3A_114 = tpu.memref_slice %arg6[%dma_start3A_112, %dma_start3A_113] : memref<64x1536xf32, #tpu.memory_space<vmem>> -> memref<8x128xf32, #tpu.memory_space<vmem>>
    %dma_start3A_115 = arith.constant 16 : i32
    %dma_start3A_116 = tpu.memref_slice %arg3[%dma_start3A_115, %multiple_of3A_91] : memref<64x1000000xf32, #tpu.memory_space<hbm>> -> memref<8x128xf32, #tpu.memory_space<hbm>>
    %dma_start3A_117 = arith.constant 16 : i32
    %dma_start3A_118 = arith.constant 128 : i32
    %dma_start3A_119 = tpu.memref_slice %arg6[%dma_start3A_117, %dma_start3A_118] : memref<64x1536xf32, #tpu.memory_space<vmem>> -> memref<8x128xf32, #tpu.memory_space<vmem>>
    %dma_start3A_120 = arith.constant 16 : i32
    %dma_start3A_121 = tpu.memref_slice %arg3[%dma_start3A_120, %multiple_of3A_91] : memref<64x1000000xf32, #tpu.memory_space<hbm>> -> memref<8x128xf32, #tpu.memory_space<hbm>>
    tpu.enqueue_dma source(%dma_start3A_121 : memref<8x128xf32, #tpu.memory_space<hbm>>) target(%dma_start3A_119 : memref<8x128xf32, #tpu.memory_space<vmem>>) target_semaphore(%arg8 : memref<!tpu.dma_semaphore, #tpu.memory_space<semaphore_mem>>)
    %dma_start3A_122 = arith.constant 24 : i32
    %dma_start3A_123 = arith.constant 128 : i32
    %dma_start3A_124 = tpu.memref_slice %arg6[%dma_start3A_122, %dma_start3A_123] : memref<64x1536xf32, #tpu.memory_space<vmem>> -> memref<8x128xf32, #tpu.memory_space<vmem>>
    %dma_start3A_125 = arith.constant 24 : i32
    %dma_start3A_126 = tpu.memref_slice %arg3[%dma_start3A_125, %multiple_of3A_91] : memref<64x1000000xf32, #tpu.memory_space<hbm>> -> memref<8x128xf32, #tpu.memory_space<hbm>>
    %dma_start3A_127 = arith.constant 24 : i32
    %dma_start3A_128 = arith.constant 128 : i32
    %dma_start3A_129 = tpu.memref_slice %arg6[%dma_start3A_127, %dma_start3A_128] : memref<64x1536xf32, #tpu.memory_space<vmem>> -> memref<8x128xf32, #tpu.memory_space<vmem>>
    %dma_start3A_130 = arith.constant 24 : i32
    %dma_start3A_131 = tpu.memref_slice %arg3[%dma_start3A_130, %multiple_of3A_91] : memref<64x1000000xf32, #tpu.memory_space<hbm>> -> memref<8x128xf32, #tpu.memory_space<hbm>>
    tpu.enqueue_dma source(%dma_start3A_131 : memref<8x128xf32, #tpu.memory_space<hbm>>) target(%dma_start3A_129 : memref<8x128xf32, #tpu.memory_space<vmem>>) target_semaphore(%arg8 : memref<!tpu.dma_semaphore, #tpu.memory_space<semaphore_mem>>)
    %dma_start3A_132 = arith.constant 32 : i32
    %dma_start3A_133 = arith.constant 128 : i32
    %dma_start3A_134 = tpu.memref_slice %arg6[%dma_start3A_132, %dma_start3A_133] : memref<64x1536xf32, #tpu.memory_space<vmem>> -> memref<8x128xf32, #tpu.memory_space<vmem>>
    %dma_start3A_135 = arith.constant 32 : i32
    %dma_start3A_136 = tpu.memref_slice %arg3[%dma_start3A_135, %multiple_of3A_91] : memref<64x1000000xf32, #tpu.memory_space<hbm>> -> memref<8x128xf32, #tpu.memory_space<hbm>>
    %dma_start3A_137 = arith.constant 32 : i32
    %dma_start3A_138 = arith.constant 128 : i32
    %dma_start3A_139 = tpu.memref_slice %arg6[%dma_start3A_137, %dma_start3A_138] : memref<64x1536xf32, #tpu.memory_space<vmem>> -> memref<8x128xf32, #tpu.memory_space<vmem>>
    %dma_start3A_140 = arith.constant 32 : i32
    %dma_start3A_141 = tpu.memref_slice %arg3[%dma_start3A_140, %multiple_of3A_91] : memref<64x1000000xf32, #tpu.memory_space<hbm>> -> memref<8x128xf32, #tpu.memory_space<hbm>>
    tpu.enqueue_dma source(%dma_start3A_141 : memref<8x128xf32, #tpu.memory_space<hbm>>) target(%dma_start3A_139 : memref<8x128xf32, #tpu.memory_space<vmem>>) target_semaphore(%arg8 : memref<!tpu.dma_semaphore, #tpu.memory_space<semaphore_mem>>)
    %dma_start3A_142 = arith.constant 40 : i32
    %dma_start3A_143 = arith.constant 128 : i32
    %dma_start3A_144 = tpu.memref_slice %arg6[%dma_start3A_142, %dma_start3A_143] : memref<64x1536xf32, #tpu.memory_space<vmem>> -> memref<8x128xf32, #tpu.memory_space<vmem>>
    %dma_start3A_145 = arith.constant 40 : i32
    %dma_start3A_146 = tpu.memref_slice %arg3[%dma_start3A_145, %multiple_of3A_91] : memref<64x1000000xf32, #tpu.memory_space<hbm>> -> memref<8x128xf32, #tpu.memory_space<hbm>>
    %dma_start3A_147 = arith.constant 40 : i32
    %dma_start3A_148 = arith.constant 128 : i32
    %dma_start3A_149 = tpu.memref_slice %arg6[%dma_start3A_147, %dma_start3A_148] : memref<64x1536xf32, #tpu.memory_space<vmem>> -> memref<8x128xf32, #tpu.memory_space<vmem>>
    %dma_start3A_150 = arith.constant 40 : i32
    %dma_start3A_151 = tpu.memref_slice %arg3[%dma_start3A_150, %multiple_of3A_91] : memref<64x1000000xf32, #tpu.memory_space<hbm>> -> memref<8x128xf32, #tpu.memory_space<hbm>>
    tpu.enqueue_dma source(%dma_start3A_151 : memref<8x128xf32, #tpu.memory_space<hbm>>) target(%dma_start3A_149 : memref<8x128xf32, #tpu.memory_space<vmem>>) target_semaphore(%arg8 : memref<!tpu.dma_semaphore, #tpu.memory_space<semaphore_mem>>)
    %dma_start3A_152 = arith.constant 48 : i32
    %dma_start3A_153 = arith.constant 128 : i32
    %dma_start3A_154 = tpu.memref_slice %arg6[%dma_start3A_152, %dma_start3A_153] : memref<64x1536xf32, #tpu.memory_space<vmem>> -> memref<8x128xf32, #tpu.memory_space<vmem>>
    %dma_start3A_155 = arith.constant 48 : i32
    %dma_start3A_156 = tpu.memref_slice %arg3[%dma_start3A_155, %multiple_of3A_91] : memref<64x1000000xf32, #tpu.memory_space<hbm>> -> memref<8x128xf32, #tpu.memory_space<hbm>>
    %dma_start3A_157 = arith.constant 48 : i32
    %dma_start3A_158 = arith.constant 128 : i32
    %dma_start3A_159 = tpu.memref_slice %arg6[%dma_start3A_157, %dma_start3A_158] : memref<64x1536xf32, #tpu.memory_space<vmem>> -> memref<8x128xf32, #tpu.memory_space<vmem>>
    %dma_start3A_160 = arith.constant 48 : i32
    %dma_start3A_161 = tpu.memref_slice %arg3[%dma_start3A_160, %multiple_of3A_91] : memref<64x1000000xf32, #tpu.memory_space<hbm>> -> memref<8x128xf32, #tpu.memory_space<hbm>>
    tpu.enqueue_dma source(%dma_start3A_161 : memref<8x128xf32, #tpu.memory_space<hbm>>) target(%dma_start3A_159 : memref<8x128xf32, #tpu.memory_space<vmem>>) target_semaphore(%arg8 : memref<!tpu.dma_semaphore, #tpu.memory_space<semaphore_mem>>)
    %dma_start3A_162 = arith.constant 56 : i32
    %dma_start3A_163 = arith.constant 128 : i32
    %dma_start3A_164 = tpu.memref_slice %arg6[%dma_start3A_162, %dma_start3A_163] : memref<64x1536xf32, #tpu.memory_space<vmem>> -> memref<8x128xf32, #tpu.memory_space<vmem>>
    %dma_start3A_165 = arith.constant 56 : i32
    %dma_start3A_166 = tpu.memref_slice %arg3[%dma_start3A_165, %multiple_of3A_91] : memref<64x1000000xf32, #tpu.memory_space<hbm>> -> memref<8x128xf32, #tpu.memory_space<hbm>>
    %dma_start3A_167 = arith.constant 56 : i32
    %dma_start3A_168 = arith.constant 128 : i32
    %dma_start3A_169 = tpu.memref_slice %arg6[%dma_start3A_167, %dma_start3A_168] : memref<64x1536xf32, #tpu.memory_space<vmem>> -> memref<8x128xf32, #tpu.memory_space<vmem>>
    %dma_start3A_170 = arith.constant 56 : i32
    %dma_start3A_171 = tpu.memref_slice %arg3[%dma_start3A_170, %multiple_of3A_91] : memref<64x1000000xf32, #tpu.memory_space<hbm>> -> memref<8x128xf32, #tpu.memory_space<hbm>>
    tpu.enqueue_dma source(%dma_start3A_171 : memref<8x128xf32, #tpu.memory_space<hbm>>) target(%dma_start3A_169 : memref<8x128xf32, #tpu.memory_space<vmem>>) target_semaphore(%arg8 : memref<!tpu.dma_semaphore, #tpu.memory_space<semaphore_mem>>)
    %slice3A_172 = vector.extract_strided_slice %shift_right_logical3A_5 {offsets = [2], sizes = [1], strides = [1]} : vector<16xi32> to vector<1xi32>
    %squeeze3A_173 = vector.extract %slice3A_172[0] : i32 from vector<1xi32>
    %mul3A_174 = arith.constant 128 : i32
    %mul3A_175 = arith.muli %squeeze3A_173, %mul3A_174 : i32
    %multiple_of3A_176 = tpu.assume_multiple %mul3A_175, 128 : i32
    %dma_start3A_177 = arith.constant 0 : i32
    %dma_start3A_178 = arith.constant 256 : i32
    %dma_start3A_179 = tpu.memref_slice %arg6[%dma_start3A_177, %dma_start3A_178] : memref<64x1536xf32, #tpu.memory_space<vmem>> -> memref<8x128xf32, #tpu.memory_space<vmem>>
    %dma_start3A_180 = arith.constant 0 : i32
    %dma_start3A_181 = tpu.memref_slice %arg3[%dma_start3A_180, %multiple_of3A_176] : memref<64x1000000xf32, #tpu.memory_space<hbm>> -> memref<8x128xf32, #tpu.memory_space<hbm>>
    %dma_start3A_182 = arith.constant 0 : i32
    %dma_start3A_183 = arith.constant 256 : i32
    %dma_start3A_184 = tpu.memref_slice %arg6[%dma_start3A_182, %dma_start3A_183] : memref<64x1536xf32, #tpu.memory_space<vmem>> -> memref<8x128xf32, #tpu.memory_space<vmem>>
    %dma_start3A_185 = arith.constant 0 : i32
    %dma_start3A_186 = tpu.memref_slice %arg3[%dma_start3A_185, %multiple_of3A_176] : memref<64x1000000xf32, #tpu.memory_space<hbm>> -> memref<8x128xf32, #tpu.memory_space<hbm>>
    tpu.enqueue_dma source(%dma_start3A_186 : memref<8x128xf32, #tpu.memory_space<hbm>>) target(%dma_start3A_184 : memref<8x128xf32, #tpu.memory_space<vmem>>) target_semaphore(%arg8 : memref<!tpu.dma_semaphore, #tpu.memory_space<semaphore_mem>>)
    %dma_start3A_187 = arith.constant 8 : i32
    %dma_start3A_188 = arith.constant 256 : i32
    %dma_start3A_189 = tpu.memref_slice %arg6[%dma_start3A_187, %dma_start3A_188] : memref<64x1536xf32, #tpu.memory_space<vmem>> -> memref<8x128xf32, #tpu.memory_space<vmem>>
    %dma_start3A_190 = arith.constant 8 : i32
    %dma_start3A_191 = tpu.memref_slice %arg3[%dma_start3A_190, %multiple_of3A_176] : memref<64x1000000xf32, #tpu.memory_space<hbm>> -> memref<8x128xf32, #tpu.memory_space<hbm>>
    %dma_start3A_192 = arith.constant 8 : i32
    %dma_start3A_193 = arith.constant 256 : i32
    %dma_start3A_194 = tpu.memref_slice %arg6[%dma_start3A_192, %dma_start3A_193] : memref<64x1536xf32, #tpu.memory_space<vmem>> -> memref<8x128xf32, #tpu.memory_space<vmem>>
    %dma_start3A_195 = arith.constant 8 : i32
    %dma_start3A_196 = tpu.memref_slice %arg3[%dma_start3A_195, %multiple_of3A_176] : memref<64x1000000xf32, #tpu.memory_space<hbm>> -> memref<8x128xf32, #tpu.memory_space<hbm>>
    tpu.enqueue_dma source(%dma_start3A_196 : memref<8x128xf32, #tpu.memory_space<hbm>>) target(%dma_start3A_194 : memref<8x128xf32, #tpu.memory_space<vmem>>) target_semaphore(%arg8 : memref<!tpu.dma_semaphore, #tpu.memory_space<semaphore_mem>>)
    %dma_start3A_197 = arith.constant 16 : i32
    %dma_start3A_198 = arith.constant 256 : i32
    %dma_start3A_199 = tpu.memref_slice %arg6[%dma_start3A_197, %dma_start3A_198] : memref<64x1536xf32, #tpu.memory_space<vmem>> -> memref<8x128xf32, #tpu.memory_space<vmem>>
    %dma_start3A_200 = arith.constant 16 : i32
    %dma_start3A_201 = tpu.memref_slice %arg3[%dma_start3A_200, %multiple_of3A_176] : memref<64x1000000xf32, #tpu.memory_space<hbm>> -> memref<8x128xf32, #tpu.memory_space<hbm>>
    %dma_start3A_202 = arith.constant 16 : i32
    %dma_start3A_203 = arith.constant 256 : i32
    %dma_start3A_204 = tpu.memref_slice %arg6[%dma_start3A_202, %dma_start3A_203] : memref<64x1536xf32, #tpu.memory_space<vmem>> -> memref<8x128xf32, #tpu.memory_space<vmem>>
    %dma_start3A_205 = arith.constant 16 : i32
    %dma_start3A_206 = tpu.memref_slice %arg3[%dma_start3A_205, %multiple_of3A_176] : memref<64x1000000xf32, #tpu.memory_space<hbm>> -> memref<8x128xf32, #tpu.memory_space<hbm>>
    tpu.enqueue_dma source(%dma_start3A_206 : memref<8x128xf32, #tpu.memory_space<hbm>>) target(%dma_start3A_204 : memref<8x128xf32, #tpu.memory_space<vmem>>) target_semaphore(%arg8 : memref<!tpu.dma_semaphore, #tpu.memory_space<semaphore_mem>>)
    %dma_start3A_207 = arith.constant 24 : i32
    %dma_start3A_208 = arith.constant 256 : i32
    %dma_start3A_209 = tpu.memref_slice %arg6[%dma_start3A_207, %dma_start3A_208] : memref<64x1536xf32, #tpu.memory_space<vmem>> -> memref<8x128xf32, #tpu.memory_space<vmem>>
    %dma_start3A_210 = arith.constant 24 : i32
    %dma_start3A_211 = tpu.memref_slice %arg3[%dma_start3A_210, %multiple_of3A_176] : memref<64x1000000xf32, #tpu.memory_space<hbm>> -> memref<8x128xf32, #tpu.memory_space<hbm>>
    %dma_start3A_212 = arith.constant 24 : i32
    %dma_start3A_213 = arith.constant 256 : i32
    %dma_start3A_214 = tpu.memref_slice %arg6[%dma_start3A_212, %dma_start3A_213] : memref<64x1536xf32, #tpu.memory_space<vmem>> -> memref<8x128xf32, #tpu.memory_space<vmem>>
    %dma_start3A_215 = arith.constant 24 : i32
    %dma_start3A_216 = tpu.memref_slice %arg3[%dma_start3A_215, %multiple_of3A_176] : memref<64x1000000xf32, #tpu.memory_space<hbm>> -> memref<8x128xf32, #tpu.memory_space<hbm>>
    tpu.enqueue_dma source(%dma_start3A_216 : memref<8x128xf32, #tpu.memory_space<hbm>>) target(%dma_start3A_214 : memref<8x128xf32, #tpu.memory_space<vmem>>) target_semaphore(%arg8 : memref<!tpu.dma_semaphore, #tpu.memory_space<semaphore_mem>>)
    %dma_start3A_217 = arith.constant 32 : i32
    %dma_start3A_218 = arith.constant 256 : i32
    %dma_start3A_219 = tpu.memref_slice %arg6[%dma_start3A_217, %dma_start3A_218] : memref<64x1536xf32, #tpu.memory_space<vmem>> -> memref<8x128xf32, #tpu.memory_space<vmem>>
    %dma_start3A_220 = arith.constant 32 : i32
    %dma_start3A_221 = tpu.memref_slice %arg3[%dma_start3A_220, %multiple_of3A_176] : memref<64x1000000xf32, #tpu.memory_space<hbm>> -> memref<8x128xf32, #tpu.memory_space<hbm>>
    %dma_start3A_222 = arith.constant 32 : i32
    %dma_start3A_223 = arith.constant 256 : i32
    %dma_start3A_224 = tpu.memref_slice %arg6[%dma_start3A_222, %dma_start3A_223] : memref<64x1536xf32, #tpu.memory_space<vmem>> -> memref<8x128xf32, #tpu.memory_space<vmem>>
    %dma_start3A_225 = arith.constant 32 : i32
    %dma_start3A_226 = tpu.memref_slice %arg3[%dma_start3A_225, %multiple_of3A_176] : memref<64x1000000xf32, #tpu.memory_space<hbm>> -> memref<8x128xf32, #tpu.memory_space<hbm>>
    tpu.enqueue_dma source(%dma_start3A_226 : memref<8x128xf32, #tpu.memory_space<hbm>>) target(%dma_start3A_224 : memref<8x128xf32, #tpu.memory_space<vmem>>) target_semaphore(%arg8 : memref<!tpu.dma_semaphore, #tpu.memory_space<semaphore_mem>>)
    %dma_start3A_227 = arith.constant 40 : i32
    %dma_start3A_228 = arith.constant 256 : i32
    %dma_start3A_229 = tpu.memref_slice %arg6[%dma_start3A_227, %dma_start3A_228] : memref<64x1536xf32, #tpu.memory_space<vmem>> -> memref<8x128xf32, #tpu.memory_space<vmem>>
    %dma_start3A_230 = arith.constant 40 : i32
    %dma_start3A_231 = tpu.memref_slice %arg3[%dma_start3A_230, %multiple_of3A_176] : memref<64x1000000xf32, #tpu.memory_space<hbm>> -> memref<8x128xf32, #tpu.memory_space<hbm>>
    %dma_start3A_232 = arith.constant 40 : i32
    %dma_start3A_233 = arith.constant 256 : i32
    %dma_start3A_234 = tpu.memref_slice %arg6[%dma_start3A_232, %dma_start3A_233] : memref<64x1536xf32, #tpu.memory_space<vmem>> -> memref<8x128xf32, #tpu.memory_space<vmem>>
    %dma_start3A_235 = arith.constant 40 : i32
    %dma_start3A_236 = tpu.memref_slice %arg3[%dma_start3A_235, %multiple_of3A_176] : memref<64x1000000xf32, #tpu.memory_space<hbm>> -> memref<8x128xf32, #tpu.memory_space<hbm>>
    tpu.enqueue_dma source(%dma_start3A_236 : memref<8x128xf32, #tpu.memory_space<hbm>>) target(%dma_start3A_234 : memref<8x128xf32, #tpu.memory_space<vmem>>) target_semaphore(%arg8 : memref<!tpu.dma_semaphore, #tpu.memory_space<semaphore_mem>>)
    %dma_start3A_237 = arith.constant 48 : i32
    %dma_start3A_238 = arith.constant 256 : i32
    %dma_start3A_239 = tpu.memref_slice %arg6[%dma_start3A_237, %dma_start3A_238] : memref<64x1536xf32, #tpu.memory_space<vmem>> -> memref<8x128xf32, #tpu.memory_space<vmem>>
    %dma_start3A_240 = arith.constant 48 : i32
    %dma_start3A_241 = tpu.memref_slice %arg3[%dma_start3A_240, %multiple_of3A_176] : memref<64x1000000xf32, #tpu.memory_space<hbm>> -> memref<8x128xf32, #tpu.memory_space<hbm>>
    %dma_start3A_242 = arith.constant 48 : i32
    %dma_start3A_243 = arith.constant 256 : i32
    %dma_start3A_244 = tpu.memref_slice %arg6[%dma_start3A_242, %dma_start3A_243] : memref<64x1536xf32, #tpu.memory_space<vmem>> -> memref<8x128xf32, #tpu.memory_space<vmem>>
    %dma_start3A_245 = arith.constant 48 : i32
    %dma_start3A_246 = tpu.memref_slice %arg3[%dma_start3A_245, %multiple_of3A_176] : memref<64x1000000xf32, #tpu.memory_space<hbm>> -> memref<8x128xf32, #tpu.memory_space<hbm>>
    tpu.enqueue_dma source(%dma_start3A_246 : memref<8x128xf32, #tpu.memory_space<hbm>>) target(%dma_start3A_244 : memref<8x128xf32, #tpu.memory_space<vmem>>) target_semaphore(%arg8 : memref<!tpu.dma_semaphore, #tpu.memory_space<semaphore_mem>>)
    %dma_start3A_247 = arith.constant 56 : i32
    %dma_start3A_248 = arith.constant 256 : i32
    %dma_start3A_249 = tpu.memref_slice %arg6[%dma_start3A_247, %dma_start3A_248] : memref<64x1536xf32, #tpu.memory_space<vmem>> -> memref<8x128xf32, #tpu.memory_space<vmem>>
    %dma_start3A_250 = arith.constant 56 : i32
    %dma_start3A_251 = tpu.memref_slice %arg3[%dma_start3A_250, %multiple_of3A_176] : memref<64x1000000xf32, #tpu.memory_space<hbm>> -> memref<8x128xf32, #tpu.memory_space<hbm>>
    %dma_start3A_252 = arith.constant 56 : i32
    %dma_start3A_253 = arith.constant 256 : i32
    %dma_start3A_254 = tpu.memref_slice %arg6[%dma_start3A_252, %dma_start3A_253] : memref<64x1536xf32, #tpu.memory_space<vmem>> -> memref<8x128xf32, #tpu.memory_space<vmem>>
    %dma_start3A_255 = arith.constant 56 : i32
    %dma_start3A_256 = tpu.memref_slice %arg3[%dma_start3A_255, %multiple_of3A_176] : memref<64x1000000xf32, #tpu.memory_space<hbm>> -> memref<8x128xf32, #tpu.memory_space<hbm>>
    tpu.enqueue_dma source(%dma_start3A_256 : memref<8x128xf32, #tpu.memory_space<hbm>>) target(%dma_start3A_254 : memref<8x128xf32, #tpu.memory_space<vmem>>) target_semaphore(%arg8 : memref<!tpu.dma_semaphore, #tpu.memory_space<semaphore_mem>>)
    %slice3A_257 = vector.extract_strided_slice %shift_right_logical3A_5 {offsets = [3], sizes = [1], strides = [1]} : vector<16xi32> to vector<1xi32>
    %squeeze3A_258 = vector.extract %slice3A_257[0] : i32 from vector<1xi32>
    %mul3A_259 = arith.constant 128 : i32
    %mul3A_260 = arith.muli %squeeze3A_258, %mul3A_259 : i32
    %multiple_of3A_261 = tpu.assume_multiple %mul3A_260, 128 : i32
    %dma_start3A_262 = arith.constant 0 : i32
    %dma_start3A_263 = arith.constant 384 : i32
    %dma_start3A_264 = tpu.memref_slice %arg6[%dma_start3A_262, %dma_start3A_263] : memref<64x1536xf32, #tpu.memory_space<vmem>> -> memref<8x128xf32, #tpu.memory_space<vmem>>
    %dma_start3A_265 = arith.constant 0 : i32
    %dma_start3A_266 = tpu.memref_slice %arg3[%dma_start3A_265, %multiple_of3A_261] : memref<64x1000000xf32, #tpu.memory_space<hbm>> -> memref<8x128xf32, #tpu.memory_space<hbm>>
    %dma_start3A_267 = arith.constant 0 : i32
    %dma_start3A_268 = arith.constant 384 : i32
    %dma_start3A_269 = tpu.memref_slice %arg6[%dma_start3A_267, %dma_start3A_268] : memref<64x1536xf32, #tpu.memory_space<vmem>> -> memref<8x128xf32, #tpu.memory_space<vmem>>
    %dma_start3A_270 = arith.constant 0 : i32
    %dma_start3A_271 = tpu.memref_slice %arg3[%dma_start3A_270, %multiple_of3A_261] : memref<64x1000000xf32, #tpu.memory_space<hbm>> -> memref<8x128xf32, #tpu.memory_space<hbm>>
    tpu.enqueue_dma source(%dma_start3A_271 : memref<8x128xf32, #tpu.memory_space<hbm>>) target(%dma_start3A_269 : memref<8x128xf32, #tpu.memory_space<vmem>>) target_semaphore(%arg8 : memref<!tpu.dma_semaphore, #tpu.memory_space<semaphore_mem>>)
    %dma_start3A_272 = arith.constant 8 : i32
    %dma_start3A_273 = arith.constant 384 : i32
    %dma_start3A_274 = tpu.memref_slice %arg6[%dma_start3A_272, %dma_start3A_273] : memref<64x1536xf32, #tpu.memory_space<vmem>> -> memref<8x128xf32, #tpu.memory_space<vmem>>
    %dma_start3A_275 = arith.constant 8 : i32
    %dma_start3A_276 = tpu.memref_slice %arg3[%dma_start3A_275, %multiple_of3A_261] : memref<64x1000000xf32, #tpu.memory_space<hbm>> -> memref<8x128xf32, #tpu.memory_space<hbm>>
    %dma_start3A_277 = arith.constant 8 : i32
    %dma_start3A_278 = arith.constant 384 : i32
    %dma_start3A_279 = tpu.memref_slice %arg6[%dma_start3A_277, %dma_start3A_278] : memref<64x1536xf32, #tpu.memory_space<vmem>> -> memref<8x128xf32, #tpu.memory_space<vmem>>
    %dma_start3A_280 = arith.constant 8 : i32
    %dma_start3A_281 = tpu.memref_slice %arg3[%dma_start3A_280, %multiple_of3A_261] : memref<64x1000000xf32, #tpu.memory_space<hbm>> -> memref<8x128xf32, #tpu.memory_space<hbm>>
    tpu.enqueue_dma source(%dma_start3A_281 : memref<8x128xf32, #tpu.memory_space<hbm>>) target(%dma_start3A_279 : memref<8x128xf32, #tpu.memory_space<vmem>>) target_semaphore(%arg8 : memref<!tpu.dma_semaphore, #tpu.memory_space<semaphore_mem>>)
    %dma_start3A_282 = arith.constant 16 : i32
    %dma_start3A_283 = arith.constant 384 : i32
    %dma_start3A_284 = tpu.memref_slice %arg6[%dma_start3A_282, %dma_start3A_283] : memref<64x1536xf32, #tpu.memory_space<vmem>> -> memref<8x128xf32, #tpu.memory_space<vmem>>
    %dma_start3A_285 = arith.constant 16 : i32
    %dma_start3A_286 = tpu.memref_slice %arg3[%dma_start3A_285, %multiple_of3A_261] : memref<64x1000000xf32, #tpu.memory_space<hbm>> -> memref<8x128xf32, #tpu.memory_space<hbm>>
    %dma_start3A_287 = arith.constant 16 : i32
    %dma_start3A_288 = arith.constant 384 : i32
    %dma_start3A_289 = tpu.memref_slice %arg6[%dma_start3A_287, %dma_start3A_288] : memref<64x1536xf32, #tpu.memory_space<vmem>> -> memref<8x128xf32, #tpu.memory_space<vmem>>
    %dma_start3A_290 = arith.constant 16 : i32
    %dma_start3A_291 = tpu.memref_slice %arg3[%dma_start3A_290, %multiple_of3A_261] : memref<64x1000000xf32, #tpu.memory_space<hbm>> -> memref<8x128xf32, #tpu.memory_space<hbm>>
    tpu.enqueue_dma source(%dma_start3A_291 : memref<8x128xf32, #tpu.memory_space<hbm>>) target(%dma_start3A_289 : memref<8x128xf32, #tpu.memory_space<vmem>>) target_semaphore(%arg8 : memref<!tpu.dma_semaphore, #tpu.memory_space<semaphore_mem>>)
    %dma_start3A_292 = arith.constant 24 : i32
    %dma_start3A_293 = arith.constant 384 : i32
    %dma_start3A_294 = tpu.memref_slice %arg6[%dma_start3A_292, %dma_start3A_293] : memref<64x1536xf32, #tpu.memory_space<vmem>> -> memref<8x128xf32, #tpu.memory_space<vmem>>
    %dma_start3A_295 = arith.constant 24 : i32
    %dma_start3A_296 = tpu.memref_slice %arg3[%dma_start3A_295, %multiple_of3A_261] : memref<64x1000000xf32, #tpu.memory_space<hbm>> -> memref<8x128xf32, #tpu.memory_space<hbm>>
    %dma_start3A_297 = arith.constant 24 : i32
    %dma_start3A_298 = arith.constant 384 : i32
    %dma_start3A_299 = tpu.memref_slice %arg6[%dma_start3A_297, %dma_start3A_298] : memref<64x1536xf32, #tpu.memory_space<vmem>> -> memref<8x128xf32, #tpu.memory_space<vmem>>
    %dma_start3A_300 = arith.constant 24 : i32
    %dma_start3A_301 = tpu.memref_slice %arg3[%dma_start3A_300, %multiple_of3A_261] : memref<64x1000000xf32, #tpu.memory_space<hbm>> -> memref<8x128xf32, #tpu.memory_space<hbm>>
    tpu.enqueue_dma source(%dma_start3A_301 : memref<8x128xf32, #tpu.memory_space<hbm>>) target(%dma_start3A_299 : memref<8x128xf32, #tpu.memory_space<vmem>>) target_semaphore(%arg8 : memref<!tpu.dma_semaphore, #tpu.memory_space<semaphore_mem>>)
    %dma_start3A_302 = arith.constant 32 : i32
    %dma_start3A_303 = arith.constant 384 : i32
    %dma_start3A_304 = tpu.memref_slice %arg6[%dma_start3A_302, %dma_start3A_303] : memref<64x1536xf32, #tpu.memory_space<vmem>> -> memref<8x128xf32, #tpu.memory_space<vmem>>
    %dma_start3A_305 = arith.constant 32 : i32
    %dma_start3A_306 = tpu.memref_slice %arg3[%dma_start3A_305, %multiple_of3A_261] : memref<64x1000000xf32, #tpu.memory_space<hbm>> -> memref<8x128xf32, #tpu.memory_space<hbm>>
    %dma_start3A_307 = arith.constant 32 : i32
    %dma_start3A_308 = arith.constant 384 : i32
    %dma_start3A_309 = tpu.memref_slice %arg6[%dma_start3A_307, %dma_start3A_308] : memref<64x1536xf32, #tpu.memory_space<vmem>> -> memref<8x128xf32, #tpu.memory_space<vmem>>
    %dma_start3A_310 = arith.constant 32 : i32
    %dma_start3A_311 = tpu.memref_slice %arg3[%dma_start3A_310, %multiple_of3A_261] : memref<64x1000000xf32, #tpu.memory_space<hbm>> -> memref<8x128xf32, #tpu.memory_space<hbm>>
    tpu.enqueue_dma source(%dma_start3A_311 : memref<8x128xf32, #tpu.memory_space<hbm>>) target(%dma_start3A_309 : memref<8x128xf32, #tpu.memory_space<vmem>>) target_semaphore(%arg8 : memref<!tpu.dma_semaphore, #tpu.memory_space<semaphore_mem>>)
    %dma_start3A_312 = arith.constant 40 : i32
    %dma_start3A_313 = arith.constant 384 : i32
    %dma_start3A_314 = tpu.memref_slice %arg6[%dma_start3A_312, %dma_start3A_313] : memref<64x1536xf32, #tpu.memory_space<vmem>> -> memref<8x128xf32, #tpu.memory_space<vmem>>
    %dma_start3A_315 = arith.constant 40 : i32
    %dma_start3A_316 = tpu.memref_slice %arg3[%dma_start3A_315, %multiple_of3A_261] : memref<64x1000000xf32, #tpu.memory_space<hbm>> -> memref<8x128xf32, #tpu.memory_space<hbm>>
    %dma_start3A_317 = arith.constant 40 : i32
    %dma_start3A_318 = arith.constant 384 : i32
    %dma_start3A_319 = tpu.memref_slice %arg6[%dma_start3A_317, %dma_start3A_318] : memref<64x1536xf32, #tpu.memory_space<vmem>> -> memref<8x128xf32, #tpu.memory_space<vmem>>
    %dma_start3A_320 = arith.constant 40 : i32
    %dma_start3A_321 = tpu.memref_slice %arg3[%dma_start3A_320, %multiple_of3A_261] : memref<64x1000000xf32, #tpu.memory_space<hbm>> -> memref<8x128xf32, #tpu.memory_space<hbm>>
    tpu.enqueue_dma source(%dma_start3A_321 : memref<8x128xf32, #tpu.memory_space<hbm>>) target(%dma_start3A_319 : memref<8x128xf32, #tpu.memory_space<vmem>>) target_semaphore(%arg8 : memref<!tpu.dma_semaphore, #tpu.memory_space<semaphore_mem>>)
    %dma_start3A_322 = arith.constant 48 : i32
    %dma_start3A_323 = arith.constant 384 : i32
    %dma_start3A_324 = tpu.memref_slice %arg6[%dma_start3A_322, %dma_start3A_323] : memref<64x1536xf32, #tpu.memory_space<vmem>> -> memref<8x128xf32, #tpu.memory_space<vmem>>
    %dma_start3A_325 = arith.constant 48 : i32
    %dma_start3A_326 = tpu.memref_slice %arg3[%dma_start3A_325, %multiple_of3A_261] : memref<64x1000000xf32, #tpu.memory_space<hbm>> -> memref<8x128xf32, #tpu.memory_space<hbm>>
    %dma_start3A_327 = arith.constant 48 : i32
    %dma_start3A_328 = arith.constant 384 : i32
    %dma_start3A_329 = tpu.memref_slice %arg6[%dma_start3A_327, %dma_start3A_328] : memref<64x1536xf32, #tpu.memory_space<vmem>> -> memref<8x128xf32, #tpu.memory_space<vmem>>
    %dma_start3A_330 = arith.constant 48 : i32
    %dma_start3A_331 = tpu.memref_slice %arg3[%dma_start3A_330, %multiple_of3A_261] : memref<64x1000000xf32, #tpu.memory_space<hbm>> -> memref<8x128xf32, #tpu.memory_space<hbm>>
    tpu.enqueue_dma source(%dma_start3A_331 : memref<8x128xf32, #tpu.memory_space<hbm>>) target(%dma_start3A_329 : memref<8x128xf32, #tpu.memory_space<vmem>>) target_semaphore(%arg8 : memref<!tpu.dma_semaphore, #tpu.memory_space<semaphore_mem>>)
    %dma_start3A_332 = arith.constant 56 : i32
    %dma_start3A_333 = arith.constant 384 : i32
    %dma_start3A_334 = tpu.memref_slice %arg6[%dma_start3A_332, %dma_start3A_333] : memref<64x1536xf32, #tpu.memory_space<vmem>> -> memref<8x128xf32, #tpu.memory_space<vmem>>
    %dma_start3A_335 = arith.constant 56 : i32
    %dma_start3A_336 = tpu.memref_slice %arg3[%dma_start3A_335, %multiple_of3A_261] : memref<64x1000000xf32, #tpu.memory_space<hbm>> -> memref<8x128xf32, #tpu.memory_space<hbm>>
    %dma_start3A_337 = arith.constant 56 : i32
    %dma_start3A_338 = arith.constant 384 : i32
    %dma_start3A_339 = tpu.memref_slice %arg6[%dma_start3A_337, %dma_start3A_338] : memref<64x1536xf32, #tpu.memory_space<vmem>> -> memref<8x128xf32, #tpu.memory_space<vmem>>
    %dma_start3A_340 = arith.constant 56 : i32
    %dma_start3A_341 = tpu.memref_slice %arg3[%dma_start3A_340, %multiple_of3A_261] : memref<64x1000000xf32, #tpu.memory_space<hbm>> -> memref<8x128xf32, #tpu.memory_space<hbm>>
    tpu.enqueue_dma source(%dma_start3A_341 : memref<8x128xf32, #tpu.memory_space<hbm>>) target(%dma_start3A_339 : memref<8x128xf32, #tpu.memory_space<vmem>>) target_semaphore(%arg8 : memref<!tpu.dma_semaphore, #tpu.memory_space<semaphore_mem>>)
    %get3A_342 = arith.constant 4 : index
    %get3A_343 = tpu.vector_load %arg5[%get3A_342] {strides = array<i32>} : memref<528xi32, #tpu.memory_space<vmem>>, vector<16xi32>,
    %shift_right_logical3A_344 = arith.constant 7 : i32
    %shift_right_logical3A_345 = vector.broadcast %shift_right_logical3A_344 : i32 to vector<16xi32>
    %shift_right_logical3A_346 = arith.shrui %get3A_343, %shift_right_logical3A_345 : vector<16xi32>
    %slice3A_347 = vector.extract_strided_slice %shift_right_logical3A_346 {offsets = [0], sizes = [1], strides = [1]} : vector<16xi32> to vector<1xi32>
    %squeeze3A_348 = vector.extract %slice3A_347[0] : i32 from vector<1xi32>
    %mul3A_349 = arith.constant 128 : i32
    %mul3A_350 = arith.muli %squeeze3A_348, %mul3A_349 : i32
    %multiple_of3A_351 = tpu.assume_multiple %mul3A_350, 128 : i32
    %dma_start3A_352 = arith.constant 0 : i32
    %dma_start3A_353 = arith.constant 512 : i32
    %dma_start3A_354 = tpu.memref_slice %arg6[%dma_start3A_352, %dma_start3A_353] : memref<64x1536xf32, #tpu.memory_space<vmem>> -> memref<8x128xf32, #tpu.memory_space<vmem>>
    %dma_start3A_355 = arith.constant 0 : i32
    %dma_start3A_356 = tpu.memref_slice %arg3[%dma_start3A_355, %multiple_of3A_351] : memref<64x1000000xf32, #tpu.memory_space<hbm>> -> memref<8x128xf32, #tpu.memory_space<hbm>>
    %dma_start3A_357 = arith.constant 0 : i32
    %dma_start3A_358 = arith.constant 512 : i32
    %dma_start3A_359 = tpu.memref_slice %arg6[%dma_start3A_357, %dma_start3A_358] : memref<64x1536xf32, #tpu.memory_space<vmem>> -> memref<8x128xf32, #tpu.memory_space<vmem>>
    %dma_start3A_360 = arith.constant 0 : i32
    %dma_start3A_361 = tpu.memref_slice %arg3[%dma_start3A_360, %multiple_of3A_351] : memref<64x1000000xf32, #tpu.memory_space<hbm>> -> memref<8x128xf32, #tpu.memory_space<hbm>>
    tpu.enqueue_dma source(%dma_start3A_361 : memref<8x128xf32, #tpu.memory_space<hbm>>) target(%dma_start3A_359 : memref<8x128xf32, #tpu.memory_space<vmem>>) target_semaphore(%arg8 : memref<!tpu.dma_semaphore, #tpu.memory_space<semaphore_mem>>)
    %dma_start3A_362 = arith.constant 8 : i32
    %dma_start3A_363 = arith.constant 512 : i32
    %dma_start3A_364 = tpu.memref_slice %arg6[%dma_start3A_362, %dma_start3A_363] : memref<64x1536xf32, #tpu.memory_space<vmem>> -> memref<8x128xf32, #tpu.memory_space<vmem>>
    %dma_start3A_365 = arith.constant 8 : i32
    %dma_start3A_366 = tpu.memref_slice %arg3[%dma_start3A_365, %multiple_of3A_351] : memref<64x1000000xf32, #tpu.memory_space<hbm>> -> memref<8x128xf32, #tpu.memory_space<hbm>>
    %dma_start3A_367 = arith.constant 8 : i32
    %dma_start3A_368 = arith.constant 512 : i32
    %dma_start3A_369 = tpu.memref_slice %arg6[%dma_start3A_367, %dma_start3A_368] : memref<64x1536xf32, #tpu.memory_space<vmem>> -> memref<8x128xf32, #tpu.memory_space<vmem>>
    %dma_start3A_370 = arith.constant 8 : i32
    %dma_start3A_371 = tpu.memref_slice %arg3[%dma_start3A_370, %multiple_of3A_351] : memref<64x1000000xf32, #tpu.memory_space<hbm>> -> memref<8x128xf32, #tpu.memory_space<hbm>>
    tpu.enqueue_dma source(%dma_start3A_371 : memref<8x128xf32, #tpu.memory_space<hbm>>) target(%dma_start3A_369 : memref<8x128xf32, #tpu.memory_space<vmem>>) target_semaphore(%arg8 : memref<!tpu.dma_semaphore, #tpu.memory_space<semaphore_mem>>)
    %dma_start3A_372 = arith.constant 16 : i32
    %dma_start3A_373 = arith.constant 512 : i32
    %dma_start3A_374 = tpu.memref_slice %arg6[%dma_start3A_372, %dma_start3A_373] : memref<64x1536xf32, #tpu.memory_space<vmem>> -> memref<8x128xf32, #tpu.memory_space<vmem>>
    %dma_start3A_375 = arith.constant 16 : i32
    %dma_start3A_376 = tpu.memref_slice %arg3[%dma_start3A_375, %multiple_of3A_351] : memref<64x1000000xf32, #tpu.memory_space<hbm>> -> memref<8x128xf32, #tpu.memory_space<hbm>>
    %dma_start3A_377 = arith.constant 16 : i32
    %dma_start3A_378 = arith.constant 512 : i32
    %dma_start3A_379 = tpu.memref_slice %arg6[%dma_start3A_377, %dma_start3A_378] : memref<64x1536xf32, #tpu.memory_space<vmem>> -> memref<8x128xf32, #tpu.memory_space<vmem>>
    %dma_start3A_380 = arith.constant 16 : i32
    %dma_start3A_381 = tpu.memref_slice %arg3[%dma_start3A_380, %multiple_of3A_351] : memref<64x1000000xf32, #tpu.memory_space<hbm>> -> memref<8x128xf32, #tpu.memory_space<hbm>>
    tpu.enqueue_dma source(%dma_start3A_381 : memref<8x128xf32, #tpu.memory_space<hbm>>) target(%dma_start3A_379 : memref<8x128xf32, #tpu.memory_space<vmem>>) target_semaphore(%arg8 : memref<!tpu.dma_semaphore, #tpu.memory_space<semaphore_mem>>)
    %dma_start3A_382 = arith.constant 24 : i32
    %dma_start3A_383 = arith.constant 512 : i32
    %dma_start3A_384 = tpu.memref_slice %arg6[%dma_start3A_382, %dma_start3A_383] : memref<64x1536xf32, #tpu.memory_space<vmem>> -> memref<8x128xf32, #tpu.memory_space<vmem>>
    %dma_start3A_385 = arith.constant 24 : i32
    %dma_start3A_386 = tpu.memref_slice %arg3[%dma_start3A_385, %multiple_of3A_351] : memref<64x1000000xf32, #tpu.memory_space<hbm>> -> memref<8x128xf32, #tpu.memory_space<hbm>>
    %dma_start3A_387 = arith.constant 24 : i32
    %dma_start3A_388 = arith.constant 512 : i32
    %dma_start3A_389 = tpu.memref_slice %arg6[%dma_start3A_387, %dma_start3A_388] : memref<64x1536xf32, #tpu.memory_space<vmem>> -> memref<8x128xf32, #tpu.memory_space<vmem>>
    %dma_start3A_390 = arith.constant 24 : i32
    %dma_start3A_391 = tpu.memref_slice %arg3[%dma_start3A_390, %multiple_of3A_351] : memref<64x1000000xf32, #tpu.memory_space<hbm>> -> memref<8x128xf32, #tpu.memory_space<hbm>>
    tpu.enqueue_dma source(%dma_start3A_391 : memref<8x128xf32, #tpu.memory_space<hbm>>) target(%dma_start3A_389 : memref<8x128xf32, #tpu.memory_space<vmem>>) target_semaphore(%arg8 : memref<!tpu.dma_semaphore, #tpu.memory_space<semaphore_mem>>)
    %dma_start3A_392 = arith.constant 32 : i32
    %dma_start3A_393 = arith.constant 512 : i32
    %dma_start3A_394 = tpu.memref_slice %arg6[%dma_start3A_392, %dma_start3A_393] : memref<64x1536xf32, #tpu.memory_space<vmem>> -> memref<8x128xf32, #tpu.memory_space<vmem>>
    %dma_start3A_395 = arith.constant 32 : i32
    %dma_start3A_396 = tpu.memref_slice %arg3[%dma_start3A_395, %multiple_of3A_351] : memref<64x1000000xf32, #tpu.memory_space<hbm>> -> memref<8x128xf32, #tpu.memory_space<hbm>>
    %dma_start3A_397 = arith.constant 32 : i32
    %dma_start3A_398 = arith.constant 512 : i32
    %dma_start3A_399 = tpu.memref_slice %arg6[%dma_start3A_397, %dma_start3A_398] : memref<64x1536xf32, #tpu.memory_space<vmem>> -> memref<8x128xf32, #tpu.memory_space<vmem>>
    %dma_start3A_400 = arith.constant 32 : i32
    %dma_start3A_401 = tpu.memref_slice %arg3[%dma_start3A_400, %multiple_of3A_351] : memref<64x1000000xf32, #tpu.memory_space<hbm>> -> memref<8x128xf32, #tpu.memory_space<hbm>>
    tpu.enqueue_dma source(%dma_start3A_401 : memref<8x128xf32, #tpu.memory_space<hbm>>) target(%dma_start3A_399 : memref<8x128xf32, #tpu.memory_space<vmem>>) target_semaphore(%arg8 : memref<!tpu.dma_semaphore, #tpu.memory_space<semaphore_mem>>)
    %dma_start3A_402 = arith.constant 40 : i32
    %dma_start3A_403 = arith.constant 512 : i32
    %dma_start3A_404 = tpu.memref_slice %arg6[%dma_start3A_402, %dma_start3A_403] : memref<64x1536xf32, #tpu.memory_space<vmem>> -> memref<8x128xf32, #tpu.memory_space<vmem>>
    %dma_start3A_405 = arith.constant 40 : i32
    %dma_start3A_406 = tpu.memref_slice %arg3[%dma_start3A_405, %multiple_of3A_351] : memref<64x1000000xf32, #tpu.memory_space<hbm>> -> memref<8x128xf32, #tpu.memory_space<hbm>>
    %dma_start3A_407 = arith.constant 40 : i32
    %dma_start3A_408 = arith.constant 512 : i32
    %dma_start3A_409 = tpu.memref_slice %arg6[%dma_start3A_407, %dma_start3A_408] : memref<64x1536xf32, #tpu.memory_space<vmem>> -> memref<8x128xf32, #tpu.memory_space<vmem>>
    %dma_start3A_410 = arith.constant 40 : i32
    %dma_start3A_411 = tpu.memref_slice %arg3[%dma_start3A_410, %multiple_of3A_351] : memref<64x1000000xf32, #tpu.memory_space<hbm>> -> memref<8x128xf32, #tpu.memory_space<hbm>>
    tpu.enqueue_dma source(%dma_start3A_411 : memref<8x128xf32, #tpu.memory_space<hbm>>) target(%dma_start3A_409 : memref<8x128xf32, #tpu.memory_space<vmem>>) target_semaphore(%arg8 : memref<!tpu.dma_semaphore, #tpu.memory_space<semaphore_mem>>)
    %dma_start3A_412 = arith.constant 48 : i32
    %dma_start3A_413 = arith.constant 512 : i32
    %dma_start3A_414 = tpu.memref_slice %arg6[%dma_start3A_412, %dma_start3A_413] : memref<64x1536xf32, #tpu.memory_space<vmem>> -> memref<8x128xf32, #tpu.memory_space<vmem>>
    %dma_start3A_415 = arith.constant 48 : i32
    %dma_start3A_416 = tpu.memref_slice %arg3[%dma_start3A_415, %multiple_of3A_351] : memref<64x1000000xf32, #tpu.memory_space<hbm>> -> memref<8x128xf32, #tpu.memory_space<hbm>>
    %dma_start3A_417 = arith.constant 48 : i32
    %dma_start3A_418 = arith.constant 512 : i32
    %dma_start3A_419 = tpu.memref_slice %arg6[%dma_start3A_417, %dma_start3A_418] : memref<64x1536xf32, #tpu.memory_space<vmem>> -> memref<8x128xf32, #tpu.memory_space<vmem>>
    %dma_start3A_420 = arith.constant 48 : i32
    %dma_start3A_421 = tpu.memref_slice %arg3[%dma_start3A_420, %multiple_of3A_351] : memref<64x1000000xf32, #tpu.memory_space<hbm>> -> memref<8x128xf32, #tpu.memory_space<hbm>>
    tpu.enqueue_dma source(%dma_start3A_421 : memref<8x128xf32, #tpu.memory_space<hbm>>) target(%dma_start3A_419 : memref<8x128xf32, #tpu.memory_space<vmem>>) target_semaphore(%arg8 : memref<!tpu.dma_semaphore, #tpu.memory_space<semaphore_mem>>)
    %dma_start3A_422 = arith.constant 56 : i32
    %dma_start3A_423 = arith.constant 512 : i32
    %dma_start3A_424 = tpu.memref_slice %arg6[%dma_start3A_422, %dma_start3A_423] : memref<64x1536xf32, #tpu.memory_space<vmem>> -> memref<8x128xf32, #tpu.memory_space<vmem>>
    %dma_start3A_425 = arith.constant 56 : i32
    %dma_start3A_426 = tpu.memref_slice %arg3[%dma_start3A_425, %multiple_of3A_351] : memref<64x1000000xf32, #tpu.memory_space<hbm>> -> memref<8x128xf32, #tpu.memory_space<hbm>>
    %dma_start3A_427 = arith.constant 56 : i32
    %dma_start3A_428 = arith.constant 512 : i32
    %dma_start3A_429 = tpu.memref_slice %arg6[%dma_start3A_427, %dma_start3A_428] : memref<64x1536xf32, #tpu.memory_space<vmem>> -> memref<8x128xf32, #tpu.memory_space<vmem>>
    %dma_start3A_430 = arith.constant 56 : i32
    %dma_start3A_431 = tpu.memref_slice %arg3[%dma_start3A_430, %multiple_of3A_351] : memref<64x1000000xf32, #tpu.memory_space<hbm>> -> memref<8x128xf32, #tpu.memory_space<hbm>>
    tpu.enqueue_dma source(%dma_start3A_431 : memref<8x128xf32, #tpu.memory_space<hbm>>) target(%dma_start3A_429 : memref<8x128xf32, #tpu.memory_space<vmem>>) target_semaphore(%arg8 : memref<!tpu.dma_semaphore, #tpu.memory_space<semaphore_mem>>)
    %slice3A_432 = vector.extract_strided_slice %shift_right_logical3A_346 {offsets = [1], sizes = [1], strides = [1]} : vector<16xi32> to vector<1xi32>
    %squeeze3A_433 = vector.extract %slice3A_432[0] : i32 from vector<1xi32>
    %mul3A_434 = arith.constant 128 : i32
    %mul3A_435 = arith.muli %squeeze3A_433, %mul3A_434 : i32
    %multiple_of3A_436 = tpu.assume_multiple %mul3A_435, 128 : i32
    %dma_start3A_437 = arith.constant 0 : i32
    %dma_start3A_438 = arith.constant 640 : i32
    %dma_start3A_439 = tpu.memref_slice %arg6[%dma_start3A_437, %dma_start3A_438] : memref<64x1536xf32, #tpu.memory_space<vmem>> -> memref<8x128xf32, #tpu.memory_space<vmem>>
    %dma_start3A_440 = arith.constant 0 : i32
    %dma_start3A_441 = tpu.memref_slice %arg3[%dma_start3A_440, %multiple_of3A_436] : memref<64x1000000xf32, #tpu.memory_space<hbm>> -> memref<8x128xf32, #tpu.memory_space<hbm>>
    %dma_start3A_442 = arith.constant 0 : i32
    %dma_start3A_443 = arith.constant 640 : i32
    %dma_start3A_444 = tpu.memref_slice %arg6[%dma_start3A_442, %dma_start3A_443] : memref<64x1536xf32, #tpu.memory_space<vmem>> -> memref<8x128xf32, #tpu.memory_space<vmem>>
    %dma_start3A_445 = arith.constant 0 : i32
    %dma_start3A_446 = tpu.memref_slice %arg3[%dma_start3A_445, %multiple_of3A_436] : memref<64x1000000xf32, #tpu.memory_space<hbm>> -> memref<8x128xf32, #tpu.memory_space<hbm>>
    tpu.enqueue_dma source(%dma_start3A_446 : memref<8x128xf32, #tpu.memory_space<hbm>>) target(%dma_start3A_444 : memref<8x128xf32, #tpu.memory_space<vmem>>) target_semaphore(%arg8 : memref<!tpu.dma_semaphore, #tpu.memory_space<semaphore_mem>>)
    %dma_start3A_447 = arith.constant 8 : i32
    %dma_start3A_448 = arith.constant 640 : i32
    %dma_start3A_449 = tpu.memref_slice %arg6[%dma_start3A_447, %dma_start3A_448] : memref<64x1536xf32, #tpu.memory_space<vmem>> -> memref<8x128xf32, #tpu.memory_space<vmem>>
    %dma_start3A_450 = arith.constant 8 : i32
    %dma_start3A_451 = tpu.memref_slice %arg3[%dma_start3A_450, %multiple_of3A_436] : memref<64x1000000xf32, #tpu.memory_space<hbm>> -> memref<8x128xf32, #tpu.memory_space<hbm>>
    %dma_start3A_452 = arith.constant 8 : i32
    %dma_start3A_453 = arith.constant 640 : i32
    %dma_start3A_454 = tpu.memref_slice %arg6[%dma_start3A_452, %dma_start3A_453] : memref<64x1536xf32, #tpu.memory_space<vmem>> -> memref<8x128xf32, #tpu.memory_space<vmem>>
    %dma_start3A_455 = arith.constant 8 : i32
    %dma_start3A_456 = tpu.memref_slice %arg3[%dma_start3A_455, %multiple_of3A_436] : memref<64x1000000xf32, #tpu.memory_space<hbm>> -> memref<8x128xf32, #tpu.memory_space<hbm>>
    tpu.enqueue_dma source(%dma_start3A_456 : memref<8x128xf32, #tpu.memory_space<hbm>>) target(%dma_start3A_454 : memref<8x128xf32, #tpu.memory_space<vmem>>) target_semaphore(%arg8 : memref<!tpu.dma_semaphore, #tpu.memory_space<semaphore_mem>>)
    %dma_start3A_457 = arith.constant 16 : i32
    %dma_start3A_458 = arith.constant 640 : i32
    %dma_start3A_459 = tpu.memref_slice %arg6[%dma_start3A_457, %dma_start3A_458] : memref<64x1536xf32, #tpu.memory_space<vmem>> -> memref<8x128xf32, #tpu.memory_space<vmem>>
    %dma_start3A_460 = arith.constant 16 : i32
    %dma_start3A_461 = tpu.memref_slice %arg3[%dma_start3A_460, %multiple_of3A_436] : memref<64x1000000xf32, #tpu.memory_space<hbm>> -> memref<8x128xf32, #tpu.memory_space<hbm>>
    %dma_start3A_462 = arith.constant 16 : i32
    %dma_start3A_463 = arith.constant 640 : i32
    %dma_start3A_464 = tpu.memref_slice %arg6[%dma_start3A_462, %dma_start3A_463] : memref<64x1536xf32, #tpu.memory_space<vmem>> -> memref<8x128xf32, #tpu.memory_space<vmem>>
    %dma_start3A_465 = arith.constant 16 : i32
    %dma_start3A_466 = tpu.memref_slice %arg3[%dma_start3A_465, %multiple_of3A_436] : memref<64x1000000xf32, #tpu.memory_space<hbm>> -> memref<8x128xf32, #tpu.memory_space<hbm>>
    tpu.enqueue_dma source(%dma_start3A_466 : memref<8x128xf32, #tpu.memory_space<hbm>>) target(%dma_start3A_464 : memref<8x128xf32, #tpu.memory_space<vmem>>) target_semaphore(%arg8 : memref<!tpu.dma_semaphore, #tpu.memory_space<semaphore_mem>>)
    %dma_start3A_467 = arith.constant 24 : i32
    %dma_start3A_468 = arith.constant 640 : i32
    %dma_start3A_469 = tpu.memref_slice %arg6[%dma_start3A_467, %dma_start3A_468] : memref<64x1536xf32, #tpu.memory_space<vmem>> -> memref<8x128xf32, #tpu.memory_space<vmem>>
    %dma_start3A_470 = arith.constant 24 : i32
    %dma_start3A_471 = tpu.memref_slice %arg3[%dma_start3A_470, %multiple_of3A_436] : memref<64x1000000xf32, #tpu.memory_space<hbm>> -> memref<8x128xf32, #tpu.memory_space<hbm>>
    %dma_start3A_472 = arith.constant 24 : i32
    %dma_start3A_473 = arith.constant 640 : i32
    %dma_start3A_474 = tpu.memref_slice %arg6[%dma_start3A_472, %dma_start3A_473] : memref<64x1536xf32, #tpu.memory_space<vmem>> -> memref<8x128xf32, #tpu.memory_space<vmem>>
    %dma_start3A_475 = arith.constant 24 : i32
    %dma_start3A_476 = tpu.memref_slice %arg3[%dma_start3A_475, %multiple_of3A_436] : memref<64x1000000xf32, #tpu.memory_space<hbm>> -> memref<8x128xf32, #tpu.memory_space<hbm>>
    tpu.enqueue_dma source(%dma_start3A_476 : memref<8x128xf32, #tpu.memory_space<hbm>>) target(%dma_start3A_474 : memref<8x128xf32, #tpu.memory_space<vmem>>) target_semaphore(%arg8 : memref<!tpu.dma_semaphore, #tpu.memory_space<semaphore_mem>>)
    %dma_start3A_477 = arith.constant 32 : i32
    %dma_start3A_478 = arith.constant 640 : i32
    %dma_start3A_479 = tpu.memref_slice %arg6[%dma_start3A_477, %dma_start3A_478] : memref<64x1536xf32, #tpu.memory_space<vmem>> -> memref<8x128xf32, #tpu.memory_space<vmem>>
    %dma_start3A_480 = arith.constant 32 : i32
    %dma_start3A_481 = tpu.memref_slice %arg3[%dma_start3A_480, %multiple_of3A_436] : memref<64x1000000xf32, #tpu.memory_space<hbm>> -> memref<8x128xf32, #tpu.memory_space<hbm>>
    %dma_start3A_482 = arith.constant 32 : i32
    %dma_start3A_483 = arith.constant 640 : i32
    %dma_start3A_484 = tpu.memref_slice %arg6[%dma_start3A_482, %dma_start3A_483] : memref<64x1536xf32, #tpu.memory_space<vmem>> -> memref<8x128xf32, #tpu.memory_space<vmem>>
    %dma_start3A_485 = arith.constant 32 : i32
    %dma_start3A_486 = tpu.memref_slice %arg3[%dma_start3A_485, %multiple_of3A_436] : memref<64x1000000xf32, #tpu.memory_space<hbm>> -> memref<8x128xf32, #tpu.memory_space<hbm>>
    tpu.enqueue_dma source(%dma_start3A_486 : memref<8x128xf32, #tpu.memory_space<hbm>>) target(%dma_start3A_484 : memref<8x128xf32, #tpu.memory_space<vmem>>) target_semaphore(%arg8 : memref<!tpu.dma_semaphore, #tpu.memory_space<semaphore_mem>>)
    %dma_start3A_487 = arith.constant 40 : i32
    %dma_start3A_488 = arith.constant 640 : i32
    %dma_start3A_489 = tpu.memref_slice %arg6[%dma_start3A_487, %dma_start3A_488] : memref<64x1536xf32, #tpu.memory_space<vmem>> -> memref<8x128xf32, #tpu.memory_space<vmem>>
    %dma_start3A_490 = arith.constant 40 : i32
    %dma_start3A_491 = tpu.memref_slice %arg3[%dma_start3A_490, %multiple_of3A_436] : memref<64x1000000xf32, #tpu.memory_space<hbm>> -> memref<8x128xf32, #tpu.memory_space<hbm>>
    %dma_start3A_492 = arith.constant 40 : i32
    %dma_start3A_493 = arith.constant 640 : i32
    %dma_start3A_494 = tpu.memref_slice %arg6[%dma_start3A_492, %dma_start3A_493] : memref<64x1536xf32, #tpu.memory_space<vmem>> -> memref<8x128xf32, #tpu.memory_space<vmem>>
    %dma_start3A_495 = arith.constant 40 : i32
    %dma_start3A_496 = tpu.memref_slice %arg3[%dma_start3A_495, %multiple_of3A_436] : memref<64x1000000xf32, #tpu.memory_space<hbm>> -> memref<8x128xf32, #tpu.memory_space<hbm>>
    tpu.enqueue_dma source(%dma_start3A_496 : memref<8x128xf32, #tpu.memory_space<hbm>>) target(%dma_start3A_494 : memref<8x128xf32, #tpu.memory_space<vmem>>) target_semaphore(%arg8 : memref<!tpu.dma_semaphore, #tpu.memory_space<semaphore_mem>>)
    %dma_start3A_497 = arith.constant 48 : i32
    %dma_start3A_498 = arith.constant 640 : i32
    %dma_start3A_499 = tpu.memref_slice %arg6[%dma_start3A_497, %dma_start3A_498] : memref<64x1536xf32, #tpu.memory_space<vmem>> -> memref<8x128xf32, #tpu.memory_space<vmem>>
    %dma_start3A_500 = arith.constant 48 : i32
    %dma_start3A_501 = tpu.memref_slice %arg3[%dma_start3A_500, %multiple_of3A_436] : memref<64x1000000xf32, #tpu.memory_space<hbm>> -> memref<8x128xf32, #tpu.memory_space<hbm>>
    %dma_start3A_502 = arith.constant 48 : i32
    %dma_start3A_503 = arith.constant 640 : i32
    %dma_start3A_504 = tpu.memref_slice %arg6[%dma_start3A_502, %dma_start3A_503] : memref<64x1536xf32, #tpu.memory_space<vmem>> -> memref<8x128xf32, #tpu.memory_space<vmem>>
    %dma_start3A_505 = arith.constant 48 : i32
    %dma_start3A_506 = tpu.memref_slice %arg3[%dma_start3A_505, %multiple_of3A_436] : memref<64x1000000xf32, #tpu.memory_space<hbm>> -> memref<8x128xf32, #tpu.memory_space<hbm>>
    tpu.enqueue_dma source(%dma_start3A_506 : memref<8x128xf32, #tpu.memory_space<hbm>>) target(%dma_start3A_504 : memref<8x128xf32, #tpu.memory_space<vmem>>) target_semaphore(%arg8 : memref<!tpu.dma_semaphore, #tpu.memory_space<semaphore_mem>>)
    %dma_start3A_507 = arith.constant 56 : i32
    %dma_start3A_508 = arith.constant 640 : i32
    %dma_start3A_509 = tpu.memref_slice %arg6[%dma_start3A_507, %dma_start3A_508] : memref<64x1536xf32, #tpu.memory_space<vmem>> -> memref<8x128xf32, #tpu.memory_space<vmem>>
    %dma_start3A_510 = arith.constant 56 : i32
    %dma_start3A_511 = tpu.memref_slice %arg3[%dma_start3A_510, %multiple_of3A_436] : memref<64x1000000xf32, #tpu.memory_space<hbm>> -> memref<8x128xf32, #tpu.memory_space<hbm>>
    %dma_start3A_512 = arith.constant 56 : i32
    %dma_start3A_513 = arith.constant 640 : i32
    %dma_start3A_514 = tpu.memref_slice %arg6[%dma_start3A_512, %dma_start3A_513] : memref<64x1536xf32, #tpu.memory_space<vmem>> -> memref<8x128xf32, #tpu.memory_space<vmem>>
    %dma_start3A_515 = arith.constant 56 : i32
    %dma_start3A_516 = tpu.memref_slice %arg3[%dma_start3A_515, %multiple_of3A_436] : memref<64x1000000xf32, #tpu.memory_space<hbm>> -> memref<8x128xf32, #tpu.memory_space<hbm>>
    tpu.enqueue_dma source(%dma_start3A_516 : memref<8x128xf32, #tpu.memory_space<hbm>>) target(%dma_start3A_514 : memref<8x128xf32, #tpu.memory_space<vmem>>) target_semaphore(%arg8 : memref<!tpu.dma_semaphore, #tpu.memory_space<semaphore_mem>>)
    %slice3A_517 = vector.extract_strided_slice %shift_right_logical3A_346 {offsets = [2], sizes = [1], strides = [1]} : vector<16xi32> to vector<1xi32>
    %squeeze3A_518 = vector.extract %slice3A_517[0] : i32 from vector<1xi32>
    %mul3A_519 = arith.constant 128 : i32
    %mul3A_520 = arith.muli %squeeze3A_518, %mul3A_519 : i32
    %multiple_of3A_521 = tpu.assume_multiple %mul3A_520, 128 : i32
    %dma_start3A_522 = arith.constant 0 : i32
    %dma_start3A_523 = arith.constant 768 : i32
    %dma_start3A_524 = tpu.memref_slice %arg6[%dma_start3A_522, %dma_start3A_523] : memref<64x1536xf32, #tpu.memory_space<vmem>> -> memref<8x128xf32, #tpu.memory_space<vmem>>
    %dma_start3A_525 = arith.constant 0 : i32
    %dma_start3A_526 = tpu.memref_slice %arg3[%dma_start3A_525, %multiple_of3A_521] : memref<64x1000000xf32, #tpu.memory_space<hbm>> -> memref<8x128xf32, #tpu.memory_space<hbm>>
    %dma_start3A_527 = arith.constant 0 : i32
    %dma_start3A_528 = arith.constant 768 : i32
    %dma_start3A_529 = tpu.memref_slice %arg6[%dma_start3A_527, %dma_start3A_528] : memref<64x1536xf32, #tpu.memory_space<vmem>> -> memref<8x128xf32, #tpu.memory_space<vmem>>
    %dma_start3A_530 = arith.constant 0 : i32
    %dma_start3A_531 = tpu.memref_slice %arg3[%dma_start3A_530, %multiple_of3A_521] : memref<64x1000000xf32, #tpu.memory_space<hbm>> -> memref<8x128xf32, #tpu.memory_space<hbm>>
    tpu.enqueue_dma source(%dma_start3A_531 : memref<8x128xf32, #tpu.memory_space<hbm>>) target(%dma_start3A_529 : memref<8x128xf32, #tpu.memory_space<vmem>>) target_semaphore(%arg8 : memref<!tpu.dma_semaphore, #tpu.memory_space<semaphore_mem>>)
    %dma_start3A_532 = arith.constant 8 : i32
    %dma_start3A_533 = arith.constant 768 : i32
    %dma_start3A_534 = tpu.memref_slice %arg6[%dma_start3A_532, %dma_start3A_533] : memref<64x1536xf32, #tpu.memory_space<vmem>> -> memref<8x128xf32, #tpu.memory_space<vmem>>
    %dma_start3A_535 = arith.constant 8 : i32
    %dma_start3A_536 = tpu.memref_slice %arg3[%dma_start3A_535, %multiple_of3A_521] : memref<64x1000000xf32, #tpu.memory_space<hbm>> -> memref<8x128xf32, #tpu.memory_space<hbm>>
    %dma_start3A_537 = arith.constant 8 : i32
    %dma_start3A_538 = arith.constant 768 : i32
    %dma_start3A_539 = tpu.memref_slice %arg6[%dma_start3A_537, %dma_start3A_538] : memref<64x1536xf32, #tpu.memory_space<vmem>> -> memref<8x128xf32, #tpu.memory_space<vmem>>
    %dma_start3A_540 = arith.constant 8 : i32
    %dma_start3A_541 = tpu.memref_slice %arg3[%dma_start3A_540, %multiple_of3A_521] : memref<64x1000000xf32, #tpu.memory_space<hbm>> -> memref<8x128xf32, #tpu.memory_space<hbm>>
    tpu.enqueue_dma source(%dma_start3A_541 : memref<8x128xf32, #tpu.memory_space<hbm>>) target(%dma_start3A_539 : memref<8x128xf32, #tpu.memory_space<vmem>>) target_semaphore(%arg8 : memref<!tpu.dma_semaphore, #tpu.memory_space<semaphore_mem>>)
    %dma_start3A_542 = arith.constant 16 : i32
    %dma_start3A_543 = arith.constant 768 : i32
    %dma_start3A_544 = tpu.memref_slice %arg6[%dma_start3A_542, %dma_start3A_543] : memref<64x1536xf32, #tpu.memory_space<vmem>> -> memref<8x128xf32, #tpu.memory_space<vmem>>
    %dma_start3A_545 = arith.constant 16 : i32
    %dma_start3A_546 = tpu.memref_slice %arg3[%dma_start3A_545, %multiple_of3A_521] : memref<64x1000000xf32, #tpu.memory_space<hbm>> -> memref<8x128xf32, #tpu.memory_space<hbm>>
    %dma_start3A_547 = arith.constant 16 : i32
    %dma_start3A_548 = arith.constant 768 : i32
    %dma_start3A_549 = tpu.memref_slice %arg6[%dma_start3A_547, %dma_start3A_548] : memref<64x1536xf32, #tpu.memory_space<vmem>> -> memref<8x128xf32, #tpu.memory_space<vmem>>
    %dma_start3A_550 = arith.constant 16 : i32
    %dma_start3A_551 = tpu.memref_slice %arg3[%dma_start3A_550, %multiple_of3A_521] : memref<64x1000000xf32, #tpu.memory_space<hbm>> -> memref<8x128xf32, #tpu.memory_space<hbm>>
    tpu.enqueue_dma source(%dma_start3A_551 : memref<8x128xf32, #tpu.memory_space<hbm>>) target(%dma_start3A_549 : memref<8x128xf32, #tpu.memory_space<vmem>>) target_semaphore(%arg8 : memref<!tpu.dma_semaphore, #tpu.memory_space<semaphore_mem>>)
    %dma_start3A_552 = arith.constant 24 : i32
    %dma_start3A_553 = arith.constant 768 : i32
    %dma_start3A_554 = tpu.memref_slice %arg6[%dma_start3A_552, %dma_start3A_553] : memref<64x1536xf32, #tpu.memory_space<vmem>> -> memref<8x128xf32, #tpu.memory_space<vmem>>
    %dma_start3A_555 = arith.constant 24 : i32
    %dma_start3A_556 = tpu.memref_slice %arg3[%dma_start3A_555, %multiple_of3A_521] : memref<64x1000000xf32, #tpu.memory_space<hbm>> -> memref<8x128xf32, #tpu.memory_space<hbm>>
    %dma_start3A_557 = arith.constant 24 : i32
    %dma_start3A_558 = arith.constant 768 : i32
    %dma_start3A_559 = tpu.memref_slice %arg6[%dma_start3A_557, %dma_start3A_558] : memref<64x1536xf32, #tpu.memory_space<vmem>> -> memref<8x128xf32, #tpu.memory_space<vmem>>
    %dma_start3A_560 = arith.constant 24 : i32
    %dma_start3A_561 = tpu.memref_slice %arg3[%dma_start3A_560, %multiple_of3A_521] : memref<64x1000000xf32, #tpu.memory_space<hbm>> -> memref<8x128xf32, #tpu.memory_space<hbm>>
    tpu.enqueue_dma source(%dma_start3A_561 : memref<8x128xf32, #tpu.memory_space<hbm>>) target(%dma_start3A_559 : memref<8x128xf32, #tpu.memory_space<vmem>>) target_semaphore(%arg8 : memref<!tpu.dma_semaphore, #tpu.memory_space<semaphore_mem>>)
    %dma_start3A_562 = arith.constant 32 : i32
    %dma_start3A_563 = arith.constant 768 : i32
    %dma_start3A_564 = tpu.memref_slice %arg6[%dma_start3A_562, %dma_start3A_563] : memref<64x1536xf32, #tpu.memory_space<vmem>> -> memref<8x128xf32, #tpu.memory_space<vmem>>
    %dma_start3A_565 = arith.constant 32 : i32
    %dma_start3A_566 = tpu.memref_slice %arg3[%dma_start3A_565, %multiple_of3A_521] : memref<64x1000000xf32, #tpu.memory_space<hbm>> -> memref<8x128xf32, #tpu.memory_space<hbm>>
    %dma_start3A_567 = arith.constant 32 : i32
    %dma_start3A_568 = arith.constant 768 : i32
    %dma_start3A_569 = tpu.memref_slice %arg6[%dma_start3A_567, %dma_start3A_568] : memref<64x1536xf32, #tpu.memory_space<vmem>> -> memref<8x128xf32, #tpu.memory_space<vmem>>
    %dma_start3A_570 = arith.constant 32 : i32
    %dma_start3A_571 = tpu.memref_slice %arg3[%dma_start3A_570, %multiple_of3A_521] : memref<64x1000000xf32, #tpu.memory_space<hbm>> -> memref<8x128xf32, #tpu.memory_space<hbm>>
    tpu.enqueue_dma source(%dma_start3A_571 : memref<8x128xf32, #tpu.memory_space<hbm>>) target(%dma_start3A_569 : memref<8x128xf32, #tpu.memory_space<vmem>>) target_semaphore(%arg8 : memref<!tpu.dma_semaphore, #tpu.memory_space<semaphore_mem>>)
    %dma_start3A_572 = arith.constant 40 : i32
    %dma_start3A_573 = arith.constant 768 : i32
    %dma_start3A_574 = tpu.memref_slice %arg6[%dma_start3A_572, %dma_start3A_573] : memref<64x1536xf32, #tpu.memory_space<vmem>> -> memref<8x128xf32, #tpu.memory_space<vmem>>
    %dma_start3A_575 = arith.constant 40 : i32
    %dma_start3A_576 = tpu.memref_slice %arg3[%dma_start3A_575, %multiple_of3A_521] : memref<64x1000000xf32, #tpu.memory_space<hbm>> -> memref<8x128xf32, #tpu.memory_space<hbm>>
    %dma_start3A_577 = arith.constant 40 : i32
    %dma_start3A_578 = arith.constant 768 : i32
    %dma_start3A_579 = tpu.memref_slice %arg6[%dma_start3A_577, %dma_start3A_578] : memref<64x1536xf32, #tpu.memory_space<vmem>> -> memref<8x128xf32, #tpu.memory_space<vmem>>
    %dma_start3A_580 = arith.constant 40 : i32
    %dma_start3A_581 = tpu.memref_slice %arg3[%dma_start3A_580, %multiple_of3A_521] : memref<64x1000000xf32, #tpu.memory_space<hbm>> -> memref<8x128xf32, #tpu.memory_space<hbm>>
    tpu.enqueue_dma source(%dma_start3A_581 : memref<8x128xf32, #tpu.memory_space<hbm>>) target(%dma_start3A_579 : memref<8x128xf32, #tpu.memory_space<vmem>>) target_semaphore(%arg8 : memref<!tpu.dma_semaphore, #tpu.memory_space<semaphore_mem>>)
    %dma_start3A_582 = arith.constant 48 : i32
    %dma_start3A_583 = arith.constant 768 : i32
    %dma_start3A_584 = tpu.memref_slice %arg6[%dma_start3A_582, %dma_start3A_583] : memref<64x1536xf32, #tpu.memory_space<vmem>> -> memref<8x128xf32, #tpu.memory_space<vmem>>
    %dma_start3A_585 = arith.constant 48 : i32
    %dma_start3A_586 = tpu.memref_slice %arg3[%dma_start3A_585, %multiple_of3A_521] : memref<64x1000000xf32, #tpu.memory_space<hbm>> -> memref<8x128xf32, #tpu.memory_space<hbm>>
    %dma_start3A_587 = arith.constant 48 : i32
    %dma_start3A_588 = arith.constant 768 : i32
    %dma_start3A_589 = tpu.memref_slice %arg6[%dma_start3A_587, %dma_start3A_588] : memref<64x1536xf32, #tpu.memory_space<vmem>> -> memref<8x128xf32, #tpu.memory_space<vmem>>
    %dma_start3A_590 = arith.constant 48 : i32
    %dma_start3A_591 = tpu.memref_slice %arg3[%dma_start3A_590, %multiple_of3A_521] : memref<64x1000000xf32, #tpu.memory_space<hbm>> -> memref<8x128xf32, #tpu.memory_space<hbm>>
    tpu.enqueue_dma source(%dma_start3A_591 : memref<8x128xf32, #tpu.memory_space<hbm>>) target(%dma_start3A_589 : memref<8x128xf32, #tpu.memory_space<vmem>>) target_semaphore(%arg8 : memref<!tpu.dma_semaphore, #tpu.memory_space<semaphore_mem>>)
    %dma_start3A_592 = arith.constant 56 : i32
    %dma_start3A_593 = arith.constant 768 : i32
    %dma_start3A_594 = tpu.memref_slice %arg6[%dma_start3A_592, %dma_start3A_593] : memref<64x1536xf32, #tpu.memory_space<vmem>> -> memref<8x128xf32, #tpu.memory_space<vmem>>
    %dma_start3A_595 = arith.constant 56 : i32
    %dma_start3A_596 = tpu.memref_slice %arg3[%dma_start3A_595, %multiple_of3A_521] : memref<64x1000000xf32, #tpu.memory_space<hbm>> -> memref<8x128xf32, #tpu.memory_space<hbm>>
    %dma_start3A_597 = arith.constant 56 : i32
    %dma_start3A_598 = arith.constant 768 : i32
    %dma_start3A_599 = tpu.memref_slice %arg6[%dma_start3A_597, %dma_start3A_598] : memref<64x1536xf32, #tpu.memory_space<vmem>> -> memref<8x128xf32, #tpu.memory_space<vmem>>
    %dma_start3A_600 = arith.constant 56 : i32
    %dma_start3A_601 = tpu.memref_slice %arg3[%dma_start3A_600, %multiple_of3A_521] : memref<64x1000000xf32, #tpu.memory_space<hbm>> -> memref<8x128xf32, #tpu.memory_space<hbm>>
    tpu.enqueue_dma source(%dma_start3A_601 : memref<8x128xf32, #tpu.memory_space<hbm>>) target(%dma_start3A_599 : memref<8x128xf32, #tpu.memory_space<vmem>>) target_semaphore(%arg8 : memref<!tpu.dma_semaphore, #tpu.memory_space<semaphore_mem>>)
    %slice3A_602 = vector.extract_strided_slice %shift_right_logical3A_346 {offsets = [3], sizes = [1], strides = [1]} : vector<16xi32> to vector<1xi32>
    %squeeze3A_603 = vector.extract %slice3A_602[0] : i32 from vector<1xi32>
    %mul3A_604 = arith.constant 128 : i32
    %mul3A_605 = arith.muli %squeeze3A_603, %mul3A_604 : i32
    %multiple_of3A_606 = tpu.assume_multiple %mul3A_605, 128 : i32
    %dma_start3A_607 = arith.constant 0 : i32
    %dma_start3A_608 = arith.constant 896 : i32
    %dma_start3A_609 = tpu.memref_slice %arg6[%dma_start3A_607, %dma_start3A_608] : memref<64x1536xf32, #tpu.memory_space<vmem>> -> memref<8x128xf32, #tpu.memory_space<vmem>>
    %dma_start3A_610 = arith.constant 0 : i32
    %dma_start3A_611 = tpu.memref_slice %arg3[%dma_start3A_610, %multiple_of3A_606] : memref<64x1000000xf32, #tpu.memory_space<hbm>> -> memref<8x128xf32, #tpu.memory_space<hbm>>
    %dma_start3A_612 = arith.constant 0 : i32
    %dma_start3A_613 = arith.constant 896 : i32
    %dma_start3A_614 = tpu.memref_slice %arg6[%dma_start3A_612, %dma_start3A_613] : memref<64x1536xf32, #tpu.memory_space<vmem>> -> memref<8x128xf32, #tpu.memory_space<vmem>>
    %dma_start3A_615 = arith.constant 0 : i32
    %dma_start3A_616 = tpu.memref_slice %arg3[%dma_start3A_615, %multiple_of3A_606] : memref<64x1000000xf32, #tpu.memory_space<hbm>> -> memref<8x128xf32, #tpu.memory_space<hbm>>
    tpu.enqueue_dma source(%dma_start3A_616 : memref<8x128xf32, #tpu.memory_space<hbm>>) target(%dma_start3A_614 : memref<8x128xf32, #tpu.memory_space<vmem>>) target_semaphore(%arg8 : memref<!tpu.dma_semaphore, #tpu.memory_space<semaphore_mem>>)
    %dma_start3A_617 = arith.constant 8 : i32
    %dma_start3A_618 = arith.constant 896 : i32
    %dma_start3A_619 = tpu.memref_slice %arg6[%dma_start3A_617, %dma_start3A_618] : memref<64x1536xf32, #tpu.memory_space<vmem>> -> memref<8x128xf32, #tpu.memory_space<vmem>>
    %dma_start3A_620 = arith.constant 8 : i32
    %dma_start3A_621 = tpu.memref_slice %arg3[%dma_start3A_620, %multiple_of3A_606] : memref<64x1000000xf32, #tpu.memory_space<hbm>> -> memref<8x128xf32, #tpu.memory_space<hbm>>
    %dma_start3A_622 = arith.constant 8 : i32
    %dma_start3A_623 = arith.constant 896 : i32
    %dma_start3A_624 = tpu.memref_slice %arg6[%dma_start3A_622, %dma_start3A_623] : memref<64x1536xf32, #tpu.memory_space<vmem>> -> memref<8x128xf32, #tpu.memory_space<vmem>>
    %dma_start3A_625 = arith.constant 8 : i32
    %dma_start3A_626 = tpu.memref_slice %arg3[%dma_start3A_625, %multiple_of3A_606] : memref<64x1000000xf32, #tpu.memory_space<hbm>> -> memref<8x128xf32, #tpu.memory_space<hbm>>
    tpu.enqueue_dma source(%dma_start3A_626 : memref<8x128xf32, #tpu.memory_space<hbm>>) target(%dma_start3A_624 : memref<8x128xf32, #tpu.memory_space<vmem>>) target_semaphore(%arg8 : memref<!tpu.dma_semaphore, #tpu.memory_space<semaphore_mem>>)
    %dma_start3A_627 = arith.constant 16 : i32
    %dma_start3A_628 = arith.constant 896 : i32
    %dma_start3A_629 = tpu.memref_slice %arg6[%dma_start3A_627, %dma_start3A_628] : memref<64x1536xf32, #tpu.memory_space<vmem>> -> memref<8x128xf32, #tpu.memory_space<vmem>>
    %dma_start3A_630 = arith.constant 16 : i32
    %dma_start3A_631 = tpu.memref_slice %arg3[%dma_start3A_630, %multiple_of3A_606] : memref<64x1000000xf32, #tpu.memory_space<hbm>> -> memref<8x128xf32, #tpu.memory_space<hbm>>
    %dma_start3A_632 = arith.constant 16 : i32
    %dma_start3A_633 = arith.constant 896 : i32
    %dma_start3A_634 = tpu.memref_slice %arg6[%dma_start3A_632, %dma_start3A_633] : memref<64x1536xf32, #tpu.memory_space<vmem>> -> memref<8x128xf32, #tpu.memory_space<vmem>>
    %dma_start3A_635 = arith.constant 16 : i32
    %dma_start3A_636 = tpu.memref_slice %arg3[%dma_start3A_635, %multiple_of3A_606] : memref<64x1000000xf32, #tpu.memory_space<hbm>> -> memref<8x128xf32, #tpu.memory_space<hbm>>
    tpu.enqueue_dma source(%dma_start3A_636 : memref<8x128xf32, #tpu.memory_space<hbm>>) target(%dma_start3A_634 : memref<8x128xf32, #tpu.memory_space<vmem>>) target_semaphore(%arg8 : memref<!tpu.dma_semaphore, #tpu.memory_space<semaphore_mem>>)
    %dma_start3A_637 = arith.constant 24 : i32
    %dma_start3A_638 = arith.constant 896 : i32
    %dma_start3A_639 = tpu.memref_slice %arg6[%dma_start3A_637, %dma_start3A_638] : memref<64x1536xf32, #tpu.memory_space<vmem>> -> memref<8x128xf32, #tpu.memory_space<vmem>>
    %dma_start3A_640 = arith.constant 24 : i32
    %dma_start3A_641 = tpu.memref_slice %arg3[%dma_start3A_640, %multiple_of3A_606] : memref<64x1000000xf32, #tpu.memory_space<hbm>> -> memref<8x128xf32, #tpu.memory_space<hbm>>
    %dma_start3A_642 = arith.constant 24 : i32
    %dma_start3A_643 = arith.constant 896 : i32
    %dma_start3A_644 = tpu.memref_slice %arg6[%dma_start3A_642, %dma_start3A_643] : memref<64x1536xf32, #tpu.memory_space<vmem>> -> memref<8x128xf32, #tpu.memory_space<vmem>>
    %dma_start3A_645 = arith.constant 24 : i32
    %dma_start3A_646 = tpu.memref_slice %arg3[%dma_start3A_645, %multiple_of3A_606] : memref<64x1000000xf32, #tpu.memory_space<hbm>> -> memref<8x128xf32, #tpu.memory_space<hbm>>
    tpu.enqueue_dma source(%dma_start3A_646 : memref<8x128xf32, #tpu.memory_space<hbm>>) target(%dma_start3A_644 : memref<8x128xf32, #tpu.memory_space<vmem>>) target_semaphore(%arg8 : memref<!tpu.dma_semaphore, #tpu.memory_space<semaphore_mem>>)
    %dma_start3A_647 = arith.constant 32 : i32
    %dma_start3A_648 = arith.constant 896 : i32
    %dma_start3A_649 = tpu.memref_slice %arg6[%dma_start3A_647, %dma_start3A_648] : memref<64x1536xf32, #tpu.memory_space<vmem>> -> memref<8x128xf32, #tpu.memory_space<vmem>>
    %dma_start3A_650 = arith.constant 32 : i32
    %dma_start3A_651 = tpu.memref_slice %arg3[%dma_start3A_650, %multiple_of3A_606] : memref<64x1000000xf32, #tpu.memory_space<hbm>> -> memref<8x128xf32, #tpu.memory_space<hbm>>
    %dma_start3A_652 = arith.constant 32 : i32
    %dma_start3A_653 = arith.constant 896 : i32
    %dma_start3A_654 = tpu.memref_slice %arg6[%dma_start3A_652, %dma_start3A_653] : memref<64x1536xf32, #tpu.memory_space<vmem>> -> memref<8x128xf32, #tpu.memory_space<vmem>>
    %dma_start3A_655 = arith.constant 32 : i32
    %dma_start3A_656 = tpu.memref_slice %arg3[%dma_start3A_655, %multiple_of3A_606] : memref<64x1000000xf32, #tpu.memory_space<hbm>> -> memref<8x128xf32, #tpu.memory_space<hbm>>
    tpu.enqueue_dma source(%dma_start3A_656 : memref<8x128xf32, #tpu.memory_space<hbm>>) target(%dma_start3A_654 : memref<8x128xf32, #tpu.memory_space<vmem>>) target_semaphore(%arg8 : memref<!tpu.dma_semaphore, #tpu.memory_space<semaphore_mem>>)
    %dma_start3A_657 = arith.constant 40 : i32
    %dma_start3A_658 = arith.constant 896 : i32
    %dma_start3A_659 = tpu.memref_slice %arg6[%dma_start3A_657, %dma_start3A_658] : memref<64x1536xf32, #tpu.memory_space<vmem>> -> memref<8x128xf32, #tpu.memory_space<vmem>>
    %dma_start3A_660 = arith.constant 40 : i32
    %dma_start3A_661 = tpu.memref_slice %arg3[%dma_start3A_660, %multiple_of3A_606] : memref<64x1000000xf32, #tpu.memory_space<hbm>> -> memref<8x128xf32, #tpu.memory_space<hbm>>
    %dma_start3A_662 = arith.constant 40 : i32
    %dma_start3A_663 = arith.constant 896 : i32
    %dma_start3A_664 = tpu.memref_slice %arg6[%dma_start3A_662, %dma_start3A_663] : memref<64x1536xf32, #tpu.memory_space<vmem>> -> memref<8x128xf32, #tpu.memory_space<vmem>>
    %dma_start3A_665 = arith.constant 40 : i32
    %dma_start3A_666 = tpu.memref_slice %arg3[%dma_start3A_665, %multiple_of3A_606] : memref<64x1000000xf32, #tpu.memory_space<hbm>> -> memref<8x128xf32, #tpu.memory_space<hbm>>
    tpu.enqueue_dma source(%dma_start3A_666 : memref<8x128xf32, #tpu.memory_space<hbm>>) target(%dma_start3A_664 : memref<8x128xf32, #tpu.memory_space<vmem>>) target_semaphore(%arg8 : memref<!tpu.dma_semaphore, #tpu.memory_space<semaphore_mem>>)
    %dma_start3A_667 = arith.constant 48 : i32
    %dma_start3A_668 = arith.constant 896 : i32
    %dma_start3A_669 = tpu.memref_slice %arg6[%dma_start3A_667, %dma_start3A_668] : memref<64x1536xf32, #tpu.memory_space<vmem>> -> memref<8x128xf32, #tpu.memory_space<vmem>>
    %dma_start3A_670 = arith.constant 48 : i32
    %dma_start3A_671 = tpu.memref_slice %arg3[%dma_start3A_670, %multiple_of3A_606] : memref<64x1000000xf32, #tpu.memory_space<hbm>> -> memref<8x128xf32, #tpu.memory_space<hbm>>
    %dma_start3A_672 = arith.constant 48 : i32
    %dma_start3A_673 = arith.constant 896 : i32
    %dma_start3A_674 = tpu.memref_slice %arg6[%dma_start3A_672, %dma_start3A_673] : memref<64x1536xf32, #tpu.memory_space<vmem>> -> memref<8x128xf32, #tpu.memory_space<vmem>>
    %dma_start3A_675 = arith.constant 48 : i32
    %dma_start3A_676 = tpu.memref_slice %arg3[%dma_start3A_675, %multiple_of3A_606] : memref<64x1000000xf32, #tpu.memory_space<hbm>> -> memref<8x128xf32, #tpu.memory_space<hbm>>
    tpu.enqueue_dma source(%dma_start3A_676 : memref<8x128xf32, #tpu.memory_space<hbm>>) target(%dma_start3A_674 : memref<8x128xf32, #tpu.memory_space<vmem>>) target_semaphore(%arg8 : memref<!tpu.dma_semaphore, #tpu.memory_space<semaphore_mem>>)
    %dma_start3A_677 = arith.constant 56 : i32
    %dma_start3A_678 = arith.constant 896 : i32
    %dma_start3A_679 = tpu.memref_slice %arg6[%dma_start3A_677, %dma_start3A_678] : memref<64x1536xf32, #tpu.memory_space<vmem>> -> memref<8x128xf32, #tpu.memory_space<vmem>>
    %dma_start3A_680 = arith.constant 56 : i32
    %dma_start3A_681 = tpu.memref_slice %arg3[%dma_start3A_680, %multiple_of3A_606] : memref<64x1000000xf32, #tpu.memory_space<hbm>> -> memref<8x128xf32, #tpu.memory_space<hbm>>
    %dma_start3A_682 = arith.constant 56 : i32
    %dma_start3A_683 = arith.constant 896 : i32
    %dma_start3A_684 = tpu.memref_slice %arg6[%dma_start3A_682, %dma_start3A_683] : memref<64x1536xf32, #tpu.memory_space<vmem>> -> memref<8x128xf32, #tpu.memory_space<vmem>>
    %dma_start3A_685 = arith.constant 56 : i32
    %dma_start3A_686 = tpu.memref_slice %arg3[%dma_start3A_685, %multiple_of3A_606] : memref<64x1000000xf32, #tpu.memory_space<hbm>> -> memref<8x128xf32, #tpu.memory_space<hbm>>
    tpu.enqueue_dma source(%dma_start3A_686 : memref<8x128xf32, #tpu.memory_space<hbm>>) target(%dma_start3A_684 : memref<8x128xf32, #tpu.memory_space<vmem>>) target_semaphore(%arg8 : memref<!tpu.dma_semaphore, #tpu.memory_space<semaphore_mem>>)
    %scan3A = arith.constant 0 : i32
    %scan3A_687 = arith.constant 0 : i32
    %scan3A_688 = arith.constant 42 : i32
    %scan3A_689 = arith.addi %scan3A_687, %scan3A_688 : i32
    %scan3A_690 = arith.constant 1 : i32
    %scan3A_691 = scf.for %scan3A_942 = %scan3A_687 to %scan3A_689 step %scan3A_690 iter_args(%scan3A_943 = %scan3A) -> (i32)  : i32 {
      %mul3A_944 = arith.constant 3 : i32
      %mul3A_945 = arith.muli %scan3A_942, %mul3A_944 : i32
      %add3A_946 = arith.constant 0 : i32
      %add3A_947 = arith.addi %mul3A_945, %add3A_946 : i32
      %dma_wait3A_948 = arith.constant 0 : i32
      %dma_wait3A_949 = arith.constant 0 : i32
      %dma_wait3A_950 = tpu.memref_slice %arg6[%dma_wait3A_948, %dma_wait3A_949] : memref<64x1536xf32, #tpu.memory_space<vmem>> -> memref<64x512xf32, #tpu.memory_space<vmem>>
      %dma_wait3A_951 = arith.constant 0 : i32
      %dma_wait3A_952 = arith.constant 0 : i32
      %dma_wait3A_953 = tpu.memref_slice %arg3[%dma_wait3A_951, %dma_wait3A_952] : memref<64x1000000xf32, #tpu.memory_space<hbm>> -> memref<64x512xf32, #tpu.memory_space<hbm>>
      %dma_wait3A_954 = arith.constant 0 : i32
      %dma_wait3A_955 = arith.constant 0 : i32
      %dma_wait3A_956 = tpu.memref_slice %arg6[%dma_wait3A_954, %dma_wait3A_955] : memref<64x1536xf32, #tpu.memory_space<vmem>> -> memref<64x512xf32, #tpu.memory_space<vmem>>
      %dma_wait3A_957 = arith.constant 0 : i32
      %dma_wait3A_958 = arith.constant 0 : i32
      %dma_wait3A_959 = tpu.memref_slice %arg3[%dma_wait3A_957, %dma_wait3A_958] : memref<64x1000000xf32, #tpu.memory_space<hbm>> -> memref<64x512xf32, #tpu.memory_space<hbm>>
      tpu.wait_dma2 semaphore(%arg8 : memref<!tpu.dma_semaphore, #tpu.memory_space<semaphore_mem>>) src(%dma_wait3A_959 : memref<64x512xf32, #tpu.memory_space<hbm>>) dst(%dma_wait3A_956 : memref<64x512xf32, #tpu.memory_space<vmem>>)
      %add3A_960 = arith.constant 2 : i32
      %add3A_961 = arith.addi %add3A_947, %add3A_960 : i32
      %mul3A_962 = arith.constant 4 : i32
      %mul3A_963 = arith.muli %add3A_961, %mul3A_962 : i32
      %get3A_964 = arith.index_cast %mul3A_963 : i32 to index
      %get3A_965 = tpu.vector_load %arg5[%get3A_964] {strides = array<i32>} : memref<528xi32, #tpu.memory_space<vmem>>, vector<16xi32>,
      %shift_right_logical3A_966 = arith.constant 7 : i32
      %shift_right_logical3A_967 = vector.broadcast %shift_right_logical3A_966 : i32 to vector<16xi32>
      %shift_right_logical3A_968 = arith.shrui %get3A_965, %shift_right_logical3A_967 : vector<16xi32>
      %slice3A_969 = vector.extract_strided_slice %shift_right_logical3A_968 {offsets = [0], sizes = [1], strides = [1]} : vector<16xi32> to vector<1xi32>
      %squeeze3A_970 = vector.extract %slice3A_969[0] : i32 from vector<1xi32>
      %mul3A_971 = arith.constant 128 : i32
      %mul3A_972 = arith.muli %squeeze3A_970, %mul3A_971 : i32
      %multiple_of3A_973 = tpu.assume_multiple %mul3A_972, 128 : i32
      %dma_start3A_974 = arith.constant 0 : i32
      %dma_start3A_975 = arith.constant 1024 : i32
      %dma_start3A_976 = tpu.memref_slice %arg6[%dma_start3A_974, %dma_start3A_975] : memref<64x1536xf32, #tpu.memory_space<vmem>> -> memref<8x128xf32, #tpu.memory_space<vmem>>
      %dma_start3A_977 = arith.constant 0 : i32
      %dma_start3A_978 = tpu.memref_slice %arg3[%dma_start3A_977, %multiple_of3A_973] : memref<64x1000000xf32, #tpu.memory_space<hbm>> -> memref<8x128xf32, #tpu.memory_space<hbm>>
      %dma_start3A_979 = arith.constant 0 : i32
      %dma_start3A_980 = arith.constant 1024 : i32
      %dma_start3A_981 = tpu.memref_slice %arg6[%dma_start3A_979, %dma_start3A_980] : memref<64x1536xf32, #tpu.memory_space<vmem>> -> memref<8x128xf32, #tpu.memory_space<vmem>>
      %dma_start3A_982 = arith.constant 0 : i32
      %dma_start3A_983 = tpu.memref_slice %arg3[%dma_start3A_982, %multiple_of3A_973] : memref<64x1000000xf32, #tpu.memory_space<hbm>> -> memref<8x128xf32, #tpu.memory_space<hbm>>
      tpu.enqueue_dma source(%dma_start3A_983 : memref<8x128xf32, #tpu.memory_space<hbm>>) target(%dma_start3A_981 : memref<8x128xf32, #tpu.memory_space<vmem>>) target_semaphore(%arg8 : memref<!tpu.dma_semaphore, #tpu.memory_space<semaphore_mem>>)
      %dma_start3A_984 = arith.constant 8 : i32
      %dma_start3A_985 = arith.constant 1024 : i32
      %dma_start3A_986 = tpu.memref_slice %arg6[%dma_start3A_984, %dma_start3A_985] : memref<64x1536xf32, #tpu.memory_space<vmem>> -> memref<8x128xf32, #tpu.memory_space<vmem>>
      %dma_start3A_987 = arith.constant 8 : i32
      %dma_start3A_988 = tpu.memref_slice %arg3[%dma_start3A_987, %multiple_of3A_973] : memref<64x1000000xf32, #tpu.memory_space<hbm>> -> memref<8x128xf32, #tpu.memory_space<hbm>>
      %dma_start3A_989 = arith.constant 8 : i32
      %dma_start3A_990 = arith.constant 1024 : i32
      %dma_start3A_991 = tpu.memref_slice %arg6[%dma_start3A_989, %dma_start3A_990] : memref<64x1536xf32, #tpu.memory_space<vmem>> -> memref<8x128xf32, #tpu.memory_space<vmem>>
      %dma_start3A_992 = arith.constant 8 : i32
      %dma_start3A_993 = tpu.memref_slice %arg3[%dma_start3A_992, %multiple_of3A_973] : memref<64x1000000xf32, #tpu.memory_space<hbm>> -> memref<8x128xf32, #tpu.memory_space<hbm>>
      tpu.enqueue_dma source(%dma_start3A_993 : memref<8x128xf32, #tpu.memory_space<hbm>>) target(%dma_start3A_991 : memref<8x128xf32, #tpu.memory_space<vmem>>) target_semaphore(%arg8 : memref<!tpu.dma_semaphore, #tpu.memory_space<semaphore_mem>>)
      %dma_start3A_994 = arith.constant 16 : i32
      %dma_start3A_995 = arith.constant 1024 : i32
      %dma_start3A_996 = tpu.memref_slice %arg6[%dma_start3A_994, %dma_start3A_995] : memref<64x1536xf32, #tpu.memory_space<vmem>> -> memref<8x128xf32, #tpu.memory_space<vmem>>
      %dma_start3A_997 = arith.constant 16 : i32
      %dma_start3A_998 = tpu.memref_slice %arg3[%dma_start3A_997, %multiple_of3A_973] : memref<64x1000000xf32, #tpu.memory_space<hbm>> -> memref<8x128xf32, #tpu.memory_space<hbm>>
      %dma_start3A_999 = arith.constant 16 : i32
      %dma_start3A_1000 = arith.constant 1024 : i32
      %dma_start3A_1001 = tpu.memref_slice %arg6[%dma_start3A_999, %dma_start3A_1000] : memref<64x1536xf32, #tpu.memory_space<vmem>> -> memref<8x128xf32, #tpu.memory_space<vmem>>
      %dma_start3A_1002 = arith.constant 16 : i32
      %dma_start3A_1003 = tpu.memref_slice %arg3[%dma_start3A_1002, %multiple_of3A_973] : memref<64x1000000xf32, #tpu.memory_space<hbm>> -> memref<8x128xf32, #tpu.memory_space<hbm>>
      tpu.enqueue_dma source(%dma_start3A_1003 : memref<8x128xf32, #tpu.memory_space<hbm>>) target(%dma_start3A_1001 : memref<8x128xf32, #tpu.memory_space<vmem>>) target_semaphore(%arg8 : memref<!tpu.dma_semaphore, #tpu.memory_space<semaphore_mem>>)
      %dma_start3A_1004 = arith.constant 24 : i32
      %dma_start3A_1005 = arith.constant 1024 : i32
      %dma_start3A_1006 = tpu.memref_slice %arg6[%dma_start3A_1004, %dma_start3A_1005] : memref<64x1536xf32, #tpu.memory_space<vmem>> -> memref<8x128xf32, #tpu.memory_space<vmem>>
      %dma_start3A_1007 = arith.constant 24 : i32
      %dma_start3A_1008 = tpu.memref_slice %arg3[%dma_start3A_1007, %multiple_of3A_973] : memref<64x1000000xf32, #tpu.memory_space<hbm>> -> memref<8x128xf32, #tpu.memory_space<hbm>>
      %dma_start3A_1009 = arith.constant 24 : i32
      %dma_start3A_1010 = arith.constant 1024 : i32
      %dma_start3A_1011 = tpu.memref_slice %arg6[%dma_start3A_1009, %dma_start3A_1010] : memref<64x1536xf32, #tpu.memory_space<vmem>> -> memref<8x128xf32, #tpu.memory_space<vmem>>
      %dma_start3A_1012 = arith.constant 24 : i32
      %dma_start3A_1013 = tpu.memref_slice %arg3[%dma_start3A_1012, %multiple_of3A_973] : memref<64x1000000xf32, #tpu.memory_space<hbm>> -> memref<8x128xf32, #tpu.memory_space<hbm>>
      tpu.enqueue_dma source(%dma_start3A_1013 : memref<8x128xf32, #tpu.memory_space<hbm>>) target(%dma_start3A_1011 : memref<8x128xf32, #tpu.memory_space<vmem>>) target_semaphore(%arg8 : memref<!tpu.dma_semaphore, #tpu.memory_space<semaphore_mem>>)
      %dma_start3A_1014 = arith.constant 32 : i32
      %dma_start3A_1015 = arith.constant 1024 : i32
      %dma_start3A_1016 = tpu.memref_slice %arg6[%dma_start3A_1014, %dma_start3A_1015] : memref<64x1536xf32, #tpu.memory_space<vmem>> -> memref<8x128xf32, #tpu.memory_space<vmem>>
      %dma_start3A_1017 = arith.constant 32 : i32
      %dma_start3A_1018 = tpu.memref_slice %arg3[%dma_start3A_1017, %multiple_of3A_973] : memref<64x1000000xf32, #tpu.memory_space<hbm>> -> memref<8x128xf32, #tpu.memory_space<hbm>>
      %dma_start3A_1019 = arith.constant 32 : i32
      %dma_start3A_1020 = arith.constant 1024 : i32
      %dma_start3A_1021 = tpu.memref_slice %arg6[%dma_start3A_1019, %dma_start3A_1020] : memref<64x1536xf32, #tpu.memory_space<vmem>> -> memref<8x128xf32, #tpu.memory_space<vmem>>
      %dma_start3A_1022 = arith.constant 32 : i32
      %dma_start3A_1023 = tpu.memref_slice %arg3[%dma_start3A_1022, %multiple_of3A_973] : memref<64x1000000xf32, #tpu.memory_space<hbm>> -> memref<8x128xf32, #tpu.memory_space<hbm>>
      tpu.enqueue_dma source(%dma_start3A_1023 : memref<8x128xf32, #tpu.memory_space<hbm>>) target(%dma_start3A_1021 : memref<8x128xf32, #tpu.memory_space<vmem>>) target_semaphore(%arg8 : memref<!tpu.dma_semaphore, #tpu.memory_space<semaphore_mem>>)
      %dma_start3A_1024 = arith.constant 40 : i32
      %dma_start3A_1025 = arith.constant 1024 : i32
      %dma_start3A_1026 = tpu.memref_slice %arg6[%dma_start3A_1024, %dma_start3A_1025] : memref<64x1536xf32, #tpu.memory_space<vmem>> -> memref<8x128xf32, #tpu.memory_space<vmem>>
      %dma_start3A_1027 = arith.constant 40 : i32
      %dma_start3A_1028 = tpu.memref_slice %arg3[%dma_start3A_1027, %multiple_of3A_973] : memref<64x1000000xf32, #tpu.memory_space<hbm>> -> memref<8x128xf32, #tpu.memory_space<hbm>>
      %dma_start3A_1029 = arith.constant 40 : i32
      %dma_start3A_1030 = arith.constant 1024 : i32
      %dma_start3A_1031 = tpu.memref_slice %arg6[%dma_start3A_1029, %dma_start3A_1030] : memref<64x1536xf32, #tpu.memory_space<vmem>> -> memref<8x128xf32, #tpu.memory_space<vmem>>
      %dma_start3A_1032 = arith.constant 40 : i32
      %dma_start3A_1033 = tpu.memref_slice %arg3[%dma_start3A_1032, %multiple_of3A_973] : memref<64x1000000xf32, #tpu.memory_space<hbm>> -> memref<8x128xf32, #tpu.memory_space<hbm>>
      tpu.enqueue_dma source(%dma_start3A_1033 : memref<8x128xf32, #tpu.memory_space<hbm>>) target(%dma_start3A_1031 : memref<8x128xf32, #tpu.memory_space<vmem>>) target_semaphore(%arg8 : memref<!tpu.dma_semaphore, #tpu.memory_space<semaphore_mem>>)
      %dma_start3A_1034 = arith.constant 48 : i32
      %dma_start3A_1035 = arith.constant 1024 : i32
      %dma_start3A_1036 = tpu.memref_slice %arg6[%dma_start3A_1034, %dma_start3A_1035] : memref<64x1536xf32, #tpu.memory_space<vmem>> -> memref<8x128xf32, #tpu.memory_space<vmem>>
      %dma_start3A_1037 = arith.constant 48 : i32
      %dma_start3A_1038 = tpu.memref_slice %arg3[%dma_start3A_1037, %multiple_of3A_973] : memref<64x1000000xf32, #tpu.memory_space<hbm>> -> memref<8x128xf32, #tpu.memory_space<hbm>>
      %dma_start3A_1039 = arith.constant 48 : i32
      %dma_start3A_1040 = arith.constant 1024 : i32
      %dma_start3A_1041 = tpu.memref_slice %arg6[%dma_start3A_1039, %dma_start3A_1040] : memref<64x1536xf32, #tpu.memory_space<vmem>> -> memref<8x128xf32, #tpu.memory_space<vmem>>
      %dma_start3A_1042 = arith.constant 48 : i32
      %dma_start3A_1043 = tpu.memref_slice %arg3[%dma_start3A_1042, %multiple_of3A_973] : memref<64x1000000xf32, #tpu.memory_space<hbm>> -> memref<8x128xf32, #tpu.memory_space<hbm>>
      tpu.enqueue_dma source(%dma_start3A_1043 : memref<8x128xf32, #tpu.memory_space<hbm>>) target(%dma_start3A_1041 : memref<8x128xf32, #tpu.memory_space<vmem>>) target_semaphore(%arg8 : memref<!tpu.dma_semaphore, #tpu.memory_space<semaphore_mem>>)
      %dma_start3A_1044 = arith.constant 56 : i32
      %dma_start3A_1045 = arith.constant 1024 : i32
      %dma_start3A_1046 = tpu.memref_slice %arg6[%dma_start3A_1044, %dma_start3A_1045] : memref<64x1536xf32, #tpu.memory_space<vmem>> -> memref<8x128xf32, #tpu.memory_space<vmem>>
      %dma_start3A_1047 = arith.constant 56 : i32
      %dma_start3A_1048 = tpu.memref_slice %arg3[%dma_start3A_1047, %multiple_of3A_973] : memref<64x1000000xf32, #tpu.memory_space<hbm>> -> memref<8x128xf32, #tpu.memory_space<hbm>>
      %dma_start3A_1049 = arith.constant 56 : i32
      %dma_start3A_1050 = arith.constant 1024 : i32
      %dma_start3A_1051 = tpu.memref_slice %arg6[%dma_start3A_1049, %dma_start3A_1050] : memref<64x1536xf32, #tpu.memory_space<vmem>> -> memref<8x128xf32, #tpu.memory_space<vmem>>
      %dma_start3A_1052 = arith.constant 56 : i32
      %dma_start3A_1053 = tpu.memref_slice %arg3[%dma_start3A_1052, %multiple_of3A_973] : memref<64x1000000xf32, #tpu.memory_space<hbm>> -> memref<8x128xf32, #tpu.memory_space<hbm>>
      tpu.enqueue_dma source(%dma_start3A_1053 : memref<8x128xf32, #tpu.memory_space<hbm>>) target(%dma_start3A_1051 : memref<8x128xf32, #tpu.memory_space<vmem>>) target_semaphore(%arg8 : memref<!tpu.dma_semaphore, #tpu.memory_space<semaphore_mem>>)
      %slice3A_1054 = vector.extract_strided_slice %shift_right_logical3A_968 {offsets = [1], sizes = [1], strides = [1]} : vector<16xi32> to vector<1xi32>
      %squeeze3A_1055 = vector.extract %slice3A_1054[0] : i32 from vector<1xi32>
      %mul3A_1056 = arith.constant 128 : i32
      %mul3A_1057 = arith.muli %squeeze3A_1055, %mul3A_1056 : i32
      %multiple_of3A_1058 = tpu.assume_multiple %mul3A_1057, 128 : i32
      %dma_start3A_1059 = arith.constant 0 : i32
      %dma_start3A_1060 = arith.constant 1152 : i32
      %dma_start3A_1061 = tpu.memref_slice %arg6[%dma_start3A_1059, %dma_start3A_1060] : memref<64x1536xf32, #tpu.memory_space<vmem>> -> memref<8x128xf32, #tpu.memory_space<vmem>>
      %dma_start3A_1062 = arith.constant 0 : i32
      %dma_start3A_1063 = tpu.memref_slice %arg3[%dma_start3A_1062, %multiple_of3A_1058] : memref<64x1000000xf32, #tpu.memory_space<hbm>> -> memref<8x128xf32, #tpu.memory_space<hbm>>
      %dma_start3A_1064 = arith.constant 0 : i32
      %dma_start3A_1065 = arith.constant 1152 : i32
      %dma_start3A_1066 = tpu.memref_slice %arg6[%dma_start3A_1064, %dma_start3A_1065] : memref<64x1536xf32, #tpu.memory_space<vmem>> -> memref<8x128xf32, #tpu.memory_space<vmem>>
      %dma_start3A_1067 = arith.constant 0 : i32
      %dma_start3A_1068 = tpu.memref_slice %arg3[%dma_start3A_1067, %multiple_of3A_1058] : memref<64x1000000xf32, #tpu.memory_space<hbm>> -> memref<8x128xf32, #tpu.memory_space<hbm>>
      tpu.enqueue_dma source(%dma_start3A_1068 : memref<8x128xf32, #tpu.memory_space<hbm>>) target(%dma_start3A_1066 : memref<8x128xf32, #tpu.memory_space<vmem>>) target_semaphore(%arg8 : memref<!tpu.dma_semaphore, #tpu.memory_space<semaphore_mem>>)
      %dma_start3A_1069 = arith.constant 8 : i32
      %dma_start3A_1070 = arith.constant 1152 : i32
      %dma_start3A_1071 = tpu.memref_slice %arg6[%dma_start3A_1069, %dma_start3A_1070] : memref<64x1536xf32, #tpu.memory_space<vmem>> -> memref<8x128xf32, #tpu.memory_space<vmem>>
      %dma_start3A_1072 = arith.constant 8 : i32
      %dma_start3A_1073 = tpu.memref_slice %arg3[%dma_start3A_1072, %multiple_of3A_1058] : memref<64x1000000xf32, #tpu.memory_space<hbm>> -> memref<8x128xf32, #tpu.memory_space<hbm>>
      %dma_start3A_1074 = arith.constant 8 : i32
      %dma_start3A_1075 = arith.constant 1152 : i32
      %dma_start3A_1076 = tpu.memref_slice %arg6[%dma_start3A_1074, %dma_start3A_1075] : memref<64x1536xf32, #tpu.memory_space<vmem>> -> memref<8x128xf32, #tpu.memory_space<vmem>>
      %dma_start3A_1077 = arith.constant 8 : i32
      %dma_start3A_1078 = tpu.memref_slice %arg3[%dma_start3A_1077, %multiple_of3A_1058] : memref<64x1000000xf32, #tpu.memory_space<hbm>> -> memref<8x128xf32, #tpu.memory_space<hbm>>
      tpu.enqueue_dma source(%dma_start3A_1078 : memref<8x128xf32, #tpu.memory_space<hbm>>) target(%dma_start3A_1076 : memref<8x128xf32, #tpu.memory_space<vmem>>) target_semaphore(%arg8 : memref<!tpu.dma_semaphore, #tpu.memory_space<semaphore_mem>>)
      %dma_start3A_1079 = arith.constant 16 : i32
      %dma_start3A_1080 = arith.constant 1152 : i32
      %dma_start3A_1081 = tpu.memref_slice %arg6[%dma_start3A_1079, %dma_start3A_1080] : memref<64x1536xf32, #tpu.memory_space<vmem>> -> memref<8x128xf32, #tpu.memory_space<vmem>>
      %dma_start3A_1082 = arith.constant 16 : i32
      %dma_start3A_1083 = tpu.memref_slice %arg3[%dma_start3A_1082, %multiple_of3A_1058] : memref<64x1000000xf32, #tpu.memory_space<hbm>> -> memref<8x128xf32, #tpu.memory_space<hbm>>
      %dma_start3A_1084 = arith.constant 16 : i32
      %dma_start3A_1085 = arith.constant 1152 : i32
      %dma_start3A_1086 = tpu.memref_slice %arg6[%dma_start3A_1084, %dma_start3A_1085] : memref<64x1536xf32, #tpu.memory_space<vmem>> -> memref<8x128xf32, #tpu.memory_space<vmem>>
      %dma_start3A_1087 = arith.constant 16 : i32
      %dma_start3A_1088 = tpu.memref_slice %arg3[%dma_start3A_1087, %multiple_of3A_1058] : memref<64x1000000xf32, #tpu.memory_space<hbm>> -> memref<8x128xf32, #tpu.memory_space<hbm>>
      tpu.enqueue_dma source(%dma_start3A_1088 : memref<8x128xf32, #tpu.memory_space<hbm>>) target(%dma_start3A_1086 : memref<8x128xf32, #tpu.memory_space<vmem>>) target_semaphore(%arg8 : memref<!tpu.dma_semaphore, #tpu.memory_space<semaphore_mem>>)
      %dma_start3A_1089 = arith.constant 24 : i32
      %dma_start3A_1090 = arith.constant 1152 : i32
      %dma_start3A_1091 = tpu.memref_slice %arg6[%dma_start3A_1089, %dma_start3A_1090] : memref<64x1536xf32, #tpu.memory_space<vmem>> -> memref<8x128xf32, #tpu.memory_space<vmem>>
      %dma_start3A_1092 = arith.constant 24 : i32
      %dma_start3A_1093 = tpu.memref_slice %arg3[%dma_start3A_1092, %multiple_of3A_1058] : memref<64x1000000xf32, #tpu.memory_space<hbm>> -> memref<8x128xf32, #tpu.memory_space<hbm>>
      %dma_start3A_1094 = arith.constant 24 : i32
      %dma_start3A_1095 = arith.constant 1152 : i32
      %dma_start3A_1096 = tpu.memref_slice %arg6[%dma_start3A_1094, %dma_start3A_1095] : memref<64x1536xf32, #tpu.memory_space<vmem>> -> memref<8x128xf32, #tpu.memory_space<vmem>>
      %dma_start3A_1097 = arith.constant 24 : i32
      %dma_start3A_1098 = tpu.memref_slice %arg3[%dma_start3A_1097, %multiple_of3A_1058] : memref<64x1000000xf32, #tpu.memory_space<hbm>> -> memref<8x128xf32, #tpu.memory_space<hbm>>
      tpu.enqueue_dma source(%dma_start3A_1098 : memref<8x128xf32, #tpu.memory_space<hbm>>) target(%dma_start3A_1096 : memref<8x128xf32, #tpu.memory_space<vmem>>) target_semaphore(%arg8 : memref<!tpu.dma_semaphore, #tpu.memory_space<semaphore_mem>>)
      %dma_start3A_1099 = arith.constant 32 : i32
      %dma_start3A_1100 = arith.constant 1152 : i32
      %dma_start3A_1101 = tpu.memref_slice %arg6[%dma_start3A_1099, %dma_start3A_1100] : memref<64x1536xf32, #tpu.memory_space<vmem>> -> memref<8x128xf32, #tpu.memory_space<vmem>>
      %dma_start3A_1102 = arith.constant 32 : i32
      %dma_start3A_1103 = tpu.memref_slice %arg3[%dma_start3A_1102, %multiple_of3A_1058] : memref<64x1000000xf32, #tpu.memory_space<hbm>> -> memref<8x128xf32, #tpu.memory_space<hbm>>
      %dma_start3A_1104 = arith.constant 32 : i32
      %dma_start3A_1105 = arith.constant 1152 : i32
      %dma_start3A_1106 = tpu.memref_slice %arg6[%dma_start3A_1104, %dma_start3A_1105] : memref<64x1536xf32, #tpu.memory_space<vmem>> -> memref<8x128xf32, #tpu.memory_space<vmem>>
      %dma_start3A_1107 = arith.constant 32 : i32
      %dma_start3A_1108 = tpu.memref_slice %arg3[%dma_start3A_1107, %multiple_of3A_1058] : memref<64x1000000xf32, #tpu.memory_space<hbm>> -> memref<8x128xf32, #tpu.memory_space<hbm>>
      tpu.enqueue_dma source(%dma_start3A_1108 : memref<8x128xf32, #tpu.memory_space<hbm>>) target(%dma_start3A_1106 : memref<8x128xf32, #tpu.memory_space<vmem>>) target_semaphore(%arg8 : memref<!tpu.dma_semaphore, #tpu.memory_space<semaphore_mem>>)
      %dma_start3A_1109 = arith.constant 40 : i32
      %dma_start3A_1110 = arith.constant 1152 : i32
      %dma_start3A_1111 = tpu.memref_slice %arg6[%dma_start3A_1109, %dma_start3A_1110] : memref<64x1536xf32, #tpu.memory_space<vmem>> -> memref<8x128xf32, #tpu.memory_space<vmem>>
      %dma_start3A_1112 = arith.constant 40 : i32
      %dma_start3A_1113 = tpu.memref_slice %arg3[%dma_start3A_1112, %multiple_of3A_1058] : memref<64x1000000xf32, #tpu.memory_space<hbm>> -> memref<8x128xf32, #tpu.memory_space<hbm>>
      %dma_start3A_1114 = arith.constant 40 : i32
      %dma_start3A_1115 = arith.constant 1152 : i32
      %dma_start3A_1116 = tpu.memref_slice %arg6[%dma_start3A_1114, %dma_start3A_1115] : memref<64x1536xf32, #tpu.memory_space<vmem>> -> memref<8x128xf32, #tpu.memory_space<vmem>>
      %dma_start3A_1117 = arith.constant 40 : i32
      %dma_start3A_1118 = tpu.memref_slice %arg3[%dma_start3A_1117, %multiple_of3A_1058] : memref<64x1000000xf32, #tpu.memory_space<hbm>> -> memref<8x128xf32, #tpu.memory_space<hbm>>
      tpu.enqueue_dma source(%dma_start3A_1118 : memref<8x128xf32, #tpu.memory_space<hbm>>) target(%dma_start3A_1116 : memref<8x128xf32, #tpu.memory_space<vmem>>) target_semaphore(%arg8 : memref<!tpu.dma_semaphore, #tpu.memory_space<semaphore_mem>>)
      %dma_start3A_1119 = arith.constant 48 : i32
      %dma_start3A_1120 = arith.constant 1152 : i32
      %dma_start3A_1121 = tpu.memref_slice %arg6[%dma_start3A_1119, %dma_start3A_1120] : memref<64x1536xf32, #tpu.memory_space<vmem>> -> memref<8x128xf32, #tpu.memory_space<vmem>>
      %dma_start3A_1122 = arith.constant 48 : i32
      %dma_start3A_1123 = tpu.memref_slice %arg3[%dma_start3A_1122, %multiple_of3A_1058] : memref<64x1000000xf32, #tpu.memory_space<hbm>> -> memref<8x128xf32, #tpu.memory_space<hbm>>
      %dma_start3A_1124 = arith.constant 48 : i32
      %dma_start3A_1125 = arith.constant 1152 : i32
      %dma_start3A_1126 = tpu.memref_slice %arg6[%dma_start3A_1124, %dma_start3A_1125] : memref<64x1536xf32, #tpu.memory_space<vmem>> -> memref<8x128xf32, #tpu.memory_space<vmem>>
      %dma_start3A_1127 = arith.constant 48 : i32
      %dma_start3A_1128 = tpu.memref_slice %arg3[%dma_start3A_1127, %multiple_of3A_1058] : memref<64x1000000xf32, #tpu.memory_space<hbm>> -> memref<8x128xf32, #tpu.memory_space<hbm>>
      tpu.enqueue_dma source(%dma_start3A_1128 : memref<8x128xf32, #tpu.memory_space<hbm>>) target(%dma_start3A_1126 : memref<8x128xf32, #tpu.memory_space<vmem>>) target_semaphore(%arg8 : memref<!tpu.dma_semaphore, #tpu.memory_space<semaphore_mem>>)
      %dma_start3A_1129 = arith.constant 56 : i32
      %dma_start3A_1130 = arith.constant 1152 : i32
      %dma_start3A_1131 = tpu.memref_slice %arg6[%dma_start3A_1129, %dma_start3A_1130] : memref<64x1536xf32, #tpu.memory_space<vmem>> -> memref<8x128xf32, #tpu.memory_space<vmem>>
      %dma_start3A_1132 = arith.constant 56 : i32
      %dma_start3A_1133 = tpu.memref_slice %arg3[%dma_start3A_1132, %multiple_of3A_1058] : memref<64x1000000xf32, #tpu.memory_space<hbm>> -> memref<8x128xf32, #tpu.memory_space<hbm>>
      %dma_start3A_1134 = arith.constant 56 : i32
      %dma_start3A_1135 = arith.constant 1152 : i32
      %dma_start3A_1136 = tpu.memref_slice %arg6[%dma_start3A_1134, %dma_start3A_1135] : memref<64x1536xf32, #tpu.memory_space<vmem>> -> memref<8x128xf32, #tpu.memory_space<vmem>>
      %dma_start3A_1137 = arith.constant 56 : i32
      %dma_start3A_1138 = tpu.memref_slice %arg3[%dma_start3A_1137, %multiple_of3A_1058] : memref<64x1000000xf32, #tpu.memory_space<hbm>> -> memref<8x128xf32, #tpu.memory_space<hbm>>
      tpu.enqueue_dma source(%dma_start3A_1138 : memref<8x128xf32, #tpu.memory_space<hbm>>) target(%dma_start3A_1136 : memref<8x128xf32, #tpu.memory_space<vmem>>) target_semaphore(%arg8 : memref<!tpu.dma_semaphore, #tpu.memory_space<semaphore_mem>>)
      %slice3A_1139 = vector.extract_strided_slice %shift_right_logical3A_968 {offsets = [2], sizes = [1], strides = [1]} : vector<16xi32> to vector<1xi32>
      %squeeze3A_1140 = vector.extract %slice3A_1139[0] : i32 from vector<1xi32>
      %mul3A_1141 = arith.constant 128 : i32
      %mul3A_1142 = arith.muli %squeeze3A_1140, %mul3A_1141 : i32
      %multiple_of3A_1143 = tpu.assume_multiple %mul3A_1142, 128 : i32
      %dma_start3A_1144 = arith.constant 0 : i32
      %dma_start3A_1145 = arith.constant 1280 : i32
      %dma_start3A_1146 = tpu.memref_slice %arg6[%dma_start3A_1144, %dma_start3A_1145] : memref<64x1536xf32, #tpu.memory_space<vmem>> -> memref<8x128xf32, #tpu.memory_space<vmem>>
      %dma_start3A_1147 = arith.constant 0 : i32
      %dma_start3A_1148 = tpu.memref_slice %arg3[%dma_start3A_1147, %multiple_of3A_1143] : memref<64x1000000xf32, #tpu.memory_space<hbm>> -> memref<8x128xf32, #tpu.memory_space<hbm>>
      %dma_start3A_1149 = arith.constant 0 : i32
      %dma_start3A_1150 = arith.constant 1280 : i32
      %dma_start3A_1151 = tpu.memref_slice %arg6[%dma_start3A_1149, %dma_start3A_1150] : memref<64x1536xf32, #tpu.memory_space<vmem>> -> memref<8x128xf32, #tpu.memory_space<vmem>>
      %dma_start3A_1152 = arith.constant 0 : i32
      %dma_start3A_1153 = tpu.memref_slice %arg3[%dma_start3A_1152, %multiple_of3A_1143] : memref<64x1000000xf32, #tpu.memory_space<hbm>> -> memref<8x128xf32, #tpu.memory_space<hbm>>
      tpu.enqueue_dma source(%dma_start3A_1153 : memref<8x128xf32, #tpu.memory_space<hbm>>) target(%dma_start3A_1151 : memref<8x128xf32, #tpu.memory_space<vmem>>) target_semaphore(%arg8 : memref<!tpu.dma_semaphore, #tpu.memory_space<semaphore_mem>>)
      %dma_start3A_1154 = arith.constant 8 : i32
      %dma_start3A_1155 = arith.constant 1280 : i32
      %dma_start3A_1156 = tpu.memref_slice %arg6[%dma_start3A_1154, %dma_start3A_1155] : memref<64x1536xf32, #tpu.memory_space<vmem>> -> memref<8x128xf32, #tpu.memory_space<vmem>>
      %dma_start3A_1157 = arith.constant 8 : i32
      %dma_start3A_1158 = tpu.memref_slice %arg3[%dma_start3A_1157, %multiple_of3A_1143] : memref<64x1000000xf32, #tpu.memory_space<hbm>> -> memref<8x128xf32, #tpu.memory_space<hbm>>
      %dma_start3A_1159 = arith.constant 8 : i32
      %dma_start3A_1160 = arith.constant 1280 : i32
      %dma_start3A_1161 = tpu.memref_slice %arg6[%dma_start3A_1159, %dma_start3A_1160] : memref<64x1536xf32, #tpu.memory_space<vmem>> -> memref<8x128xf32, #tpu.memory_space<vmem>>
      %dma_start3A_1162 = arith.constant 8 : i32
      %dma_start3A_1163 = tpu.memref_slice %arg3[%dma_start3A_1162, %multiple_of3A_1143] : memref<64x1000000xf32, #tpu.memory_space<hbm>> -> memref<8x128xf32, #tpu.memory_space<hbm>>
      tpu.enqueue_dma source(%dma_start3A_1163 : memref<8x128xf32, #tpu.memory_space<hbm>>) target(%dma_start3A_1161 : memref<8x128xf32, #tpu.memory_space<vmem>>) target_semaphore(%arg8 : memref<!tpu.dma_semaphore, #tpu.memory_space<semaphore_mem>>)
      %dma_start3A_1164 = arith.constant 16 : i32
      %dma_start3A_1165 = arith.constant 1280 : i32
      %dma_start3A_1166 = tpu.memref_slice %arg6[%dma_start3A_1164, %dma_start3A_1165] : memref<64x1536xf32, #tpu.memory_space<vmem>> -> memref<8x128xf32, #tpu.memory_space<vmem>>
      %dma_start3A_1167 = arith.constant 16 : i32
      %dma_start3A_1168 = tpu.memref_slice %arg3[%dma_start3A_1167, %multiple_of3A_1143] : memref<64x1000000xf32, #tpu.memory_space<hbm>> -> memref<8x128xf32, #tpu.memory_space<hbm>>
      %dma_start3A_1169 = arith.constant 16 : i32
      %dma_start3A_1170 = arith.constant 1280 : i32
      %dma_start3A_1171 = tpu.memref_slice %arg6[%dma_start3A_1169, %dma_start3A_1170] : memref<64x1536xf32, #tpu.memory_space<vmem>> -> memref<8x128xf32, #tpu.memory_space<vmem>>
      %dma_start3A_1172 = arith.constant 16 : i32
      %dma_start3A_1173 = tpu.memref_slice %arg3[%dma_start3A_1172, %multiple_of3A_1143] : memref<64x1000000xf32, #tpu.memory_space<hbm>> -> memref<8x128xf32, #tpu.memory_space<hbm>>
      tpu.enqueue_dma source(%dma_start3A_1173 : memref<8x128xf32, #tpu.memory_space<hbm>>) target(%dma_start3A_1171 : memref<8x128xf32, #tpu.memory_space<vmem>>) target_semaphore(%arg8 : memref<!tpu.dma_semaphore, #tpu.memory_space<semaphore_mem>>)
      %dma_start3A_1174 = arith.constant 24 : i32
      %dma_start3A_1175 = arith.constant 1280 : i32
      %dma_start3A_1176 = tpu.memref_slice %arg6[%dma_start3A_1174, %dma_start3A_1175] : memref<64x1536xf32, #tpu.memory_space<vmem>> -> memref<8x128xf32, #tpu.memory_space<vmem>>
      %dma_start3A_1177 = arith.constant 24 : i32
      %dma_start3A_1178 = tpu.memref_slice %arg3[%dma_start3A_1177, %multiple_of3A_1143] : memref<64x1000000xf32, #tpu.memory_space<hbm>> -> memref<8x128xf32, #tpu.memory_space<hbm>>
      %dma_start3A_1179 = arith.constant 24 : i32
      %dma_start3A_1180 = arith.constant 1280 : i32
      %dma_start3A_1181 = tpu.memref_slice %arg6[%dma_start3A_1179, %dma_start3A_1180] : memref<64x1536xf32, #tpu.memory_space<vmem>> -> memref<8x128xf32, #tpu.memory_space<vmem>>
      %dma_start3A_1182 = arith.constant 24 : i32
      %dma_start3A_1183 = tpu.memref_slice %arg3[%dma_start3A_1182, %multiple_of3A_1143] : memref<64x1000000xf32, #tpu.memory_space<hbm>> -> memref<8x128xf32, #tpu.memory_space<hbm>>
      tpu.enqueue_dma source(%dma_start3A_1183 : memref<8x128xf32, #tpu.memory_space<hbm>>) target(%dma_start3A_1181 : memref<8x128xf32, #tpu.memory_space<vmem>>) target_semaphore(%arg8 : memref<!tpu.dma_semaphore, #tpu.memory_space<semaphore_mem>>)
      %dma_start3A_1184 = arith.constant 32 : i32
      %dma_start3A_1185 = arith.constant 1280 : i32
      %dma_start3A_1186 = tpu.memref_slice %arg6[%dma_start3A_1184, %dma_start3A_1185] : memref<64x1536xf32, #tpu.memory_space<vmem>> -> memref<8x128xf32, #tpu.memory_space<vmem>>
      %dma_start3A_1187 = arith.constant 32 : i32
      %dma_start3A_1188 = tpu.memref_slice %arg3[%dma_start3A_1187, %multiple_of3A_1143] : memref<64x1000000xf32, #tpu.memory_space<hbm>> -> memref<8x128xf32, #tpu.memory_space<hbm>>
      %dma_start3A_1189 = arith.constant 32 : i32
      %dma_start3A_1190 = arith.constant 1280 : i32
      %dma_start3A_1191 = tpu.memref_slice %arg6[%dma_start3A_1189, %dma_start3A_1190] : memref<64x1536xf32, #tpu.memory_space<vmem>> -> memref<8x128xf32, #tpu.memory_space<vmem>>
      %dma_start3A_1192 = arith.constant 32 : i32
      %dma_start3A_1193 = tpu.memref_slice %arg3[%dma_start3A_1192, %multiple_of3A_1143] : memref<64x1000000xf32, #tpu.memory_space<hbm>> -> memref<8x128xf32, #tpu.memory_space<hbm>>
      tpu.enqueue_dma source(%dma_start3A_1193 : memref<8x128xf32, #tpu.memory_space<hbm>>) target(%dma_start3A_1191 : memref<8x128xf32, #tpu.memory_space<vmem>>) target_semaphore(%arg8 : memref<!tpu.dma_semaphore, #tpu.memory_space<semaphore_mem>>)
      %dma_start3A_1194 = arith.constant 40 : i32
      %dma_start3A_1195 = arith.constant 1280 : i32
      %dma_start3A_1196 = tpu.memref_slice %arg6[%dma_start3A_1194, %dma_start3A_1195] : memref<64x1536xf32, #tpu.memory_space<vmem>> -> memref<8x128xf32, #tpu.memory_space<vmem>>
      %dma_start3A_1197 = arith.constant 40 : i32
      %dma_start3A_1198 = tpu.memref_slice %arg3[%dma_start3A_1197, %multiple_of3A_1143] : memref<64x1000000xf32, #tpu.memory_space<hbm>> -> memref<8x128xf32, #tpu.memory_space<hbm>>
      %dma_start3A_1199 = arith.constant 40 : i32
      %dma_start3A_1200 = arith.constant 1280 : i32
      %dma_start3A_1201 = tpu.memref_slice %arg6[%dma_start3A_1199, %dma_start3A_1200] : memref<64x1536xf32, #tpu.memory_space<vmem>> -> memref<8x128xf32, #tpu.memory_space<vmem>>
      %dma_start3A_1202 = arith.constant 40 : i32
      %dma_start3A_1203 = tpu.memref_slice %arg3[%dma_start3A_1202, %multiple_of3A_1143] : memref<64x1000000xf32, #tpu.memory_space<hbm>> -> memref<8x128xf32, #tpu.memory_space<hbm>>
      tpu.enqueue_dma source(%dma_start3A_1203 : memref<8x128xf32, #tpu.memory_space<hbm>>) target(%dma_start3A_1201 : memref<8x128xf32, #tpu.memory_space<vmem>>) target_semaphore(%arg8 : memref<!tpu.dma_semaphore, #tpu.memory_space<semaphore_mem>>)
      %dma_start3A_1204 = arith.constant 48 : i32
      %dma_start3A_1205 = arith.constant 1280 : i32
      %dma_start3A_1206 = tpu.memref_slice %arg6[%dma_start3A_1204, %dma_start3A_1205] : memref<64x1536xf32, #tpu.memory_space<vmem>> -> memref<8x128xf32, #tpu.memory_space<vmem>>
      %dma_start3A_1207 = arith.constant 48 : i32
      %dma_start3A_1208 = tpu.memref_slice %arg3[%dma_start3A_1207, %multiple_of3A_1143] : memref<64x1000000xf32, #tpu.memory_space<hbm>> -> memref<8x128xf32, #tpu.memory_space<hbm>>
      %dma_start3A_1209 = arith.constant 48 : i32
      %dma_start3A_1210 = arith.constant 1280 : i32
      %dma_start3A_1211 = tpu.memref_slice %arg6[%dma_start3A_1209, %dma_start3A_1210] : memref<64x1536xf32, #tpu.memory_space<vmem>> -> memref<8x128xf32, #tpu.memory_space<vmem>>
      %dma_start3A_1212 = arith.constant 48 : i32
      %dma_start3A_1213 = tpu.memref_slice %arg3[%dma_start3A_1212, %multiple_of3A_1143] : memref<64x1000000xf32, #tpu.memory_space<hbm>> -> memref<8x128xf32, #tpu.memory_space<hbm>>
      tpu.enqueue_dma source(%dma_start3A_1213 : memref<8x128xf32, #tpu.memory_space<hbm>>) target(%dma_start3A_1211 : memref<8x128xf32, #tpu.memory_space<vmem>>) target_semaphore(%arg8 : memref<!tpu.dma_semaphore, #tpu.memory_space<semaphore_mem>>)
      %dma_start3A_1214 = arith.constant 56 : i32
      %dma_start3A_1215 = arith.constant 1280 : i32
      %dma_start3A_1216 = tpu.memref_slice %arg6[%dma_start3A_1214, %dma_start3A_1215] : memref<64x1536xf32, #tpu.memory_space<vmem>> -> memref<8x128xf32, #tpu.memory_space<vmem>>
      %dma_start3A_1217 = arith.constant 56 : i32
      %dma_start3A_1218 = tpu.memref_slice %arg3[%dma_start3A_1217, %multiple_of3A_1143] : memref<64x1000000xf32, #tpu.memory_space<hbm>> -> memref<8x128xf32, #tpu.memory_space<hbm>>
      %dma_start3A_1219 = arith.constant 56 : i32
      %dma_start3A_1220 = arith.constant 1280 : i32
      %dma_start3A_1221 = tpu.memref_slice %arg6[%dma_start3A_1219, %dma_start3A_1220] : memref<64x1536xf32, #tpu.memory_space<vmem>> -> memref<8x128xf32, #tpu.memory_space<vmem>>
      %dma_start3A_1222 = arith.constant 56 : i32
      %dma_start3A_1223 = tpu.memref_slice %arg3[%dma_start3A_1222, %multiple_of3A_1143] : memref<64x1000000xf32, #tpu.memory_space<hbm>> -> memref<8x128xf32, #tpu.memory_space<hbm>>
      tpu.enqueue_dma source(%dma_start3A_1223 : memref<8x128xf32, #tpu.memory_space<hbm>>) target(%dma_start3A_1221 : memref<8x128xf32, #tpu.memory_space<vmem>>) target_semaphore(%arg8 : memref<!tpu.dma_semaphore, #tpu.memory_space<semaphore_mem>>)
      %slice3A_1224 = vector.extract_strided_slice %shift_right_logical3A_968 {offsets = [3], sizes = [1], strides = [1]} : vector<16xi32> to vector<1xi32>
      %squeeze3A_1225 = vector.extract %slice3A_1224[0] : i32 from vector<1xi32>
      %mul3A_1226 = arith.constant 128 : i32
      %mul3A_1227 = arith.muli %squeeze3A_1225, %mul3A_1226 : i32
      %multiple_of3A_1228 = tpu.assume_multiple %mul3A_1227, 128 : i32
      %dma_start3A_1229 = arith.constant 0 : i32
      %dma_start3A_1230 = arith.constant 1408 : i32
      %dma_start3A_1231 = tpu.memref_slice %arg6[%dma_start3A_1229, %dma_start3A_1230] : memref<64x1536xf32, #tpu.memory_space<vmem>> -> memref<8x128xf32, #tpu.memory_space<vmem>>
      %dma_start3A_1232 = arith.constant 0 : i32
      %dma_start3A_1233 = tpu.memref_slice %arg3[%dma_start3A_1232, %multiple_of3A_1228] : memref<64x1000000xf32, #tpu.memory_space<hbm>> -> memref<8x128xf32, #tpu.memory_space<hbm>>
      %dma_start3A_1234 = arith.constant 0 : i32
      %dma_start3A_1235 = arith.constant 1408 : i32
      %dma_start3A_1236 = tpu.memref_slice %arg6[%dma_start3A_1234, %dma_start3A_1235] : memref<64x1536xf32, #tpu.memory_space<vmem>> -> memref<8x128xf32, #tpu.memory_space<vmem>>
      %dma_start3A_1237 = arith.constant 0 : i32
      %dma_start3A_1238 = tpu.memref_slice %arg3[%dma_start3A_1237, %multiple_of3A_1228] : memref<64x1000000xf32, #tpu.memory_space<hbm>> -> memref<8x128xf32, #tpu.memory_space<hbm>>
      tpu.enqueue_dma source(%dma_start3A_1238 : memref<8x128xf32, #tpu.memory_space<hbm>>) target(%dma_start3A_1236 : memref<8x128xf32, #tpu.memory_space<vmem>>) target_semaphore(%arg8 : memref<!tpu.dma_semaphore, #tpu.memory_space<semaphore_mem>>)
      %dma_start3A_1239 = arith.constant 8 : i32
      %dma_start3A_1240 = arith.constant 1408 : i32
      %dma_start3A_1241 = tpu.memref_slice %arg6[%dma_start3A_1239, %dma_start3A_1240] : memref<64x1536xf32, #tpu.memory_space<vmem>> -> memref<8x128xf32, #tpu.memory_space<vmem>>
      %dma_start3A_1242 = arith.constant 8 : i32
      %dma_start3A_1243 = tpu.memref_slice %arg3[%dma_start3A_1242, %multiple_of3A_1228] : memref<64x1000000xf32, #tpu.memory_space<hbm>> -> memref<8x128xf32, #tpu.memory_space<hbm>>
      %dma_start3A_1244 = arith.constant 8 : i32
      %dma_start3A_1245 = arith.constant 1408 : i32
      %dma_start3A_1246 = tpu.memref_slice %arg6[%dma_start3A_1244, %dma_start3A_1245] : memref<64x1536xf32, #tpu.memory_space<vmem>> -> memref<8x128xf32, #tpu.memory_space<vmem>>
      %dma_start3A_1247 = arith.constant 8 : i32
      %dma_start3A_1248 = tpu.memref_slice %arg3[%dma_start3A_1247, %multiple_of3A_1228] : memref<64x1000000xf32, #tpu.memory_space<hbm>> -> memref<8x128xf32, #tpu.memory_space<hbm>>
      tpu.enqueue_dma source(%dma_start3A_1248 : memref<8x128xf32, #tpu.memory_space<hbm>>) target(%dma_start3A_1246 : memref<8x128xf32, #tpu.memory_space<vmem>>) target_semaphore(%arg8 : memref<!tpu.dma_semaphore, #tpu.memory_space<semaphore_mem>>)
      %dma_start3A_1249 = arith.constant 16 : i32
      %dma_start3A_1250 = arith.constant 1408 : i32
      %dma_start3A_1251 = tpu.memref_slice %arg6[%dma_start3A_1249, %dma_start3A_1250] : memref<64x1536xf32, #tpu.memory_space<vmem>> -> memref<8x128xf32, #tpu.memory_space<vmem>>
      %dma_start3A_1252 = arith.constant 16 : i32
      %dma_start3A_1253 = tpu.memref_slice %arg3[%dma_start3A_1252, %multiple_of3A_1228] : memref<64x1000000xf32, #tpu.memory_space<hbm>> -> memref<8x128xf32, #tpu.memory_space<hbm>>
      %dma_start3A_1254 = arith.constant 16 : i32
      %dma_start3A_1255 = arith.constant 1408 : i32
      %dma_start3A_1256 = tpu.memref_slice %arg6[%dma_start3A_1254, %dma_start3A_1255] : memref<64x1536xf32, #tpu.memory_space<vmem>> -> memref<8x128xf32, #tpu.memory_space<vmem>>
      %dma_start3A_1257 = arith.constant 16 : i32
      %dma_start3A_1258 = tpu.memref_slice %arg3[%dma_start3A_1257, %multiple_of3A_1228] : memref<64x1000000xf32, #tpu.memory_space<hbm>> -> memref<8x128xf32, #tpu.memory_space<hbm>>
      tpu.enqueue_dma source(%dma_start3A_1258 : memref<8x128xf32, #tpu.memory_space<hbm>>) target(%dma_start3A_1256 : memref<8x128xf32, #tpu.memory_space<vmem>>) target_semaphore(%arg8 : memref<!tpu.dma_semaphore, #tpu.memory_space<semaphore_mem>>)
      %dma_start3A_1259 = arith.constant 24 : i32
      %dma_start3A_1260 = arith.constant 1408 : i32
      %dma_start3A_1261 = tpu.memref_slice %arg6[%dma_start3A_1259, %dma_start3A_1260] : memref<64x1536xf32, #tpu.memory_space<vmem>> -> memref<8x128xf32, #tpu.memory_space<vmem>>
      %dma_start3A_1262 = arith.constant 24 : i32
      %dma_start3A_1263 = tpu.memref_slice %arg3[%dma_start3A_1262, %multiple_of3A_1228] : memref<64x1000000xf32, #tpu.memory_space<hbm>> -> memref<8x128xf32, #tpu.memory_space<hbm>>
      %dma_start3A_1264 = arith.constant 24 : i32
      %dma_start3A_1265 = arith.constant 1408 : i32
      %dma_start3A_1266 = tpu.memref_slice %arg6[%dma_start3A_1264, %dma_start3A_1265] : memref<64x1536xf32, #tpu.memory_space<vmem>> -> memref<8x128xf32, #tpu.memory_space<vmem>>
      %dma_start3A_1267 = arith.constant 24 : i32
      %dma_start3A_1268 = tpu.memref_slice %arg3[%dma_start3A_1267, %multiple_of3A_1228] : memref<64x1000000xf32, #tpu.memory_space<hbm>> -> memref<8x128xf32, #tpu.memory_space<hbm>>
      tpu.enqueue_dma source(%dma_start3A_1268 : memref<8x128xf32, #tpu.memory_space<hbm>>) target(%dma_start3A_1266 : memref<8x128xf32, #tpu.memory_space<vmem>>) target_semaphore(%arg8 : memref<!tpu.dma_semaphore, #tpu.memory_space<semaphore_mem>>)
      %dma_start3A_1269 = arith.constant 32 : i32
      %dma_start3A_1270 = arith.constant 1408 : i32
      %dma_start3A_1271 = tpu.memref_slice %arg6[%dma_start3A_1269, %dma_start3A_1270] : memref<64x1536xf32, #tpu.memory_space<vmem>> -> memref<8x128xf32, #tpu.memory_space<vmem>>
      %dma_start3A_1272 = arith.constant 32 : i32
      %dma_start3A_1273 = tpu.memref_slice %arg3[%dma_start3A_1272, %multiple_of3A_1228] : memref<64x1000000xf32, #tpu.memory_space<hbm>> -> memref<8x128xf32, #tpu.memory_space<hbm>>
      %dma_start3A_1274 = arith.constant 32 : i32
      %dma_start3A_1275 = arith.constant 1408 : i32
      %dma_start3A_1276 = tpu.memref_slice %arg6[%dma_start3A_1274, %dma_start3A_1275] : memref<64x1536xf32, #tpu.memory_space<vmem>> -> memref<8x128xf32, #tpu.memory_space<vmem>>
      %dma_start3A_1277 = arith.constant 32 : i32
      %dma_start3A_1278 = tpu.memref_slice %arg3[%dma_start3A_1277, %multiple_of3A_1228] : memref<64x1000000xf32, #tpu.memory_space<hbm>> -> memref<8x128xf32, #tpu.memory_space<hbm>>
      tpu.enqueue_dma source(%dma_start3A_1278 : memref<8x128xf32, #tpu.memory_space<hbm>>) target(%dma_start3A_1276 : memref<8x128xf32, #tpu.memory_space<vmem>>) target_semaphore(%arg8 : memref<!tpu.dma_semaphore, #tpu.memory_space<semaphore_mem>>)
      %dma_start3A_1279 = arith.constant 40 : i32
      %dma_start3A_1280 = arith.constant 1408 : i32
      %dma_start3A_1281 = tpu.memref_slice %arg6[%dma_start3A_1279, %dma_start3A_1280] : memref<64x1536xf32, #tpu.memory_space<vmem>> -> memref<8x128xf32, #tpu.memory_space<vmem>>
      %dma_start3A_1282 = arith.constant 40 : i32
      %dma_start3A_1283 = tpu.memref_slice %arg3[%dma_start3A_1282, %multiple_of3A_1228] : memref<64x1000000xf32, #tpu.memory_space<hbm>> -> memref<8x128xf32, #tpu.memory_space<hbm>>
      %dma_start3A_1284 = arith.constant 40 : i32
      %dma_start3A_1285 = arith.constant 1408 : i32
      %dma_start3A_1286 = tpu.memref_slice %arg6[%dma_start3A_1284, %dma_start3A_1285] : memref<64x1536xf32, #tpu.memory_space<vmem>> -> memref<8x128xf32, #tpu.memory_space<vmem>>
      %dma_start3A_1287 = arith.constant 40 : i32
      %dma_start3A_1288 = tpu.memref_slice %arg3[%dma_start3A_1287, %multiple_of3A_1228] : memref<64x1000000xf32, #tpu.memory_space<hbm>> -> memref<8x128xf32, #tpu.memory_space<hbm>>
      tpu.enqueue_dma source(%dma_start3A_1288 : memref<8x128xf32, #tpu.memory_space<hbm>>) target(%dma_start3A_1286 : memref<8x128xf32, #tpu.memory_space<vmem>>) target_semaphore(%arg8 : memref<!tpu.dma_semaphore, #tpu.memory_space<semaphore_mem>>)
      %dma_start3A_1289 = arith.constant 48 : i32
      %dma_start3A_1290 = arith.constant 1408 : i32
      %dma_start3A_1291 = tpu.memref_slice %arg6[%dma_start3A_1289, %dma_start3A_1290] : memref<64x1536xf32, #tpu.memory_space<vmem>> -> memref<8x128xf32, #tpu.memory_space<vmem>>
      %dma_start3A_1292 = arith.constant 48 : i32
      %dma_start3A_1293 = tpu.memref_slice %arg3[%dma_start3A_1292, %multiple_of3A_1228] : memref<64x1000000xf32, #tpu.memory_space<hbm>> -> memref<8x128xf32, #tpu.memory_space<hbm>>
      %dma_start3A_1294 = arith.constant 48 : i32
      %dma_start3A_1295 = arith.constant 1408 : i32
      %dma_start3A_1296 = tpu.memref_slice %arg6[%dma_start3A_1294, %dma_start3A_1295] : memref<64x1536xf32, #tpu.memory_space<vmem>> -> memref<8x128xf32, #tpu.memory_space<vmem>>
      %dma_start3A_1297 = arith.constant 48 : i32
      %dma_start3A_1298 = tpu.memref_slice %arg3[%dma_start3A_1297, %multiple_of3A_1228] : memref<64x1000000xf32, #tpu.memory_space<hbm>> -> memref<8x128xf32, #tpu.memory_space<hbm>>
      tpu.enqueue_dma source(%dma_start3A_1298 : memref<8x128xf32, #tpu.memory_space<hbm>>) target(%dma_start3A_1296 : memref<8x128xf32, #tpu.memory_space<vmem>>) target_semaphore(%arg8 : memref<!tpu.dma_semaphore, #tpu.memory_space<semaphore_mem>>)
      %dma_start3A_1299 = arith.constant 56 : i32
      %dma_start3A_1300 = arith.constant 1408 : i32
      %dma_start3A_1301 = tpu.memref_slice %arg6[%dma_start3A_1299, %dma_start3A_1300] : memref<64x1536xf32, #tpu.memory_space<vmem>> -> memref<8x128xf32, #tpu.memory_space<vmem>>
      %dma_start3A_1302 = arith.constant 56 : i32
      %dma_start3A_1303 = tpu.memref_slice %arg3[%dma_start3A_1302, %multiple_of3A_1228] : memref<64x1000000xf32, #tpu.memory_space<hbm>> -> memref<8x128xf32, #tpu.memory_space<hbm>>
      %dma_start3A_1304 = arith.constant 56 : i32
      %dma_start3A_1305 = arith.constant 1408 : i32
      %dma_start3A_1306 = tpu.memref_slice %arg6[%dma_start3A_1304, %dma_start3A_1305] : memref<64x1536xf32, #tpu.memory_space<vmem>> -> memref<8x128xf32, #tpu.memory_space<vmem>>
      %dma_start3A_1307 = arith.constant 56 : i32
      %dma_start3A_1308 = tpu.memref_slice %arg3[%dma_start3A_1307, %multiple_of3A_1228] : memref<64x1000000xf32, #tpu.memory_space<hbm>> -> memref<8x128xf32, #tpu.memory_space<hbm>>
      tpu.enqueue_dma source(%dma_start3A_1308 : memref<8x128xf32, #tpu.memory_space<hbm>>) target(%dma_start3A_1306 : memref<8x128xf32, #tpu.memory_space<vmem>>) target_semaphore(%arg8 : memref<!tpu.dma_semaphore, #tpu.memory_space<semaphore_mem>>)
      %mul3A_1309 = arith.constant 4 : i32
      %mul3A_1310 = arith.muli %add3A_947, %mul3A_1309 : i32
      %get3A_1311 = arith.index_cast %mul3A_1310 : i32 to index
      %get3A_1312 = tpu.vector_load %arg5[%get3A_1311] {strides = array<i32>} : memref<528xi32, #tpu.memory_space<vmem>>, vector<16xi32>,
      %and3A_1313 = arith.constant 127 : i32
      %and3A_1314 = vector.broadcast %and3A_1313 : i32 to vector<16xi32>
      %and3A_1315 = arith.andi %get3A_1312, %and3A_1314 : vector<16xi32>
      %broadcast_in_dim3A_1316 = arith.constant 0 : i32
      %broadcast_in_dim3A_1317 = vector.broadcast %broadcast_in_dim3A_1316 : i32 to vector<16xi32>
      %slice3A_1318 = vector.extract_strided_slice %and3A_1315 {offsets = [0], sizes = [1], strides = [1]} : vector<16xi32> to vector<1xi32>
      %squeeze3A_1319 = vector.extract %slice3A_1318[0] : i32 from vector<1xi32>
      %add3A_1320 = vector.broadcast %squeeze3A_1319 : i32 to vector<16xi32>
      %add3A_1321 = arith.addi %broadcast_in_dim3A_1317, %add3A_1320 : vector<16xi32>
      %broadcast_in_dim3A_1322 = arith.constant 0 : i32
      %broadcast_in_dim3A_1323 = vector.broadcast %broadcast_in_dim3A_1322 : i32 to vector<16xi32>
      %mul3A_1324 = arith.constant 4 : i32
      %mul3A_1325 = arith.muli %add3A_947, %mul3A_1324 : i32
      %add3A_1326 = arith.constant 0 : i32
      %add3A_1327 = arith.addi %mul3A_1325, %add3A_1326 : i32
      %and3A_1328 = arith.constant 127 : i32
      %and3A_1329 = arith.andi %add3A_1327, %and3A_1328 : i32
      %add3A_1330 = vector.broadcast %and3A_1329 : i32 to vector<16xi32>
      %add3A_1331 = arith.addi %broadcast_in_dim3A_1323, %add3A_1330 : vector<16xi32>
      %add3A_1332 = arith.constant 0 : i32
      %add3A_1333 = vector.broadcast %add3A_1332 : i32 to vector<16xi32>
      %add3A_1334 = arith.addi %iota3A, %add3A_1333 : vector<16xi32>
      %gather3A_1335 = tpu.vector_load_idx %arg6[%add3A_1334, %add3A_1321] : memref<64x1536xf32, #tpu.memory_space<vmem>>[vector<16xi32>, vector<16xi32>], vector<16xf32>,
      tpu.vector_store_idx %arg7[%add3A_1334, %add3A_1331], %gather3A_1335 : memref<64x128xf32, #tpu.memory_space<vmem>>[vector<16xi32>, vector<16xi32>], vector<16xf32>,
      %add3A_1336 = arith.constant 16 : i32
      %add3A_1337 = vector.broadcast %add3A_1336 : i32 to vector<16xi32>
      %add3A_1338 = arith.addi %iota3A, %add3A_1337 : vector<16xi32>
      %gather3A_1339 = tpu.vector_load_idx %arg6[%add3A_1338, %add3A_1321] : memref<64x1536xf32, #tpu.memory_space<vmem>>[vector<16xi32>, vector<16xi32>], vector<16xf32>,
      tpu.vector_store_idx %arg7[%add3A_1338, %add3A_1331], %gather3A_1339 : memref<64x128xf32, #tpu.memory_space<vmem>>[vector<16xi32>, vector<16xi32>], vector<16xf32>,
      %add3A_1340 = arith.constant 32 : i32
      %add3A_1341 = vector.broadcast %add3A_1340 : i32 to vector<16xi32>
      %add3A_1342 = arith.addi %iota3A, %add3A_1341 : vector<16xi32>
      %gather3A_1343 = tpu.vector_load_idx %arg6[%add3A_1342, %add3A_1321] : memref<64x1536xf32, #tpu.memory_space<vmem>>[vector<16xi32>, vector<16xi32>], vector<16xf32>,
      tpu.vector_store_idx %arg7[%add3A_1342, %add3A_1331], %gather3A_1343 : memref<64x128xf32, #tpu.memory_space<vmem>>[vector<16xi32>, vector<16xi32>], vector<16xf32>,
      %add3A_1344 = arith.constant 48 : i32
      %add3A_1345 = vector.broadcast %add3A_1344 : i32 to vector<16xi32>
      %add3A_1346 = arith.addi %iota3A, %add3A_1345 : vector<16xi32>
      %gather3A_1347 = tpu.vector_load_idx %arg6[%add3A_1346, %add3A_1321] : memref<64x1536xf32, #tpu.memory_space<vmem>>[vector<16xi32>, vector<16xi32>], vector<16xf32>,
      tpu.vector_store_idx %arg7[%add3A_1346, %add3A_1331], %gather3A_1347 : memref<64x128xf32, #tpu.memory_space<vmem>>[vector<16xi32>, vector<16xi32>], vector<16xf32>,
      %broadcast_in_dim3A_1348 = arith.constant 128 : i32
      %broadcast_in_dim3A_1349 = vector.broadcast %broadcast_in_dim3A_1348 : i32 to vector<16xi32>
      %slice3A_1350 = vector.extract_strided_slice %and3A_1315 {offsets = [1], sizes = [1], strides = [1]} : vector<16xi32> to vector<1xi32>
      %squeeze3A_1351 = vector.extract %slice3A_1350[0] : i32 from vector<1xi32>
      %add3A_1352 = vector.broadcast %squeeze3A_1351 : i32 to vector<16xi32>
      %add3A_1353 = arith.addi %broadcast_in_dim3A_1349, %add3A_1352 : vector<16xi32>
      %broadcast_in_dim3A_1354 = arith.constant 0 : i32
      %broadcast_in_dim3A_1355 = vector.broadcast %broadcast_in_dim3A_1354 : i32 to vector<16xi32>
      %mul3A_1356 = arith.constant 4 : i32
      %mul3A_1357 = arith.muli %add3A_947, %mul3A_1356 : i32
      %add3A_1358 = arith.constant 1 : i32
      %add3A_1359 = arith.addi %mul3A_1357, %add3A_1358 : i32
      %and3A_1360 = arith.constant 127 : i32
      %and3A_1361 = arith.andi %add3A_1359, %and3A_1360 : i32
      %add3A_1362 = vector.broadcast %and3A_1361 : i32 to vector<16xi32>
      %add3A_1363 = arith.addi %broadcast_in_dim3A_1355, %add3A_1362 : vector<16xi32>
      %add3A_1364 = arith.constant 0 : i32
      %add3A_1365 = vector.broadcast %add3A_1364 : i32 to vector<16xi32>
      %add3A_1366 = arith.addi %iota3A, %add3A_1365 : vector<16xi32>
      %gather3A_1367 = tpu.vector_load_idx %arg6[%add3A_1366, %add3A_1353] : memref<64x1536xf32, #tpu.memory_space<vmem>>[vector<16xi32>, vector<16xi32>], vector<16xf32>,
      tpu.vector_store_idx %arg7[%add3A_1366, %add3A_1363], %gather3A_1367 : memref<64x128xf32, #tpu.memory_space<vmem>>[vector<16xi32>, vector<16xi32>], vector<16xf32>,
      %add3A_1368 = arith.constant 16 : i32
      %add3A_1369 = vector.broadcast %add3A_1368 : i32 to vector<16xi32>
      %add3A_1370 = arith.addi %iota3A, %add3A_1369 : vector<16xi32>
      %gather3A_1371 = tpu.vector_load_idx %arg6[%add3A_1370, %add3A_1353] : memref<64x1536xf32, #tpu.memory_space<vmem>>[vector<16xi32>, vector<16xi32>], vector<16xf32>,
      tpu.vector_store_idx %arg7[%add3A_1370, %add3A_1363], %gather3A_1371 : memref<64x128xf32, #tpu.memory_space<vmem>>[vector<16xi32>, vector<16xi32>], vector<16xf32>,
      %add3A_1372 = arith.constant 32 : i32
      %add3A_1373 = vector.broadcast %add3A_1372 : i32 to vector<16xi32>
      %add3A_1374 = arith.addi %iota3A, %add3A_1373 : vector<16xi32>
      %gather3A_1375 = tpu.vector_load_idx %arg6[%add3A_1374, %add3A_1353] : memref<64x1536xf32, #tpu.memory_space<vmem>>[vector<16xi32>, vector<16xi32>], vector<16xf32>,
      tpu.vector_store_idx %arg7[%add3A_1374, %add3A_1363], %gather3A_1375 : memref<64x128xf32, #tpu.memory_space<vmem>>[vector<16xi32>, vector<16xi32>], vector<16xf32>,
      %add3A_1376 = arith.constant 48 : i32
      %add3A_1377 = vector.broadcast %add3A_1376 : i32 to vector<16xi32>
      %add3A_1378 = arith.addi %iota3A, %add3A_1377 : vector<16xi32>
      %gather3A_1379 = tpu.vector_load_idx %arg6[%add3A_1378, %add3A_1353] : memref<64x1536xf32, #tpu.memory_space<vmem>>[vector<16xi32>, vector<16xi32>], vector<16xf32>,
      tpu.vector_store_idx %arg7[%add3A_1378, %add3A_1363], %gather3A_1379 : memref<64x128xf32, #tpu.memory_space<vmem>>[vector<16xi32>, vector<16xi32>], vector<16xf32>,
      %broadcast_in_dim3A_1380 = arith.constant 256 : i32
      %broadcast_in_dim3A_1381 = vector.broadcast %broadcast_in_dim3A_1380 : i32 to vector<16xi32>
      %slice3A_1382 = vector.extract_strided_slice %and3A_1315 {offsets = [2], sizes = [1], strides = [1]} : vector<16xi32> to vector<1xi32>
      %squeeze3A_1383 = vector.extract %slice3A_1382[0] : i32 from vector<1xi32>
      %add3A_1384 = vector.broadcast %squeeze3A_1383 : i32 to vector<16xi32>
      %add3A_1385 = arith.addi %broadcast_in_dim3A_1381, %add3A_1384 : vector<16xi32>
      %broadcast_in_dim3A_1386 = arith.constant 0 : i32
      %broadcast_in_dim3A_1387 = vector.broadcast %broadcast_in_dim3A_1386 : i32 to vector<16xi32>
      %mul3A_1388 = arith.constant 4 : i32
      %mul3A_1389 = arith.muli %add3A_947, %mul3A_1388 : i32
      %add3A_1390 = arith.constant 2 : i32
      %add3A_1391 = arith.addi %mul3A_1389, %add3A_1390 : i32
      %and3A_1392 = arith.constant 127 : i32
      %and3A_1393 = arith.andi %add3A_1391, %and3A_1392 : i32
      %add3A_1394 = vector.broadcast %and3A_1393 : i32 to vector<16xi32>
      %add3A_1395 = arith.addi %broadcast_in_dim3A_1387, %add3A_1394 : vector<16xi32>
      %add3A_1396 = arith.constant 0 : i32
      %add3A_1397 = vector.broadcast %add3A_1396 : i32 to vector<16xi32>
      %add3A_1398 = arith.addi %iota3A, %add3A_1397 : vector<16xi32>
      %gather3A_1399 = tpu.vector_load_idx %arg6[%add3A_1398, %add3A_1385] : memref<64x1536xf32, #tpu.memory_space<vmem>>[vector<16xi32>, vector<16xi32>], vector<16xf32>,
      tpu.vector_store_idx %arg7[%add3A_1398, %add3A_1395], %gather3A_1399 : memref<64x128xf32, #tpu.memory_space<vmem>>[vector<16xi32>, vector<16xi32>], vector<16xf32>,
      %add3A_1400 = arith.constant 16 : i32
      %add3A_1401 = vector.broadcast %add3A_1400 : i32 to vector<16xi32>
      %add3A_1402 = arith.addi %iota3A, %add3A_1401 : vector<16xi32>
      %gather3A_1403 = tpu.vector_load_idx %arg6[%add3A_1402, %add3A_1385] : memref<64x1536xf32, #tpu.memory_space<vmem>>[vector<16xi32>, vector<16xi32>], vector<16xf32>,
      tpu.vector_store_idx %arg7[%add3A_1402, %add3A_1395], %gather3A_1403 : memref<64x128xf32, #tpu.memory_space<vmem>>[vector<16xi32>, vector<16xi32>], vector<16xf32>,
      %add3A_1404 = arith.constant 32 : i32
      %add3A_1405 = vector.broadcast %add3A_1404 : i32 to vector<16xi32>
      %add3A_1406 = arith.addi %iota3A, %add3A_1405 : vector<16xi32>
      %gather3A_1407 = tpu.vector_load_idx %arg6[%add3A_1406, %add3A_1385] : memref<64x1536xf32, #tpu.memory_space<vmem>>[vector<16xi32>, vector<16xi32>], vector<16xf32>,
      tpu.vector_store_idx %arg7[%add3A_1406, %add3A_1395], %gather3A_1407 : memref<64x128xf32, #tpu.memory_space<vmem>>[vector<16xi32>, vector<16xi32>], vector<16xf32>,
      %add3A_1408 = arith.constant 48 : i32
      %add3A_1409 = vector.broadcast %add3A_1408 : i32 to vector<16xi32>
      %add3A_1410 = arith.addi %iota3A, %add3A_1409 : vector<16xi32>
      %gather3A_1411 = tpu.vector_load_idx %arg6[%add3A_1410, %add3A_1385] : memref<64x1536xf32, #tpu.memory_space<vmem>>[vector<16xi32>, vector<16xi32>], vector<16xf32>,
      tpu.vector_store_idx %arg7[%add3A_1410, %add3A_1395], %gather3A_1411 : memref<64x128xf32, #tpu.memory_space<vmem>>[vector<16xi32>, vector<16xi32>], vector<16xf32>,
      %broadcast_in_dim3A_1412 = arith.constant 384 : i32
      %broadcast_in_dim3A_1413 = vector.broadcast %broadcast_in_dim3A_1412 : i32 to vector<16xi32>
      %slice3A_1414 = vector.extract_strided_slice %and3A_1315 {offsets = [3], sizes = [1], strides = [1]} : vector<16xi32> to vector<1xi32>
      %squeeze3A_1415 = vector.extract %slice3A_1414[0] : i32 from vector<1xi32>
      %add3A_1416 = vector.broadcast %squeeze3A_1415 : i32 to vector<16xi32>
      %add3A_1417 = arith.addi %broadcast_in_dim3A_1413, %add3A_1416 : vector<16xi32>
      %broadcast_in_dim3A_1418 = arith.constant 0 : i32
      %broadcast_in_dim3A_1419 = vector.broadcast %broadcast_in_dim3A_1418 : i32 to vector<16xi32>
      %mul3A_1420 = arith.constant 4 : i32
      %mul3A_1421 = arith.muli %add3A_947, %mul3A_1420 : i32
      %add3A_1422 = arith.constant 3 : i32
      %add3A_1423 = arith.addi %mul3A_1421, %add3A_1422 : i32
      %and3A_1424 = arith.constant 127 : i32
      %and3A_1425 = arith.andi %add3A_1423, %and3A_1424 : i32
      %add3A_1426 = vector.broadcast %and3A_1425 : i32 to vector<16xi32>
      %add3A_1427 = arith.addi %broadcast_in_dim3A_1419, %add3A_1426 : vector<16xi32>
      %add3A_1428 = arith.constant 0 : i32
      %add3A_1429 = vector.broadcast %add3A_1428 : i32 to vector<16xi32>
      %add3A_1430 = arith.addi %iota3A, %add3A_1429 : vector<16xi32>
      %gather3A_1431 = tpu.vector_load_idx %arg6[%add3A_1430, %add3A_1417] : memref<64x1536xf32, #tpu.memory_space<vmem>>[vector<16xi32>, vector<16xi32>], vector<16xf32>,
      tpu.vector_store_idx %arg7[%add3A_1430, %add3A_1427], %gather3A_1431 : memref<64x128xf32, #tpu.memory_space<vmem>>[vector<16xi32>, vector<16xi32>], vector<16xf32>,
      %add3A_1432 = arith.constant 16 : i32
      %add3A_1433 = vector.broadcast %add3A_1432 : i32 to vector<16xi32>
      %add3A_1434 = arith.addi %iota3A, %add3A_1433 : vector<16xi32>
      %gather3A_1435 = tpu.vector_load_idx %arg6[%add3A_1434, %add3A_1417] : memref<64x1536xf32, #tpu.memory_space<vmem>>[vector<16xi32>, vector<16xi32>], vector<16xf32>,
      tpu.vector_store_idx %arg7[%add3A_1434, %add3A_1427], %gather3A_1435 : memref<64x128xf32, #tpu.memory_space<vmem>>[vector<16xi32>, vector<16xi32>], vector<16xf32>,
      %add3A_1436 = arith.constant 32 : i32
      %add3A_1437 = vector.broadcast %add3A_1436 : i32 to vector<16xi32>
      %add3A_1438 = arith.addi %iota3A, %add3A_1437 : vector<16xi32>
      %gather3A_1439 = tpu.vector_load_idx %arg6[%add3A_1438, %add3A_1417] : memref<64x1536xf32, #tpu.memory_space<vmem>>[vector<16xi32>, vector<16xi32>], vector<16xf32>,
      tpu.vector_store_idx %arg7[%add3A_1438, %add3A_1427], %gather3A_1439 : memref<64x128xf32, #tpu.memory_space<vmem>>[vector<16xi32>, vector<16xi32>], vector<16xf32>,
      %add3A_1440 = arith.constant 48 : i32
      %add3A_1441 = vector.broadcast %add3A_1440 : i32 to vector<16xi32>
      %add3A_1442 = arith.addi %iota3A, %add3A_1441 : vector<16xi32>
      %gather3A_1443 = tpu.vector_load_idx %arg6[%add3A_1442, %add3A_1417] : memref<64x1536xf32, #tpu.memory_space<vmem>>[vector<16xi32>, vector<16xi32>], vector<16xf32>,
      tpu.vector_store_idx %arg7[%add3A_1442, %add3A_1427], %gather3A_1443 : memref<64x128xf32, #tpu.memory_space<vmem>>[vector<16xi32>, vector<16xi32>], vector<16xf32>,
      %and3A_1444 = arith.constant 31 : i32
      %and3A_1445 = arith.andi %add3A_947, %and3A_1444 : i32
      %eq3A = arith.constant 31 : i32
      %eq3A_1446 = arith.cmpi eq, %and3A_1445, %eq3A : i32
      %convert_element_type3A = arith.extui %eq3A_1446 : i1 to i32
      %cond3A = arith.constant 0 : i32
      %cond3A_1447 = arith.cmpi ne, %convert_element_type3A, %cond3A : i32
      scf.if %cond3A_1447 {
        %mul3A_2463 = arith.constant 4 : i32
        %mul3A_2464 = arith.muli %add3A_947, %mul3A_2463 : i32
        %sub3A = arith.constant 124 : i32
        %sub3A_2465 = arith.subi %mul3A_2464, %sub3A : i32
        %multiple_of3A_2466 = tpu.assume_multiple %sub3A_2465, 128 : i32
        %add3A_2467 = arith.addi %mul3A_2, %multiple_of3A_2466 : i32
        "tpu.region"() ({
          %run_scoped3A = tpu.sem_alloc : memref<!tpu.dma_semaphore, #tpu.memory_space<semaphore_mem>>
          %dma_start3A_2468 = arith.constant 0 : i32
          %dma_start3A_2469 = tpu.memref_slice %arg4[%dma_start3A_2468, %add3A_2467] : memref<64x16384xf32, #tpu.memory_space<hbm>> -> memref<64x128xf32, #tpu.memory_space<hbm>>
          %dma_start3A_2470 = arith.constant 0 : i32
          %dma_start3A_2471 = tpu.memref_slice %arg4[%dma_start3A_2470, %add3A_2467] : memref<64x16384xf32, #tpu.memory_space<hbm>> -> memref<64x128xf32, #tpu.memory_space<hbm>>
          tpu.enqueue_dma source(%arg7 : memref<64x128xf32, #tpu.memory_space<vmem>>) target(%dma_start3A_2471 : memref<64x128xf32, #tpu.memory_space<hbm>>) target_semaphore(%run_scoped3A : memref<!tpu.dma_semaphore, #tpu.memory_space<semaphore_mem>>)
          %dma_wait3A_2472 = arith.constant 0 : i32
          %dma_wait3A_2473 = tpu.memref_slice %arg4[%dma_wait3A_2472, %add3A_2467] : memref<64x16384xf32, #tpu.memory_space<hbm>> -> memref<64x128xf32, #tpu.memory_space<hbm>>
          %dma_wait3A_2474 = arith.constant 0 : i32
          %dma_wait3A_2475 = tpu.memref_slice %arg4[%dma_wait3A_2474, %add3A_2467] : memref<64x16384xf32, #tpu.memory_space<hbm>> -> memref<64x128xf32, #tpu.memory_space<hbm>>
          tpu.wait_dma2 semaphore(%run_scoped3A : memref<!tpu.dma_semaphore, #tpu.memory_space<semaphore_mem>>) src(%arg7 : memref<64x128xf32, #tpu.memory_space<vmem>>) dst(%dma_wait3A_2475 : memref<64x128xf32, #tpu.memory_space<hbm>>)
          tpu.yield
        }) : () -> ()
      } else {
      }
      %mul3A_1448 = arith.constant 3 : i32
      %mul3A_1449 = arith.muli %scan3A_942, %mul3A_1448 : i32
      %add3A_1450 = arith.constant 1 : i32
      %add3A_1451 = arith.addi %mul3A_1449, %add3A_1450 : i32
      %dma_wait3A_1452 = arith.constant 0 : i32
      %dma_wait3A_1453 = arith.constant 512 : i32
      %dma_wait3A_1454 = tpu.memref_slice %arg6[%dma_wait3A_1452, %dma_wait3A_1453] : memref<64x1536xf32, #tpu.memory_space<vmem>> -> memref<64x512xf32, #tpu.memory_space<vmem>>
      %dma_wait3A_1455 = arith.constant 0 : i32
      %dma_wait3A_1456 = arith.constant 0 : i32
      %dma_wait3A_1457 = tpu.memref_slice %arg3[%dma_wait3A_1455, %dma_wait3A_1456] : memref<64x1000000xf32, #tpu.memory_space<hbm>> -> memref<64x512xf32, #tpu.memory_space<hbm>>
      %dma_wait3A_1458 = arith.constant 0 : i32
      %dma_wait3A_1459 = arith.constant 512 : i32
      %dma_wait3A_1460 = tpu.memref_slice %arg6[%dma_wait3A_1458, %dma_wait3A_1459] : memref<64x1536xf32, #tpu.memory_space<vmem>> -> memref<64x512xf32, #tpu.memory_space<vmem>>
      %dma_wait3A_1461 = arith.constant 0 : i32
      %dma_wait3A_1462 = arith.constant 0 : i32
      %dma_wait3A_1463 = tpu.memref_slice %arg3[%dma_wait3A_1461, %dma_wait3A_1462] : memref<64x1000000xf32, #tpu.memory_space<hbm>> -> memref<64x512xf32, #tpu.memory_space<hbm>>
      tpu.wait_dma2 semaphore(%arg8 : memref<!tpu.dma_semaphore, #tpu.memory_space<semaphore_mem>>) src(%dma_wait3A_1463 : memref<64x512xf32, #tpu.memory_space<hbm>>) dst(%dma_wait3A_1460 : memref<64x512xf32, #tpu.memory_space<vmem>>)
      %add3A_1464 = arith.constant 2 : i32
      %add3A_1465 = arith.addi %add3A_1451, %add3A_1464 : i32
      %mul3A_1466 = arith.constant 4 : i32
      %mul3A_1467 = arith.muli %add3A_1465, %mul3A_1466 : i32
      %get3A_1468 = arith.index_cast %mul3A_1467 : i32 to index
      %get3A_1469 = tpu.vector_load %arg5[%get3A_1468] {strides = array<i32>} : memref<528xi32, #tpu.memory_space<vmem>>, vector<16xi32>,
      %shift_right_logical3A_1470 = arith.constant 7 : i32
      %shift_right_logical3A_1471 = vector.broadcast %shift_right_logical3A_1470 : i32 to vector<16xi32>
      %shift_right_logical3A_1472 = arith.shrui %get3A_1469, %shift_right_logical3A_1471 : vector<16xi32>
      %slice3A_1473 = vector.extract_strided_slice %shift_right_logical3A_1472 {offsets = [0], sizes = [1], strides = [1]} : vector<16xi32> to vector<1xi32>
      %squeeze3A_1474 = vector.extract %slice3A_1473[0] : i32 from vector<1xi32>
      %mul3A_1475 = arith.constant 128 : i32
      %mul3A_1476 = arith.muli %squeeze3A_1474, %mul3A_1475 : i32
      %multiple_of3A_1477 = tpu.assume_multiple %mul3A_1476, 128 : i32
      %dma_start3A_1478 = arith.constant 0 : i32
      %dma_start3A_1479 = arith.constant 0 : i32
      %dma_start3A_1480 = tpu.memref_slice %arg6[%dma_start3A_1478, %dma_start3A_1479] : memref<64x1536xf32, #tpu.memory_space<vmem>> -> memref<8x128xf32, #tpu.memory_space<vmem>>
      %dma_start3A_1481 = arith.constant 0 : i32
      %dma_start3A_1482 = tpu.memref_slice %arg3[%dma_start3A_1481, %multiple_of3A_1477] : memref<64x1000000xf32, #tpu.memory_space<hbm>> -> memref<8x128xf32, #tpu.memory_space<hbm>>
      %dma_start3A_1483 = arith.constant 0 : i32
      %dma_start3A_1484 = arith.constant 0 : i32
      %dma_start3A_1485 = tpu.memref_slice %arg6[%dma_start3A_1483, %dma_start3A_1484] : memref<64x1536xf32, #tpu.memory_space<vmem>> -> memref<8x128xf32, #tpu.memory_space<vmem>>
      %dma_start3A_1486 = arith.constant 0 : i32
      %dma_start3A_1487 = tpu.memref_slice %arg3[%dma_start3A_1486, %multiple_of3A_1477] : memref<64x1000000xf32, #tpu.memory_space<hbm>> -> memref<8x128xf32, #tpu.memory_space<hbm>>
      tpu.enqueue_dma source(%dma_start3A_1487 : memref<8x128xf32, #tpu.memory_space<hbm>>) target(%dma_start3A_1485 : memref<8x128xf32, #tpu.memory_space<vmem>>) target_semaphore(%arg8 : memref<!tpu.dma_semaphore, #tpu.memory_space<semaphore_mem>>)
      %dma_start3A_1488 = arith.constant 8 : i32
      %dma_start3A_1489 = arith.constant 0 : i32
      %dma_start3A_1490 = tpu.memref_slice %arg6[%dma_start3A_1488, %dma_start3A_1489] : memref<64x1536xf32, #tpu.memory_space<vmem>> -> memref<8x128xf32, #tpu.memory_space<vmem>>
      %dma_start3A_1491 = arith.constant 8 : i32
      %dma_start3A_1492 = tpu.memref_slice %arg3[%dma_start3A_1491, %multiple_of3A_1477] : memref<64x1000000xf32, #tpu.memory_space<hbm>> -> memref<8x128xf32, #tpu.memory_space<hbm>>
      %dma_start3A_1493 = arith.constant 8 : i32
      %dma_start3A_1494 = arith.constant 0 : i32
      %dma_start3A_1495 = tpu.memref_slice %arg6[%dma_start3A_1493, %dma_start3A_1494] : memref<64x1536xf32, #tpu.memory_space<vmem>> -> memref<8x128xf32, #tpu.memory_space<vmem>>
      %dma_start3A_1496 = arith.constant 8 : i32
      %dma_start3A_1497 = tpu.memref_slice %arg3[%dma_start3A_1496, %multiple_of3A_1477] : memref<64x1000000xf32, #tpu.memory_space<hbm>> -> memref<8x128xf32, #tpu.memory_space<hbm>>
      tpu.enqueue_dma source(%dma_start3A_1497 : memref<8x128xf32, #tpu.memory_space<hbm>>) target(%dma_start3A_1495 : memref<8x128xf32, #tpu.memory_space<vmem>>) target_semaphore(%arg8 : memref<!tpu.dma_semaphore, #tpu.memory_space<semaphore_mem>>)
      %dma_start3A_1498 = arith.constant 16 : i32
      %dma_start3A_1499 = arith.constant 0 : i32
      %dma_start3A_1500 = tpu.memref_slice %arg6[%dma_start3A_1498, %dma_start3A_1499] : memref<64x1536xf32, #tpu.memory_space<vmem>> -> memref<8x128xf32, #tpu.memory_space<vmem>>
      %dma_start3A_1501 = arith.constant 16 : i32
      %dma_start3A_1502 = tpu.memref_slice %arg3[%dma_start3A_1501, %multiple_of3A_1477] : memref<64x1000000xf32, #tpu.memory_space<hbm>> -> memref<8x128xf32, #tpu.memory_space<hbm>>
      %dma_start3A_1503 = arith.constant 16 : i32
      %dma_start3A_1504 = arith.constant 0 : i32
      %dma_start3A_1505 = tpu.memref_slice %arg6[%dma_start3A_1503, %dma_start3A_1504] : memref<64x1536xf32, #tpu.memory_space<vmem>> -> memref<8x128xf32, #tpu.memory_space<vmem>>
      %dma_start3A_1506 = arith.constant 16 : i32
      %dma_start3A_1507 = tpu.memref_slice %arg3[%dma_start3A_1506, %multiple_of3A_1477] : memref<64x1000000xf32, #tpu.memory_space<hbm>> -> memref<8x128xf32, #tpu.memory_space<hbm>>
      tpu.enqueue_dma source(%dma_start3A_1507 : memref<8x128xf32, #tpu.memory_space<hbm>>) target(%dma_start3A_1505 : memref<8x128xf32, #tpu.memory_space<vmem>>) target_semaphore(%arg8 : memref<!tpu.dma_semaphore, #tpu.memory_space<semaphore_mem>>)
      %dma_start3A_1508 = arith.constant 24 : i32
      %dma_start3A_1509 = arith.constant 0 : i32
      %dma_start3A_1510 = tpu.memref_slice %arg6[%dma_start3A_1508, %dma_start3A_1509] : memref<64x1536xf32, #tpu.memory_space<vmem>> -> memref<8x128xf32, #tpu.memory_space<vmem>>
      %dma_start3A_1511 = arith.constant 24 : i32
      %dma_start3A_1512 = tpu.memref_slice %arg3[%dma_start3A_1511, %multiple_of3A_1477] : memref<64x1000000xf32, #tpu.memory_space<hbm>> -> memref<8x128xf32, #tpu.memory_space<hbm>>
      %dma_start3A_1513 = arith.constant 24 : i32
      %dma_start3A_1514 = arith.constant 0 : i32
      %dma_start3A_1515 = tpu.memref_slice %arg6[%dma_start3A_1513, %dma_start3A_1514] : memref<64x1536xf32, #tpu.memory_space<vmem>> -> memref<8x128xf32, #tpu.memory_space<vmem>>
      %dma_start3A_1516 = arith.constant 24 : i32
      %dma_start3A_1517 = tpu.memref_slice %arg3[%dma_start3A_1516, %multiple_of3A_1477] : memref<64x1000000xf32, #tpu.memory_space<hbm>> -> memref<8x128xf32, #tpu.memory_space<hbm>>
      tpu.enqueue_dma source(%dma_start3A_1517 : memref<8x128xf32, #tpu.memory_space<hbm>>) target(%dma_start3A_1515 : memref<8x128xf32, #tpu.memory_space<vmem>>) target_semaphore(%arg8 : memref<!tpu.dma_semaphore, #tpu.memory_space<semaphore_mem>>)
      %dma_start3A_1518 = arith.constant 32 : i32
      %dma_start3A_1519 = arith.constant 0 : i32
      %dma_start3A_1520 = tpu.memref_slice %arg6[%dma_start3A_1518, %dma_start3A_1519] : memref<64x1536xf32, #tpu.memory_space<vmem>> -> memref<8x128xf32, #tpu.memory_space<vmem>>
      %dma_start3A_1521 = arith.constant 32 : i32
      %dma_start3A_1522 = tpu.memref_slice %arg3[%dma_start3A_1521, %multiple_of3A_1477] : memref<64x1000000xf32, #tpu.memory_space<hbm>> -> memref<8x128xf32, #tpu.memory_space<hbm>>
      %dma_start3A_1523 = arith.constant 32 : i32
      %dma_start3A_1524 = arith.constant 0 : i32
      %dma_start3A_1525 = tpu.memref_slice %arg6[%dma_start3A_1523, %dma_start3A_1524] : memref<64x1536xf32, #tpu.memory_space<vmem>> -> memref<8x128xf32, #tpu.memory_space<vmem>>
      %dma_start3A_1526 = arith.constant 32 : i32
      %dma_start3A_1527 = tpu.memref_slice %arg3[%dma_start3A_1526, %multiple_of3A_1477] : memref<64x1000000xf32, #tpu.memory_space<hbm>> -> memref<8x128xf32, #tpu.memory_space<hbm>>
      tpu.enqueue_dma source(%dma_start3A_1527 : memref<8x128xf32, #tpu.memory_space<hbm>>) target(%dma_start3A_1525 : memref<8x128xf32, #tpu.memory_space<vmem>>) target_semaphore(%arg8 : memref<!tpu.dma_semaphore, #tpu.memory_space<semaphore_mem>>)
      %dma_start3A_1528 = arith.constant 40 : i32
      %dma_start3A_1529 = arith.constant 0 : i32
      %dma_start3A_1530 = tpu.memref_slice %arg6[%dma_start3A_1528, %dma_start3A_1529] : memref<64x1536xf32, #tpu.memory_space<vmem>> -> memref<8x128xf32, #tpu.memory_space<vmem>>
      %dma_start3A_1531 = arith.constant 40 : i32
      %dma_start3A_1532 = tpu.memref_slice %arg3[%dma_start3A_1531, %multiple_of3A_1477] : memref<64x1000000xf32, #tpu.memory_space<hbm>> -> memref<8x128xf32, #tpu.memory_space<hbm>>
      %dma_start3A_1533 = arith.constant 40 : i32
      %dma_start3A_1534 = arith.constant 0 : i32
      %dma_start3A_1535 = tpu.memref_slice %arg6[%dma_start3A_1533, %dma_start3A_1534] : memref<64x1536xf32, #tpu.memory_space<vmem>> -> memref<8x128xf32, #tpu.memory_space<vmem>>
      %dma_start3A_1536 = arith.constant 40 : i32
      %dma_start3A_1537 = tpu.memref_slice %arg3[%dma_start3A_1536, %multiple_of3A_1477] : memref<64x1000000xf32, #tpu.memory_space<hbm>> -> memref<8x128xf32, #tpu.memory_space<hbm>>
      tpu.enqueue_dma source(%dma_start3A_1537 : memref<8x128xf32, #tpu.memory_space<hbm>>) target(%dma_start3A_1535 : memref<8x128xf32, #tpu.memory_space<vmem>>) target_semaphore(%arg8 : memref<!tpu.dma_semaphore, #tpu.memory_space<semaphore_mem>>)
      %dma_start3A_1538 = arith.constant 48 : i32
      %dma_start3A_1539 = arith.constant 0 : i32
      %dma_start3A_1540 = tpu.memref_slice %arg6[%dma_start3A_1538, %dma_start3A_1539] : memref<64x1536xf32, #tpu.memory_space<vmem>> -> memref<8x128xf32, #tpu.memory_space<vmem>>
      %dma_start3A_1541 = arith.constant 48 : i32
      %dma_start3A_1542 = tpu.memref_slice %arg3[%dma_start3A_1541, %multiple_of3A_1477] : memref<64x1000000xf32, #tpu.memory_space<hbm>> -> memref<8x128xf32, #tpu.memory_space<hbm>>
      %dma_start3A_1543 = arith.constant 48 : i32
      %dma_start3A_1544 = arith.constant 0 : i32
      %dma_start3A_1545 = tpu.memref_slice %arg6[%dma_start3A_1543, %dma_start3A_1544] : memref<64x1536xf32, #tpu.memory_space<vmem>> -> memref<8x128xf32, #tpu.memory_space<vmem>>
      %dma_start3A_1546 = arith.constant 48 : i32
      %dma_start3A_1547 = tpu.memref_slice %arg3[%dma_start3A_1546, %multiple_of3A_1477] : memref<64x1000000xf32, #tpu.memory_space<hbm>> -> memref<8x128xf32, #tpu.memory_space<hbm>>
      tpu.enqueue_dma source(%dma_start3A_1547 : memref<8x128xf32, #tpu.memory_space<hbm>>) target(%dma_start3A_1545 : memref<8x128xf32, #tpu.memory_space<vmem>>) target_semaphore(%arg8 : memref<!tpu.dma_semaphore, #tpu.memory_space<semaphore_mem>>)
      %dma_start3A_1548 = arith.constant 56 : i32
      %dma_start3A_1549 = arith.constant 0 : i32
      %dma_start3A_1550 = tpu.memref_slice %arg6[%dma_start3A_1548, %dma_start3A_1549] : memref<64x1536xf32, #tpu.memory_space<vmem>> -> memref<8x128xf32, #tpu.memory_space<vmem>>
      %dma_start3A_1551 = arith.constant 56 : i32
      %dma_start3A_1552 = tpu.memref_slice %arg3[%dma_start3A_1551, %multiple_of3A_1477] : memref<64x1000000xf32, #tpu.memory_space<hbm>> -> memref<8x128xf32, #tpu.memory_space<hbm>>
      %dma_start3A_1553 = arith.constant 56 : i32
      %dma_start3A_1554 = arith.constant 0 : i32
      %dma_start3A_1555 = tpu.memref_slice %arg6[%dma_start3A_1553, %dma_start3A_1554] : memref<64x1536xf32, #tpu.memory_space<vmem>> -> memref<8x128xf32, #tpu.memory_space<vmem>>
      %dma_start3A_1556 = arith.constant 56 : i32
      %dma_start3A_1557 = tpu.memref_slice %arg3[%dma_start3A_1556, %multiple_of3A_1477] : memref<64x1000000xf32, #tpu.memory_space<hbm>> -> memref<8x128xf32, #tpu.memory_space<hbm>>
      tpu.enqueue_dma source(%dma_start3A_1557 : memref<8x128xf32, #tpu.memory_space<hbm>>) target(%dma_start3A_1555 : memref<8x128xf32, #tpu.memory_space<vmem>>) target_semaphore(%arg8 : memref<!tpu.dma_semaphore, #tpu.memory_space<semaphore_mem>>)
      %slice3A_1558 = vector.extract_strided_slice %shift_right_logical3A_1472 {offsets = [1], sizes = [1], strides = [1]} : vector<16xi32> to vector<1xi32>
      %squeeze3A_1559 = vector.extract %slice3A_1558[0] : i32 from vector<1xi32>
      %mul3A_1560 = arith.constant 128 : i32
      %mul3A_1561 = arith.muli %squeeze3A_1559, %mul3A_1560 : i32
      %multiple_of3A_1562 = tpu.assume_multiple %mul3A_1561, 128 : i32
      %dma_start3A_1563 = arith.constant 0 : i32
      %dma_start3A_1564 = arith.constant 128 : i32
      %dma_start3A_1565 = tpu.memref_slice %arg6[%dma_start3A_1563, %dma_start3A_1564] : memref<64x1536xf32, #tpu.memory_space<vmem>> -> memref<8x128xf32, #tpu.memory_space<vmem>>
      %dma_start3A_1566 = arith.constant 0 : i32
      %dma_start3A_1567 = tpu.memref_slice %arg3[%dma_start3A_1566, %multiple_of3A_1562] : memref<64x1000000xf32, #tpu.memory_space<hbm>> -> memref<8x128xf32, #tpu.memory_space<hbm>>
      %dma_start3A_1568 = arith.constant 0 : i32
      %dma_start3A_1569 = arith.constant 128 : i32
      %dma_start3A_1570 = tpu.memref_slice %arg6[%dma_start3A_1568, %dma_start3A_1569] : memref<64x1536xf32, #tpu.memory_space<vmem>> -> memref<8x128xf32, #tpu.memory_space<vmem>>
      %dma_start3A_1571 = arith.constant 0 : i32
      %dma_start3A_1572 = tpu.memref_slice %arg3[%dma_start3A_1571, %multiple_of3A_1562] : memref<64x1000000xf32, #tpu.memory_space<hbm>> -> memref<8x128xf32, #tpu.memory_space<hbm>>
      tpu.enqueue_dma source(%dma_start3A_1572 : memref<8x128xf32, #tpu.memory_space<hbm>>) target(%dma_start3A_1570 : memref<8x128xf32, #tpu.memory_space<vmem>>) target_semaphore(%arg8 : memref<!tpu.dma_semaphore, #tpu.memory_space<semaphore_mem>>)
      %dma_start3A_1573 = arith.constant 8 : i32
      %dma_start3A_1574 = arith.constant 128 : i32
      %dma_start3A_1575 = tpu.memref_slice %arg6[%dma_start3A_1573, %dma_start3A_1574] : memref<64x1536xf32, #tpu.memory_space<vmem>> -> memref<8x128xf32, #tpu.memory_space<vmem>>
      %dma_start3A_1576 = arith.constant 8 : i32
      %dma_start3A_1577 = tpu.memref_slice %arg3[%dma_start3A_1576, %multiple_of3A_1562] : memref<64x1000000xf32, #tpu.memory_space<hbm>> -> memref<8x128xf32, #tpu.memory_space<hbm>>
      %dma_start3A_1578 = arith.constant 8 : i32
      %dma_start3A_1579 = arith.constant 128 : i32
      %dma_start3A_1580 = tpu.memref_slice %arg6[%dma_start3A_1578, %dma_start3A_1579] : memref<64x1536xf32, #tpu.memory_space<vmem>> -> memref<8x128xf32, #tpu.memory_space<vmem>>
      %dma_start3A_1581 = arith.constant 8 : i32
      %dma_start3A_1582 = tpu.memref_slice %arg3[%dma_start3A_1581, %multiple_of3A_1562] : memref<64x1000000xf32, #tpu.memory_space<hbm>> -> memref<8x128xf32, #tpu.memory_space<hbm>>
      tpu.enqueue_dma source(%dma_start3A_1582 : memref<8x128xf32, #tpu.memory_space<hbm>>) target(%dma_start3A_1580 : memref<8x128xf32, #tpu.memory_space<vmem>>) target_semaphore(%arg8 : memref<!tpu.dma_semaphore, #tpu.memory_space<semaphore_mem>>)
      %dma_start3A_1583 = arith.constant 16 : i32
      %dma_start3A_1584 = arith.constant 128 : i32
      %dma_start3A_1585 = tpu.memref_slice %arg6[%dma_start3A_1583, %dma_start3A_1584] : memref<64x1536xf32, #tpu.memory_space<vmem>> -> memref<8x128xf32, #tpu.memory_space<vmem>>
      %dma_start3A_1586 = arith.constant 16 : i32
      %dma_start3A_1587 = tpu.memref_slice %arg3[%dma_start3A_1586, %multiple_of3A_1562] : memref<64x1000000xf32, #tpu.memory_space<hbm>> -> memref<8x128xf32, #tpu.memory_space<hbm>>
      %dma_start3A_1588 = arith.constant 16 : i32
      %dma_start3A_1589 = arith.constant 128 : i32
      %dma_start3A_1590 = tpu.memref_slice %arg6[%dma_start3A_1588, %dma_start3A_1589] : memref<64x1536xf32, #tpu.memory_space<vmem>> -> memref<8x128xf32, #tpu.memory_space<vmem>>
      %dma_start3A_1591 = arith.constant 16 : i32
      %dma_start3A_1592 = tpu.memref_slice %arg3[%dma_start3A_1591, %multiple_of3A_1562] : memref<64x1000000xf32, #tpu.memory_space<hbm>> -> memref<8x128xf32, #tpu.memory_space<hbm>>
      tpu.enqueue_dma source(%dma_start3A_1592 : memref<8x128xf32, #tpu.memory_space<hbm>>) target(%dma_start3A_1590 : memref<8x128xf32, #tpu.memory_space<vmem>>) target_semaphore(%arg8 : memref<!tpu.dma_semaphore, #tpu.memory_space<semaphore_mem>>)
      %dma_start3A_1593 = arith.constant 24 : i32
      %dma_start3A_1594 = arith.constant 128 : i32
      %dma_start3A_1595 = tpu.memref_slice %arg6[%dma_start3A_1593, %dma_start3A_1594] : memref<64x1536xf32, #tpu.memory_space<vmem>> -> memref<8x128xf32, #tpu.memory_space<vmem>>
      %dma_start3A_1596 = arith.constant 24 : i32
      %dma_start3A_1597 = tpu.memref_slice %arg3[%dma_start3A_1596, %multiple_of3A_1562] : memref<64x1000000xf32, #tpu.memory_space<hbm>> -> memref<8x128xf32, #tpu.memory_space<hbm>>
      %dma_start3A_1598 = arith.constant 24 : i32
      %dma_start3A_1599 = arith.constant 128 : i32
      %dma_start3A_1600 = tpu.memref_slice %arg6[%dma_start3A_1598, %dma_start3A_1599] : memref<64x1536xf32, #tpu.memory_space<vmem>> -> memref<8x128xf32, #tpu.memory_space<vmem>>
      %dma_start3A_1601 = arith.constant 24 : i32
      %dma_start3A_1602 = tpu.memref_slice %arg3[%dma_start3A_1601, %multiple_of3A_1562] : memref<64x1000000xf32, #tpu.memory_space<hbm>> -> memref<8x128xf32, #tpu.memory_space<hbm>>
      tpu.enqueue_dma source(%dma_start3A_1602 : memref<8x128xf32, #tpu.memory_space<hbm>>) target(%dma_start3A_1600 : memref<8x128xf32, #tpu.memory_space<vmem>>) target_semaphore(%arg8 : memref<!tpu.dma_semaphore, #tpu.memory_space<semaphore_mem>>)
      %dma_start3A_1603 = arith.constant 32 : i32
      %dma_start3A_1604 = arith.constant 128 : i32
      %dma_start3A_1605 = tpu.memref_slice %arg6[%dma_start3A_1603, %dma_start3A_1604] : memref<64x1536xf32, #tpu.memory_space<vmem>> -> memref<8x128xf32, #tpu.memory_space<vmem>>
      %dma_start3A_1606 = arith.constant 32 : i32
      %dma_start3A_1607 = tpu.memref_slice %arg3[%dma_start3A_1606, %multiple_of3A_1562] : memref<64x1000000xf32, #tpu.memory_space<hbm>> -> memref<8x128xf32, #tpu.memory_space<hbm>>
      %dma_start3A_1608 = arith.constant 32 : i32
      %dma_start3A_1609 = arith.constant 128 : i32
      %dma_start3A_1610 = tpu.memref_slice %arg6[%dma_start3A_1608, %dma_start3A_1609] : memref<64x1536xf32, #tpu.memory_space<vmem>> -> memref<8x128xf32, #tpu.memory_space<vmem>>
      %dma_start3A_1611 = arith.constant 32 : i32
      %dma_start3A_1612 = tpu.memref_slice %arg3[%dma_start3A_1611, %multiple_of3A_1562] : memref<64x1000000xf32, #tpu.memory_space<hbm>> -> memref<8x128xf32, #tpu.memory_space<hbm>>
      tpu.enqueue_dma source(%dma_start3A_1612 : memref<8x128xf32, #tpu.memory_space<hbm>>) target(%dma_start3A_1610 : memref<8x128xf32, #tpu.memory_space<vmem>>) target_semaphore(%arg8 : memref<!tpu.dma_semaphore, #tpu.memory_space<semaphore_mem>>)
      %dma_start3A_1613 = arith.constant 40 : i32
      %dma_start3A_1614 = arith.constant 128 : i32
      %dma_start3A_1615 = tpu.memref_slice %arg6[%dma_start3A_1613, %dma_start3A_1614] : memref<64x1536xf32, #tpu.memory_space<vmem>> -> memref<8x128xf32, #tpu.memory_space<vmem>>
      %dma_start3A_1616 = arith.constant 40 : i32
      %dma_start3A_1617 = tpu.memref_slice %arg3[%dma_start3A_1616, %multiple_of3A_1562] : memref<64x1000000xf32, #tpu.memory_space<hbm>> -> memref<8x128xf32, #tpu.memory_space<hbm>>
      %dma_start3A_1618 = arith.constant 40 : i32
      %dma_start3A_1619 = arith.constant 128 : i32
      %dma_start3A_1620 = tpu.memref_slice %arg6[%dma_start3A_1618, %dma_start3A_1619] : memref<64x1536xf32, #tpu.memory_space<vmem>> -> memref<8x128xf32, #tpu.memory_space<vmem>>
      %dma_start3A_1621 = arith.constant 40 : i32
      %dma_start3A_1622 = tpu.memref_slice %arg3[%dma_start3A_1621, %multiple_of3A_1562] : memref<64x1000000xf32, #tpu.memory_space<hbm>> -> memref<8x128xf32, #tpu.memory_space<hbm>>
      tpu.enqueue_dma source(%dma_start3A_1622 : memref<8x128xf32, #tpu.memory_space<hbm>>) target(%dma_start3A_1620 : memref<8x128xf32, #tpu.memory_space<vmem>>) target_semaphore(%arg8 : memref<!tpu.dma_semaphore, #tpu.memory_space<semaphore_mem>>)
      %dma_start3A_1623 = arith.constant 48 : i32
      %dma_start3A_1624 = arith.constant 128 : i32
      %dma_start3A_1625 = tpu.memref_slice %arg6[%dma_start3A_1623, %dma_start3A_1624] : memref<64x1536xf32, #tpu.memory_space<vmem>> -> memref<8x128xf32, #tpu.memory_space<vmem>>
      %dma_start3A_1626 = arith.constant 48 : i32
      %dma_start3A_1627 = tpu.memref_slice %arg3[%dma_start3A_1626, %multiple_of3A_1562] : memref<64x1000000xf32, #tpu.memory_space<hbm>> -> memref<8x128xf32, #tpu.memory_space<hbm>>
      %dma_start3A_1628 = arith.constant 48 : i32
      %dma_start3A_1629 = arith.constant 128 : i32
      %dma_start3A_1630 = tpu.memref_slice %arg6[%dma_start3A_1628, %dma_start3A_1629] : memref<64x1536xf32, #tpu.memory_space<vmem>> -> memref<8x128xf32, #tpu.memory_space<vmem>>
      %dma_start3A_1631 = arith.constant 48 : i32
      %dma_start3A_1632 = tpu.memref_slice %arg3[%dma_start3A_1631, %multiple_of3A_1562] : memref<64x1000000xf32, #tpu.memory_space<hbm>> -> memref<8x128xf32, #tpu.memory_space<hbm>>
      tpu.enqueue_dma source(%dma_start3A_1632 : memref<8x128xf32, #tpu.memory_space<hbm>>) target(%dma_start3A_1630 : memref<8x128xf32, #tpu.memory_space<vmem>>) target_semaphore(%arg8 : memref<!tpu.dma_semaphore, #tpu.memory_space<semaphore_mem>>)
      %dma_start3A_1633 = arith.constant 56 : i32
      %dma_start3A_1634 = arith.constant 128 : i32
      %dma_start3A_1635 = tpu.memref_slice %arg6[%dma_start3A_1633, %dma_start3A_1634] : memref<64x1536xf32, #tpu.memory_space<vmem>> -> memref<8x128xf32, #tpu.memory_space<vmem>>
      %dma_start3A_1636 = arith.constant 56 : i32
      %dma_start3A_1637 = tpu.memref_slice %arg3[%dma_start3A_1636, %multiple_of3A_1562] : memref<64x1000000xf32, #tpu.memory_space<hbm>> -> memref<8x128xf32, #tpu.memory_space<hbm>>
      %dma_start3A_1638 = arith.constant 56 : i32
      %dma_start3A_1639 = arith.constant 128 : i32
      %dma_start3A_1640 = tpu.memref_slice %arg6[%dma_start3A_1638, %dma_start3A_1639] : memref<64x1536xf32, #tpu.memory_space<vmem>> -> memref<8x128xf32, #tpu.memory_space<vmem>>
      %dma_start3A_1641 = arith.constant 56 : i32
      %dma_start3A_1642 = tpu.memref_slice %arg3[%dma_start3A_1641, %multiple_of3A_1562] : memref<64x1000000xf32, #tpu.memory_space<hbm>> -> memref<8x128xf32, #tpu.memory_space<hbm>>
      tpu.enqueue_dma source(%dma_start3A_1642 : memref<8x128xf32, #tpu.memory_space<hbm>>) target(%dma_start3A_1640 : memref<8x128xf32, #tpu.memory_space<vmem>>) target_semaphore(%arg8 : memref<!tpu.dma_semaphore, #tpu.memory_space<semaphore_mem>>)
      %slice3A_1643 = vector.extract_strided_slice %shift_right_logical3A_1472 {offsets = [2], sizes = [1], strides = [1]} : vector<16xi32> to vector<1xi32>
      %squeeze3A_1644 = vector.extract %slice3A_1643[0] : i32 from vector<1xi32>
      %mul3A_1645 = arith.constant 128 : i32
      %mul3A_1646 = arith.muli %squeeze3A_1644, %mul3A_1645 : i32
      %multiple_of3A_1647 = tpu.assume_multiple %mul3A_1646, 128 : i32
      %dma_start3A_1648 = arith.constant 0 : i32
      %dma_start3A_1649 = arith.constant 256 : i32
      %dma_start3A_1650 = tpu.memref_slice %arg6[%dma_start3A_1648, %dma_start3A_1649] : memref<64x1536xf32, #tpu.memory_space<vmem>> -> memref<8x128xf32, #tpu.memory_space<vmem>>
      %dma_start3A_1651 = arith.constant 0 : i32
      %dma_start3A_1652 = tpu.memref_slice %arg3[%dma_start3A_1651, %multiple_of3A_1647] : memref<64x1000000xf32, #tpu.memory_space<hbm>> -> memref<8x128xf32, #tpu.memory_space<hbm>>
      %dma_start3A_1653 = arith.constant 0 : i32
      %dma_start3A_1654 = arith.constant 256 : i32
      %dma_start3A_1655 = tpu.memref_slice %arg6[%dma_start3A_1653, %dma_start3A_1654] : memref<64x1536xf32, #tpu.memory_space<vmem>> -> memref<8x128xf32, #tpu.memory_space<vmem>>
      %dma_start3A_1656 = arith.constant 0 : i32
      %dma_start3A_1657 = tpu.memref_slice %arg3[%dma_start3A_1656, %multiple_of3A_1647] : memref<64x1000000xf32, #tpu.memory_space<hbm>> -> memref<8x128xf32, #tpu.memory_space<hbm>>
      tpu.enqueue_dma source(%dma_start3A_1657 : memref<8x128xf32, #tpu.memory_space<hbm>>) target(%dma_start3A_1655 : memref<8x128xf32, #tpu.memory_space<vmem>>) target_semaphore(%arg8 : memref<!tpu.dma_semaphore, #tpu.memory_space<semaphore_mem>>)
      %dma_start3A_1658 = arith.constant 8 : i32
      %dma_start3A_1659 = arith.constant 256 : i32
      %dma_start3A_1660 = tpu.memref_slice %arg6[%dma_start3A_1658, %dma_start3A_1659] : memref<64x1536xf32, #tpu.memory_space<vmem>> -> memref<8x128xf32, #tpu.memory_space<vmem>>
      %dma_start3A_1661 = arith.constant 8 : i32
      %dma_start3A_1662 = tpu.memref_slice %arg3[%dma_start3A_1661, %multiple_of3A_1647] : memref<64x1000000xf32, #tpu.memory_space<hbm>> -> memref<8x128xf32, #tpu.memory_space<hbm>>
      %dma_start3A_1663 = arith.constant 8 : i32
      %dma_start3A_1664 = arith.constant 256 : i32
      %dma_start3A_1665 = tpu.memref_slice %arg6[%dma_start3A_1663, %dma_start3A_1664] : memref<64x1536xf32, #tpu.memory_space<vmem>> -> memref<8x128xf32, #tpu.memory_space<vmem>>
      %dma_start3A_1666 = arith.constant 8 : i32
      %dma_start3A_1667 = tpu.memref_slice %arg3[%dma_start3A_1666, %multiple_of3A_1647] : memref<64x1000000xf32, #tpu.memory_space<hbm>> -> memref<8x128xf32, #tpu.memory_space<hbm>>
      tpu.enqueue_dma source(%dma_start3A_1667 : memref<8x128xf32, #tpu.memory_space<hbm>>) target(%dma_start3A_1665 : memref<8x128xf32, #tpu.memory_space<vmem>>) target_semaphore(%arg8 : memref<!tpu.dma_semaphore, #tpu.memory_space<semaphore_mem>>)
      %dma_start3A_1668 = arith.constant 16 : i32
      %dma_start3A_1669 = arith.constant 256 : i32
      %dma_start3A_1670 = tpu.memref_slice %arg6[%dma_start3A_1668, %dma_start3A_1669] : memref<64x1536xf32, #tpu.memory_space<vmem>> -> memref<8x128xf32, #tpu.memory_space<vmem>>
      %dma_start3A_1671 = arith.constant 16 : i32
      %dma_start3A_1672 = tpu.memref_slice %arg3[%dma_start3A_1671, %multiple_of3A_1647] : memref<64x1000000xf32, #tpu.memory_space<hbm>> -> memref<8x128xf32, #tpu.memory_space<hbm>>
      %dma_start3A_1673 = arith.constant 16 : i32
      %dma_start3A_1674 = arith.constant 256 : i32
      %dma_start3A_1675 = tpu.memref_slice %arg6[%dma_start3A_1673, %dma_start3A_1674] : memref<64x1536xf32, #tpu.memory_space<vmem>> -> memref<8x128xf32, #tpu.memory_space<vmem>>
      %dma_start3A_1676 = arith.constant 16 : i32
      %dma_start3A_1677 = tpu.memref_slice %arg3[%dma_start3A_1676, %multiple_of3A_1647] : memref<64x1000000xf32, #tpu.memory_space<hbm>> -> memref<8x128xf32, #tpu.memory_space<hbm>>
      tpu.enqueue_dma source(%dma_start3A_1677 : memref<8x128xf32, #tpu.memory_space<hbm>>) target(%dma_start3A_1675 : memref<8x128xf32, #tpu.memory_space<vmem>>) target_semaphore(%arg8 : memref<!tpu.dma_semaphore, #tpu.memory_space<semaphore_mem>>)
      %dma_start3A_1678 = arith.constant 24 : i32
      %dma_start3A_1679 = arith.constant 256 : i32
      %dma_start3A_1680 = tpu.memref_slice %arg6[%dma_start3A_1678, %dma_start3A_1679] : memref<64x1536xf32, #tpu.memory_space<vmem>> -> memref<8x128xf32, #tpu.memory_space<vmem>>
      %dma_start3A_1681 = arith.constant 24 : i32
      %dma_start3A_1682 = tpu.memref_slice %arg3[%dma_start3A_1681, %multiple_of3A_1647] : memref<64x1000000xf32, #tpu.memory_space<hbm>> -> memref<8x128xf32, #tpu.memory_space<hbm>>
      %dma_start3A_1683 = arith.constant 24 : i32
      %dma_start3A_1684 = arith.constant 256 : i32
      %dma_start3A_1685 = tpu.memref_slice %arg6[%dma_start3A_1683, %dma_start3A_1684] : memref<64x1536xf32, #tpu.memory_space<vmem>> -> memref<8x128xf32, #tpu.memory_space<vmem>>
      %dma_start3A_1686 = arith.constant 24 : i32
      %dma_start3A_1687 = tpu.memref_slice %arg3[%dma_start3A_1686, %multiple_of3A_1647] : memref<64x1000000xf32, #tpu.memory_space<hbm>> -> memref<8x128xf32, #tpu.memory_space<hbm>>
      tpu.enqueue_dma source(%dma_start3A_1687 : memref<8x128xf32, #tpu.memory_space<hbm>>) target(%dma_start3A_1685 : memref<8x128xf32, #tpu.memory_space<vmem>>) target_semaphore(%arg8 : memref<!tpu.dma_semaphore, #tpu.memory_space<semaphore_mem>>)
      %dma_start3A_1688 = arith.constant 32 : i32
      %dma_start3A_1689 = arith.constant 256 : i32
      %dma_start3A_1690 = tpu.memref_slice %arg6[%dma_start3A_1688, %dma_start3A_1689] : memref<64x1536xf32, #tpu.memory_space<vmem>> -> memref<8x128xf32, #tpu.memory_space<vmem>>
      %dma_start3A_1691 = arith.constant 32 : i32
      %dma_start3A_1692 = tpu.memref_slice %arg3[%dma_start3A_1691, %multiple_of3A_1647] : memref<64x1000000xf32, #tpu.memory_space<hbm>> -> memref<8x128xf32, #tpu.memory_space<hbm>>
      %dma_start3A_1693 = arith.constant 32 : i32
      %dma_start3A_1694 = arith.constant 256 : i32
      %dma_start3A_1695 = tpu.memref_slice %arg6[%dma_start3A_1693, %dma_start3A_1694] : memref<64x1536xf32, #tpu.memory_space<vmem>> -> memref<8x128xf32, #tpu.memory_space<vmem>>
      %dma_start3A_1696 = arith.constant 32 : i32
      %dma_start3A_1697 = tpu.memref_slice %arg3[%dma_start3A_1696, %multiple_of3A_1647] : memref<64x1000000xf32, #tpu.memory_space<hbm>> -> memref<8x128xf32, #tpu.memory_space<hbm>>
      tpu.enqueue_dma source(%dma_start3A_1697 : memref<8x128xf32, #tpu.memory_space<hbm>>) target(%dma_start3A_1695 : memref<8x128xf32, #tpu.memory_space<vmem>>) target_semaphore(%arg8 : memref<!tpu.dma_semaphore, #tpu.memory_space<semaphore_mem>>)
      %dma_start3A_1698 = arith.constant 40 : i32
      %dma_start3A_1699 = arith.constant 256 : i32
      %dma_start3A_1700 = tpu.memref_slice %arg6[%dma_start3A_1698, %dma_start3A_1699] : memref<64x1536xf32, #tpu.memory_space<vmem>> -> memref<8x128xf32, #tpu.memory_space<vmem>>
      %dma_start3A_1701 = arith.constant 40 : i32
      %dma_start3A_1702 = tpu.memref_slice %arg3[%dma_start3A_1701, %multiple_of3A_1647] : memref<64x1000000xf32, #tpu.memory_space<hbm>> -> memref<8x128xf32, #tpu.memory_space<hbm>>
      %dma_start3A_1703 = arith.constant 40 : i32
      %dma_start3A_1704 = arith.constant 256 : i32
      %dma_start3A_1705 = tpu.memref_slice %arg6[%dma_start3A_1703, %dma_start3A_1704] : memref<64x1536xf32, #tpu.memory_space<vmem>> -> memref<8x128xf32, #tpu.memory_space<vmem>>
      %dma_start3A_1706 = arith.constant 40 : i32
      %dma_start3A_1707 = tpu.memref_slice %arg3[%dma_start3A_1706, %multiple_of3A_1647] : memref<64x1000000xf32, #tpu.memory_space<hbm>> -> memref<8x128xf32, #tpu.memory_space<hbm>>
      tpu.enqueue_dma source(%dma_start3A_1707 : memref<8x128xf32, #tpu.memory_space<hbm>>) target(%dma_start3A_1705 : memref<8x128xf32, #tpu.memory_space<vmem>>) target_semaphore(%arg8 : memref<!tpu.dma_semaphore, #tpu.memory_space<semaphore_mem>>)
      %dma_start3A_1708 = arith.constant 48 : i32
      %dma_start3A_1709 = arith.constant 256 : i32
      %dma_start3A_1710 = tpu.memref_slice %arg6[%dma_start3A_1708, %dma_start3A_1709] : memref<64x1536xf32, #tpu.memory_space<vmem>> -> memref<8x128xf32, #tpu.memory_space<vmem>>
      %dma_start3A_1711 = arith.constant 48 : i32
      %dma_start3A_1712 = tpu.memref_slice %arg3[%dma_start3A_1711, %multiple_of3A_1647] : memref<64x1000000xf32, #tpu.memory_space<hbm>> -> memref<8x128xf32, #tpu.memory_space<hbm>>
      %dma_start3A_1713 = arith.constant 48 : i32
      %dma_start3A_1714 = arith.constant 256 : i32
      %dma_start3A_1715 = tpu.memref_slice %arg6[%dma_start3A_1713, %dma_start3A_1714] : memref<64x1536xf32, #tpu.memory_space<vmem>> -> memref<8x128xf32, #tpu.memory_space<vmem>>
      %dma_start3A_1716 = arith.constant 48 : i32
      %dma_start3A_1717 = tpu.memref_slice %arg3[%dma_start3A_1716, %multiple_of3A_1647] : memref<64x1000000xf32, #tpu.memory_space<hbm>> -> memref<8x128xf32, #tpu.memory_space<hbm>>
      tpu.enqueue_dma source(%dma_start3A_1717 : memref<8x128xf32, #tpu.memory_space<hbm>>) target(%dma_start3A_1715 : memref<8x128xf32, #tpu.memory_space<vmem>>) target_semaphore(%arg8 : memref<!tpu.dma_semaphore, #tpu.memory_space<semaphore_mem>>)
      %dma_start3A_1718 = arith.constant 56 : i32
      %dma_start3A_1719 = arith.constant 256 : i32
      %dma_start3A_1720 = tpu.memref_slice %arg6[%dma_start3A_1718, %dma_start3A_1719] : memref<64x1536xf32, #tpu.memory_space<vmem>> -> memref<8x128xf32, #tpu.memory_space<vmem>>
      %dma_start3A_1721 = arith.constant 56 : i32
      %dma_start3A_1722 = tpu.memref_slice %arg3[%dma_start3A_1721, %multiple_of3A_1647] : memref<64x1000000xf32, #tpu.memory_space<hbm>> -> memref<8x128xf32, #tpu.memory_space<hbm>>
      %dma_start3A_1723 = arith.constant 56 : i32
      %dma_start3A_1724 = arith.constant 256 : i32
      %dma_start3A_1725 = tpu.memref_slice %arg6[%dma_start3A_1723, %dma_start3A_1724] : memref<64x1536xf32, #tpu.memory_space<vmem>> -> memref<8x128xf32, #tpu.memory_space<vmem>>
      %dma_start3A_1726 = arith.constant 56 : i32
      %dma_start3A_1727 = tpu.memref_slice %arg3[%dma_start3A_1726, %multiple_of3A_1647] : memref<64x1000000xf32, #tpu.memory_space<hbm>> -> memref<8x128xf32, #tpu.memory_space<hbm>>
      tpu.enqueue_dma source(%dma_start3A_1727 : memref<8x128xf32, #tpu.memory_space<hbm>>) target(%dma_start3A_1725 : memref<8x128xf32, #tpu.memory_space<vmem>>) target_semaphore(%arg8 : memref<!tpu.dma_semaphore, #tpu.memory_space<semaphore_mem>>)
      %slice3A_1728 = vector.extract_strided_slice %shift_right_logical3A_1472 {offsets = [3], sizes = [1], strides = [1]} : vector<16xi32> to vector<1xi32>
      %squeeze3A_1729 = vector.extract %slice3A_1728[0] : i32 from vector<1xi32>
      %mul3A_1730 = arith.constant 128 : i32
      %mul3A_1731 = arith.muli %squeeze3A_1729, %mul3A_1730 : i32
      %multiple_of3A_1732 = tpu.assume_multiple %mul3A_1731, 128 : i32
      %dma_start3A_1733 = arith.constant 0 : i32
      %dma_start3A_1734 = arith.constant 384 : i32
      %dma_start3A_1735 = tpu.memref_slice %arg6[%dma_start3A_1733, %dma_start3A_1734] : memref<64x1536xf32, #tpu.memory_space<vmem>> -> memref<8x128xf32, #tpu.memory_space<vmem>>
      %dma_start3A_1736 = arith.constant 0 : i32
      %dma_start3A_1737 = tpu.memref_slice %arg3[%dma_start3A_1736, %multiple_of3A_1732] : memref<64x1000000xf32, #tpu.memory_space<hbm>> -> memref<8x128xf32, #tpu.memory_space<hbm>>
      %dma_start3A_1738 = arith.constant 0 : i32
      %dma_start3A_1739 = arith.constant 384 : i32
      %dma_start3A_1740 = tpu.memref_slice %arg6[%dma_start3A_1738, %dma_start3A_1739] : memref<64x1536xf32, #tpu.memory_space<vmem>> -> memref<8x128xf32, #tpu.memory_space<vmem>>
      %dma_start3A_1741 = arith.constant 0 : i32
      %dma_start3A_1742 = tpu.memref_slice %arg3[%dma_start3A_1741, %multiple_of3A_1732] : memref<64x1000000xf32, #tpu.memory_space<hbm>> -> memref<8x128xf32, #tpu.memory_space<hbm>>
      tpu.enqueue_dma source(%dma_start3A_1742 : memref<8x128xf32, #tpu.memory_space<hbm>>) target(%dma_start3A_1740 : memref<8x128xf32, #tpu.memory_space<vmem>>) target_semaphore(%arg8 : memref<!tpu.dma_semaphore, #tpu.memory_space<semaphore_mem>>)
      %dma_start3A_1743 = arith.constant 8 : i32
      %dma_start3A_1744 = arith.constant 384 : i32
      %dma_start3A_1745 = tpu.memref_slice %arg6[%dma_start3A_1743, %dma_start3A_1744] : memref<64x1536xf32, #tpu.memory_space<vmem>> -> memref<8x128xf32, #tpu.memory_space<vmem>>
      %dma_start3A_1746 = arith.constant 8 : i32
      %dma_start3A_1747 = tpu.memref_slice %arg3[%dma_start3A_1746, %multiple_of3A_1732] : memref<64x1000000xf32, #tpu.memory_space<hbm>> -> memref<8x128xf32, #tpu.memory_space<hbm>>
      %dma_start3A_1748 = arith.constant 8 : i32
      %dma_start3A_1749 = arith.constant 384 : i32
      %dma_start3A_1750 = tpu.memref_slice %arg6[%dma_start3A_1748, %dma_start3A_1749] : memref<64x1536xf32, #tpu.memory_space<vmem>> -> memref<8x128xf32, #tpu.memory_space<vmem>>
      %dma_start3A_1751 = arith.constant 8 : i32
      %dma_start3A_1752 = tpu.memref_slice %arg3[%dma_start3A_1751, %multiple_of3A_1732] : memref<64x1000000xf32, #tpu.memory_space<hbm>> -> memref<8x128xf32, #tpu.memory_space<hbm>>
      tpu.enqueue_dma source(%dma_start3A_1752 : memref<8x128xf32, #tpu.memory_space<hbm>>) target(%dma_start3A_1750 : memref<8x128xf32, #tpu.memory_space<vmem>>) target_semaphore(%arg8 : memref<!tpu.dma_semaphore, #tpu.memory_space<semaphore_mem>>)
      %dma_start3A_1753 = arith.constant 16 : i32
      %dma_start3A_1754 = arith.constant 384 : i32
      %dma_start3A_1755 = tpu.memref_slice %arg6[%dma_start3A_1753, %dma_start3A_1754] : memref<64x1536xf32, #tpu.memory_space<vmem>> -> memref<8x128xf32, #tpu.memory_space<vmem>>
      %dma_start3A_1756 = arith.constant 16 : i32
      %dma_start3A_1757 = tpu.memref_slice %arg3[%dma_start3A_1756, %multiple_of3A_1732] : memref<64x1000000xf32, #tpu.memory_space<hbm>> -> memref<8x128xf32, #tpu.memory_space<hbm>>
      %dma_start3A_1758 = arith.constant 16 : i32
      %dma_start3A_1759 = arith.constant 384 : i32
      %dma_start3A_1760 = tpu.memref_slice %arg6[%dma_start3A_1758, %dma_start3A_1759] : memref<64x1536xf32, #tpu.memory_space<vmem>> -> memref<8x128xf32, #tpu.memory_space<vmem>>
      %dma_start3A_1761 = arith.constant 16 : i32
      %dma_start3A_1762 = tpu.memref_slice %arg3[%dma_start3A_1761, %multiple_of3A_1732] : memref<64x1000000xf32, #tpu.memory_space<hbm>> -> memref<8x128xf32, #tpu.memory_space<hbm>>
      tpu.enqueue_dma source(%dma_start3A_1762 : memref<8x128xf32, #tpu.memory_space<hbm>>) target(%dma_start3A_1760 : memref<8x128xf32, #tpu.memory_space<vmem>>) target_semaphore(%arg8 : memref<!tpu.dma_semaphore, #tpu.memory_space<semaphore_mem>>)
      %dma_start3A_1763 = arith.constant 24 : i32
      %dma_start3A_1764 = arith.constant 384 : i32
      %dma_start3A_1765 = tpu.memref_slice %arg6[%dma_start3A_1763, %dma_start3A_1764] : memref<64x1536xf32, #tpu.memory_space<vmem>> -> memref<8x128xf32, #tpu.memory_space<vmem>>
      %dma_start3A_1766 = arith.constant 24 : i32
      %dma_start3A_1767 = tpu.memref_slice %arg3[%dma_start3A_1766, %multiple_of3A_1732] : memref<64x1000000xf32, #tpu.memory_space<hbm>> -> memref<8x128xf32, #tpu.memory_space<hbm>>
      %dma_start3A_1768 = arith.constant 24 : i32
      %dma_start3A_1769 = arith.constant 384 : i32
      %dma_start3A_1770 = tpu.memref_slice %arg6[%dma_start3A_1768, %dma_start3A_1769] : memref<64x1536xf32, #tpu.memory_space<vmem>> -> memref<8x128xf32, #tpu.memory_space<vmem>>
      %dma_start3A_1771 = arith.constant 24 : i32
      %dma_start3A_1772 = tpu.memref_slice %arg3[%dma_start3A_1771, %multiple_of3A_1732] : memref<64x1000000xf32, #tpu.memory_space<hbm>> -> memref<8x128xf32, #tpu.memory_space<hbm>>
      tpu.enqueue_dma source(%dma_start3A_1772 : memref<8x128xf32, #tpu.memory_space<hbm>>) target(%dma_start3A_1770 : memref<8x128xf32, #tpu.memory_space<vmem>>) target_semaphore(%arg8 : memref<!tpu.dma_semaphore, #tpu.memory_space<semaphore_mem>>)
      %dma_start3A_1773 = arith.constant 32 : i32
      %dma_start3A_1774 = arith.constant 384 : i32
      %dma_start3A_1775 = tpu.memref_slice %arg6[%dma_start3A_1773, %dma_start3A_1774] : memref<64x1536xf32, #tpu.memory_space<vmem>> -> memref<8x128xf32, #tpu.memory_space<vmem>>
      %dma_start3A_1776 = arith.constant 32 : i32
      %dma_start3A_1777 = tpu.memref_slice %arg3[%dma_start3A_1776, %multiple_of3A_1732] : memref<64x1000000xf32, #tpu.memory_space<hbm>> -> memref<8x128xf32, #tpu.memory_space<hbm>>
      %dma_start3A_1778 = arith.constant 32 : i32
      %dma_start3A_1779 = arith.constant 384 : i32
      %dma_start3A_1780 = tpu.memref_slice %arg6[%dma_start3A_1778, %dma_start3A_1779] : memref<64x1536xf32, #tpu.memory_space<vmem>> -> memref<8x128xf32, #tpu.memory_space<vmem>>
      %dma_start3A_1781 = arith.constant 32 : i32
      %dma_start3A_1782 = tpu.memref_slice %arg3[%dma_start3A_1781, %multiple_of3A_1732] : memref<64x1000000xf32, #tpu.memory_space<hbm>> -> memref<8x128xf32, #tpu.memory_space<hbm>>
      tpu.enqueue_dma source(%dma_start3A_1782 : memref<8x128xf32, #tpu.memory_space<hbm>>) target(%dma_start3A_1780 : memref<8x128xf32, #tpu.memory_space<vmem>>) target_semaphore(%arg8 : memref<!tpu.dma_semaphore, #tpu.memory_space<semaphore_mem>>)
      %dma_start3A_1783 = arith.constant 40 : i32
      %dma_start3A_1784 = arith.constant 384 : i32
      %dma_start3A_1785 = tpu.memref_slice %arg6[%dma_start3A_1783, %dma_start3A_1784] : memref<64x1536xf32, #tpu.memory_space<vmem>> -> memref<8x128xf32, #tpu.memory_space<vmem>>
      %dma_start3A_1786 = arith.constant 40 : i32
      %dma_start3A_1787 = tpu.memref_slice %arg3[%dma_start3A_1786, %multiple_of3A_1732] : memref<64x1000000xf32, #tpu.memory_space<hbm>> -> memref<8x128xf32, #tpu.memory_space<hbm>>
      %dma_start3A_1788 = arith.constant 40 : i32
      %dma_start3A_1789 = arith.constant 384 : i32
      %dma_start3A_1790 = tpu.memref_slice %arg6[%dma_start3A_1788, %dma_start3A_1789] : memref<64x1536xf32, #tpu.memory_space<vmem>> -> memref<8x128xf32, #tpu.memory_space<vmem>>
      %dma_start3A_1791 = arith.constant 40 : i32
      %dma_start3A_1792 = tpu.memref_slice %arg3[%dma_start3A_1791, %multiple_of3A_1732] : memref<64x1000000xf32, #tpu.memory_space<hbm>> -> memref<8x128xf32, #tpu.memory_space<hbm>>
      tpu.enqueue_dma source(%dma_start3A_1792 : memref<8x128xf32, #tpu.memory_space<hbm>>) target(%dma_start3A_1790 : memref<8x128xf32, #tpu.memory_space<vmem>>) target_semaphore(%arg8 : memref<!tpu.dma_semaphore, #tpu.memory_space<semaphore_mem>>)
      %dma_start3A_1793 = arith.constant 48 : i32
      %dma_start3A_1794 = arith.constant 384 : i32
      %dma_start3A_1795 = tpu.memref_slice %arg6[%dma_start3A_1793, %dma_start3A_1794] : memref<64x1536xf32, #tpu.memory_space<vmem>> -> memref<8x128xf32, #tpu.memory_space<vmem>>
      %dma_start3A_1796 = arith.constant 48 : i32
      %dma_start3A_1797 = tpu.memref_slice %arg3[%dma_start3A_1796, %multiple_of3A_1732] : memref<64x1000000xf32, #tpu.memory_space<hbm>> -> memref<8x128xf32, #tpu.memory_space<hbm>>
      %dma_start3A_1798 = arith.constant 48 : i32
      %dma_start3A_1799 = arith.constant 384 : i32
      %dma_start3A_1800 = tpu.memref_slice %arg6[%dma_start3A_1798, %dma_start3A_1799] : memref<64x1536xf32, #tpu.memory_space<vmem>> -> memref<8x128xf32, #tpu.memory_space<vmem>>
      %dma_start3A_1801 = arith.constant 48 : i32
      %dma_start3A_1802 = tpu.memref_slice %arg3[%dma_start3A_1801, %multiple_of3A_1732] : memref<64x1000000xf32, #tpu.memory_space<hbm>> -> memref<8x128xf32, #tpu.memory_space<hbm>>
      tpu.enqueue_dma source(%dma_start3A_1802 : memref<8x128xf32, #tpu.memory_space<hbm>>) target(%dma_start3A_1800 : memref<8x128xf32, #tpu.memory_space<vmem>>) target_semaphore(%arg8 : memref<!tpu.dma_semaphore, #tpu.memory_space<semaphore_mem>>)
      %dma_start3A_1803 = arith.constant 56 : i32
      %dma_start3A_1804 = arith.constant 384 : i32
      %dma_start3A_1805 = tpu.memref_slice %arg6[%dma_start3A_1803, %dma_start3A_1804] : memref<64x1536xf32, #tpu.memory_space<vmem>> -> memref<8x128xf32, #tpu.memory_space<vmem>>
      %dma_start3A_1806 = arith.constant 56 : i32
      %dma_start3A_1807 = tpu.memref_slice %arg3[%dma_start3A_1806, %multiple_of3A_1732] : memref<64x1000000xf32, #tpu.memory_space<hbm>> -> memref<8x128xf32, #tpu.memory_space<hbm>>
      %dma_start3A_1808 = arith.constant 56 : i32
      %dma_start3A_1809 = arith.constant 384 : i32
      %dma_start3A_1810 = tpu.memref_slice %arg6[%dma_start3A_1808, %dma_start3A_1809] : memref<64x1536xf32, #tpu.memory_space<vmem>> -> memref<8x128xf32, #tpu.memory_space<vmem>>
      %dma_start3A_1811 = arith.constant 56 : i32
      %dma_start3A_1812 = tpu.memref_slice %arg3[%dma_start3A_1811, %multiple_of3A_1732] : memref<64x1000000xf32, #tpu.memory_space<hbm>> -> memref<8x128xf32, #tpu.memory_space<hbm>>
      tpu.enqueue_dma source(%dma_start3A_1812 : memref<8x128xf32, #tpu.memory_space<hbm>>) target(%dma_start3A_1810 : memref<8x128xf32, #tpu.memory_space<vmem>>) target_semaphore(%arg8 : memref<!tpu.dma_semaphore, #tpu.memory_space<semaphore_mem>>)
      %mul3A_1813 = arith.constant 4 : i32
      %mul3A_1814 = arith.muli %add3A_1451, %mul3A_1813 : i32
      %get3A_1815 = arith.index_cast %mul3A_1814 : i32 to index
      %get3A_1816 = tpu.vector_load %arg5[%get3A_1815] {strides = array<i32>} : memref<528xi32, #tpu.memory_space<vmem>>, vector<16xi32>,
      %and3A_1817 = arith.constant 127 : i32
      %and3A_1818 = vector.broadcast %and3A_1817 : i32 to vector<16xi32>
      %and3A_1819 = arith.andi %get3A_1816, %and3A_1818 : vector<16xi32>
      %broadcast_in_dim3A_1820 = arith.constant 512 : i32
      %broadcast_in_dim3A_1821 = vector.broadcast %broadcast_in_dim3A_1820 : i32 to vector<16xi32>
      %slice3A_1822 = vector.extract_strided_slice %and3A_1819 {offsets = [0], sizes = [1], strides = [1]} : vector<16xi32> to vector<1xi32>
      %squeeze3A_1823 = vector.extract %slice3A_1822[0] : i32 from vector<1xi32>
      %add3A_1824 = vector.broadcast %squeeze3A_1823 : i32 to vector<16xi32>
      %add3A_1825 = arith.addi %broadcast_in_dim3A_1821, %add3A_1824 : vector<16xi32>
      %broadcast_in_dim3A_1826 = arith.constant 0 : i32
      %broadcast_in_dim3A_1827 = vector.broadcast %broadcast_in_dim3A_1826 : i32 to vector<16xi32>
      %mul3A_1828 = arith.constant 4 : i32
      %mul3A_1829 = arith.muli %add3A_1451, %mul3A_1828 : i32
      %add3A_1830 = arith.constant 0 : i32
      %add3A_1831 = arith.addi %mul3A_1829, %add3A_1830 : i32
      %and3A_1832 = arith.constant 127 : i32
      %and3A_1833 = arith.andi %add3A_1831, %and3A_1832 : i32
      %add3A_1834 = vector.broadcast %and3A_1833 : i32 to vector<16xi32>
      %add3A_1835 = arith.addi %broadcast_in_dim3A_1827, %add3A_1834 : vector<16xi32>
      %add3A_1836 = arith.constant 0 : i32
      %add3A_1837 = vector.broadcast %add3A_1836 : i32 to vector<16xi32>
      %add3A_1838 = arith.addi %iota3A, %add3A_1837 : vector<16xi32>
      %gather3A_1839 = tpu.vector_load_idx %arg6[%add3A_1838, %add3A_1825] : memref<64x1536xf32, #tpu.memory_space<vmem>>[vector<16xi32>, vector<16xi32>], vector<16xf32>,
      tpu.vector_store_idx %arg7[%add3A_1838, %add3A_1835], %gather3A_1839 : memref<64x128xf32, #tpu.memory_space<vmem>>[vector<16xi32>, vector<16xi32>], vector<16xf32>,
      %add3A_1840 = arith.constant 16 : i32
      %add3A_1841 = vector.broadcast %add3A_1840 : i32 to vector<16xi32>
      %add3A_1842 = arith.addi %iota3A, %add3A_1841 : vector<16xi32>
      %gather3A_1843 = tpu.vector_load_idx %arg6[%add3A_1842, %add3A_1825] : memref<64x1536xf32, #tpu.memory_space<vmem>>[vector<16xi32>, vector<16xi32>], vector<16xf32>,
      tpu.vector_store_idx %arg7[%add3A_1842, %add3A_1835], %gather3A_1843 : memref<64x128xf32, #tpu.memory_space<vmem>>[vector<16xi32>, vector<16xi32>], vector<16xf32>,
      %add3A_1844 = arith.constant 32 : i32
      %add3A_1845 = vector.broadcast %add3A_1844 : i32 to vector<16xi32>
      %add3A_1846 = arith.addi %iota3A, %add3A_1845 : vector<16xi32>
      %gather3A_1847 = tpu.vector_load_idx %arg6[%add3A_1846, %add3A_1825] : memref<64x1536xf32, #tpu.memory_space<vmem>>[vector<16xi32>, vector<16xi32>], vector<16xf32>,
      tpu.vector_store_idx %arg7[%add3A_1846, %add3A_1835], %gather3A_1847 : memref<64x128xf32, #tpu.memory_space<vmem>>[vector<16xi32>, vector<16xi32>], vector<16xf32>,
      %add3A_1848 = arith.constant 48 : i32
      %add3A_1849 = vector.broadcast %add3A_1848 : i32 to vector<16xi32>
      %add3A_1850 = arith.addi %iota3A, %add3A_1849 : vector<16xi32>
      %gather3A_1851 = tpu.vector_load_idx %arg6[%add3A_1850, %add3A_1825] : memref<64x1536xf32, #tpu.memory_space<vmem>>[vector<16xi32>, vector<16xi32>], vector<16xf32>,
      tpu.vector_store_idx %arg7[%add3A_1850, %add3A_1835], %gather3A_1851 : memref<64x128xf32, #tpu.memory_space<vmem>>[vector<16xi32>, vector<16xi32>], vector<16xf32>,
      %broadcast_in_dim3A_1852 = arith.constant 640 : i32
      %broadcast_in_dim3A_1853 = vector.broadcast %broadcast_in_dim3A_1852 : i32 to vector<16xi32>
      %slice3A_1854 = vector.extract_strided_slice %and3A_1819 {offsets = [1], sizes = [1], strides = [1]} : vector<16xi32> to vector<1xi32>
      %squeeze3A_1855 = vector.extract %slice3A_1854[0] : i32 from vector<1xi32>
      %add3A_1856 = vector.broadcast %squeeze3A_1855 : i32 to vector<16xi32>
      %add3A_1857 = arith.addi %broadcast_in_dim3A_1853, %add3A_1856 : vector<16xi32>
      %broadcast_in_dim3A_1858 = arith.constant 0 : i32
      %broadcast_in_dim3A_1859 = vector.broadcast %broadcast_in_dim3A_1858 : i32 to vector<16xi32>
      %mul3A_1860 = arith.constant 4 : i32
      %mul3A_1861 = arith.muli %add3A_1451, %mul3A_1860 : i32
      %add3A_1862 = arith.constant 1 : i32
      %add3A_1863 = arith.addi %mul3A_1861, %add3A_1862 : i32
      %and3A_1864 = arith.constant 127 : i32
      %and3A_1865 = arith.andi %add3A_1863, %and3A_1864 : i32
      %add3A_1866 = vector.broadcast %and3A_1865 : i32 to vector<16xi32>
      %add3A_1867 = arith.addi %broadcast_in_dim3A_1859, %add3A_1866 : vector<16xi32>
      %add3A_1868 = arith.constant 0 : i32
      %add3A_1869 = vector.broadcast %add3A_1868 : i32 to vector<16xi32>
      %add3A_1870 = arith.addi %iota3A, %add3A_1869 : vector<16xi32>
      %gather3A_1871 = tpu.vector_load_idx %arg6[%add3A_1870, %add3A_1857] : memref<64x1536xf32, #tpu.memory_space<vmem>>[vector<16xi32>, vector<16xi32>], vector<16xf32>,
      tpu.vector_store_idx %arg7[%add3A_1870, %add3A_1867], %gather3A_1871 : memref<64x128xf32, #tpu.memory_space<vmem>>[vector<16xi32>, vector<16xi32>], vector<16xf32>,
      %add3A_1872 = arith.constant 16 : i32
      %add3A_1873 = vector.broadcast %add3A_1872 : i32 to vector<16xi32>
      %add3A_1874 = arith.addi %iota3A, %add3A_1873 : vector<16xi32>
      %gather3A_1875 = tpu.vector_load_idx %arg6[%add3A_1874, %add3A_1857] : memref<64x1536xf32, #tpu.memory_space<vmem>>[vector<16xi32>, vector<16xi32>], vector<16xf32>,
      tpu.vector_store_idx %arg7[%add3A_1874, %add3A_1867], %gather3A_1875 : memref<64x128xf32, #tpu.memory_space<vmem>>[vector<16xi32>, vector<16xi32>], vector<16xf32>,
      %add3A_1876 = arith.constant 32 : i32
      %add3A_1877 = vector.broadcast %add3A_1876 : i32 to vector<16xi32>
      %add3A_1878 = arith.addi %iota3A, %add3A_1877 : vector<16xi32>
      %gather3A_1879 = tpu.vector_load_idx %arg6[%add3A_1878, %add3A_1857] : memref<64x1536xf32, #tpu.memory_space<vmem>>[vector<16xi32>, vector<16xi32>], vector<16xf32>,
      tpu.vector_store_idx %arg7[%add3A_1878, %add3A_1867], %gather3A_1879 : memref<64x128xf32, #tpu.memory_space<vmem>>[vector<16xi32>, vector<16xi32>], vector<16xf32>,
      %add3A_1880 = arith.constant 48 : i32
      %add3A_1881 = vector.broadcast %add3A_1880 : i32 to vector<16xi32>
      %add3A_1882 = arith.addi %iota3A, %add3A_1881 : vector<16xi32>
      %gather3A_1883 = tpu.vector_load_idx %arg6[%add3A_1882, %add3A_1857] : memref<64x1536xf32, #tpu.memory_space<vmem>>[vector<16xi32>, vector<16xi32>], vector<16xf32>,
      tpu.vector_store_idx %arg7[%add3A_1882, %add3A_1867], %gather3A_1883 : memref<64x128xf32, #tpu.memory_space<vmem>>[vector<16xi32>, vector<16xi32>], vector<16xf32>,
      %broadcast_in_dim3A_1884 = arith.constant 768 : i32
      %broadcast_in_dim3A_1885 = vector.broadcast %broadcast_in_dim3A_1884 : i32 to vector<16xi32>
      %slice3A_1886 = vector.extract_strided_slice %and3A_1819 {offsets = [2], sizes = [1], strides = [1]} : vector<16xi32> to vector<1xi32>
      %squeeze3A_1887 = vector.extract %slice3A_1886[0] : i32 from vector<1xi32>
      %add3A_1888 = vector.broadcast %squeeze3A_1887 : i32 to vector<16xi32>
      %add3A_1889 = arith.addi %broadcast_in_dim3A_1885, %add3A_1888 : vector<16xi32>
      %broadcast_in_dim3A_1890 = arith.constant 0 : i32
      %broadcast_in_dim3A_1891 = vector.broadcast %broadcast_in_dim3A_1890 : i32 to vector<16xi32>
      %mul3A_1892 = arith.constant 4 : i32
      %mul3A_1893 = arith.muli %add3A_1451, %mul3A_1892 : i32
      %add3A_1894 = arith.constant 2 : i32
      %add3A_1895 = arith.addi %mul3A_1893, %add3A_1894 : i32
      %and3A_1896 = arith.constant 127 : i32
      %and3A_1897 = arith.andi %add3A_1895, %and3A_1896 : i32
      %add3A_1898 = vector.broadcast %and3A_1897 : i32 to vector<16xi32>
      %add3A_1899 = arith.addi %broadcast_in_dim3A_1891, %add3A_1898 : vector<16xi32>
      %add3A_1900 = arith.constant 0 : i32
      %add3A_1901 = vector.broadcast %add3A_1900 : i32 to vector<16xi32>
      %add3A_1902 = arith.addi %iota3A, %add3A_1901 : vector<16xi32>
      %gather3A_1903 = tpu.vector_load_idx %arg6[%add3A_1902, %add3A_1889] : memref<64x1536xf32, #tpu.memory_space<vmem>>[vector<16xi32>, vector<16xi32>], vector<16xf32>,
      tpu.vector_store_idx %arg7[%add3A_1902, %add3A_1899], %gather3A_1903 : memref<64x128xf32, #tpu.memory_space<vmem>>[vector<16xi32>, vector<16xi32>], vector<16xf32>,
      %add3A_1904 = arith.constant 16 : i32
      %add3A_1905 = vector.broadcast %add3A_1904 : i32 to vector<16xi32>
      %add3A_1906 = arith.addi %iota3A, %add3A_1905 : vector<16xi32>
      %gather3A_1907 = tpu.vector_load_idx %arg6[%add3A_1906, %add3A_1889] : memref<64x1536xf32, #tpu.memory_space<vmem>>[vector<16xi32>, vector<16xi32>], vector<16xf32>,
      tpu.vector_store_idx %arg7[%add3A_1906, %add3A_1899], %gather3A_1907 : memref<64x128xf32, #tpu.memory_space<vmem>>[vector<16xi32>, vector<16xi32>], vector<16xf32>,
      %add3A_1908 = arith.constant 32 : i32
      %add3A_1909 = vector.broadcast %add3A_1908 : i32 to vector<16xi32>
      %add3A_1910 = arith.addi %iota3A, %add3A_1909 : vector<16xi32>
      %gather3A_1911 = tpu.vector_load_idx %arg6[%add3A_1910, %add3A_1889] : memref<64x1536xf32, #tpu.memory_space<vmem>>[vector<16xi32>, vector<16xi32>], vector<16xf32>,
      tpu.vector_store_idx %arg7[%add3A_1910, %add3A_1899], %gather3A_1911 : memref<64x128xf32, #tpu.memory_space<vmem>>[vector<16xi32>, vector<16xi32>], vector<16xf32>,
      %add3A_1912 = arith.constant 48 : i32
      %add3A_1913 = vector.broadcast %add3A_1912 : i32 to vector<16xi32>
      %add3A_1914 = arith.addi %iota3A, %add3A_1913 : vector<16xi32>
      %gather3A_1915 = tpu.vector_load_idx %arg6[%add3A_1914, %add3A_1889] : memref<64x1536xf32, #tpu.memory_space<vmem>>[vector<16xi32>, vector<16xi32>], vector<16xf32>,
      tpu.vector_store_idx %arg7[%add3A_1914, %add3A_1899], %gather3A_1915 : memref<64x128xf32, #tpu.memory_space<vmem>>[vector<16xi32>, vector<16xi32>], vector<16xf32>,
      %broadcast_in_dim3A_1916 = arith.constant 896 : i32
      %broadcast_in_dim3A_1917 = vector.broadcast %broadcast_in_dim3A_1916 : i32 to vector<16xi32>
      %slice3A_1918 = vector.extract_strided_slice %and3A_1819 {offsets = [3], sizes = [1], strides = [1]} : vector<16xi32> to vector<1xi32>
      %squeeze3A_1919 = vector.extract %slice3A_1918[0] : i32 from vector<1xi32>
      %add3A_1920 = vector.broadcast %squeeze3A_1919 : i32 to vector<16xi32>
      %add3A_1921 = arith.addi %broadcast_in_dim3A_1917, %add3A_1920 : vector<16xi32>
      %broadcast_in_dim3A_1922 = arith.constant 0 : i32
      %broadcast_in_dim3A_1923 = vector.broadcast %broadcast_in_dim3A_1922 : i32 to vector<16xi32>
      %mul3A_1924 = arith.constant 4 : i32
      %mul3A_1925 = arith.muli %add3A_1451, %mul3A_1924 : i32
      %add3A_1926 = arith.constant 3 : i32
      %add3A_1927 = arith.addi %mul3A_1925, %add3A_1926 : i32
      %and3A_1928 = arith.constant 127 : i32
      %and3A_1929 = arith.andi %add3A_1927, %and3A_1928 : i32
      %add3A_1930 = vector.broadcast %and3A_1929 : i32 to vector<16xi32>
      %add3A_1931 = arith.addi %broadcast_in_dim3A_1923, %add3A_1930 : vector<16xi32>
      %add3A_1932 = arith.constant 0 : i32
      %add3A_1933 = vector.broadcast %add3A_1932 : i32 to vector<16xi32>
      %add3A_1934 = arith.addi %iota3A, %add3A_1933 : vector<16xi32>
      %gather3A_1935 = tpu.vector_load_idx %arg6[%add3A_1934, %add3A_1921] : memref<64x1536xf32, #tpu.memory_space<vmem>>[vector<16xi32>, vector<16xi32>], vector<16xf32>,
      tpu.vector_store_idx %arg7[%add3A_1934, %add3A_1931], %gather3A_1935 : memref<64x128xf32, #tpu.memory_space<vmem>>[vector<16xi32>, vector<16xi32>], vector<16xf32>,
      %add3A_1936 = arith.constant 16 : i32
      %add3A_1937 = vector.broadcast %add3A_1936 : i32 to vector<16xi32>
      %add3A_1938 = arith.addi %iota3A, %add3A_1937 : vector<16xi32>
      %gather3A_1939 = tpu.vector_load_idx %arg6[%add3A_1938, %add3A_1921] : memref<64x1536xf32, #tpu.memory_space<vmem>>[vector<16xi32>, vector<16xi32>], vector<16xf32>,
      tpu.vector_store_idx %arg7[%add3A_1938, %add3A_1931], %gather3A_1939 : memref<64x128xf32, #tpu.memory_space<vmem>>[vector<16xi32>, vector<16xi32>], vector<16xf32>,
      %add3A_1940 = arith.constant 32 : i32
      %add3A_1941 = vector.broadcast %add3A_1940 : i32 to vector<16xi32>
      %add3A_1942 = arith.addi %iota3A, %add3A_1941 : vector<16xi32>
      %gather3A_1943 = tpu.vector_load_idx %arg6[%add3A_1942, %add3A_1921] : memref<64x1536xf32, #tpu.memory_space<vmem>>[vector<16xi32>, vector<16xi32>], vector<16xf32>,
      tpu.vector_store_idx %arg7[%add3A_1942, %add3A_1931], %gather3A_1943 : memref<64x128xf32, #tpu.memory_space<vmem>>[vector<16xi32>, vector<16xi32>], vector<16xf32>,
      %add3A_1944 = arith.constant 48 : i32
      %add3A_1945 = vector.broadcast %add3A_1944 : i32 to vector<16xi32>
      %add3A_1946 = arith.addi %iota3A, %add3A_1945 : vector<16xi32>
      %gather3A_1947 = tpu.vector_load_idx %arg6[%add3A_1946, %add3A_1921] : memref<64x1536xf32, #tpu.memory_space<vmem>>[vector<16xi32>, vector<16xi32>], vector<16xf32>,
      tpu.vector_store_idx %arg7[%add3A_1946, %add3A_1931], %gather3A_1947 : memref<64x128xf32, #tpu.memory_space<vmem>>[vector<16xi32>, vector<16xi32>], vector<16xf32>,
      %and3A_1948 = arith.constant 31 : i32
      %and3A_1949 = arith.andi %add3A_1451, %and3A_1948 : i32
      %eq3A_1950 = arith.constant 31 : i32
      %eq3A_1951 = arith.cmpi eq, %and3A_1949, %eq3A_1950 : i32
      %convert_element_type3A_1952 = arith.extui %eq3A_1951 : i1 to i32
      %cond3A_1953 = arith.constant 0 : i32
      %cond3A_1954 = arith.cmpi ne, %convert_element_type3A_1952, %cond3A_1953 : i32
      scf.if %cond3A_1954 {
        %mul3A_2463 = arith.constant 4 : i32
        %mul3A_2464 = arith.muli %add3A_1451, %mul3A_2463 : i32
        %sub3A = arith.constant 124 : i32
        %sub3A_2465 = arith.subi %mul3A_2464, %sub3A : i32
        %multiple_of3A_2466 = tpu.assume_multiple %sub3A_2465, 128 : i32
        %add3A_2467 = arith.addi %mul3A_2, %multiple_of3A_2466 : i32
        "tpu.region"() ({
          %run_scoped3A = tpu.sem_alloc : memref<!tpu.dma_semaphore, #tpu.memory_space<semaphore_mem>>
          %dma_start3A_2468 = arith.constant 0 : i32
          %dma_start3A_2469 = tpu.memref_slice %arg4[%dma_start3A_2468, %add3A_2467] : memref<64x16384xf32, #tpu.memory_space<hbm>> -> memref<64x128xf32, #tpu.memory_space<hbm>>
          %dma_start3A_2470 = arith.constant 0 : i32
          %dma_start3A_2471 = tpu.memref_slice %arg4[%dma_start3A_2470, %add3A_2467] : memref<64x16384xf32, #tpu.memory_space<hbm>> -> memref<64x128xf32, #tpu.memory_space<hbm>>
          tpu.enqueue_dma source(%arg7 : memref<64x128xf32, #tpu.memory_space<vmem>>) target(%dma_start3A_2471 : memref<64x128xf32, #tpu.memory_space<hbm>>) target_semaphore(%run_scoped3A : memref<!tpu.dma_semaphore, #tpu.memory_space<semaphore_mem>>)
          %dma_wait3A_2472 = arith.constant 0 : i32
          %dma_wait3A_2473 = tpu.memref_slice %arg4[%dma_wait3A_2472, %add3A_2467] : memref<64x16384xf32, #tpu.memory_space<hbm>> -> memref<64x128xf32, #tpu.memory_space<hbm>>
          %dma_wait3A_2474 = arith.constant 0 : i32
          %dma_wait3A_2475 = tpu.memref_slice %arg4[%dma_wait3A_2474, %add3A_2467] : memref<64x16384xf32, #tpu.memory_space<hbm>> -> memref<64x128xf32, #tpu.memory_space<hbm>>
          tpu.wait_dma2 semaphore(%run_scoped3A : memref<!tpu.dma_semaphore, #tpu.memory_space<semaphore_mem>>) src(%arg7 : memref<64x128xf32, #tpu.memory_space<vmem>>) dst(%dma_wait3A_2475 : memref<64x128xf32, #tpu.memory_space<hbm>>)
          tpu.yield
        }) : () -> ()
      } else {
      }
      %mul3A_1955 = arith.constant 3 : i32
      %mul3A_1956 = arith.muli %scan3A_942, %mul3A_1955 : i32
      %add3A_1957 = arith.constant 2 : i32
      %add3A_1958 = arith.addi %mul3A_1956, %add3A_1957 : i32
      %dma_wait3A_1959 = arith.constant 0 : i32
      %dma_wait3A_1960 = arith.constant 1024 : i32
      %dma_wait3A_1961 = tpu.memref_slice %arg6[%dma_wait3A_1959, %dma_wait3A_1960] : memref<64x1536xf32, #tpu.memory_space<vmem>> -> memref<64x512xf32, #tpu.memory_space<vmem>>
      %dma_wait3A_1962 = arith.constant 0 : i32
      %dma_wait3A_1963 = arith.constant 0 : i32
      %dma_wait3A_1964 = tpu.memref_slice %arg3[%dma_wait3A_1962, %dma_wait3A_1963] : memref<64x1000000xf32, #tpu.memory_space<hbm>> -> memref<64x512xf32, #tpu.memory_space<hbm>>
      %dma_wait3A_1965 = arith.constant 0 : i32
      %dma_wait3A_1966 = arith.constant 1024 : i32
      %dma_wait3A_1967 = tpu.memref_slice %arg6[%dma_wait3A_1965, %dma_wait3A_1966] : memref<64x1536xf32, #tpu.memory_space<vmem>> -> memref<64x512xf32, #tpu.memory_space<vmem>>
      %dma_wait3A_1968 = arith.constant 0 : i32
      %dma_wait3A_1969 = arith.constant 0 : i32
      %dma_wait3A_1970 = tpu.memref_slice %arg3[%dma_wait3A_1968, %dma_wait3A_1969] : memref<64x1000000xf32, #tpu.memory_space<hbm>> -> memref<64x512xf32, #tpu.memory_space<hbm>>
      tpu.wait_dma2 semaphore(%arg8 : memref<!tpu.dma_semaphore, #tpu.memory_space<semaphore_mem>>) src(%dma_wait3A_1970 : memref<64x512xf32, #tpu.memory_space<hbm>>) dst(%dma_wait3A_1967 : memref<64x512xf32, #tpu.memory_space<vmem>>)
      %add3A_1971 = arith.constant 2 : i32
      %add3A_1972 = arith.addi %add3A_1958, %add3A_1971 : i32
      %mul3A_1973 = arith.constant 4 : i32
      %mul3A_1974 = arith.muli %add3A_1972, %mul3A_1973 : i32
      %get3A_1975 = arith.index_cast %mul3A_1974 : i32 to index
      %get3A_1976 = tpu.vector_load %arg5[%get3A_1975] {strides = array<i32>} : memref<528xi32, #tpu.memory_space<vmem>>, vector<16xi32>,
      %shift_right_logical3A_1977 = arith.constant 7 : i32
      %shift_right_logical3A_1978 = vector.broadcast %shift_right_logical3A_1977 : i32 to vector<16xi32>
      %shift_right_logical3A_1979 = arith.shrui %get3A_1976, %shift_right_logical3A_1978 : vector<16xi32>
      %slice3A_1980 = vector.extract_strided_slice %shift_right_logical3A_1979 {offsets = [0], sizes = [1], strides = [1]} : vector<16xi32> to vector<1xi32>
      %squeeze3A_1981 = vector.extract %slice3A_1980[0] : i32 from vector<1xi32>
      %mul3A_1982 = arith.constant 128 : i32
      %mul3A_1983 = arith.muli %squeeze3A_1981, %mul3A_1982 : i32
      %multiple_of3A_1984 = tpu.assume_multiple %mul3A_1983, 128 : i32
      %dma_start3A_1985 = arith.constant 0 : i32
      %dma_start3A_1986 = arith.constant 512 : i32
      %dma_start3A_1987 = tpu.memref_slice %arg6[%dma_start3A_1985, %dma_start3A_1986] : memref<64x1536xf32, #tpu.memory_space<vmem>> -> memref<8x128xf32, #tpu.memory_space<vmem>>
      %dma_start3A_1988 = arith.constant 0 : i32
      %dma_start3A_1989 = tpu.memref_slice %arg3[%dma_start3A_1988, %multiple_of3A_1984] : memref<64x1000000xf32, #tpu.memory_space<hbm>> -> memref<8x128xf32, #tpu.memory_space<hbm>>
      %dma_start3A_1990 = arith.constant 0 : i32
      %dma_start3A_1991 = arith.constant 512 : i32
      %dma_start3A_1992 = tpu.memref_slice %arg6[%dma_start3A_1990, %dma_start3A_1991] : memref<64x1536xf32, #tpu.memory_space<vmem>> -> memref<8x128xf32, #tpu.memory_space<vmem>>
      %dma_start3A_1993 = arith.constant 0 : i32
      %dma_start3A_1994 = tpu.memref_slice %arg3[%dma_start3A_1993, %multiple_of3A_1984] : memref<64x1000000xf32, #tpu.memory_space<hbm>> -> memref<8x128xf32, #tpu.memory_space<hbm>>
      tpu.enqueue_dma source(%dma_start3A_1994 : memref<8x128xf32, #tpu.memory_space<hbm>>) target(%dma_start3A_1992 : memref<8x128xf32, #tpu.memory_space<vmem>>) target_semaphore(%arg8 : memref<!tpu.dma_semaphore, #tpu.memory_space<semaphore_mem>>)
      %dma_start3A_1995 = arith.constant 8 : i32
      %dma_start3A_1996 = arith.constant 512 : i32
      %dma_start3A_1997 = tpu.memref_slice %arg6[%dma_start3A_1995, %dma_start3A_1996] : memref<64x1536xf32, #tpu.memory_space<vmem>> -> memref<8x128xf32, #tpu.memory_space<vmem>>
      %dma_start3A_1998 = arith.constant 8 : i32
      %dma_start3A_1999 = tpu.memref_slice %arg3[%dma_start3A_1998, %multiple_of3A_1984] : memref<64x1000000xf32, #tpu.memory_space<hbm>> -> memref<8x128xf32, #tpu.memory_space<hbm>>
      %dma_start3A_2000 = arith.constant 8 : i32
      %dma_start3A_2001 = arith.constant 512 : i32
      %dma_start3A_2002 = tpu.memref_slice %arg6[%dma_start3A_2000, %dma_start3A_2001] : memref<64x1536xf32, #tpu.memory_space<vmem>> -> memref<8x128xf32, #tpu.memory_space<vmem>>
      %dma_start3A_2003 = arith.constant 8 : i32
      %dma_start3A_2004 = tpu.memref_slice %arg3[%dma_start3A_2003, %multiple_of3A_1984] : memref<64x1000000xf32, #tpu.memory_space<hbm>> -> memref<8x128xf32, #tpu.memory_space<hbm>>
      tpu.enqueue_dma source(%dma_start3A_2004 : memref<8x128xf32, #tpu.memory_space<hbm>>) target(%dma_start3A_2002 : memref<8x128xf32, #tpu.memory_space<vmem>>) target_semaphore(%arg8 : memref<!tpu.dma_semaphore, #tpu.memory_space<semaphore_mem>>)
      %dma_start3A_2005 = arith.constant 16 : i32
      %dma_start3A_2006 = arith.constant 512 : i32
      %dma_start3A_2007 = tpu.memref_slice %arg6[%dma_start3A_2005, %dma_start3A_2006] : memref<64x1536xf32, #tpu.memory_space<vmem>> -> memref<8x128xf32, #tpu.memory_space<vmem>>
      %dma_start3A_2008 = arith.constant 16 : i32
      %dma_start3A_2009 = tpu.memref_slice %arg3[%dma_start3A_2008, %multiple_of3A_1984] : memref<64x1000000xf32, #tpu.memory_space<hbm>> -> memref<8x128xf32, #tpu.memory_space<hbm>>
      %dma_start3A_2010 = arith.constant 16 : i32
      %dma_start3A_2011 = arith.constant 512 : i32
      %dma_start3A_2012 = tpu.memref_slice %arg6[%dma_start3A_2010, %dma_start3A_2011] : memref<64x1536xf32, #tpu.memory_space<vmem>> -> memref<8x128xf32, #tpu.memory_space<vmem>>
      %dma_start3A_2013 = arith.constant 16 : i32
      %dma_start3A_2014 = tpu.memref_slice %arg3[%dma_start3A_2013, %multiple_of3A_1984] : memref<64x1000000xf32, #tpu.memory_space<hbm>> -> memref<8x128xf32, #tpu.memory_space<hbm>>
      tpu.enqueue_dma source(%dma_start3A_2014 : memref<8x128xf32, #tpu.memory_space<hbm>>) target(%dma_start3A_2012 : memref<8x128xf32, #tpu.memory_space<vmem>>) target_semaphore(%arg8 : memref<!tpu.dma_semaphore, #tpu.memory_space<semaphore_mem>>)
      %dma_start3A_2015 = arith.constant 24 : i32
      %dma_start3A_2016 = arith.constant 512 : i32
      %dma_start3A_2017 = tpu.memref_slice %arg6[%dma_start3A_2015, %dma_start3A_2016] : memref<64x1536xf32, #tpu.memory_space<vmem>> -> memref<8x128xf32, #tpu.memory_space<vmem>>
      %dma_start3A_2018 = arith.constant 24 : i32
      %dma_start3A_2019 = tpu.memref_slice %arg3[%dma_start3A_2018, %multiple_of3A_1984] : memref<64x1000000xf32, #tpu.memory_space<hbm>> -> memref<8x128xf32, #tpu.memory_space<hbm>>
      %dma_start3A_2020 = arith.constant 24 : i32
      %dma_start3A_2021 = arith.constant 512 : i32
      %dma_start3A_2022 = tpu.memref_slice %arg6[%dma_start3A_2020, %dma_start3A_2021] : memref<64x1536xf32, #tpu.memory_space<vmem>> -> memref<8x128xf32, #tpu.memory_space<vmem>>
      %dma_start3A_2023 = arith.constant 24 : i32
      %dma_start3A_2024 = tpu.memref_slice %arg3[%dma_start3A_2023, %multiple_of3A_1984] : memref<64x1000000xf32, #tpu.memory_space<hbm>> -> memref<8x128xf32, #tpu.memory_space<hbm>>
      tpu.enqueue_dma source(%dma_start3A_2024 : memref<8x128xf32, #tpu.memory_space<hbm>>) target(%dma_start3A_2022 : memref<8x128xf32, #tpu.memory_space<vmem>>) target_semaphore(%arg8 : memref<!tpu.dma_semaphore, #tpu.memory_space<semaphore_mem>>)
      %dma_start3A_2025 = arith.constant 32 : i32
      %dma_start3A_2026 = arith.constant 512 : i32
      %dma_start3A_2027 = tpu.memref_slice %arg6[%dma_start3A_2025, %dma_start3A_2026] : memref<64x1536xf32, #tpu.memory_space<vmem>> -> memref<8x128xf32, #tpu.memory_space<vmem>>
      %dma_start3A_2028 = arith.constant 32 : i32
      %dma_start3A_2029 = tpu.memref_slice %arg3[%dma_start3A_2028, %multiple_of3A_1984] : memref<64x1000000xf32, #tpu.memory_space<hbm>> -> memref<8x128xf32, #tpu.memory_space<hbm>>
      %dma_start3A_2030 = arith.constant 32 : i32
      %dma_start3A_2031 = arith.constant 512 : i32
      %dma_start3A_2032 = tpu.memref_slice %arg6[%dma_start3A_2030, %dma_start3A_2031] : memref<64x1536xf32, #tpu.memory_space<vmem>> -> memref<8x128xf32, #tpu.memory_space<vmem>>
      %dma_start3A_2033 = arith.constant 32 : i32
      %dma_start3A_2034 = tpu.memref_slice %arg3[%dma_start3A_2033, %multiple_of3A_1984] : memref<64x1000000xf32, #tpu.memory_space<hbm>> -> memref<8x128xf32, #tpu.memory_space<hbm>>
      tpu.enqueue_dma source(%dma_start3A_2034 : memref<8x128xf32, #tpu.memory_space<hbm>>) target(%dma_start3A_2032 : memref<8x128xf32, #tpu.memory_space<vmem>>) target_semaphore(%arg8 : memref<!tpu.dma_semaphore, #tpu.memory_space<semaphore_mem>>)
      %dma_start3A_2035 = arith.constant 40 : i32
      %dma_start3A_2036 = arith.constant 512 : i32
      %dma_start3A_2037 = tpu.memref_slice %arg6[%dma_start3A_2035, %dma_start3A_2036] : memref<64x1536xf32, #tpu.memory_space<vmem>> -> memref<8x128xf32, #tpu.memory_space<vmem>>
      %dma_start3A_2038 = arith.constant 40 : i32
      %dma_start3A_2039 = tpu.memref_slice %arg3[%dma_start3A_2038, %multiple_of3A_1984] : memref<64x1000000xf32, #tpu.memory_space<hbm>> -> memref<8x128xf32, #tpu.memory_space<hbm>>
      %dma_start3A_2040 = arith.constant 40 : i32
      %dma_start3A_2041 = arith.constant 512 : i32
      %dma_start3A_2042 = tpu.memref_slice %arg6[%dma_start3A_2040, %dma_start3A_2041] : memref<64x1536xf32, #tpu.memory_space<vmem>> -> memref<8x128xf32, #tpu.memory_space<vmem>>
      %dma_start3A_2043 = arith.constant 40 : i32
      %dma_start3A_2044 = tpu.memref_slice %arg3[%dma_start3A_2043, %multiple_of3A_1984] : memref<64x1000000xf32, #tpu.memory_space<hbm>> -> memref<8x128xf32, #tpu.memory_space<hbm>>
      tpu.enqueue_dma source(%dma_start3A_2044 : memref<8x128xf32, #tpu.memory_space<hbm>>) target(%dma_start3A_2042 : memref<8x128xf32, #tpu.memory_space<vmem>>) target_semaphore(%arg8 : memref<!tpu.dma_semaphore, #tpu.memory_space<semaphore_mem>>)
      %dma_start3A_2045 = arith.constant 48 : i32
      %dma_start3A_2046 = arith.constant 512 : i32
      %dma_start3A_2047 = tpu.memref_slice %arg6[%dma_start3A_2045, %dma_start3A_2046] : memref<64x1536xf32, #tpu.memory_space<vmem>> -> memref<8x128xf32, #tpu.memory_space<vmem>>
      %dma_start3A_2048 = arith.constant 48 : i32
      %dma_start3A_2049 = tpu.memref_slice %arg3[%dma_start3A_2048, %multiple_of3A_1984] : memref<64x1000000xf32, #tpu.memory_space<hbm>> -> memref<8x128xf32, #tpu.memory_space<hbm>>
      %dma_start3A_2050 = arith.constant 48 : i32
      %dma_start3A_2051 = arith.constant 512 : i32
      %dma_start3A_2052 = tpu.memref_slice %arg6[%dma_start3A_2050, %dma_start3A_2051] : memref<64x1536xf32, #tpu.memory_space<vmem>> -> memref<8x128xf32, #tpu.memory_space<vmem>>
      %dma_start3A_2053 = arith.constant 48 : i32
      %dma_start3A_2054 = tpu.memref_slice %arg3[%dma_start3A_2053, %multiple_of3A_1984] : memref<64x1000000xf32, #tpu.memory_space<hbm>> -> memref<8x128xf32, #tpu.memory_space<hbm>>
      tpu.enqueue_dma source(%dma_start3A_2054 : memref<8x128xf32, #tpu.memory_space<hbm>>) target(%dma_start3A_2052 : memref<8x128xf32, #tpu.memory_space<vmem>>) target_semaphore(%arg8 : memref<!tpu.dma_semaphore, #tpu.memory_space<semaphore_mem>>)
      %dma_start3A_2055 = arith.constant 56 : i32
      %dma_start3A_2056 = arith.constant 512 : i32
      %dma_start3A_2057 = tpu.memref_slice %arg6[%dma_start3A_2055, %dma_start3A_2056] : memref<64x1536xf32, #tpu.memory_space<vmem>> -> memref<8x128xf32, #tpu.memory_space<vmem>>
      %dma_start3A_2058 = arith.constant 56 : i32
      %dma_start3A_2059 = tpu.memref_slice %arg3[%dma_start3A_2058, %multiple_of3A_1984] : memref<64x1000000xf32, #tpu.memory_space<hbm>> -> memref<8x128xf32, #tpu.memory_space<hbm>>
      %dma_start3A_2060 = arith.constant 56 : i32
      %dma_start3A_2061 = arith.constant 512 : i32
      %dma_start3A_2062 = tpu.memref_slice %arg6[%dma_start3A_2060, %dma_start3A_2061] : memref<64x1536xf32, #tpu.memory_space<vmem>> -> memref<8x128xf32, #tpu.memory_space<vmem>>
      %dma_start3A_2063 = arith.constant 56 : i32
      %dma_start3A_2064 = tpu.memref_slice %arg3[%dma_start3A_2063, %multiple_of3A_1984] : memref<64x1000000xf32, #tpu.memory_space<hbm>> -> memref<8x128xf32, #tpu.memory_space<hbm>>
      tpu.enqueue_dma source(%dma_start3A_2064 : memref<8x128xf32, #tpu.memory_space<hbm>>) target(%dma_start3A_2062 : memref<8x128xf32, #tpu.memory_space<vmem>>) target_semaphore(%arg8 : memref<!tpu.dma_semaphore, #tpu.memory_space<semaphore_mem>>)
      %slice3A_2065 = vector.extract_strided_slice %shift_right_logical3A_1979 {offsets = [1], sizes = [1], strides = [1]} : vector<16xi32> to vector<1xi32>
      %squeeze3A_2066 = vector.extract %slice3A_2065[0] : i32 from vector<1xi32>
      %mul3A_2067 = arith.constant 128 : i32
      %mul3A_2068 = arith.muli %squeeze3A_2066, %mul3A_2067 : i32
      %multiple_of3A_2069 = tpu.assume_multiple %mul3A_2068, 128 : i32
      %dma_start3A_2070 = arith.constant 0 : i32
      %dma_start3A_2071 = arith.constant 640 : i32
      %dma_start3A_2072 = tpu.memref_slice %arg6[%dma_start3A_2070, %dma_start3A_2071] : memref<64x1536xf32, #tpu.memory_space<vmem>> -> memref<8x128xf32, #tpu.memory_space<vmem>>
      %dma_start3A_2073 = arith.constant 0 : i32
      %dma_start3A_2074 = tpu.memref_slice %arg3[%dma_start3A_2073, %multiple_of3A_2069] : memref<64x1000000xf32, #tpu.memory_space<hbm>> -> memref<8x128xf32, #tpu.memory_space<hbm>>
      %dma_start3A_2075 = arith.constant 0 : i32
      %dma_start3A_2076 = arith.constant 640 : i32
      %dma_start3A_2077 = tpu.memref_slice %arg6[%dma_start3A_2075, %dma_start3A_2076] : memref<64x1536xf32, #tpu.memory_space<vmem>> -> memref<8x128xf32, #tpu.memory_space<vmem>>
      %dma_start3A_2078 = arith.constant 0 : i32
      %dma_start3A_2079 = tpu.memref_slice %arg3[%dma_start3A_2078, %multiple_of3A_2069] : memref<64x1000000xf32, #tpu.memory_space<hbm>> -> memref<8x128xf32, #tpu.memory_space<hbm>>
      tpu.enqueue_dma source(%dma_start3A_2079 : memref<8x128xf32, #tpu.memory_space<hbm>>) target(%dma_start3A_2077 : memref<8x128xf32, #tpu.memory_space<vmem>>) target_semaphore(%arg8 : memref<!tpu.dma_semaphore, #tpu.memory_space<semaphore_mem>>)
      %dma_start3A_2080 = arith.constant 8 : i32
      %dma_start3A_2081 = arith.constant 640 : i32
      %dma_start3A_2082 = tpu.memref_slice %arg6[%dma_start3A_2080, %dma_start3A_2081] : memref<64x1536xf32, #tpu.memory_space<vmem>> -> memref<8x128xf32, #tpu.memory_space<vmem>>
      %dma_start3A_2083 = arith.constant 8 : i32
      %dma_start3A_2084 = tpu.memref_slice %arg3[%dma_start3A_2083, %multiple_of3A_2069] : memref<64x1000000xf32, #tpu.memory_space<hbm>> -> memref<8x128xf32, #tpu.memory_space<hbm>>
      %dma_start3A_2085 = arith.constant 8 : i32
      %dma_start3A_2086 = arith.constant 640 : i32
      %dma_start3A_2087 = tpu.memref_slice %arg6[%dma_start3A_2085, %dma_start3A_2086] : memref<64x1536xf32, #tpu.memory_space<vmem>> -> memref<8x128xf32, #tpu.memory_space<vmem>>
      %dma_start3A_2088 = arith.constant 8 : i32
      %dma_start3A_2089 = tpu.memref_slice %arg3[%dma_start3A_2088, %multiple_of3A_2069] : memref<64x1000000xf32, #tpu.memory_space<hbm>> -> memref<8x128xf32, #tpu.memory_space<hbm>>
      tpu.enqueue_dma source(%dma_start3A_2089 : memref<8x128xf32, #tpu.memory_space<hbm>>) target(%dma_start3A_2087 : memref<8x128xf32, #tpu.memory_space<vmem>>) target_semaphore(%arg8 : memref<!tpu.dma_semaphore, #tpu.memory_space<semaphore_mem>>)
      %dma_start3A_2090 = arith.constant 16 : i32
      %dma_start3A_2091 = arith.constant 640 : i32
      %dma_start3A_2092 = tpu.memref_slice %arg6[%dma_start3A_2090, %dma_start3A_2091] : memref<64x1536xf32, #tpu.memory_space<vmem>> -> memref<8x128xf32, #tpu.memory_space<vmem>>
      %dma_start3A_2093 = arith.constant 16 : i32
      %dma_start3A_2094 = tpu.memref_slice %arg3[%dma_start3A_2093, %multiple_of3A_2069] : memref<64x1000000xf32, #tpu.memory_space<hbm>> -> memref<8x128xf32, #tpu.memory_space<hbm>>
      %dma_start3A_2095 = arith.constant 16 : i32
      %dma_start3A_2096 = arith.constant 640 : i32
      %dma_start3A_2097 = tpu.memref_slice %arg6[%dma_start3A_2095, %dma_start3A_2096] : memref<64x1536xf32, #tpu.memory_space<vmem>> -> memref<8x128xf32, #tpu.memory_space<vmem>>
      %dma_start3A_2098 = arith.constant 16 : i32
      %dma_start3A_2099 = tpu.memref_slice %arg3[%dma_start3A_2098, %multiple_of3A_2069] : memref<64x1000000xf32, #tpu.memory_space<hbm>> -> memref<8x128xf32, #tpu.memory_space<hbm>>
      tpu.enqueue_dma source(%dma_start3A_2099 : memref<8x128xf32, #tpu.memory_space<hbm>>) target(%dma_start3A_2097 : memref<8x128xf32, #tpu.memory_space<vmem>>) target_semaphore(%arg8 : memref<!tpu.dma_semaphore, #tpu.memory_space<semaphore_mem>>)
      %dma_start3A_2100 = arith.constant 24 : i32
      %dma_start3A_2101 = arith.constant 640 : i32
      %dma_start3A_2102 = tpu.memref_slice %arg6[%dma_start3A_2100, %dma_start3A_2101] : memref<64x1536xf32, #tpu.memory_space<vmem>> -> memref<8x128xf32, #tpu.memory_space<vmem>>
      %dma_start3A_2103 = arith.constant 24 : i32
      %dma_start3A_2104 = tpu.memref_slice %arg3[%dma_start3A_2103, %multiple_of3A_2069] : memref<64x1000000xf32, #tpu.memory_space<hbm>> -> memref<8x128xf32, #tpu.memory_space<hbm>>
      %dma_start3A_2105 = arith.constant 24 : i32
      %dma_start3A_2106 = arith.constant 640 : i32
      %dma_start3A_2107 = tpu.memref_slice %arg6[%dma_start3A_2105, %dma_start3A_2106] : memref<64x1536xf32, #tpu.memory_space<vmem>> -> memref<8x128xf32, #tpu.memory_space<vmem>>
      %dma_start3A_2108 = arith.constant 24 : i32
      %dma_start3A_2109 = tpu.memref_slice %arg3[%dma_start3A_2108, %multiple_of3A_2069] : memref<64x1000000xf32, #tpu.memory_space<hbm>> -> memref<8x128xf32, #tpu.memory_space<hbm>>
      tpu.enqueue_dma source(%dma_start3A_2109 : memref<8x128xf32, #tpu.memory_space<hbm>>) target(%dma_start3A_2107 : memref<8x128xf32, #tpu.memory_space<vmem>>) target_semaphore(%arg8 : memref<!tpu.dma_semaphore, #tpu.memory_space<semaphore_mem>>)
      %dma_start3A_2110 = arith.constant 32 : i32
      %dma_start3A_2111 = arith.constant 640 : i32
      %dma_start3A_2112 = tpu.memref_slice %arg6[%dma_start3A_2110, %dma_start3A_2111] : memref<64x1536xf32, #tpu.memory_space<vmem>> -> memref<8x128xf32, #tpu.memory_space<vmem>>
      %dma_start3A_2113 = arith.constant 32 : i32
      %dma_start3A_2114 = tpu.memref_slice %arg3[%dma_start3A_2113, %multiple_of3A_2069] : memref<64x1000000xf32, #tpu.memory_space<hbm>> -> memref<8x128xf32, #tpu.memory_space<hbm>>
      %dma_start3A_2115 = arith.constant 32 : i32
      %dma_start3A_2116 = arith.constant 640 : i32
      %dma_start3A_2117 = tpu.memref_slice %arg6[%dma_start3A_2115, %dma_start3A_2116] : memref<64x1536xf32, #tpu.memory_space<vmem>> -> memref<8x128xf32, #tpu.memory_space<vmem>>
      %dma_start3A_2118 = arith.constant 32 : i32
      %dma_start3A_2119 = tpu.memref_slice %arg3[%dma_start3A_2118, %multiple_of3A_2069] : memref<64x1000000xf32, #tpu.memory_space<hbm>> -> memref<8x128xf32, #tpu.memory_space<hbm>>
      tpu.enqueue_dma source(%dma_start3A_2119 : memref<8x128xf32, #tpu.memory_space<hbm>>) target(%dma_start3A_2117 : memref<8x128xf32, #tpu.memory_space<vmem>>) target_semaphore(%arg8 : memref<!tpu.dma_semaphore, #tpu.memory_space<semaphore_mem>>)
      %dma_start3A_2120 = arith.constant 40 : i32
      %dma_start3A_2121 = arith.constant 640 : i32
      %dma_start3A_2122 = tpu.memref_slice %arg6[%dma_start3A_2120, %dma_start3A_2121] : memref<64x1536xf32, #tpu.memory_space<vmem>> -> memref<8x128xf32, #tpu.memory_space<vmem>>
      %dma_start3A_2123 = arith.constant 40 : i32
      %dma_start3A_2124 = tpu.memref_slice %arg3[%dma_start3A_2123, %multiple_of3A_2069] : memref<64x1000000xf32, #tpu.memory_space<hbm>> -> memref<8x128xf32, #tpu.memory_space<hbm>>
      %dma_start3A_2125 = arith.constant 40 : i32
      %dma_start3A_2126 = arith.constant 640 : i32
      %dma_start3A_2127 = tpu.memref_slice %arg6[%dma_start3A_2125, %dma_start3A_2126] : memref<64x1536xf32, #tpu.memory_space<vmem>> -> memref<8x128xf32, #tpu.memory_space<vmem>>
      %dma_start3A_2128 = arith.constant 40 : i32
      %dma_start3A_2129 = tpu.memref_slice %arg3[%dma_start3A_2128, %multiple_of3A_2069] : memref<64x1000000xf32, #tpu.memory_space<hbm>> -> memref<8x128xf32, #tpu.memory_space<hbm>>
      tpu.enqueue_dma source(%dma_start3A_2129 : memref<8x128xf32, #tpu.memory_space<hbm>>) target(%dma_start3A_2127 : memref<8x128xf32, #tpu.memory_space<vmem>>) target_semaphore(%arg8 : memref<!tpu.dma_semaphore, #tpu.memory_space<semaphore_mem>>)
      %dma_start3A_2130 = arith.constant 48 : i32
      %dma_start3A_2131 = arith.constant 640 : i32
      %dma_start3A_2132 = tpu.memref_slice %arg6[%dma_start3A_2130, %dma_start3A_2131] : memref<64x1536xf32, #tpu.memory_space<vmem>> -> memref<8x128xf32, #tpu.memory_space<vmem>>
      %dma_start3A_2133 = arith.constant 48 : i32
      %dma_start3A_2134 = tpu.memref_slice %arg3[%dma_start3A_2133, %multiple_of3A_2069] : memref<64x1000000xf32, #tpu.memory_space<hbm>> -> memref<8x128xf32, #tpu.memory_space<hbm>>
      %dma_start3A_2135 = arith.constant 48 : i32
      %dma_start3A_2136 = arith.constant 640 : i32
      %dma_start3A_2137 = tpu.memref_slice %arg6[%dma_start3A_2135, %dma_start3A_2136] : memref<64x1536xf32, #tpu.memory_space<vmem>> -> memref<8x128xf32, #tpu.memory_space<vmem>>
      %dma_start3A_2138 = arith.constant 48 : i32
      %dma_start3A_2139 = tpu.memref_slice %arg3[%dma_start3A_2138, %multiple_of3A_2069] : memref<64x1000000xf32, #tpu.memory_space<hbm>> -> memref<8x128xf32, #tpu.memory_space<hbm>>
      tpu.enqueue_dma source(%dma_start3A_2139 : memref<8x128xf32, #tpu.memory_space<hbm>>) target(%dma_start3A_2137 : memref<8x128xf32, #tpu.memory_space<vmem>>) target_semaphore(%arg8 : memref<!tpu.dma_semaphore, #tpu.memory_space<semaphore_mem>>)
      %dma_start3A_2140 = arith.constant 56 : i32
      %dma_start3A_2141 = arith.constant 640 : i32
      %dma_start3A_2142 = tpu.memref_slice %arg6[%dma_start3A_2140, %dma_start3A_2141] : memref<64x1536xf32, #tpu.memory_space<vmem>> -> memref<8x128xf32, #tpu.memory_space<vmem>>
      %dma_start3A_2143 = arith.constant 56 : i32
      %dma_start3A_2144 = tpu.memref_slice %arg3[%dma_start3A_2143, %multiple_of3A_2069] : memref<64x1000000xf32, #tpu.memory_space<hbm>> -> memref<8x128xf32, #tpu.memory_space<hbm>>
      %dma_start3A_2145 = arith.constant 56 : i32
      %dma_start3A_2146 = arith.constant 640 : i32
      %dma_start3A_2147 = tpu.memref_slice %arg6[%dma_start3A_2145, %dma_start3A_2146] : memref<64x1536xf32, #tpu.memory_space<vmem>> -> memref<8x128xf32, #tpu.memory_space<vmem>>
      %dma_start3A_2148 = arith.constant 56 : i32
      %dma_start3A_2149 = tpu.memref_slice %arg3[%dma_start3A_2148, %multiple_of3A_2069] : memref<64x1000000xf32, #tpu.memory_space<hbm>> -> memref<8x128xf32, #tpu.memory_space<hbm>>
      tpu.enqueue_dma source(%dma_start3A_2149 : memref<8x128xf32, #tpu.memory_space<hbm>>) target(%dma_start3A_2147 : memref<8x128xf32, #tpu.memory_space<vmem>>) target_semaphore(%arg8 : memref<!tpu.dma_semaphore, #tpu.memory_space<semaphore_mem>>)
      %slice3A_2150 = vector.extract_strided_slice %shift_right_logical3A_1979 {offsets = [2], sizes = [1], strides = [1]} : vector<16xi32> to vector<1xi32>
      %squeeze3A_2151 = vector.extract %slice3A_2150[0] : i32 from vector<1xi32>
      %mul3A_2152 = arith.constant 128 : i32
      %mul3A_2153 = arith.muli %squeeze3A_2151, %mul3A_2152 : i32
      %multiple_of3A_2154 = tpu.assume_multiple %mul3A_2153, 128 : i32
      %dma_start3A_2155 = arith.constant 0 : i32
      %dma_start3A_2156 = arith.constant 768 : i32
      %dma_start3A_2157 = tpu.memref_slice %arg6[%dma_start3A_2155, %dma_start3A_2156] : memref<64x1536xf32, #tpu.memory_space<vmem>> -> memref<8x128xf32, #tpu.memory_space<vmem>>
      %dma_start3A_2158 = arith.constant 0 : i32
      %dma_start3A_2159 = tpu.memref_slice %arg3[%dma_start3A_2158, %multiple_of3A_2154] : memref<64x1000000xf32, #tpu.memory_space<hbm>> -> memref<8x128xf32, #tpu.memory_space<hbm>>
      %dma_start3A_2160 = arith.constant 0 : i32
      %dma_start3A_2161 = arith.constant 768 : i32
      %dma_start3A_2162 = tpu.memref_slice %arg6[%dma_start3A_2160, %dma_start3A_2161] : memref<64x1536xf32, #tpu.memory_space<vmem>> -> memref<8x128xf32, #tpu.memory_space<vmem>>
      %dma_start3A_2163 = arith.constant 0 : i32
      %dma_start3A_2164 = tpu.memref_slice %arg3[%dma_start3A_2163, %multiple_of3A_2154] : memref<64x1000000xf32, #tpu.memory_space<hbm>> -> memref<8x128xf32, #tpu.memory_space<hbm>>
      tpu.enqueue_dma source(%dma_start3A_2164 : memref<8x128xf32, #tpu.memory_space<hbm>>) target(%dma_start3A_2162 : memref<8x128xf32, #tpu.memory_space<vmem>>) target_semaphore(%arg8 : memref<!tpu.dma_semaphore, #tpu.memory_space<semaphore_mem>>)
      %dma_start3A_2165 = arith.constant 8 : i32
      %dma_start3A_2166 = arith.constant 768 : i32
      %dma_start3A_2167 = tpu.memref_slice %arg6[%dma_start3A_2165, %dma_start3A_2166] : memref<64x1536xf32, #tpu.memory_space<vmem>> -> memref<8x128xf32, #tpu.memory_space<vmem>>
      %dma_start3A_2168 = arith.constant 8 : i32
      %dma_start3A_2169 = tpu.memref_slice %arg3[%dma_start3A_2168, %multiple_of3A_2154] : memref<64x1000000xf32, #tpu.memory_space<hbm>> -> memref<8x128xf32, #tpu.memory_space<hbm>>
      %dma_start3A_2170 = arith.constant 8 : i32
      %dma_start3A_2171 = arith.constant 768 : i32
      %dma_start3A_2172 = tpu.memref_slice %arg6[%dma_start3A_2170, %dma_start3A_2171] : memref<64x1536xf32, #tpu.memory_space<vmem>> -> memref<8x128xf32, #tpu.memory_space<vmem>>
      %dma_start3A_2173 = arith.constant 8 : i32
      %dma_start3A_2174 = tpu.memref_slice %arg3[%dma_start3A_2173, %multiple_of3A_2154] : memref<64x1000000xf32, #tpu.memory_space<hbm>> -> memref<8x128xf32, #tpu.memory_space<hbm>>
      tpu.enqueue_dma source(%dma_start3A_2174 : memref<8x128xf32, #tpu.memory_space<hbm>>) target(%dma_start3A_2172 : memref<8x128xf32, #tpu.memory_space<vmem>>) target_semaphore(%arg8 : memref<!tpu.dma_semaphore, #tpu.memory_space<semaphore_mem>>)
      %dma_start3A_2175 = arith.constant 16 : i32
      %dma_start3A_2176 = arith.constant 768 : i32
      %dma_start3A_2177 = tpu.memref_slice %arg6[%dma_start3A_2175, %dma_start3A_2176] : memref<64x1536xf32, #tpu.memory_space<vmem>> -> memref<8x128xf32, #tpu.memory_space<vmem>>
      %dma_start3A_2178 = arith.constant 16 : i32
      %dma_start3A_2179 = tpu.memref_slice %arg3[%dma_start3A_2178, %multiple_of3A_2154] : memref<64x1000000xf32, #tpu.memory_space<hbm>> -> memref<8x128xf32, #tpu.memory_space<hbm>>
      %dma_start3A_2180 = arith.constant 16 : i32
      %dma_start3A_2181 = arith.constant 768 : i32
      %dma_start3A_2182 = tpu.memref_slice %arg6[%dma_start3A_2180, %dma_start3A_2181] : memref<64x1536xf32, #tpu.memory_space<vmem>> -> memref<8x128xf32, #tpu.memory_space<vmem>>
      %dma_start3A_2183 = arith.constant 16 : i32
      %dma_start3A_2184 = tpu.memref_slice %arg3[%dma_start3A_2183, %multiple_of3A_2154] : memref<64x1000000xf32, #tpu.memory_space<hbm>> -> memref<8x128xf32, #tpu.memory_space<hbm>>
      tpu.enqueue_dma source(%dma_start3A_2184 : memref<8x128xf32, #tpu.memory_space<hbm>>) target(%dma_start3A_2182 : memref<8x128xf32, #tpu.memory_space<vmem>>) target_semaphore(%arg8 : memref<!tpu.dma_semaphore, #tpu.memory_space<semaphore_mem>>)
      %dma_start3A_2185 = arith.constant 24 : i32
      %dma_start3A_2186 = arith.constant 768 : i32
      %dma_start3A_2187 = tpu.memref_slice %arg6[%dma_start3A_2185, %dma_start3A_2186] : memref<64x1536xf32, #tpu.memory_space<vmem>> -> memref<8x128xf32, #tpu.memory_space<vmem>>
      %dma_start3A_2188 = arith.constant 24 : i32
      %dma_start3A_2189 = tpu.memref_slice %arg3[%dma_start3A_2188, %multiple_of3A_2154] : memref<64x1000000xf32, #tpu.memory_space<hbm>> -> memref<8x128xf32, #tpu.memory_space<hbm>>
      %dma_start3A_2190 = arith.constant 24 : i32
      %dma_start3A_2191 = arith.constant 768 : i32
      %dma_start3A_2192 = tpu.memref_slice %arg6[%dma_start3A_2190, %dma_start3A_2191] : memref<64x1536xf32, #tpu.memory_space<vmem>> -> memref<8x128xf32, #tpu.memory_space<vmem>>
      %dma_start3A_2193 = arith.constant 24 : i32
      %dma_start3A_2194 = tpu.memref_slice %arg3[%dma_start3A_2193, %multiple_of3A_2154] : memref<64x1000000xf32, #tpu.memory_space<hbm>> -> memref<8x128xf32, #tpu.memory_space<hbm>>
      tpu.enqueue_dma source(%dma_start3A_2194 : memref<8x128xf32, #tpu.memory_space<hbm>>) target(%dma_start3A_2192 : memref<8x128xf32, #tpu.memory_space<vmem>>) target_semaphore(%arg8 : memref<!tpu.dma_semaphore, #tpu.memory_space<semaphore_mem>>)
      %dma_start3A_2195 = arith.constant 32 : i32
      %dma_start3A_2196 = arith.constant 768 : i32
      %dma_start3A_2197 = tpu.memref_slice %arg6[%dma_start3A_2195, %dma_start3A_2196] : memref<64x1536xf32, #tpu.memory_space<vmem>> -> memref<8x128xf32, #tpu.memory_space<vmem>>
      %dma_start3A_2198 = arith.constant 32 : i32
      %dma_start3A_2199 = tpu.memref_slice %arg3[%dma_start3A_2198, %multiple_of3A_2154] : memref<64x1000000xf32, #tpu.memory_space<hbm>> -> memref<8x128xf32, #tpu.memory_space<hbm>>
      %dma_start3A_2200 = arith.constant 32 : i32
      %dma_start3A_2201 = arith.constant 768 : i32
      %dma_start3A_2202 = tpu.memref_slice %arg6[%dma_start3A_2200, %dma_start3A_2201] : memref<64x1536xf32, #tpu.memory_space<vmem>> -> memref<8x128xf32, #tpu.memory_space<vmem>>
      %dma_start3A_2203 = arith.constant 32 : i32
      %dma_start3A_2204 = tpu.memref_slice %arg3[%dma_start3A_2203, %multiple_of3A_2154] : memref<64x1000000xf32, #tpu.memory_space<hbm>> -> memref<8x128xf32, #tpu.memory_space<hbm>>
      tpu.enqueue_dma source(%dma_start3A_2204 : memref<8x128xf32, #tpu.memory_space<hbm>>) target(%dma_start3A_2202 : memref<8x128xf32, #tpu.memory_space<vmem>>) target_semaphore(%arg8 : memref<!tpu.dma_semaphore, #tpu.memory_space<semaphore_mem>>)
      %dma_start3A_2205 = arith.constant 40 : i32
      %dma_start3A_2206 = arith.constant 768 : i32
      %dma_start3A_2207 = tpu.memref_slice %arg6[%dma_start3A_2205, %dma_start3A_2206] : memref<64x1536xf32, #tpu.memory_space<vmem>> -> memref<8x128xf32, #tpu.memory_space<vmem>>
      %dma_start3A_2208 = arith.constant 40 : i32
      %dma_start3A_2209 = tpu.memref_slice %arg3[%dma_start3A_2208, %multiple_of3A_2154] : memref<64x1000000xf32, #tpu.memory_space<hbm>> -> memref<8x128xf32, #tpu.memory_space<hbm>>
      %dma_start3A_2210 = arith.constant 40 : i32
      %dma_start3A_2211 = arith.constant 768 : i32
      %dma_start3A_2212 = tpu.memref_slice %arg6[%dma_start3A_2210, %dma_start3A_2211] : memref<64x1536xf32, #tpu.memory_space<vmem>> -> memref<8x128xf32, #tpu.memory_space<vmem>>
      %dma_start3A_2213 = arith.constant 40 : i32
      %dma_start3A_2214 = tpu.memref_slice %arg3[%dma_start3A_2213, %multiple_of3A_2154] : memref<64x1000000xf32, #tpu.memory_space<hbm>> -> memref<8x128xf32, #tpu.memory_space<hbm>>
      tpu.enqueue_dma source(%dma_start3A_2214 : memref<8x128xf32, #tpu.memory_space<hbm>>) target(%dma_start3A_2212 : memref<8x128xf32, #tpu.memory_space<vmem>>) target_semaphore(%arg8 : memref<!tpu.dma_semaphore, #tpu.memory_space<semaphore_mem>>)
      %dma_start3A_2215 = arith.constant 48 : i32
      %dma_start3A_2216 = arith.constant 768 : i32
      %dma_start3A_2217 = tpu.memref_slice %arg6[%dma_start3A_2215, %dma_start3A_2216] : memref<64x1536xf32, #tpu.memory_space<vmem>> -> memref<8x128xf32, #tpu.memory_space<vmem>>
      %dma_start3A_2218 = arith.constant 48 : i32
      %dma_start3A_2219 = tpu.memref_slice %arg3[%dma_start3A_2218, %multiple_of3A_2154] : memref<64x1000000xf32, #tpu.memory_space<hbm>> -> memref<8x128xf32, #tpu.memory_space<hbm>>
      %dma_start3A_2220 = arith.constant 48 : i32
      %dma_start3A_2221 = arith.constant 768 : i32
      %dma_start3A_2222 = tpu.memref_slice %arg6[%dma_start3A_2220, %dma_start3A_2221] : memref<64x1536xf32, #tpu.memory_space<vmem>> -> memref<8x128xf32, #tpu.memory_space<vmem>>
      %dma_start3A_2223 = arith.constant 48 : i32
      %dma_start3A_2224 = tpu.memref_slice %arg3[%dma_start3A_2223, %multiple_of3A_2154] : memref<64x1000000xf32, #tpu.memory_space<hbm>> -> memref<8x128xf32, #tpu.memory_space<hbm>>
      tpu.enqueue_dma source(%dma_start3A_2224 : memref<8x128xf32, #tpu.memory_space<hbm>>) target(%dma_start3A_2222 : memref<8x128xf32, #tpu.memory_space<vmem>>) target_semaphore(%arg8 : memref<!tpu.dma_semaphore, #tpu.memory_space<semaphore_mem>>)
      %dma_start3A_2225 = arith.constant 56 : i32
      %dma_start3A_2226 = arith.constant 768 : i32
      %dma_start3A_2227 = tpu.memref_slice %arg6[%dma_start3A_2225, %dma_start3A_2226] : memref<64x1536xf32, #tpu.memory_space<vmem>> -> memref<8x128xf32, #tpu.memory_space<vmem>>
      %dma_start3A_2228 = arith.constant 56 : i32
      %dma_start3A_2229 = tpu.memref_slice %arg3[%dma_start3A_2228, %multiple_of3A_2154] : memref<64x1000000xf32, #tpu.memory_space<hbm>> -> memref<8x128xf32, #tpu.memory_space<hbm>>
      %dma_start3A_2230 = arith.constant 56 : i32
      %dma_start3A_2231 = arith.constant 768 : i32
      %dma_start3A_2232 = tpu.memref_slice %arg6[%dma_start3A_2230, %dma_start3A_2231] : memref<64x1536xf32, #tpu.memory_space<vmem>> -> memref<8x128xf32, #tpu.memory_space<vmem>>
      %dma_start3A_2233 = arith.constant 56 : i32
      %dma_start3A_2234 = tpu.memref_slice %arg3[%dma_start3A_2233, %multiple_of3A_2154] : memref<64x1000000xf32, #tpu.memory_space<hbm>> -> memref<8x128xf32, #tpu.memory_space<hbm>>
      tpu.enqueue_dma source(%dma_start3A_2234 : memref<8x128xf32, #tpu.memory_space<hbm>>) target(%dma_start3A_2232 : memref<8x128xf32, #tpu.memory_space<vmem>>) target_semaphore(%arg8 : memref<!tpu.dma_semaphore, #tpu.memory_space<semaphore_mem>>)
      %slice3A_2235 = vector.extract_strided_slice %shift_right_logical3A_1979 {offsets = [3], sizes = [1], strides = [1]} : vector<16xi32> to vector<1xi32>
      %squeeze3A_2236 = vector.extract %slice3A_2235[0] : i32 from vector<1xi32>
      %mul3A_2237 = arith.constant 128 : i32
      %mul3A_2238 = arith.muli %squeeze3A_2236, %mul3A_2237 : i32
      %multiple_of3A_2239 = tpu.assume_multiple %mul3A_2238, 128 : i32
      %dma_start3A_2240 = arith.constant 0 : i32
      %dma_start3A_2241 = arith.constant 896 : i32
      %dma_start3A_2242 = tpu.memref_slice %arg6[%dma_start3A_2240, %dma_start3A_2241] : memref<64x1536xf32, #tpu.memory_space<vmem>> -> memref<8x128xf32, #tpu.memory_space<vmem>>
      %dma_start3A_2243 = arith.constant 0 : i32
      %dma_start3A_2244 = tpu.memref_slice %arg3[%dma_start3A_2243, %multiple_of3A_2239] : memref<64x1000000xf32, #tpu.memory_space<hbm>> -> memref<8x128xf32, #tpu.memory_space<hbm>>
      %dma_start3A_2245 = arith.constant 0 : i32
      %dma_start3A_2246 = arith.constant 896 : i32
      %dma_start3A_2247 = tpu.memref_slice %arg6[%dma_start3A_2245, %dma_start3A_2246] : memref<64x1536xf32, #tpu.memory_space<vmem>> -> memref<8x128xf32, #tpu.memory_space<vmem>>
      %dma_start3A_2248 = arith.constant 0 : i32
      %dma_start3A_2249 = tpu.memref_slice %arg3[%dma_start3A_2248, %multiple_of3A_2239] : memref<64x1000000xf32, #tpu.memory_space<hbm>> -> memref<8x128xf32, #tpu.memory_space<hbm>>
      tpu.enqueue_dma source(%dma_start3A_2249 : memref<8x128xf32, #tpu.memory_space<hbm>>) target(%dma_start3A_2247 : memref<8x128xf32, #tpu.memory_space<vmem>>) target_semaphore(%arg8 : memref<!tpu.dma_semaphore, #tpu.memory_space<semaphore_mem>>)
      %dma_start3A_2250 = arith.constant 8 : i32
      %dma_start3A_2251 = arith.constant 896 : i32
      %dma_start3A_2252 = tpu.memref_slice %arg6[%dma_start3A_2250, %dma_start3A_2251] : memref<64x1536xf32, #tpu.memory_space<vmem>> -> memref<8x128xf32, #tpu.memory_space<vmem>>
      %dma_start3A_2253 = arith.constant 8 : i32
      %dma_start3A_2254 = tpu.memref_slice %arg3[%dma_start3A_2253, %multiple_of3A_2239] : memref<64x1000000xf32, #tpu.memory_space<hbm>> -> memref<8x128xf32, #tpu.memory_space<hbm>>
      %dma_start3A_2255 = arith.constant 8 : i32
      %dma_start3A_2256 = arith.constant 896 : i32
      %dma_start3A_2257 = tpu.memref_slice %arg6[%dma_start3A_2255, %dma_start3A_2256] : memref<64x1536xf32, #tpu.memory_space<vmem>> -> memref<8x128xf32, #tpu.memory_space<vmem>>
      %dma_start3A_2258 = arith.constant 8 : i32
      %dma_start3A_2259 = tpu.memref_slice %arg3[%dma_start3A_2258, %multiple_of3A_2239] : memref<64x1000000xf32, #tpu.memory_space<hbm>> -> memref<8x128xf32, #tpu.memory_space<hbm>>
      tpu.enqueue_dma source(%dma_start3A_2259 : memref<8x128xf32, #tpu.memory_space<hbm>>) target(%dma_start3A_2257 : memref<8x128xf32, #tpu.memory_space<vmem>>) target_semaphore(%arg8 : memref<!tpu.dma_semaphore, #tpu.memory_space<semaphore_mem>>)
      %dma_start3A_2260 = arith.constant 16 : i32
      %dma_start3A_2261 = arith.constant 896 : i32
      %dma_start3A_2262 = tpu.memref_slice %arg6[%dma_start3A_2260, %dma_start3A_2261] : memref<64x1536xf32, #tpu.memory_space<vmem>> -> memref<8x128xf32, #tpu.memory_space<vmem>>
      %dma_start3A_2263 = arith.constant 16 : i32
      %dma_start3A_2264 = tpu.memref_slice %arg3[%dma_start3A_2263, %multiple_of3A_2239] : memref<64x1000000xf32, #tpu.memory_space<hbm>> -> memref<8x128xf32, #tpu.memory_space<hbm>>
      %dma_start3A_2265 = arith.constant 16 : i32
      %dma_start3A_2266 = arith.constant 896 : i32
      %dma_start3A_2267 = tpu.memref_slice %arg6[%dma_start3A_2265, %dma_start3A_2266] : memref<64x1536xf32, #tpu.memory_space<vmem>> -> memref<8x128xf32, #tpu.memory_space<vmem>>
      %dma_start3A_2268 = arith.constant 16 : i32
      %dma_start3A_2269 = tpu.memref_slice %arg3[%dma_start3A_2268, %multiple_of3A_2239] : memref<64x1000000xf32, #tpu.memory_space<hbm>> -> memref<8x128xf32, #tpu.memory_space<hbm>>
      tpu.enqueue_dma source(%dma_start3A_2269 : memref<8x128xf32, #tpu.memory_space<hbm>>) target(%dma_start3A_2267 : memref<8x128xf32, #tpu.memory_space<vmem>>) target_semaphore(%arg8 : memref<!tpu.dma_semaphore, #tpu.memory_space<semaphore_mem>>)
      %dma_start3A_2270 = arith.constant 24 : i32
      %dma_start3A_2271 = arith.constant 896 : i32
      %dma_start3A_2272 = tpu.memref_slice %arg6[%dma_start3A_2270, %dma_start3A_2271] : memref<64x1536xf32, #tpu.memory_space<vmem>> -> memref<8x128xf32, #tpu.memory_space<vmem>>
      %dma_start3A_2273 = arith.constant 24 : i32
      %dma_start3A_2274 = tpu.memref_slice %arg3[%dma_start3A_2273, %multiple_of3A_2239] : memref<64x1000000xf32, #tpu.memory_space<hbm>> -> memref<8x128xf32, #tpu.memory_space<hbm>>
      %dma_start3A_2275 = arith.constant 24 : i32
      %dma_start3A_2276 = arith.constant 896 : i32
      %dma_start3A_2277 = tpu.memref_slice %arg6[%dma_start3A_2275, %dma_start3A_2276] : memref<64x1536xf32, #tpu.memory_space<vmem>> -> memref<8x128xf32, #tpu.memory_space<vmem>>
      %dma_start3A_2278 = arith.constant 24 : i32
      %dma_start3A_2279 = tpu.memref_slice %arg3[%dma_start3A_2278, %multiple_of3A_2239] : memref<64x1000000xf32, #tpu.memory_space<hbm>> -> memref<8x128xf32, #tpu.memory_space<hbm>>
      tpu.enqueue_dma source(%dma_start3A_2279 : memref<8x128xf32, #tpu.memory_space<hbm>>) target(%dma_start3A_2277 : memref<8x128xf32, #tpu.memory_space<vmem>>) target_semaphore(%arg8 : memref<!tpu.dma_semaphore, #tpu.memory_space<semaphore_mem>>)
      %dma_start3A_2280 = arith.constant 32 : i32
      %dma_start3A_2281 = arith.constant 896 : i32
      %dma_start3A_2282 = tpu.memref_slice %arg6[%dma_start3A_2280, %dma_start3A_2281] : memref<64x1536xf32, #tpu.memory_space<vmem>> -> memref<8x128xf32, #tpu.memory_space<vmem>>
      %dma_start3A_2283 = arith.constant 32 : i32
      %dma_start3A_2284 = tpu.memref_slice %arg3[%dma_start3A_2283, %multiple_of3A_2239] : memref<64x1000000xf32, #tpu.memory_space<hbm>> -> memref<8x128xf32, #tpu.memory_space<hbm>>
      %dma_start3A_2285 = arith.constant 32 : i32
      %dma_start3A_2286 = arith.constant 896 : i32
      %dma_start3A_2287 = tpu.memref_slice %arg6[%dma_start3A_2285, %dma_start3A_2286] : memref<64x1536xf32, #tpu.memory_space<vmem>> -> memref<8x128xf32, #tpu.memory_space<vmem>>
      %dma_start3A_2288 = arith.constant 32 : i32
      %dma_start3A_2289 = tpu.memref_slice %arg3[%dma_start3A_2288, %multiple_of3A_2239] : memref<64x1000000xf32, #tpu.memory_space<hbm>> -> memref<8x128xf32, #tpu.memory_space<hbm>>
      tpu.enqueue_dma source(%dma_start3A_2289 : memref<8x128xf32, #tpu.memory_space<hbm>>) target(%dma_start3A_2287 : memref<8x128xf32, #tpu.memory_space<vmem>>) target_semaphore(%arg8 : memref<!tpu.dma_semaphore, #tpu.memory_space<semaphore_mem>>)
      %dma_start3A_2290 = arith.constant 40 : i32
      %dma_start3A_2291 = arith.constant 896 : i32
      %dma_start3A_2292 = tpu.memref_slice %arg6[%dma_start3A_2290, %dma_start3A_2291] : memref<64x1536xf32, #tpu.memory_space<vmem>> -> memref<8x128xf32, #tpu.memory_space<vmem>>
      %dma_start3A_2293 = arith.constant 40 : i32
      %dma_start3A_2294 = tpu.memref_slice %arg3[%dma_start3A_2293, %multiple_of3A_2239] : memref<64x1000000xf32, #tpu.memory_space<hbm>> -> memref<8x128xf32, #tpu.memory_space<hbm>>
      %dma_start3A_2295 = arith.constant 40 : i32
      %dma_start3A_2296 = arith.constant 896 : i32
      %dma_start3A_2297 = tpu.memref_slice %arg6[%dma_start3A_2295, %dma_start3A_2296] : memref<64x1536xf32, #tpu.memory_space<vmem>> -> memref<8x128xf32, #tpu.memory_space<vmem>>
      %dma_start3A_2298 = arith.constant 40 : i32
      %dma_start3A_2299 = tpu.memref_slice %arg3[%dma_start3A_2298, %multiple_of3A_2239] : memref<64x1000000xf32, #tpu.memory_space<hbm>> -> memref<8x128xf32, #tpu.memory_space<hbm>>
      tpu.enqueue_dma source(%dma_start3A_2299 : memref<8x128xf32, #tpu.memory_space<hbm>>) target(%dma_start3A_2297 : memref<8x128xf32, #tpu.memory_space<vmem>>) target_semaphore(%arg8 : memref<!tpu.dma_semaphore, #tpu.memory_space<semaphore_mem>>)
      %dma_start3A_2300 = arith.constant 48 : i32
      %dma_start3A_2301 = arith.constant 896 : i32
      %dma_start3A_2302 = tpu.memref_slice %arg6[%dma_start3A_2300, %dma_start3A_2301] : memref<64x1536xf32, #tpu.memory_space<vmem>> -> memref<8x128xf32, #tpu.memory_space<vmem>>
      %dma_start3A_2303 = arith.constant 48 : i32
      %dma_start3A_2304 = tpu.memref_slice %arg3[%dma_start3A_2303, %multiple_of3A_2239] : memref<64x1000000xf32, #tpu.memory_space<hbm>> -> memref<8x128xf32, #tpu.memory_space<hbm>>
      %dma_start3A_2305 = arith.constant 48 : i32
      %dma_start3A_2306 = arith.constant 896 : i32
      %dma_start3A_2307 = tpu.memref_slice %arg6[%dma_start3A_2305, %dma_start3A_2306] : memref<64x1536xf32, #tpu.memory_space<vmem>> -> memref<8x128xf32, #tpu.memory_space<vmem>>
      %dma_start3A_2308 = arith.constant 48 : i32
      %dma_start3A_2309 = tpu.memref_slice %arg3[%dma_start3A_2308, %multiple_of3A_2239] : memref<64x1000000xf32, #tpu.memory_space<hbm>> -> memref<8x128xf32, #tpu.memory_space<hbm>>
      tpu.enqueue_dma source(%dma_start3A_2309 : memref<8x128xf32, #tpu.memory_space<hbm>>) target(%dma_start3A_2307 : memref<8x128xf32, #tpu.memory_space<vmem>>) target_semaphore(%arg8 : memref<!tpu.dma_semaphore, #tpu.memory_space<semaphore_mem>>)
      %dma_start3A_2310 = arith.constant 56 : i32
      %dma_start3A_2311 = arith.constant 896 : i32
      %dma_start3A_2312 = tpu.memref_slice %arg6[%dma_start3A_2310, %dma_start3A_2311] : memref<64x1536xf32, #tpu.memory_space<vmem>> -> memref<8x128xf32, #tpu.memory_space<vmem>>
      %dma_start3A_2313 = arith.constant 56 : i32
      %dma_start3A_2314 = tpu.memref_slice %arg3[%dma_start3A_2313, %multiple_of3A_2239] : memref<64x1000000xf32, #tpu.memory_space<hbm>> -> memref<8x128xf32, #tpu.memory_space<hbm>>
      %dma_start3A_2315 = arith.constant 56 : i32
      %dma_start3A_2316 = arith.constant 896 : i32
      %dma_start3A_2317 = tpu.memref_slice %arg6[%dma_start3A_2315, %dma_start3A_2316] : memref<64x1536xf32, #tpu.memory_space<vmem>> -> memref<8x128xf32, #tpu.memory_space<vmem>>
      %dma_start3A_2318 = arith.constant 56 : i32
      %dma_start3A_2319 = tpu.memref_slice %arg3[%dma_start3A_2318, %multiple_of3A_2239] : memref<64x1000000xf32, #tpu.memory_space<hbm>> -> memref<8x128xf32, #tpu.memory_space<hbm>>
      tpu.enqueue_dma source(%dma_start3A_2319 : memref<8x128xf32, #tpu.memory_space<hbm>>) target(%dma_start3A_2317 : memref<8x128xf32, #tpu.memory_space<vmem>>) target_semaphore(%arg8 : memref<!tpu.dma_semaphore, #tpu.memory_space<semaphore_mem>>)
      %mul3A_2320 = arith.constant 4 : i32
      %mul3A_2321 = arith.muli %add3A_1958, %mul3A_2320 : i32
      %get3A_2322 = arith.index_cast %mul3A_2321 : i32 to index
      %get3A_2323 = tpu.vector_load %arg5[%get3A_2322] {strides = array<i32>} : memref<528xi32, #tpu.memory_space<vmem>>, vector<16xi32>,
      %and3A_2324 = arith.constant 127 : i32
      %and3A_2325 = vector.broadcast %and3A_2324 : i32 to vector<16xi32>
      %and3A_2326 = arith.andi %get3A_2323, %and3A_2325 : vector<16xi32>
      %broadcast_in_dim3A_2327 = arith.constant 1024 : i32
      %broadcast_in_dim3A_2328 = vector.broadcast %broadcast_in_dim3A_2327 : i32 to vector<16xi32>
      %slice3A_2329 = vector.extract_strided_slice %and3A_2326 {offsets = [0], sizes = [1], strides = [1]} : vector<16xi32> to vector<1xi32>
      %squeeze3A_2330 = vector.extract %slice3A_2329[0] : i32 from vector<1xi32>
      %add3A_2331 = vector.broadcast %squeeze3A_2330 : i32 to vector<16xi32>
      %add3A_2332 = arith.addi %broadcast_in_dim3A_2328, %add3A_2331 : vector<16xi32>
      %broadcast_in_dim3A_2333 = arith.constant 0 : i32
      %broadcast_in_dim3A_2334 = vector.broadcast %broadcast_in_dim3A_2333 : i32 to vector<16xi32>
      %mul3A_2335 = arith.constant 4 : i32
      %mul3A_2336 = arith.muli %add3A_1958, %mul3A_2335 : i32
      %add3A_2337 = arith.constant 0 : i32
      %add3A_2338 = arith.addi %mul3A_2336, %add3A_2337 : i32
      %and3A_2339 = arith.constant 127 : i32
      %and3A_2340 = arith.andi %add3A_2338, %and3A_2339 : i32
      %add3A_2341 = vector.broadcast %and3A_2340 : i32 to vector<16xi32>
      %add3A_2342 = arith.addi %broadcast_in_dim3A_2334, %add3A_2341 : vector<16xi32>
      %add3A_2343 = arith.constant 0 : i32
      %add3A_2344 = vector.broadcast %add3A_2343 : i32 to vector<16xi32>
      %add3A_2345 = arith.addi %iota3A, %add3A_2344 : vector<16xi32>
      %gather3A_2346 = tpu.vector_load_idx %arg6[%add3A_2345, %add3A_2332] : memref<64x1536xf32, #tpu.memory_space<vmem>>[vector<16xi32>, vector<16xi32>], vector<16xf32>,
      tpu.vector_store_idx %arg7[%add3A_2345, %add3A_2342], %gather3A_2346 : memref<64x128xf32, #tpu.memory_space<vmem>>[vector<16xi32>, vector<16xi32>], vector<16xf32>,
      %add3A_2347 = arith.constant 16 : i32
      %add3A_2348 = vector.broadcast %add3A_2347 : i32 to vector<16xi32>
      %add3A_2349 = arith.addi %iota3A, %add3A_2348 : vector<16xi32>
      %gather3A_2350 = tpu.vector_load_idx %arg6[%add3A_2349, %add3A_2332] : memref<64x1536xf32, #tpu.memory_space<vmem>>[vector<16xi32>, vector<16xi32>], vector<16xf32>,
      tpu.vector_store_idx %arg7[%add3A_2349, %add3A_2342], %gather3A_2350 : memref<64x128xf32, #tpu.memory_space<vmem>>[vector<16xi32>, vector<16xi32>], vector<16xf32>,
      %add3A_2351 = arith.constant 32 : i32
      %add3A_2352 = vector.broadcast %add3A_2351 : i32 to vector<16xi32>
      %add3A_2353 = arith.addi %iota3A, %add3A_2352 : vector<16xi32>
      %gather3A_2354 = tpu.vector_load_idx %arg6[%add3A_2353, %add3A_2332] : memref<64x1536xf32, #tpu.memory_space<vmem>>[vector<16xi32>, vector<16xi32>], vector<16xf32>,
      tpu.vector_store_idx %arg7[%add3A_2353, %add3A_2342], %gather3A_2354 : memref<64x128xf32, #tpu.memory_space<vmem>>[vector<16xi32>, vector<16xi32>], vector<16xf32>,
      %add3A_2355 = arith.constant 48 : i32
      %add3A_2356 = vector.broadcast %add3A_2355 : i32 to vector<16xi32>
      %add3A_2357 = arith.addi %iota3A, %add3A_2356 : vector<16xi32>
      %gather3A_2358 = tpu.vector_load_idx %arg6[%add3A_2357, %add3A_2332] : memref<64x1536xf32, #tpu.memory_space<vmem>>[vector<16xi32>, vector<16xi32>], vector<16xf32>,
      tpu.vector_store_idx %arg7[%add3A_2357, %add3A_2342], %gather3A_2358 : memref<64x128xf32, #tpu.memory_space<vmem>>[vector<16xi32>, vector<16xi32>], vector<16xf32>,
      %broadcast_in_dim3A_2359 = arith.constant 1152 : i32
      %broadcast_in_dim3A_2360 = vector.broadcast %broadcast_in_dim3A_2359 : i32 to vector<16xi32>
      %slice3A_2361 = vector.extract_strided_slice %and3A_2326 {offsets = [1], sizes = [1], strides = [1]} : vector<16xi32> to vector<1xi32>
      %squeeze3A_2362 = vector.extract %slice3A_2361[0] : i32 from vector<1xi32>
      %add3A_2363 = vector.broadcast %squeeze3A_2362 : i32 to vector<16xi32>
      %add3A_2364 = arith.addi %broadcast_in_dim3A_2360, %add3A_2363 : vector<16xi32>
      %broadcast_in_dim3A_2365 = arith.constant 0 : i32
      %broadcast_in_dim3A_2366 = vector.broadcast %broadcast_in_dim3A_2365 : i32 to vector<16xi32>
      %mul3A_2367 = arith.constant 4 : i32
      %mul3A_2368 = arith.muli %add3A_1958, %mul3A_2367 : i32
      %add3A_2369 = arith.constant 1 : i32
      %add3A_2370 = arith.addi %mul3A_2368, %add3A_2369 : i32
      %and3A_2371 = arith.constant 127 : i32
      %and3A_2372 = arith.andi %add3A_2370, %and3A_2371 : i32
      %add3A_2373 = vector.broadcast %and3A_2372 : i32 to vector<16xi32>
      %add3A_2374 = arith.addi %broadcast_in_dim3A_2366, %add3A_2373 : vector<16xi32>
      %add3A_2375 = arith.constant 0 : i32
      %add3A_2376 = vector.broadcast %add3A_2375 : i32 to vector<16xi32>
      %add3A_2377 = arith.addi %iota3A, %add3A_2376 : vector<16xi32>
      %gather3A_2378 = tpu.vector_load_idx %arg6[%add3A_2377, %add3A_2364] : memref<64x1536xf32, #tpu.memory_space<vmem>>[vector<16xi32>, vector<16xi32>], vector<16xf32>,
      tpu.vector_store_idx %arg7[%add3A_2377, %add3A_2374], %gather3A_2378 : memref<64x128xf32, #tpu.memory_space<vmem>>[vector<16xi32>, vector<16xi32>], vector<16xf32>,
      %add3A_2379 = arith.constant 16 : i32
      %add3A_2380 = vector.broadcast %add3A_2379 : i32 to vector<16xi32>
      %add3A_2381 = arith.addi %iota3A, %add3A_2380 : vector<16xi32>
      %gather3A_2382 = tpu.vector_load_idx %arg6[%add3A_2381, %add3A_2364] : memref<64x1536xf32, #tpu.memory_space<vmem>>[vector<16xi32>, vector<16xi32>], vector<16xf32>,
      tpu.vector_store_idx %arg7[%add3A_2381, %add3A_2374], %gather3A_2382 : memref<64x128xf32, #tpu.memory_space<vmem>>[vector<16xi32>, vector<16xi32>], vector<16xf32>,
      %add3A_2383 = arith.constant 32 : i32
      %add3A_2384 = vector.broadcast %add3A_2383 : i32 to vector<16xi32>
      %add3A_2385 = arith.addi %iota3A, %add3A_2384 : vector<16xi32>
      %gather3A_2386 = tpu.vector_load_idx %arg6[%add3A_2385, %add3A_2364] : memref<64x1536xf32, #tpu.memory_space<vmem>>[vector<16xi32>, vector<16xi32>], vector<16xf32>,
      tpu.vector_store_idx %arg7[%add3A_2385, %add3A_2374], %gather3A_2386 : memref<64x128xf32, #tpu.memory_space<vmem>>[vector<16xi32>, vector<16xi32>], vector<16xf32>,
      %add3A_2387 = arith.constant 48 : i32
      %add3A_2388 = vector.broadcast %add3A_2387 : i32 to vector<16xi32>
      %add3A_2389 = arith.addi %iota3A, %add3A_2388 : vector<16xi32>
      %gather3A_2390 = tpu.vector_load_idx %arg6[%add3A_2389, %add3A_2364] : memref<64x1536xf32, #tpu.memory_space<vmem>>[vector<16xi32>, vector<16xi32>], vector<16xf32>,
      tpu.vector_store_idx %arg7[%add3A_2389, %add3A_2374], %gather3A_2390 : memref<64x128xf32, #tpu.memory_space<vmem>>[vector<16xi32>, vector<16xi32>], vector<16xf32>,
      %broadcast_in_dim3A_2391 = arith.constant 1280 : i32
      %broadcast_in_dim3A_2392 = vector.broadcast %broadcast_in_dim3A_2391 : i32 to vector<16xi32>
      %slice3A_2393 = vector.extract_strided_slice %and3A_2326 {offsets = [2], sizes = [1], strides = [1]} : vector<16xi32> to vector<1xi32>
      %squeeze3A_2394 = vector.extract %slice3A_2393[0] : i32 from vector<1xi32>
      %add3A_2395 = vector.broadcast %squeeze3A_2394 : i32 to vector<16xi32>
      %add3A_2396 = arith.addi %broadcast_in_dim3A_2392, %add3A_2395 : vector<16xi32>
      %broadcast_in_dim3A_2397 = arith.constant 0 : i32
      %broadcast_in_dim3A_2398 = vector.broadcast %broadcast_in_dim3A_2397 : i32 to vector<16xi32>
      %mul3A_2399 = arith.constant 4 : i32
      %mul3A_2400 = arith.muli %add3A_1958, %mul3A_2399 : i32
      %add3A_2401 = arith.constant 2 : i32
      %add3A_2402 = arith.addi %mul3A_2400, %add3A_2401 : i32
      %and3A_2403 = arith.constant 127 : i32
      %and3A_2404 = arith.andi %add3A_2402, %and3A_2403 : i32
      %add3A_2405 = vector.broadcast %and3A_2404 : i32 to vector<16xi32>
      %add3A_2406 = arith.addi %broadcast_in_dim3A_2398, %add3A_2405 : vector<16xi32>
      %add3A_2407 = arith.constant 0 : i32
      %add3A_2408 = vector.broadcast %add3A_2407 : i32 to vector<16xi32>
      %add3A_2409 = arith.addi %iota3A, %add3A_2408 : vector<16xi32>
      %gather3A_2410 = tpu.vector_load_idx %arg6[%add3A_2409, %add3A_2396] : memref<64x1536xf32, #tpu.memory_space<vmem>>[vector<16xi32>, vector<16xi32>], vector<16xf32>,
      tpu.vector_store_idx %arg7[%add3A_2409, %add3A_2406], %gather3A_2410 : memref<64x128xf32, #tpu.memory_space<vmem>>[vector<16xi32>, vector<16xi32>], vector<16xf32>,
      %add3A_2411 = arith.constant 16 : i32
      %add3A_2412 = vector.broadcast %add3A_2411 : i32 to vector<16xi32>
      %add3A_2413 = arith.addi %iota3A, %add3A_2412 : vector<16xi32>
      %gather3A_2414 = tpu.vector_load_idx %arg6[%add3A_2413, %add3A_2396] : memref<64x1536xf32, #tpu.memory_space<vmem>>[vector<16xi32>, vector<16xi32>], vector<16xf32>,
      tpu.vector_store_idx %arg7[%add3A_2413, %add3A_2406], %gather3A_2414 : memref<64x128xf32, #tpu.memory_space<vmem>>[vector<16xi32>, vector<16xi32>], vector<16xf32>,
      %add3A_2415 = arith.constant 32 : i32
      %add3A_2416 = vector.broadcast %add3A_2415 : i32 to vector<16xi32>
      %add3A_2417 = arith.addi %iota3A, %add3A_2416 : vector<16xi32>
      %gather3A_2418 = tpu.vector_load_idx %arg6[%add3A_2417, %add3A_2396] : memref<64x1536xf32, #tpu.memory_space<vmem>>[vector<16xi32>, vector<16xi32>], vector<16xf32>,
      tpu.vector_store_idx %arg7[%add3A_2417, %add3A_2406], %gather3A_2418 : memref<64x128xf32, #tpu.memory_space<vmem>>[vector<16xi32>, vector<16xi32>], vector<16xf32>,
      %add3A_2419 = arith.constant 48 : i32
      %add3A_2420 = vector.broadcast %add3A_2419 : i32 to vector<16xi32>
      %add3A_2421 = arith.addi %iota3A, %add3A_2420 : vector<16xi32>
      %gather3A_2422 = tpu.vector_load_idx %arg6[%add3A_2421, %add3A_2396] : memref<64x1536xf32, #tpu.memory_space<vmem>>[vector<16xi32>, vector<16xi32>], vector<16xf32>,
      tpu.vector_store_idx %arg7[%add3A_2421, %add3A_2406], %gather3A_2422 : memref<64x128xf32, #tpu.memory_space<vmem>>[vector<16xi32>, vector<16xi32>], vector<16xf32>,
      %broadcast_in_dim3A_2423 = arith.constant 1408 : i32
      %broadcast_in_dim3A_2424 = vector.broadcast %broadcast_in_dim3A_2423 : i32 to vector<16xi32>
      %slice3A_2425 = vector.extract_strided_slice %and3A_2326 {offsets = [3], sizes = [1], strides = [1]} : vector<16xi32> to vector<1xi32>
      %squeeze3A_2426 = vector.extract %slice3A_2425[0] : i32 from vector<1xi32>
      %add3A_2427 = vector.broadcast %squeeze3A_2426 : i32 to vector<16xi32>
      %add3A_2428 = arith.addi %broadcast_in_dim3A_2424, %add3A_2427 : vector<16xi32>
      %broadcast_in_dim3A_2429 = arith.constant 0 : i32
      %broadcast_in_dim3A_2430 = vector.broadcast %broadcast_in_dim3A_2429 : i32 to vector<16xi32>
      %mul3A_2431 = arith.constant 4 : i32
      %mul3A_2432 = arith.muli %add3A_1958, %mul3A_2431 : i32
      %add3A_2433 = arith.constant 3 : i32
      %add3A_2434 = arith.addi %mul3A_2432, %add3A_2433 : i32
      %and3A_2435 = arith.constant 127 : i32
      %and3A_2436 = arith.andi %add3A_2434, %and3A_2435 : i32
      %add3A_2437 = vector.broadcast %and3A_2436 : i32 to vector<16xi32>
      %add3A_2438 = arith.addi %broadcast_in_dim3A_2430, %add3A_2437 : vector<16xi32>
      %add3A_2439 = arith.constant 0 : i32
      %add3A_2440 = vector.broadcast %add3A_2439 : i32 to vector<16xi32>
      %add3A_2441 = arith.addi %iota3A, %add3A_2440 : vector<16xi32>
      %gather3A_2442 = tpu.vector_load_idx %arg6[%add3A_2441, %add3A_2428] : memref<64x1536xf32, #tpu.memory_space<vmem>>[vector<16xi32>, vector<16xi32>], vector<16xf32>,
      tpu.vector_store_idx %arg7[%add3A_2441, %add3A_2438], %gather3A_2442 : memref<64x128xf32, #tpu.memory_space<vmem>>[vector<16xi32>, vector<16xi32>], vector<16xf32>,
      %add3A_2443 = arith.constant 16 : i32
      %add3A_2444 = vector.broadcast %add3A_2443 : i32 to vector<16xi32>
      %add3A_2445 = arith.addi %iota3A, %add3A_2444 : vector<16xi32>
      %gather3A_2446 = tpu.vector_load_idx %arg6[%add3A_2445, %add3A_2428] : memref<64x1536xf32, #tpu.memory_space<vmem>>[vector<16xi32>, vector<16xi32>], vector<16xf32>,
      tpu.vector_store_idx %arg7[%add3A_2445, %add3A_2438], %gather3A_2446 : memref<64x128xf32, #tpu.memory_space<vmem>>[vector<16xi32>, vector<16xi32>], vector<16xf32>,
      %add3A_2447 = arith.constant 32 : i32
      %add3A_2448 = vector.broadcast %add3A_2447 : i32 to vector<16xi32>
      %add3A_2449 = arith.addi %iota3A, %add3A_2448 : vector<16xi32>
      %gather3A_2450 = tpu.vector_load_idx %arg6[%add3A_2449, %add3A_2428] : memref<64x1536xf32, #tpu.memory_space<vmem>>[vector<16xi32>, vector<16xi32>], vector<16xf32>,
      tpu.vector_store_idx %arg7[%add3A_2449, %add3A_2438], %gather3A_2450 : memref<64x128xf32, #tpu.memory_space<vmem>>[vector<16xi32>, vector<16xi32>], vector<16xf32>,
      %add3A_2451 = arith.constant 48 : i32
      %add3A_2452 = vector.broadcast %add3A_2451 : i32 to vector<16xi32>
      %add3A_2453 = arith.addi %iota3A, %add3A_2452 : vector<16xi32>
      %gather3A_2454 = tpu.vector_load_idx %arg6[%add3A_2453, %add3A_2428] : memref<64x1536xf32, #tpu.memory_space<vmem>>[vector<16xi32>, vector<16xi32>], vector<16xf32>,
      tpu.vector_store_idx %arg7[%add3A_2453, %add3A_2438], %gather3A_2454 : memref<64x128xf32, #tpu.memory_space<vmem>>[vector<16xi32>, vector<16xi32>], vector<16xf32>,
      %and3A_2455 = arith.constant 31 : i32
      %and3A_2456 = arith.andi %add3A_1958, %and3A_2455 : i32
      %eq3A_2457 = arith.constant 31 : i32
      %eq3A_2458 = arith.cmpi eq, %and3A_2456, %eq3A_2457 : i32
      %convert_element_type3A_2459 = arith.extui %eq3A_2458 : i1 to i32
      %cond3A_2460 = arith.constant 0 : i32
      %cond3A_2461 = arith.cmpi ne, %convert_element_type3A_2459, %cond3A_2460 : i32
      scf.if %cond3A_2461 {
        %mul3A_2463 = arith.constant 4 : i32
        %mul3A_2464 = arith.muli %add3A_1958, %mul3A_2463 : i32
        %sub3A = arith.constant 124 : i32
        %sub3A_2465 = arith.subi %mul3A_2464, %sub3A : i32
        %multiple_of3A_2466 = tpu.assume_multiple %sub3A_2465, 128 : i32
        %add3A_2467 = arith.addi %mul3A_2, %multiple_of3A_2466 : i32
        "tpu.region"() ({
          %run_scoped3A = tpu.sem_alloc : memref<!tpu.dma_semaphore, #tpu.memory_space<semaphore_mem>>
          %dma_start3A_2468 = arith.constant 0 : i32
          %dma_start3A_2469 = tpu.memref_slice %arg4[%dma_start3A_2468, %add3A_2467] : memref<64x16384xf32, #tpu.memory_space<hbm>> -> memref<64x128xf32, #tpu.memory_space<hbm>>
          %dma_start3A_2470 = arith.constant 0 : i32
          %dma_start3A_2471 = tpu.memref_slice %arg4[%dma_start3A_2470, %add3A_2467] : memref<64x16384xf32, #tpu.memory_space<hbm>> -> memref<64x128xf32, #tpu.memory_space<hbm>>
          tpu.enqueue_dma source(%arg7 : memref<64x128xf32, #tpu.memory_space<vmem>>) target(%dma_start3A_2471 : memref<64x128xf32, #tpu.memory_space<hbm>>) target_semaphore(%run_scoped3A : memref<!tpu.dma_semaphore, #tpu.memory_space<semaphore_mem>>)
          %dma_wait3A_2472 = arith.constant 0 : i32
          %dma_wait3A_2473 = tpu.memref_slice %arg4[%dma_wait3A_2472, %add3A_2467] : memref<64x16384xf32, #tpu.memory_space<hbm>> -> memref<64x128xf32, #tpu.memory_space<hbm>>
          %dma_wait3A_2474 = arith.constant 0 : i32
          %dma_wait3A_2475 = tpu.memref_slice %arg4[%dma_wait3A_2474, %add3A_2467] : memref<64x16384xf32, #tpu.memory_space<hbm>> -> memref<64x128xf32, #tpu.memory_space<hbm>>
          tpu.wait_dma2 semaphore(%run_scoped3A : memref<!tpu.dma_semaphore, #tpu.memory_space<semaphore_mem>>) src(%arg7 : memref<64x128xf32, #tpu.memory_space<vmem>>) dst(%dma_wait3A_2475 : memref<64x128xf32, #tpu.memory_space<hbm>>)
          tpu.yield
        }) : () -> ()
      } else {
      }
      %scan3A_2462 = arith.constant 0 : i32
      scf.yield %scan3A_2462 : i32
    }
    %scan3A_692 = arith.constant 42 : i32
    %dma_wait3A = arith.constant 0 : i32
    %dma_wait3A_693 = arith.constant 0 : i32
    %dma_wait3A_694 = tpu.memref_slice %arg6[%dma_wait3A, %dma_wait3A_693] : memref<64x1536xf32, #tpu.memory_space<vmem>> -> memref<64x512xf32, #tpu.memory_space<vmem>>
    %dma_wait3A_695 = arith.constant 0 : i32
    %dma_wait3A_696 = arith.constant 0 : i32
    %dma_wait3A_697 = tpu.memref_slice %arg3[%dma_wait3A_695, %dma_wait3A_696] : memref<64x1000000xf32, #tpu.memory_space<hbm>> -> memref<64x512xf32, #tpu.memory_space<hbm>>
    %dma_wait3A_698 = arith.constant 0 : i32
    %dma_wait3A_699 = arith.constant 0 : i32
    %dma_wait3A_700 = tpu.memref_slice %arg6[%dma_wait3A_698, %dma_wait3A_699] : memref<64x1536xf32, #tpu.memory_space<vmem>> -> memref<64x512xf32, #tpu.memory_space<vmem>>
    %dma_wait3A_701 = arith.constant 0 : i32
    %dma_wait3A_702 = arith.constant 0 : i32
    %dma_wait3A_703 = tpu.memref_slice %arg3[%dma_wait3A_701, %dma_wait3A_702] : memref<64x1000000xf32, #tpu.memory_space<hbm>> -> memref<64x512xf32, #tpu.memory_space<hbm>>
    tpu.wait_dma2 semaphore(%arg8 : memref<!tpu.dma_semaphore, #tpu.memory_space<semaphore_mem>>) src(%dma_wait3A_703 : memref<64x512xf32, #tpu.memory_space<hbm>>) dst(%dma_wait3A_700 : memref<64x512xf32, #tpu.memory_space<vmem>>)
    %get3A_704 = arith.constant 504 : index
    %get3A_705 = tpu.vector_load %arg5[%get3A_704] {strides = array<i32>} : memref<528xi32, #tpu.memory_space<vmem>>, vector<16xi32>,
    %and3A = arith.constant 127 : i32
    %and3A_706 = vector.broadcast %and3A : i32 to vector<16xi32>
    %and3A_707 = arith.andi %get3A_705, %and3A_706 : vector<16xi32>
    %broadcast_in_dim3A = arith.constant 0 : i32
    %broadcast_in_dim3A_708 = vector.broadcast %broadcast_in_dim3A : i32 to vector<16xi32>
    %slice3A_709 = vector.extract_strided_slice %and3A_707 {offsets = [0], sizes = [1], strides = [1]} : vector<16xi32> to vector<1xi32>
    %squeeze3A_710 = vector.extract %slice3A_709[0] : i32 from vector<1xi32>
    %add3A_711 = vector.broadcast %squeeze3A_710 : i32 to vector<16xi32>
    %add3A_712 = arith.addi %broadcast_in_dim3A_708, %add3A_711 : vector<16xi32>
    %broadcast_in_dim3A_713 = arith.constant 0 : i32
    %broadcast_in_dim3A_714 = vector.broadcast %broadcast_in_dim3A_713 : i32 to vector<16xi32>
    %add3A_715 = arith.constant 120 : i32
    %add3A_716 = vector.broadcast %add3A_715 : i32 to vector<16xi32>
    %add3A_717 = arith.addi %broadcast_in_dim3A_714, %add3A_716 : vector<16xi32>
    %add3A_718 = arith.constant 0 : i32
    %add3A_719 = vector.broadcast %add3A_718 : i32 to vector<16xi32>
    %add3A_720 = arith.addi %iota3A, %add3A_719 : vector<16xi32>
    %gather3A = tpu.vector_load_idx %arg6[%add3A_720, %add3A_712] : memref<64x1536xf32, #tpu.memory_space<vmem>>[vector<16xi32>, vector<16xi32>], vector<16xf32>,
    tpu.vector_store_idx %arg7[%add3A_720, %add3A_717], %gather3A : memref<64x128xf32, #tpu.memory_space<vmem>>[vector<16xi32>, vector<16xi32>], vector<16xf32>,
    %add3A_721 = arith.constant 16 : i32
    %add3A_722 = vector.broadcast %add3A_721 : i32 to vector<16xi32>
    %add3A_723 = arith.addi %iota3A, %add3A_722 : vector<16xi32>
    %gather3A_724 = tpu.vector_load_idx %arg6[%add3A_723, %add3A_712] : memref<64x1536xf32, #tpu.memory_space<vmem>>[vector<16xi32>, vector<16xi32>], vector<16xf32>,
    tpu.vector_store_idx %arg7[%add3A_723, %add3A_717], %gather3A_724 : memref<64x128xf32, #tpu.memory_space<vmem>>[vector<16xi32>, vector<16xi32>], vector<16xf32>,
    %add3A_725 = arith.constant 32 : i32
    %add3A_726 = vector.broadcast %add3A_725 : i32 to vector<16xi32>
    %add3A_727 = arith.addi %iota3A, %add3A_726 : vector<16xi32>
    %gather3A_728 = tpu.vector_load_idx %arg6[%add3A_727, %add3A_712] : memref<64x1536xf32, #tpu.memory_space<vmem>>[vector<16xi32>, vector<16xi32>], vector<16xf32>,
    tpu.vector_store_idx %arg7[%add3A_727, %add3A_717], %gather3A_728 : memref<64x128xf32, #tpu.memory_space<vmem>>[vector<16xi32>, vector<16xi32>], vector<16xf32>,
    %add3A_729 = arith.constant 48 : i32
    %add3A_730 = vector.broadcast %add3A_729 : i32 to vector<16xi32>
    %add3A_731 = arith.addi %iota3A, %add3A_730 : vector<16xi32>
    %gather3A_732 = tpu.vector_load_idx %arg6[%add3A_731, %add3A_712] : memref<64x1536xf32, #tpu.memory_space<vmem>>[vector<16xi32>, vector<16xi32>], vector<16xf32>,
    tpu.vector_store_idx %arg7[%add3A_731, %add3A_717], %gather3A_732 : memref<64x128xf32, #tpu.memory_space<vmem>>[vector<16xi32>, vector<16xi32>], vector<16xf32>,
    %broadcast_in_dim3A_733 = arith.constant 128 : i32
    %broadcast_in_dim3A_734 = vector.broadcast %broadcast_in_dim3A_733 : i32 to vector<16xi32>
    %slice3A_735 = vector.extract_strided_slice %and3A_707 {offsets = [1], sizes = [1], strides = [1]} : vector<16xi32> to vector<1xi32>
    %squeeze3A_736 = vector.extract %slice3A_735[0] : i32 from vector<1xi32>
    %add3A_737 = vector.broadcast %squeeze3A_736 : i32 to vector<16xi32>
    %add3A_738 = arith.addi %broadcast_in_dim3A_734, %add3A_737 : vector<16xi32>
    %broadcast_in_dim3A_739 = arith.constant 0 : i32
    %broadcast_in_dim3A_740 = vector.broadcast %broadcast_in_dim3A_739 : i32 to vector<16xi32>
    %add3A_741 = arith.constant 121 : i32
    %add3A_742 = vector.broadcast %add3A_741 : i32 to vector<16xi32>
    %add3A_743 = arith.addi %broadcast_in_dim3A_740, %add3A_742 : vector<16xi32>
    %add3A_744 = arith.constant 0 : i32
    %add3A_745 = vector.broadcast %add3A_744 : i32 to vector<16xi32>
    %add3A_746 = arith.addi %iota3A, %add3A_745 : vector<16xi32>
    %gather3A_747 = tpu.vector_load_idx %arg6[%add3A_746, %add3A_738] : memref<64x1536xf32, #tpu.memory_space<vmem>>[vector<16xi32>, vector<16xi32>], vector<16xf32>,
    tpu.vector_store_idx %arg7[%add3A_746, %add3A_743], %gather3A_747 : memref<64x128xf32, #tpu.memory_space<vmem>>[vector<16xi32>, vector<16xi32>], vector<16xf32>,
    %add3A_748 = arith.constant 16 : i32
    %add3A_749 = vector.broadcast %add3A_748 : i32 to vector<16xi32>
    %add3A_750 = arith.addi %iota3A, %add3A_749 : vector<16xi32>
    %gather3A_751 = tpu.vector_load_idx %arg6[%add3A_750, %add3A_738] : memref<64x1536xf32, #tpu.memory_space<vmem>>[vector<16xi32>, vector<16xi32>], vector<16xf32>,
    tpu.vector_store_idx %arg7[%add3A_750, %add3A_743], %gather3A_751 : memref<64x128xf32, #tpu.memory_space<vmem>>[vector<16xi32>, vector<16xi32>], vector<16xf32>,
    %add3A_752 = arith.constant 32 : i32
    %add3A_753 = vector.broadcast %add3A_752 : i32 to vector<16xi32>
    %add3A_754 = arith.addi %iota3A, %add3A_753 : vector<16xi32>
    %gather3A_755 = tpu.vector_load_idx %arg6[%add3A_754, %add3A_738] : memref<64x1536xf32, #tpu.memory_space<vmem>>[vector<16xi32>, vector<16xi32>], vector<16xf32>,
    tpu.vector_store_idx %arg7[%add3A_754, %add3A_743], %gather3A_755 : memref<64x128xf32, #tpu.memory_space<vmem>>[vector<16xi32>, vector<16xi32>], vector<16xf32>,
    %add3A_756 = arith.constant 48 : i32
    %add3A_757 = vector.broadcast %add3A_756 : i32 to vector<16xi32>
    %add3A_758 = arith.addi %iota3A, %add3A_757 : vector<16xi32>
    %gather3A_759 = tpu.vector_load_idx %arg6[%add3A_758, %add3A_738] : memref<64x1536xf32, #tpu.memory_space<vmem>>[vector<16xi32>, vector<16xi32>], vector<16xf32>,
    tpu.vector_store_idx %arg7[%add3A_758, %add3A_743], %gather3A_759 : memref<64x128xf32, #tpu.memory_space<vmem>>[vector<16xi32>, vector<16xi32>], vector<16xf32>,
    %broadcast_in_dim3A_760 = arith.constant 256 : i32
    %broadcast_in_dim3A_761 = vector.broadcast %broadcast_in_dim3A_760 : i32 to vector<16xi32>
    %slice3A_762 = vector.extract_strided_slice %and3A_707 {offsets = [2], sizes = [1], strides = [1]} : vector<16xi32> to vector<1xi32>
    %squeeze3A_763 = vector.extract %slice3A_762[0] : i32 from vector<1xi32>
    %add3A_764 = vector.broadcast %squeeze3A_763 : i32 to vector<16xi32>
    %add3A_765 = arith.addi %broadcast_in_dim3A_761, %add3A_764 : vector<16xi32>
    %broadcast_in_dim3A_766 = arith.constant 0 : i32
    %broadcast_in_dim3A_767 = vector.broadcast %broadcast_in_dim3A_766 : i32 to vector<16xi32>
    %add3A_768 = arith.constant 122 : i32
    %add3A_769 = vector.broadcast %add3A_768 : i32 to vector<16xi32>
    %add3A_770 = arith.addi %broadcast_in_dim3A_767, %add3A_769 : vector<16xi32>
    %add3A_771 = arith.constant 0 : i32
    %add3A_772 = vector.broadcast %add3A_771 : i32 to vector<16xi32>
    %add3A_773 = arith.addi %iota3A, %add3A_772 : vector<16xi32>
    %gather3A_774 = tpu.vector_load_idx %arg6[%add3A_773, %add3A_765] : memref<64x1536xf32, #tpu.memory_space<vmem>>[vector<16xi32>, vector<16xi32>], vector<16xf32>,
    tpu.vector_store_idx %arg7[%add3A_773, %add3A_770], %gather3A_774 : memref<64x128xf32, #tpu.memory_space<vmem>>[vector<16xi32>, vector<16xi32>], vector<16xf32>,
    %add3A_775 = arith.constant 16 : i32
    %add3A_776 = vector.broadcast %add3A_775 : i32 to vector<16xi32>
    %add3A_777 = arith.addi %iota3A, %add3A_776 : vector<16xi32>
    %gather3A_778 = tpu.vector_load_idx %arg6[%add3A_777, %add3A_765] : memref<64x1536xf32, #tpu.memory_space<vmem>>[vector<16xi32>, vector<16xi32>], vector<16xf32>,
    tpu.vector_store_idx %arg7[%add3A_777, %add3A_770], %gather3A_778 : memref<64x128xf32, #tpu.memory_space<vmem>>[vector<16xi32>, vector<16xi32>], vector<16xf32>,
    %add3A_779 = arith.constant 32 : i32
    %add3A_780 = vector.broadcast %add3A_779 : i32 to vector<16xi32>
    %add3A_781 = arith.addi %iota3A, %add3A_780 : vector<16xi32>
    %gather3A_782 = tpu.vector_load_idx %arg6[%add3A_781, %add3A_765] : memref<64x1536xf32, #tpu.memory_space<vmem>>[vector<16xi32>, vector<16xi32>], vector<16xf32>,
    tpu.vector_store_idx %arg7[%add3A_781, %add3A_770], %gather3A_782 : memref<64x128xf32, #tpu.memory_space<vmem>>[vector<16xi32>, vector<16xi32>], vector<16xf32>,
    %add3A_783 = arith.constant 48 : i32
    %add3A_784 = vector.broadcast %add3A_783 : i32 to vector<16xi32>
    %add3A_785 = arith.addi %iota3A, %add3A_784 : vector<16xi32>
    %gather3A_786 = tpu.vector_load_idx %arg6[%add3A_785, %add3A_765] : memref<64x1536xf32, #tpu.memory_space<vmem>>[vector<16xi32>, vector<16xi32>], vector<16xf32>,
    tpu.vector_store_idx %arg7[%add3A_785, %add3A_770], %gather3A_786 : memref<64x128xf32, #tpu.memory_space<vmem>>[vector<16xi32>, vector<16xi32>], vector<16xf32>,
    %broadcast_in_dim3A_787 = arith.constant 384 : i32
    %broadcast_in_dim3A_788 = vector.broadcast %broadcast_in_dim3A_787 : i32 to vector<16xi32>
    %slice3A_789 = vector.extract_strided_slice %and3A_707 {offsets = [3], sizes = [1], strides = [1]} : vector<16xi32> to vector<1xi32>
    %squeeze3A_790 = vector.extract %slice3A_789[0] : i32 from vector<1xi32>
    %add3A_791 = vector.broadcast %squeeze3A_790 : i32 to vector<16xi32>
    %add3A_792 = arith.addi %broadcast_in_dim3A_788, %add3A_791 : vector<16xi32>
    %broadcast_in_dim3A_793 = arith.constant 0 : i32
    %broadcast_in_dim3A_794 = vector.broadcast %broadcast_in_dim3A_793 : i32 to vector<16xi32>
    %add3A_795 = arith.constant 123 : i32
    %add3A_796 = vector.broadcast %add3A_795 : i32 to vector<16xi32>
    %add3A_797 = arith.addi %broadcast_in_dim3A_794, %add3A_796 : vector<16xi32>
    %add3A_798 = arith.constant 0 : i32
    %add3A_799 = vector.broadcast %add3A_798 : i32 to vector<16xi32>
    %add3A_800 = arith.addi %iota3A, %add3A_799 : vector<16xi32>
    %gather3A_801 = tpu.vector_load_idx %arg6[%add3A_800, %add3A_792] : memref<64x1536xf32, #tpu.memory_space<vmem>>[vector<16xi32>, vector<16xi32>], vector<16xf32>,
    tpu.vector_store_idx %arg7[%add3A_800, %add3A_797], %gather3A_801 : memref<64x128xf32, #tpu.memory_space<vmem>>[vector<16xi32>, vector<16xi32>], vector<16xf32>,
    %add3A_802 = arith.constant 16 : i32
    %add3A_803 = vector.broadcast %add3A_802 : i32 to vector<16xi32>
    %add3A_804 = arith.addi %iota3A, %add3A_803 : vector<16xi32>
    %gather3A_805 = tpu.vector_load_idx %arg6[%add3A_804, %add3A_792] : memref<64x1536xf32, #tpu.memory_space<vmem>>[vector<16xi32>, vector<16xi32>], vector<16xf32>,
    tpu.vector_store_idx %arg7[%add3A_804, %add3A_797], %gather3A_805 : memref<64x128xf32, #tpu.memory_space<vmem>>[vector<16xi32>, vector<16xi32>], vector<16xf32>,
    %add3A_806 = arith.constant 32 : i32
    %add3A_807 = vector.broadcast %add3A_806 : i32 to vector<16xi32>
    %add3A_808 = arith.addi %iota3A, %add3A_807 : vector<16xi32>
    %gather3A_809 = tpu.vector_load_idx %arg6[%add3A_808, %add3A_792] : memref<64x1536xf32, #tpu.memory_space<vmem>>[vector<16xi32>, vector<16xi32>], vector<16xf32>,
    tpu.vector_store_idx %arg7[%add3A_808, %add3A_797], %gather3A_809 : memref<64x128xf32, #tpu.memory_space<vmem>>[vector<16xi32>, vector<16xi32>], vector<16xf32>,
    %add3A_810 = arith.constant 48 : i32
    %add3A_811 = vector.broadcast %add3A_810 : i32 to vector<16xi32>
    %add3A_812 = arith.addi %iota3A, %add3A_811 : vector<16xi32>
    %gather3A_813 = tpu.vector_load_idx %arg6[%add3A_812, %add3A_792] : memref<64x1536xf32, #tpu.memory_space<vmem>>[vector<16xi32>, vector<16xi32>], vector<16xf32>,
    tpu.vector_store_idx %arg7[%add3A_812, %add3A_797], %gather3A_813 : memref<64x128xf32, #tpu.memory_space<vmem>>[vector<16xi32>, vector<16xi32>], vector<16xf32>,
    %dma_wait3A_814 = arith.constant 0 : i32
    %dma_wait3A_815 = arith.constant 512 : i32
    %dma_wait3A_816 = tpu.memref_slice %arg6[%dma_wait3A_814, %dma_wait3A_815] : memref<64x1536xf32, #tpu.memory_space<vmem>> -> memref<64x512xf32, #tpu.memory_space<vmem>>
    %dma_wait3A_817 = arith.constant 0 : i32
    %dma_wait3A_818 = arith.constant 0 : i32
    %dma_wait3A_819 = tpu.memref_slice %arg3[%dma_wait3A_817, %dma_wait3A_818] : memref<64x1000000xf32, #tpu.memory_space<hbm>> -> memref<64x512xf32, #tpu.memory_space<hbm>>
    %dma_wait3A_820 = arith.constant 0 : i32
    %dma_wait3A_821 = arith.constant 512 : i32
    %dma_wait3A_822 = tpu.memref_slice %arg6[%dma_wait3A_820, %dma_wait3A_821] : memref<64x1536xf32, #tpu.memory_space<vmem>> -> memref<64x512xf32, #tpu.memory_space<vmem>>
    %dma_wait3A_823 = arith.constant 0 : i32
    %dma_wait3A_824 = arith.constant 0 : i32
    %dma_wait3A_825 = tpu.memref_slice %arg3[%dma_wait3A_823, %dma_wait3A_824] : memref<64x1000000xf32, #tpu.memory_space<hbm>> -> memref<64x512xf32, #tpu.memory_space<hbm>>
    tpu.wait_dma2 semaphore(%arg8 : memref<!tpu.dma_semaphore, #tpu.memory_space<semaphore_mem>>) src(%dma_wait3A_825 : memref<64x512xf32, #tpu.memory_space<hbm>>) dst(%dma_wait3A_822 : memref<64x512xf32, #tpu.memory_space<vmem>>)
    %get3A_826 = arith.constant 508 : index
    %get3A_827 = tpu.vector_load %arg5[%get3A_826] {strides = array<i32>} : memref<528xi32, #tpu.memory_space<vmem>>, vector<16xi32>,
    %and3A_828 = arith.constant 127 : i32
    %and3A_829 = vector.broadcast %and3A_828 : i32 to vector<16xi32>
    %and3A_830 = arith.andi %get3A_827, %and3A_829 : vector<16xi32>
    %broadcast_in_dim3A_831 = arith.constant 512 : i32
    %broadcast_in_dim3A_832 = vector.broadcast %broadcast_in_dim3A_831 : i32 to vector<16xi32>
    %slice3A_833 = vector.extract_strided_slice %and3A_830 {offsets = [0], sizes = [1], strides = [1]} : vector<16xi32> to vector<1xi32>
    %squeeze3A_834 = vector.extract %slice3A_833[0] : i32 from vector<1xi32>
    %add3A_835 = vector.broadcast %squeeze3A_834 : i32 to vector<16xi32>
    %add3A_836 = arith.addi %broadcast_in_dim3A_832, %add3A_835 : vector<16xi32>
    %broadcast_in_dim3A_837 = arith.constant 0 : i32
    %broadcast_in_dim3A_838 = vector.broadcast %broadcast_in_dim3A_837 : i32 to vector<16xi32>
    %add3A_839 = arith.constant 124 : i32
    %add3A_840 = vector.broadcast %add3A_839 : i32 to vector<16xi32>
    %add3A_841 = arith.addi %broadcast_in_dim3A_838, %add3A_840 : vector<16xi32>
    %add3A_842 = arith.constant 0 : i32
    %add3A_843 = vector.broadcast %add3A_842 : i32 to vector<16xi32>
    %add3A_844 = arith.addi %iota3A, %add3A_843 : vector<16xi32>
    %gather3A_845 = tpu.vector_load_idx %arg6[%add3A_844, %add3A_836] : memref<64x1536xf32, #tpu.memory_space<vmem>>[vector<16xi32>, vector<16xi32>], vector<16xf32>,
    tpu.vector_store_idx %arg7[%add3A_844, %add3A_841], %gather3A_845 : memref<64x128xf32, #tpu.memory_space<vmem>>[vector<16xi32>, vector<16xi32>], vector<16xf32>,
    %add3A_846 = arith.constant 16 : i32
    %add3A_847 = vector.broadcast %add3A_846 : i32 to vector<16xi32>
    %add3A_848 = arith.addi %iota3A, %add3A_847 : vector<16xi32>
    %gather3A_849 = tpu.vector_load_idx %arg6[%add3A_848, %add3A_836] : memref<64x1536xf32, #tpu.memory_space<vmem>>[vector<16xi32>, vector<16xi32>], vector<16xf32>,
    tpu.vector_store_idx %arg7[%add3A_848, %add3A_841], %gather3A_849 : memref<64x128xf32, #tpu.memory_space<vmem>>[vector<16xi32>, vector<16xi32>], vector<16xf32>,
    %add3A_850 = arith.constant 32 : i32
    %add3A_851 = vector.broadcast %add3A_850 : i32 to vector<16xi32>
    %add3A_852 = arith.addi %iota3A, %add3A_851 : vector<16xi32>
    %gather3A_853 = tpu.vector_load_idx %arg6[%add3A_852, %add3A_836] : memref<64x1536xf32, #tpu.memory_space<vmem>>[vector<16xi32>, vector<16xi32>], vector<16xf32>,
    tpu.vector_store_idx %arg7[%add3A_852, %add3A_841], %gather3A_853 : memref<64x128xf32, #tpu.memory_space<vmem>>[vector<16xi32>, vector<16xi32>], vector<16xf32>,
    %add3A_854 = arith.constant 48 : i32
    %add3A_855 = vector.broadcast %add3A_854 : i32 to vector<16xi32>
    %add3A_856 = arith.addi %iota3A, %add3A_855 : vector<16xi32>
    %gather3A_857 = tpu.vector_load_idx %arg6[%add3A_856, %add3A_836] : memref<64x1536xf32, #tpu.memory_space<vmem>>[vector<16xi32>, vector<16xi32>], vector<16xf32>,
    tpu.vector_store_idx %arg7[%add3A_856, %add3A_841], %gather3A_857 : memref<64x128xf32, #tpu.memory_space<vmem>>[vector<16xi32>, vector<16xi32>], vector<16xf32>,
    %broadcast_in_dim3A_858 = arith.constant 640 : i32
    %broadcast_in_dim3A_859 = vector.broadcast %broadcast_in_dim3A_858 : i32 to vector<16xi32>
    %slice3A_860 = vector.extract_strided_slice %and3A_830 {offsets = [1], sizes = [1], strides = [1]} : vector<16xi32> to vector<1xi32>
    %squeeze3A_861 = vector.extract %slice3A_860[0] : i32 from vector<1xi32>
    %add3A_862 = vector.broadcast %squeeze3A_861 : i32 to vector<16xi32>
    %add3A_863 = arith.addi %broadcast_in_dim3A_859, %add3A_862 : vector<16xi32>
    %broadcast_in_dim3A_864 = arith.constant 0 : i32
    %broadcast_in_dim3A_865 = vector.broadcast %broadcast_in_dim3A_864 : i32 to vector<16xi32>
    %add3A_866 = arith.constant 125 : i32
    %add3A_867 = vector.broadcast %add3A_866 : i32 to vector<16xi32>
    %add3A_868 = arith.addi %broadcast_in_dim3A_865, %add3A_867 : vector<16xi32>
    %add3A_869 = arith.constant 0 : i32
    %add3A_870 = vector.broadcast %add3A_869 : i32 to vector<16xi32>
    %add3A_871 = arith.addi %iota3A, %add3A_870 : vector<16xi32>
    %gather3A_872 = tpu.vector_load_idx %arg6[%add3A_871, %add3A_863] : memref<64x1536xf32, #tpu.memory_space<vmem>>[vector<16xi32>, vector<16xi32>], vector<16xf32>,
    tpu.vector_store_idx %arg7[%add3A_871, %add3A_868], %gather3A_872 : memref<64x128xf32, #tpu.memory_space<vmem>>[vector<16xi32>, vector<16xi32>], vector<16xf32>,
    %add3A_873 = arith.constant 16 : i32
    %add3A_874 = vector.broadcast %add3A_873 : i32 to vector<16xi32>
    %add3A_875 = arith.addi %iota3A, %add3A_874 : vector<16xi32>
    %gather3A_876 = tpu.vector_load_idx %arg6[%add3A_875, %add3A_863] : memref<64x1536xf32, #tpu.memory_space<vmem>>[vector<16xi32>, vector<16xi32>], vector<16xf32>,
    tpu.vector_store_idx %arg7[%add3A_875, %add3A_868], %gather3A_876 : memref<64x128xf32, #tpu.memory_space<vmem>>[vector<16xi32>, vector<16xi32>], vector<16xf32>,
    %add3A_877 = arith.constant 32 : i32
    %add3A_878 = vector.broadcast %add3A_877 : i32 to vector<16xi32>
    %add3A_879 = arith.addi %iota3A, %add3A_878 : vector<16xi32>
    %gather3A_880 = tpu.vector_load_idx %arg6[%add3A_879, %add3A_863] : memref<64x1536xf32, #tpu.memory_space<vmem>>[vector<16xi32>, vector<16xi32>], vector<16xf32>,
    tpu.vector_store_idx %arg7[%add3A_879, %add3A_868], %gather3A_880 : memref<64x128xf32, #tpu.memory_space<vmem>>[vector<16xi32>, vector<16xi32>], vector<16xf32>,
    %add3A_881 = arith.constant 48 : i32
    %add3A_882 = vector.broadcast %add3A_881 : i32 to vector<16xi32>
    %add3A_883 = arith.addi %iota3A, %add3A_882 : vector<16xi32>
    %gather3A_884 = tpu.vector_load_idx %arg6[%add3A_883, %add3A_863] : memref<64x1536xf32, #tpu.memory_space<vmem>>[vector<16xi32>, vector<16xi32>], vector<16xf32>,
    tpu.vector_store_idx %arg7[%add3A_883, %add3A_868], %gather3A_884 : memref<64x128xf32, #tpu.memory_space<vmem>>[vector<16xi32>, vector<16xi32>], vector<16xf32>,
    %broadcast_in_dim3A_885 = arith.constant 768 : i32
    %broadcast_in_dim3A_886 = vector.broadcast %broadcast_in_dim3A_885 : i32 to vector<16xi32>
    %slice3A_887 = vector.extract_strided_slice %and3A_830 {offsets = [2], sizes = [1], strides = [1]} : vector<16xi32> to vector<1xi32>
    %squeeze3A_888 = vector.extract %slice3A_887[0] : i32 from vector<1xi32>
    %add3A_889 = vector.broadcast %squeeze3A_888 : i32 to vector<16xi32>
    %add3A_890 = arith.addi %broadcast_in_dim3A_886, %add3A_889 : vector<16xi32>
    %broadcast_in_dim3A_891 = arith.constant 0 : i32
    %broadcast_in_dim3A_892 = vector.broadcast %broadcast_in_dim3A_891 : i32 to vector<16xi32>
    %add3A_893 = arith.constant 126 : i32
    %add3A_894 = vector.broadcast %add3A_893 : i32 to vector<16xi32>
    %add3A_895 = arith.addi %broadcast_in_dim3A_892, %add3A_894 : vector<16xi32>
    %add3A_896 = arith.constant 0 : i32
    %add3A_897 = vector.broadcast %add3A_896 : i32 to vector<16xi32>
    %add3A_898 = arith.addi %iota3A, %add3A_897 : vector<16xi32>
    %gather3A_899 = tpu.vector_load_idx %arg6[%add3A_898, %add3A_890] : memref<64x1536xf32, #tpu.memory_space<vmem>>[vector<16xi32>, vector<16xi32>], vector<16xf32>,
    tpu.vector_store_idx %arg7[%add3A_898, %add3A_895], %gather3A_899 : memref<64x128xf32, #tpu.memory_space<vmem>>[vector<16xi32>, vector<16xi32>], vector<16xf32>,
    %add3A_900 = arith.constant 16 : i32
    %add3A_901 = vector.broadcast %add3A_900 : i32 to vector<16xi32>
    %add3A_902 = arith.addi %iota3A, %add3A_901 : vector<16xi32>
    %gather3A_903 = tpu.vector_load_idx %arg6[%add3A_902, %add3A_890] : memref<64x1536xf32, #tpu.memory_space<vmem>>[vector<16xi32>, vector<16xi32>], vector<16xf32>,
    tpu.vector_store_idx %arg7[%add3A_902, %add3A_895], %gather3A_903 : memref<64x128xf32, #tpu.memory_space<vmem>>[vector<16xi32>, vector<16xi32>], vector<16xf32>,
    %add3A_904 = arith.constant 32 : i32
    %add3A_905 = vector.broadcast %add3A_904 : i32 to vector<16xi32>
    %add3A_906 = arith.addi %iota3A, %add3A_905 : vector<16xi32>
    %gather3A_907 = tpu.vector_load_idx %arg6[%add3A_906, %add3A_890] : memref<64x1536xf32, #tpu.memory_space<vmem>>[vector<16xi32>, vector<16xi32>], vector<16xf32>,
    tpu.vector_store_idx %arg7[%add3A_906, %add3A_895], %gather3A_907 : memref<64x128xf32, #tpu.memory_space<vmem>>[vector<16xi32>, vector<16xi32>], vector<16xf32>,
    %add3A_908 = arith.constant 48 : i32
    %add3A_909 = vector.broadcast %add3A_908 : i32 to vector<16xi32>
    %add3A_910 = arith.addi %iota3A, %add3A_909 : vector<16xi32>
    %gather3A_911 = tpu.vector_load_idx %arg6[%add3A_910, %add3A_890] : memref<64x1536xf32, #tpu.memory_space<vmem>>[vector<16xi32>, vector<16xi32>], vector<16xf32>,
    tpu.vector_store_idx %arg7[%add3A_910, %add3A_895], %gather3A_911 : memref<64x128xf32, #tpu.memory_space<vmem>>[vector<16xi32>, vector<16xi32>], vector<16xf32>,
    %broadcast_in_dim3A_912 = arith.constant 896 : i32
    %broadcast_in_dim3A_913 = vector.broadcast %broadcast_in_dim3A_912 : i32 to vector<16xi32>
    %slice3A_914 = vector.extract_strided_slice %and3A_830 {offsets = [3], sizes = [1], strides = [1]} : vector<16xi32> to vector<1xi32>
    %squeeze3A_915 = vector.extract %slice3A_914[0] : i32 from vector<1xi32>
    %add3A_916 = vector.broadcast %squeeze3A_915 : i32 to vector<16xi32>
    %add3A_917 = arith.addi %broadcast_in_dim3A_913, %add3A_916 : vector<16xi32>
    %broadcast_in_dim3A_918 = arith.constant 0 : i32
    %broadcast_in_dim3A_919 = vector.broadcast %broadcast_in_dim3A_918 : i32 to vector<16xi32>
    %add3A_920 = arith.constant 127 : i32
    %add3A_921 = vector.broadcast %add3A_920 : i32 to vector<16xi32>
    %add3A_922 = arith.addi %broadcast_in_dim3A_919, %add3A_921 : vector<16xi32>
    %add3A_923 = arith.constant 0 : i32
    %add3A_924 = vector.broadcast %add3A_923 : i32 to vector<16xi32>
    %add3A_925 = arith.addi %iota3A, %add3A_924 : vector<16xi32>
    %gather3A_926 = tpu.vector_load_idx %arg6[%add3A_925, %add3A_917] : memref<64x1536xf32, #tpu.memory_space<vmem>>[vector<16xi32>, vector<16xi32>], vector<16xf32>,
    tpu.vector_store_idx %arg7[%add3A_925, %add3A_922], %gather3A_926 : memref<64x128xf32, #tpu.memory_space<vmem>>[vector<16xi32>, vector<16xi32>], vector<16xf32>,
    %add3A_927 = arith.constant 16 : i32
    %add3A_928 = vector.broadcast %add3A_927 : i32 to vector<16xi32>
    %add3A_929 = arith.addi %iota3A, %add3A_928 : vector<16xi32>
    %gather3A_930 = tpu.vector_load_idx %arg6[%add3A_929, %add3A_917] : memref<64x1536xf32, #tpu.memory_space<vmem>>[vector<16xi32>, vector<16xi32>], vector<16xf32>,
    tpu.vector_store_idx %arg7[%add3A_929, %add3A_922], %gather3A_930 : memref<64x128xf32, #tpu.memory_space<vmem>>[vector<16xi32>, vector<16xi32>], vector<16xf32>,
    %add3A_931 = arith.constant 32 : i32
    %add3A_932 = vector.broadcast %add3A_931 : i32 to vector<16xi32>
    %add3A_933 = arith.addi %iota3A, %add3A_932 : vector<16xi32>
    %gather3A_934 = tpu.vector_load_idx %arg6[%add3A_933, %add3A_917] : memref<64x1536xf32, #tpu.memory_space<vmem>>[vector<16xi32>, vector<16xi32>], vector<16xf32>,
    tpu.vector_store_idx %arg7[%add3A_933, %add3A_922], %gather3A_934 : memref<64x128xf32, #tpu.memory_space<vmem>>[vector<16xi32>, vector<16xi32>], vector<16xf32>,
    %add3A_935 = arith.constant 48 : i32
    %add3A_936 = vector.broadcast %add3A_935 : i32 to vector<16xi32>
    %add3A_937 = arith.addi %iota3A, %add3A_936 : vector<16xi32>
    %gather3A_938 = tpu.vector_load_idx %arg6[%add3A_937, %add3A_917] : memref<64x1536xf32, #tpu.memory_space<vmem>>[vector<16xi32>, vector<16xi32>], vector<16xf32>,
    tpu.vector_store_idx %arg7[%add3A_937, %add3A_922], %gather3A_938 : memref<64x128xf32, #tpu.memory_space<vmem>>[vector<16xi32>, vector<16xi32>], vector<16xf32>,
    %multiple_of3A_939 = arith.constant 384 : i32
    %multiple_of3A_940 = tpu.assume_multiple %multiple_of3A_939, 128 : i32
    %add3A_941 = arith.addi %mul3A_2, %multiple_of3A_940 : i32
    "tpu.region"() ({
      %run_scoped3A = tpu.sem_alloc : memref<!tpu.dma_semaphore, #tpu.memory_space<semaphore_mem>>
      %dma_start3A_942 = arith.constant 0 : i32
      %dma_start3A_943 = tpu.memref_slice %arg4[%dma_start3A_942, %add3A_941] : memref<64x16384xf32, #tpu.memory_space<hbm>> -> memref<64x128xf32, #tpu.memory_space<hbm>>
      %dma_start3A_944 = arith.constant 0 : i32
      %dma_start3A_945 = tpu.memref_slice %arg4[%dma_start3A_944, %add3A_941] : memref<64x16384xf32, #tpu.memory_space<hbm>> -> memref<64x128xf32, #tpu.memory_space<hbm>>
      tpu.enqueue_dma source(%arg7 : memref<64x128xf32, #tpu.memory_space<vmem>>) target(%dma_start3A_945 : memref<64x128xf32, #tpu.memory_space<hbm>>) target_semaphore(%run_scoped3A : memref<!tpu.dma_semaphore, #tpu.memory_space<semaphore_mem>>)
      %dma_wait3A_946 = arith.constant 0 : i32
      %dma_wait3A_947 = tpu.memref_slice %arg4[%dma_wait3A_946, %add3A_941] : memref<64x16384xf32, #tpu.memory_space<hbm>> -> memref<64x128xf32, #tpu.memory_space<hbm>>
      %dma_wait3A_948 = arith.constant 0 : i32
      %dma_wait3A_949 = tpu.memref_slice %arg4[%dma_wait3A_948, %add3A_941] : memref<64x16384xf32, #tpu.memory_space<hbm>> -> memref<64x128xf32, #tpu.memory_space<hbm>>
      tpu.wait_dma2 semaphore(%run_scoped3A : memref<!tpu.dma_semaphore, #tpu.memory_space<semaphore_mem>>) src(%arg7 : memref<64x128xf32, #tpu.memory_space<vmem>>) dst(%dma_wait3A_949 : memref<64x128xf32, #tpu.memory_space<hbm>>)
      tpu.yield
    }) : () -> ()
    return
  }
}

</mosaic_0001>

<sc_bundles>
// kernel: kernel.3.cloned.1.call-start
scs
__scs_entry_jumppad:
0x0: {  	(pc) =	sbr.rel $0x88, $3  }
0x1: {  	(tag) =	ssettag $0x0;
	lr =	simm.s32 $0x1  }
0x2: {  	[smem:$0x3F9F] =	sst lr;
	_ =	strace $0xD0000000  }
0x3: {  	_ = 	snop  }
0x4: {  	_ = 	snop  }
0x5: {  	_ = 	snop  }
0x6: {  	_ = 	snop  }
0x7: {  	_ = 	snop  }
__scs_overlays_trampoline_lowered:
0x8: {  	[smem:$0x3FAE] =	sst s0  }
0x9: {  	[smem:$0x3FAF] =	sst s1  }
0xa: {  	[smem:$0x3FB0] =	sst s2  }
0xb: {  	[smem:$0x3FB1] =	sst s3  }
0xc: {  	[smem:$0x3FB2] =	sst s4  }
0xd: {  	[smem:$0x3FB3] =	sst s5  }
0xe: {  	[smem:$0x3FB4] =	sst s6  }
0xf: {  	[smem:$0x3FB5] =	sst s7  }
0x10: {  	[smem:$0x3FB6] =	sst s8  }
0x11: {  	[smem:$0x3FB7] =	sst s9;
	s0 =	simm.s32 @!p0 $0x0  }
0x12: {  	s1 =	sld [smem:$0x3F9D];
	s0 =	simm.s32 @p0 $0x1  }
0x13: {  	[smem:$0x3FB8] =	sst s0;
	s0 =	simm.s32 @!p1 $0x0  }
0x14: {  	s2 =	sld [smem:$0x3F9C];
	s0 =	simm.s32 @p1 $0x1  }
0x15: {  	[smem:$0x3FB9] =	sst s0;
	s0 =	simm.s32 @!p2 $0x0  }
0x16: {  	s3 =	sld [smem:$0x3FDB];
	s0 =	simm.s32 @p2 $0x1  }
0x17: {  	s4 =	simm.s32 $0x1BF5;
	[smem:$0x3FBB] =	sst s0  }
0x18: {  	s0 =	sld [smem:$0x3F9E];
	_ =	swait.ge [sflag:s4], $0x0  }
0x19: {  	s7 =	sld [smem:$0x3F9F]  }
0x1a: {  	s8 =	sadd.s32 $0xFFFFE003, lr  }
0x1b: {  	s9 =	sadd.s32 $0xFFFFFEF7, lr;
	s5 =	simm.s32 $0xFFFFFFFF;
	p2 =	slt.u32 s8, $0xFFFFF086  }
0x1c: {  	p1 =	slt.u32 s9, $0xF7A;
	s5 =	simm.s32 @!p2 $0x0  }
0x1d: {  	s5 =	simm.s32 @p1 $0x1;
	p0 =	seq.s32 s7, s2  }
0x1e: {  	s7 =	smul.u32 @!p0 $0xF7A, s2;
	p2 =	seq.s32 @!p0 s5, $0x0  }
0x1f: {  	s9 =	smul.u32 $0xF7A, s1;
	s8 =	simm.s32 @!p0 $0x1BF5;
	p2 =	por !p2, p0  }
0x20: {  	[sflag:s8] =	ssyncset.s32 @!p0 $0xFFFFF086;
	s6 =	sadd.s32 @!p0 s3, s7;
	s7 =	simm.s32 @!p0 $0x108  }
0x21: {  	s3 =	sadd.s32 s3, s9;
	s6 =	sadd.s32 @!p0 $0x88, s6;
	s7 =	simm.s32 @p2 $0x1082  }
0x22: {  	[simem:s7], [sflag:s8] =	dma.local @!p0 [hbm:s6], $0xF7A  }
0x23: {  	s9 =	sor.u32 $0xD0000000, s2;
	s6 =	simm.s32 $0x108;
	_ =	swait.ge @!p0 [sflag:s8], $0x0  }
0x24: {  	s3 =	sadd.s32 $0x88, s3;
	s6 =	simm.s32 @!p1 $0x1082;
	[sflag:s4] =	ssyncset.s32 $0xFFFFF086  }
0x25: {  	[simem:s6], [sflag:s4] =	dma.local [hbm:s3], $0xF7A  }
0x26: {  	[smem:$0x3F9F] =	sst s1;
	(tag) =	ssettag s2;
	_ =	strace s9  }
0x27: {  	s1 =	sld [smem:$0x3FAF]  }
0x28: {  	s2 =	sld [smem:$0x3FB0]  }
0x29: {  	s4 =	sld [smem:$0x3FB2]  }
0x2a: {  	p0 =	seq.s32 s5, $0x0;
	s5 =	sld [smem:$0x3FB3]  }
0x2b: {  	s6 =	sld [smem:$0x3FB4]  }
0x2c: {  	s7 =	sld [smem:$0x3FB5]  }
0x2d: {  	s3 =	simm.s32 $0x108;
	s8 =	sld [smem:$0x3FB6]  }
0x2e: {  	s3 =	simm.s32 @!p0 $0x1082;
	s9 =	sld [smem:$0x3FB7]  }
0x2f: {  	lr =	sadd.s32 s0, s3;
	s0 =	sld [smem:$0x3FAE]  }
0x30: {  	s3 =	sld [smem:$0x3FB1]  }
0x31: {  	[smem:$0x3FBA] =	sst s10  }
0x32: {  	s10 =	sld [smem:$0x3FB8];
	_ =	sdelay $0x3  }
0x33: {  	p0 =	seq.s32 s10, $0x1;
	s10 =	sld [smem:$0x3FBA];
	_ =	sdelay $0x3  }
0x34: {  	[smem:$0x3FBA] =	sst s10  }
0x35: {  	s10 =	sld [smem:$0x3FB9];
	_ =	sdelay $0x3  }
0x36: {  	p1 =	seq.s32 s10, $0x1;
	s10 =	sld [smem:$0x3FBA];
	_ =	sdelay $0x3  }
0x37: {  	[smem:$0x3FBA] =	sst s10  }
0x38: {  	s10 =	sld [smem:$0x3FBB]  }
0x39: {  	_ = 	snop;
	(pc) =	sbr.ind lr, $3  }
0x3a: {  	_ = 	snop  }
0x3b: {  	_ = 	snop  }
0x3c: {  	p2 =	seq.s32 s10, $0x1;
	s10 =	sld [smem:$0x3FBA]  }
0x3d: {  	_ =	shalt  }
0x3e: {  	_ =	shalt  }
0x3f: {  	_ =	shalt  }
0x40: {  	_ =	shalt  }
0x41: {  	_ =	shalt  }
0x42: {  	_ =	shalt  }
0x43: {  	_ =	shalt  }
0x44: {  	_ =	shalt  }
0x45: {  	_ =	shalt  }
0x46: {  	_ =	shalt  }
0x47: {  	_ =	shalt  }
0x48: {  	_ =	shalt  }
0x49: {  	_ =	shalt  }
0x4a: {  	_ =	shalt  }
0x4b: {  	_ =	shalt  }
0x4c: {  	_ =	shalt  }
0x4d: {  	_ =	shalt  }
0x4e: {  	_ =	shalt  }
0x4f: {  	_ =	shalt  }
0x50: {  	_ =	shalt  }
0x51: {  	_ =	shalt  }
0x52: {  	_ =	shalt  }
0x53: {  	_ =	shalt  }
0x54: {  	_ =	shalt  }
0x55: {  	_ =	shalt  }
0x56: {  	_ =	shalt  }
0x57: {  	_ =	shalt  }
0x58: {  	_ =	shalt  }
0x59: {  	_ =	shalt  }
0x5a: {  	_ =	shalt  }
0x5b: {  	_ =	shalt  }
0x5c: {  	_ =	shalt  }
0x5d: {  	_ =	shalt  }
0x5e: {  	_ =	shalt  }
0x5f: {  	_ =	shalt  }
0x60: {  	_ =	shalt  }
0x61: {  	_ =	shalt  }
0x62: {  	_ =	shalt  }
0x63: {  	_ =	shalt  }
0x64: {  	_ =	shalt  }
0x65: {  	_ =	shalt  }
0x66: {  	_ =	shalt  }
0x67: {  	_ =	shalt  }
0x68: {  	_ =	shalt  }
0x69: {  	_ =	shalt  }
0x6a: {  	_ =	shalt  }
0x6b: {  	_ =	shalt  }
0x6c: {  	_ =	shalt  }
0x6d: {  	_ =	shalt  }
0x6e: {  	_ =	shalt  }
0x6f: {  	_ =	shalt  }
0x70: {  	_ =	shalt  }
0x71: {  	_ =	shalt  }
0x72: {  	_ =	shalt  }
0x73: {  	_ =	shalt  }
0x74: {  	_ =	shalt  }
0x75: {  	_ =	shalt  }
0x76: {  	_ =	shalt  }
0x77: {  	_ =	shalt  }
0x78: {  	_ =	shalt  }
0x79: {  	_ =	shalt  }
0x7a: {  	_ =	shalt  }
0x7b: {  	_ =	shalt  }
0x7c: {  	_ =	shalt  }
0x7d: {  	_ =	shalt  }
0x7e: {  	_ =	shalt  }
0x7f: {  	_ =	shalt  }
0x80: {  	_ =	shalt  }
0x81: {  	_ =	shalt  }
0x82: {  	_ =	shalt  }
0x83: {  	_ =	shalt  }
0x84: {  	_ =	shalt  }
0x85: {  	_ =	shalt  }
0x86: {  	_ =	shalt  }
0x87: {  	_ =	shalt  }
.Lfunc_end0:
.L_simem_size_0:
called_computation_lowered:
.L_overlay_start_0:
0x88: {  	s2 =	sld [smem:$0x3FD9]  }
0x89: {  	s3 =	sld [smem:$0x3FFE];
	_ =	sdelay $0x1  }
0x8a: {  	s1 =	srdreg.scid  }
0x8b: {  	s0 =	sand.u32 $0x1, s1  }
0x8c: {  	s18 =	sshll.u32 s0, $0xA;
	s2 =	sadd.s32 s3, s2  }
0x8d: {  	s2 =	sadd.s32 s2, s18  }
0x8e: {  	[smem:$0x3FC6] =	sst s2  }
0x8f: {  	_ = 	snop  }
0x90: {  	s2 =	sld [smem:$0x3FC9]  }
0x91: {  	s19 =	sld [smem:$0x3FC8]  }
0x92: {  	s4 =	sld [smem:$0x3FD0];
	(tm) =	ssettm $0x1  }
0x93: {  	s5 =	sld [smem:$0x3FFB];
	_ =	sdelay $0x3  }
0x94: {  	_ =	strace s5  }
0x95: {  	s5 =	sld [smem:$0x3FFC];
	_ =	sdelay $0x3  }
0x96: {  	_ =	strace s5  }
0x97: {  	s5 =	sld [smem:$0x3FFD];
	_ =	sdelay $0x3  }
0x98: {  	_ =	strace s5  }
0x99: {  	_ =	strace $0x8FFFFFFF  }
0x9a: {  	s20 =	sld [smem:$0x3FDB];
	_ =	sdelay $0x1  }
0x9b: {  	s6 =	simm.s32 $_scs_section_size  }
0x9c: {  	s7 =	simm.s32 $_size__tile_overlayer_lowered;
	s8 =	simm.s32 $_tile_overlayer_lowered  }
0x9d: {  	s23 =	simm.s32 $0x1BFF;
	s22 =	sshll.u32 s8, $0x1;
	s5 =	sadd.s32 s6, s20  }
0x9e: {  	s9 =	simm.s32 $0x0;
	s21 =	sshll.u32 s7, $0x1;
	s7 =	sadd.s32 s22, s5  }
0x9f: {  	[timem:s9], [sflag:s23] =	dma.local [hbm:s7], s21  }
0xa0: {  	_ =	swait.ge [sflag:s23], s21  }
0xa1: {  	s6 =	ssub.s32 $0x0, s21;
	[sflag:s23] =	ssyncset.done $0x0  }
0xa2: {  	[sflag:s23] =	ssyncadd.s32 s6;
	_ =	sdelay $0x1  }
0xa3: {  	s24 =	simm.s32 $0x1B8B  }
0xa4: {  	_ =	swait.ge [sflag:s24], $0x1  }
0xa5: {  	[sflag:s24] =	ssyncset.done $0x0  }
0xa6: {  	s25 =	simm.s32 $0x1B8E;
	[sflag:s24] =	ssyncadd.s32 $0xFFFFFFFF  }
0xa7: {  	s26 =	simm.s32 $execute0_lowered;
	[smem:$0x3FD2] =	sst s25  }
0xa8: {  	s6 =	sshll.u32 s26, $0x1;
	_ =	strace $0x80000046;
	[dreg:$0x1] =	wrdreg $0xFFFFFFFF  }
0xa9: {  	s28 =	simm.s32 $_size_execute0_lowered;
	s5 =	sadd.s32 s5, s6;
	[dreg:$0x0] =	wrdreg $0x0  }
0xaa: {  	s6 =	sshll.u32 s28, $0x1;
	[dreg:$0x2] =	wrdreg s5  }
0xab: {  	[dreg:$0x3] =	wrdreg s6  }
0xac: {  	[dreg:$0x4] =	wrdreg $0xC0  }
0xad: {  	_ =	task [dreg:s9], $0x5FFFF  }
0xae: {  	[dreg:$0x1] =	wrdreg $0xFFFFFFFF  }
0xaf: {  	[dreg:$0x0] =	wrdreg $0x60  }
0xb0: {  	[dreg:$0x2] =	wrdreg s2  }
0xb1: {  	[dreg:$0x3] =	wrdreg s19  }
0xb2: {  	[dreg:$0x4] =	wrdreg s4  }
0xb3: {  	[dreg:$0x5] =	wrdreg $0x9  }
0xb4: {  	_ =	task.clear_ibuf [dreg:s9], $0x6FFFF;
	_ =	strace $0x90000046  }
0xb5: {  	s29 =	simm.s32 $0x9;
	_ =	strace $0x80000048  }
0xb6: {  	_ =	swait.ge [sflag:s29], $0x1  }
0xb7: {  	[sflag:s29] =	ssyncadd.s32 $0xFFFFFFFF  }
0xb8: {  	_ =	strace $0x90000048  }
0xb9: {  	_ =	sfence  }
0xba: {  	s30 =	sld [smem:$0x0];
	_ =	sdelay $0x2  }
0xbb: {  	s31 =	sshll.u32 s1, $0xD;
	s1 =	sshrl.u32 s1, $0x2  }
0xbc: {  	s3 =	sand.u32 $0x4000, s31;
	s1 =	sadd.s32 s1, s30  }
0xbd: {  	s0 =	sor.u32 s3, s0;
	s1 =	sshll.u32 s1, $0x11  }
0xbe: {  	s0 =	sor.u32 s1, s0  }
0xbf: {  	s0 =	sadd.s32 $0x8F2B, s0  }
0xc0: {  	[sflag:s0] =	ssyncadd.remote.s32 $0x1  }
0xc1: {  	_ =	sfence.sel $0xFFFF  }
0xc2: {  	[dreg:$0x0] =	wrdreg $0xFFFFFFFF;
	(pc) =	sbr.abs _section_cstart, $3  }
0xc3: {  	[dreg:$0x1] =	wrdreg $0xFFFFFFFF  }
0xc4: {  	_ =	task.clear_ibuf [dreg:s9], $0x2FFFF;
	_ =	strace $0x9FFFFFFF  }
0xc5: {  	(tm) =	ssettm $0x7FFFFFFF  }
tec
execute0_lowered:
.L_overlay_start_1:
0x0: {  	(tag) =	ssettag $0x1  }
0x1: {  	v0 =	vimm.s32 $0x3380;
	vm14 =	vcmask $0x300;
	vm13 =	vcmask $0x704  }
0x2: {  	vm12 =	vcmask $0xB08;
	vm11 =	vcmask $0xF0C;
	vm10 =	vcmask $0x1310  }
0x3: {  	vm9 =	vcmask $0x1714;
	vm8 =	vcmask $0x1B18;
	vm7 =	vcmask $0x1F1C  }
0x4: {  	vm6 =	vcmask $0x2320;
	v1 =	vimm.s32 $0x9380;
	vm0 =	vcmask $0x2724  }
0x5: {  	v2 =	vimm.s32 $0xF380;
	vm1 =	vcmask $0x2B28;
	vm2 =	vcmask $0x2F2C  }
0x6: {  	vm3 =	vcmask $0x3330;
	vm4 =	vcmask $0x3734;
	vm5 =	vcmask $0x3B38  }
0x7: {  	v6 =	vimm.s32 $0x15380;
	v7 =	vimm.s32 $0x3780;
	v8 =	vimm.s32 $0x9780  }
0x8: {  	v11 =	vimm.s32 $0x15780;
	v12 =	vimm.s32 $0x3B80;
	v13 =	vimm.s32 $0x9B80  }
0x9: {  	v14 =	vimm.s32 $0xFB80;
	v15 =	vimm.s32 $0x15B80;
	v16 =	vimm.s32 $0x3F80  }
0xa: {  	v17 =	vimm.s32 $0x9F80;
	v18 =	vimm.s32 $0xFF80;
	v19 =	vimm.s32 $0x15F80  }
0xb: {  	v20 =	vimm.s32 $0x4380;
	v21 =	vimm.s32 $0xA380;
	v22 =	vimm.s32 $0x10380  }
0xc: {  	v23 =	vimm.s32 $0x16380;
	v24 =	vimm.s32 $0x4780;
	v25 =	vimm.s32 $0xA780  }
0xd: {  	v26 =	vimm.s32 $0x10780;
	v27 =	vimm.s32 $0x16780;
	v28 =	vimm.s32 $0x4B80  }
0xe: {  	v29 =	vimm.s32 $0xAB80;
	v30 =	vimm.s32 $0x10B80;
	v31 =	vimm.s32 $0x16B80  }
0xf: {  	v32 =	vimm.s32 $0x4F80;
	v33 =	vimm.s32 $0xAF80;
	v34 =	vimm.s32 $0x10F80  }
0x10: {  	v35 =	vimm.s32 $0x16F80;
	v36 =	vimm.s32 $0x5380;
	v37 =	vimm.s32 $0xB380  }
0x11: {  	v38 =	vimm.s32 $0x11380;
	v39 =	vimm.s32 $0x17380;
	v40 =	vimm.s32 $0x5780  }
0x12: {  	v41 =	vimm.s32 $0xB780;
	v42 =	vimm.s32 $0x11780;
	v43 =	vimm.s32 $0x17780  }
0x13: {  	v44 =	vimm.s32 $0x5B80;
	v45 =	vimm.s32 $0xBB80;
	v46 =	vimm.s32 $0x11B80  }
0x14: {  	v47 =	vimm.s32 $0x17B80;
	v48 =	vimm.s32 $0x5F80;
	v49 =	vimm.s32 $0xBF80  }
0x15: {  	v50 =	vimm.s32 $0x11F80;
	v51 =	vimm.s32 $0x17F80;
	v0 =	vsel vm14, $0x0, v0  }
0x16: {  	v1 =	vsel vm14, $0x6000, v1;
	v2 =	vsel vm14, $0xC000, v2;
	v6 =	vsel vm14, $0x12000, v6  }
0x17: {  	v7 =	vsel vm14, $0x400, v7;
	v8 =	vsel vm14, $0x6400, v8;
	v11 =	vsel vm14, $0x12400, v11  }
0x18: {  	v12 =	vsel vm14, $0x800, v12;
	v13 =	vsel vm14, $0x6800, v13;
	v14 =	vsel vm14, $0xC800, v14  }
0x19: {  	v15 =	vsel vm14, $0x12800, v15;
	v16 =	vsel vm14, $0xC00, v16;
	v17 =	vsel vm14, $0x6C00, v17  }
0x1a: {  	v18 =	vsel vm14, $0xCC00, v18;
	v19 =	vsel vm14, $0x12C00, v19;
	v20 =	vsel vm14, $0x1000, v20  }
0x1b: {  	v21 =	vsel vm14, $0x7000, v21;
	v22 =	vsel vm14, $0xD000, v22;
	v23 =	vsel vm14, $0x13000, v23  }
0x1c: {  	v24 =	vsel vm14, $0x1400, v24;
	v25 =	vsel vm14, $0x7400, v25;
	v26 =	vsel vm14, $0xD400, v26  }
0x1d: {  	v27 =	vsel vm14, $0x13400, v27;
	v28 =	vsel vm14, $0x1800, v28;
	v29 =	vsel vm14, $0x7800, v29  }
0x1e: {  	v30 =	vsel vm14, $0xD800, v30;
	v31 =	vsel vm14, $0x13800, v31;
	v32 =	vsel vm14, $0x1C00, v32  }
0x1f: {  	v33 =	vsel vm14, $0x7C00, v33;
	v34 =	vsel vm14, $0xDC00, v34;
	v35 =	vsel vm14, $0x13C00, v35  }
0x20: {  	v36 =	vsel vm14, $0x2000, v36;
	v37 =	vsel vm14, $0x8000, v37;
	v38 =	vsel vm14, $0xE000, v38  }
0x21: {  	v39 =	vsel vm14, $0x14000, v39;
	v40 =	vsel vm14, $0x2400, v40;
	v41 =	vsel vm14, $0x8400, v41  }
0x22: {  	v42 =	vsel vm14, $0xE400, v42;
	v43 =	vsel vm14, $0x14400, v43;
	v44 =	vsel vm14, $0x2800, v44  }
0x23: {  	v45 =	vsel vm14, $0x8800, v45;
	v46 =	vsel vm14, $0xE800, v46;
	v47 =	vsel vm14, $0x14800, v47  }
0x24: {  	v48 =	vsel vm14, $0x2C00, v48;
	v49 =	vsel vm14, $0x8C00, v49;
	v50 =	vsel vm14, $0xEC00, v50  }
0x25: {  	v51 =	vsel vm14, $0x14C00, v51;
	v0 =	vsel vm13, $0x80, v0;
	v1 =	vsel vm13, $0x6080, v1  }
0x26: {  	v2 =	vsel vm13, $0xC080, v2;
	v6 =	vsel vm13, $0x12080, v6;
	v7 =	vsel vm13, $0x480, v7  }
0x27: {  	v8 =	vsel vm13, $0x6480, v8;
	v11 =	vsel vm13, $0x12480, v11;
	v12 =	vsel vm13, $0x880, v12  }
0x28: {  	v13 =	vsel vm13, $0x6880, v13;
	v14 =	vsel vm13, $0xC880, v14;
	v15 =	vsel vm13, $0x12880, v15  }
0x29: {  	v16 =	vsel vm13, $0xC80, v16;
	v17 =	vsel vm13, $0x6C80, v17;
	v18 =	vsel vm13, $0xCC80, v18  }
0x2a: {  	v19 =	vsel vm13, $0x12C80, v19;
	v20 =	vsel vm13, $0x1080, v20;
	v21 =	vsel vm13, $0x7080, v21  }
0x2b: {  	v22 =	vsel vm13, $0xD080, v22;
	v23 =	vsel vm13, $0x13080, v23;
	v24 =	vsel vm13, $0x1480, v24  }
0x2c: {  	v25 =	vsel vm13, $0x7480, v25;
	v26 =	vsel vm13, $0xD480, v26;
	v27 =	vsel vm13, $0x13480, v27  }
0x2d: {  	v28 =	vsel vm13, $0x1880, v28;
	v29 =	vsel vm13, $0x7880, v29;
	v30 =	vsel vm13, $0xD880, v30  }
0x2e: {  	v31 =	vsel vm13, $0x13880, v31;
	v32 =	vsel vm13, $0x1C80, v32;
	v33 =	vsel vm13, $0x7C80, v33  }
0x2f: {  	v34 =	vsel vm13, $0xDC80, v34;
	v35 =	vsel vm13, $0x13C80, v35;
	v36 =	vsel vm13, $0x2080, v36  }
0x30: {  	v37 =	vsel vm13, $0x8080, v37;
	v38 =	vsel vm13, $0xE080, v38;
	v39 =	vsel vm13, $0x14080, v39  }
0x31: {  	v40 =	vsel vm13, $0x2480, v40;
	v41 =	vsel vm13, $0x8480, v41;
	v42 =	vsel vm13, $0xE480, v42  }
0x32: {  	v43 =	vsel vm13, $0x14480, v43;
	v44 =	vsel vm13, $0x2880, v44;
	v45 =	vsel vm13, $0x8880, v45  }
0x33: {  	v46 =	vsel vm13, $0xE880, v46;
	v47 =	vsel vm13, $0x14880, v47;
	v48 =	vsel vm13, $0x2C80, v48  }
0x34: {  	v49 =	vsel vm13, $0x8C80, v49;
	v50 =	vsel vm13, $0xEC80, v50;
	v51 =	vsel vm13, $0x14C80, v51  }
0x35: {  	v0 =	vsel vm12, $0x100, v0;
	v1 =	vsel vm12, $0x6100, v1;
	v2 =	vsel vm12, $0xC100, v2  }
0x36: {  	v6 =	vsel vm12, $0x12100, v6;
	v7 =	vsel vm12, $0x500, v7;
	v8 =	vsel vm12, $0x6500, v8  }
0x37: {  	v11 =	vsel vm12, $0x12500, v11;
	v12 =	vsel vm12, $0x900, v12;
	v13 =	vsel vm12, $0x6900, v13  }
0x38: {  	v14 =	vsel vm12, $0xC900, v14;
	v15 =	vsel vm12, $0x12900, v15;
	v16 =	vsel vm12, $0xD00, v16  }
0x39: {  	v17 =	vsel vm12, $0x6D00, v17;
	v18 =	vsel vm12, $0xCD00, v18;
	v19 =	vsel vm12, $0x12D00, v19  }
0x3a: {  	v20 =	vsel vm12, $0x1100, v20;
	v21 =	vsel vm12, $0x7100, v21;
	v22 =	vsel vm12, $0xD100, v22  }
0x3b: {  	v23 =	vsel vm12, $0x13100, v23;
	v24 =	vsel vm12, $0x1500, v24;
	v25 =	vsel vm12, $0x7500, v25  }
0x3c: {  	v26 =	vsel vm12, $0xD500, v26;
	v27 =	vsel vm12, $0x13500, v27;
	v28 =	vsel vm12, $0x1900, v28  }
0x3d: {  	v29 =	vsel vm12, $0x7900, v29;
	v30 =	vsel vm12, $0xD900, v30;
	v31 =	vsel vm12, $0x13900, v31  }
0x3e: {  	v32 =	vsel vm12, $0x1D00, v32;
	v33 =	vsel vm12, $0x7D00, v33;
	v34 =	vsel vm12, $0xDD00, v34  }
0x3f: {  	v35 =	vsel vm12, $0x13D00, v35;
	v36 =	vsel vm12, $0x2100, v36;
	v37 =	vsel vm12, $0x8100, v37  }
0x40: {  	v38 =	vsel vm12, $0xE100, v38;
	v39 =	vsel vm12, $0x14100, v39;
	v40 =	vsel vm12, $0x2500, v40  }
0x41: {  	v41 =	vsel vm12, $0x8500, v41;
	v42 =	vsel vm12, $0xE500, v42;
	v43 =	vsel vm12, $0x14500, v43  }
0x42: {  	v44 =	vsel vm12, $0x2900, v44;
	v45 =	vsel vm12, $0x8900, v45;
	v46 =	vsel vm12, $0xE900, v46  }
0x43: {  	v47 =	vsel vm12, $0x14900, v47;
	v48 =	vsel vm12, $0x2D00, v48;
	v49 =	vsel vm12, $0x8D00, v49  }
0x44: {  	v50 =	vsel vm12, $0xED00, v50;
	v51 =	vsel vm12, $0x14D00, v51;
	v0 =	vsel vm11, $0x180, v0  }
0x45: {  	v1 =	vsel vm11, $0x6180, v1;
	v2 =	vsel vm11, $0xC180, v2;
	v6 =	vsel vm11, $0x12180, v6  }
0x46: {  	v7 =	vsel vm11, $0x580, v7;
	v8 =	vsel vm11, $0x6580, v8;
	v11 =	vsel vm11, $0x12580, v11  }
0x47: {  	v12 =	vsel vm11, $0x980, v12;
	v13 =	vsel vm11, $0x6980, v13;
	v14 =	vsel vm11, $0xC980, v14  }
0x48: {  	v15 =	vsel vm11, $0x12980, v15;
	v16 =	vsel vm11, $0xD80, v16;
	v17 =	vsel vm11, $0x6D80, v17  }
0x49: {  	v18 =	vsel vm11, $0xCD80, v18;
	v19 =	vsel vm11, $0x12D80, v19;
	v20 =	vsel vm11, $0x1180, v20  }
0x4a: {  	v21 =	vsel vm11, $0x7180, v21;
	v22 =	vsel vm11, $0xD180, v22;
	v23 =	vsel vm11, $0x13180, v23  }
0x4b: {  	v24 =	vsel vm11, $0x1580, v24;
	v25 =	vsel vm11, $0x7580, v25;
	v26 =	vsel vm11, $0xD580, v26  }
0x4c: {  	v27 =	vsel vm11, $0x13580, v27;
	v28 =	vsel vm11, $0x1980, v28;
	v29 =	vsel vm11, $0x7980, v29  }
0x4d: {  	v30 =	vsel vm11, $0xD980, v30;
	v31 =	vsel vm11, $0x13980, v31;
	v32 =	vsel vm11, $0x1D80, v32  }
0x4e: {  	v33 =	vsel vm11, $0x7D80, v33;
	v34 =	vsel vm11, $0xDD80, v34;
	v35 =	vsel vm11, $0x13D80, v35  }
0x4f: {  	v36 =	vsel vm11, $0x2180, v36;
	v37 =	vsel vm11, $0x8180, v37;
	v38 =	vsel vm11, $0xE180, v38  }
0x50: {  	v39 =	vsel vm11, $0x14180, v39;
	v40 =	vsel vm11, $0x2580, v40;
	v41 =	vsel vm11, $0x8580, v41  }
0x51: {  	v42 =	vsel vm11, $0xE580, v42;
	v43 =	vsel vm11, $0x14580, v43;
	v44 =	vsel vm11, $0x2980, v44  }
0x52: {  	v45 =	vsel vm11, $0x8980, v45;
	v46 =	vsel vm11, $0xE980, v46;
	v47 =	vsel vm11, $0x14980, v47  }
0x53: {  	v48 =	vsel vm11, $0x2D80, v48;
	v49 =	vsel vm11, $0x8D80, v49;
	v50 =	vsel vm11, $0xED80, v50  }
0x54: {  	v51 =	vsel vm11, $0x14D80, v51;
	v0 =	vsel vm10, $0x200, v0;
	v1 =	vsel vm10, $0x6200, v1  }
0x55: {  	v2 =	vsel vm10, $0xC200, v2;
	v6 =	vsel vm10, $0x12200, v6;
	v7 =	vsel vm10, $0x600, v7  }
0x56: {  	v8 =	vsel vm10, $0x6600, v8;
	v11 =	vsel vm10, $0x12600, v11;
	v12 =	vsel vm10, $0xA00, v12  }
0x57: {  	v13 =	vsel vm10, $0x6A00, v13;
	v14 =	vsel vm10, $0xCA00, v14;
	v15 =	vsel vm10, $0x12A00, v15  }
0x58: {  	v16 =	vsel vm10, $0xE00, v16;
	v17 =	vsel vm10, $0x6E00, v17;
	v18 =	vsel vm10, $0xCE00, v18  }
0x59: {  	v19 =	vsel vm10, $0x12E00, v19;
	v20 =	vsel vm10, $0x1200, v20;
	v21 =	vsel vm10, $0x7200, v21  }
0x5a: {  	v22 =	vsel vm10, $0xD200, v22;
	v23 =	vsel vm10, $0x13200, v23;
	v24 =	vsel vm10, $0x1600, v24  }
0x5b: {  	v25 =	vsel vm10, $0x7600, v25;
	v26 =	vsel vm10, $0xD600, v26;
	v27 =	vsel vm10, $0x13600, v27  }
0x5c: {  	v28 =	vsel vm10, $0x1A00, v28;
	v29 =	vsel vm10, $0x7A00, v29;
	v30 =	vsel vm10, $0xDA00, v30  }
0x5d: {  	v31 =	vsel vm10, $0x13A00, v31;
	v32 =	vsel vm10, $0x1E00, v32;
	v33 =	vsel vm10, $0x7E00, v33  }
0x5e: {  	v34 =	vsel vm10, $0xDE00, v34;
	v35 =	vsel vm10, $0x13E00, v35;
	v36 =	vsel vm10, $0x2200, v36  }
0x5f: {  	v37 =	vsel vm10, $0x8200, v37;
	v38 =	vsel vm10, $0xE200, v38;
	v39 =	vsel vm10, $0x14200, v39  }
0x60: {  	v40 =	vsel vm10, $0x2600, v40;
	v41 =	vsel vm10, $0x8600, v41;
	v42 =	vsel vm10, $0xE600, v42  }
0x61: {  	v43 =	vsel vm10, $0x14600, v43;
	v44 =	vsel vm10, $0x2A00, v44;
	v45 =	vsel vm10, $0x8A00, v45  }
0x62: {  	v46 =	vsel vm10, $0xEA00, v46;
	v47 =	vsel vm10, $0x14A00, v47;
	v48 =	vsel vm10, $0x2E00, v48  }
0x63: {  	v49 =	vsel vm10, $0x8E00, v49;
	v50 =	vsel vm10, $0xEE00, v50;
	v51 =	vsel vm10, $0x14E00, v51  }
0x64: {  	v0 =	vsel vm9, $0x280, v0;
	v1 =	vsel vm9, $0x6280, v1;
	v2 =	vsel vm9, $0xC280, v2  }
0x65: {  	v6 =	vsel vm9, $0x12280, v6;
	v7 =	vsel vm9, $0x680, v7;
	v8 =	vsel vm9, $0x6680, v8  }
0x66: {  	v11 =	vsel vm9, $0x12680, v11;
	v12 =	vsel vm9, $0xA80, v12;
	v13 =	vsel vm9, $0x6A80, v13  }
0x67: {  	v14 =	vsel vm9, $0xCA80, v14;
	v15 =	vsel vm9, $0x12A80, v15;
	v16 =	vsel vm9, $0xE80, v16  }
0x68: {  	v17 =	vsel vm9, $0x6E80, v17;
	v18 =	vsel vm9, $0xCE80, v18;
	v19 =	vsel vm9, $0x12E80, v19  }
0x69: {  	v20 =	vsel vm9, $0x1280, v20;
	v21 =	vsel vm9, $0x7280, v21;
	v22 =	vsel vm9, $0xD280, v22  }
0x6a: {  	v23 =	vsel vm9, $0x13280, v23;
	v24 =	vsel vm9, $0x1680, v24;
	v25 =	vsel vm9, $0x7680, v25  }
0x6b: {  	v26 =	vsel vm9, $0xD680, v26;
	v27 =	vsel vm9, $0x13680, v27;
	v28 =	vsel vm9, $0x1A80, v28  }
0x6c: {  	v29 =	vsel vm9, $0x7A80, v29;
	v30 =	vsel vm9, $0xDA80, v30;
	v31 =	vsel vm9, $0x13A80, v31  }
0x6d: {  	v32 =	vsel vm9, $0x1E80, v32;
	v33 =	vsel vm9, $0x7E80, v33;
	v34 =	vsel vm9, $0xDE80, v34  }
0x6e: {  	v35 =	vsel vm9, $0x13E80, v35;
	v36 =	vsel vm9, $0x2280, v36;
	v37 =	vsel vm9, $0x8280, v37  }
0x6f: {  	v38 =	vsel vm9, $0xE280, v38;
	v39 =	vsel vm9, $0x14280, v39;
	v40 =	vsel vm9, $0x2680, v40  }
0x70: {  	v41 =	vsel vm9, $0x8680, v41;
	v42 =	vsel vm9, $0xE680, v42;
	v43 =	vsel vm9, $0x14680, v43  }
0x71: {  	v44 =	vsel vm9, $0x2A80, v44;
	v45 =	vsel vm9, $0x8A80, v45;
	v46 =	vsel vm9, $0xEA80, v46  }
0x72: {  	v47 =	vsel vm9, $0x14A80, v47;
	v48 =	vsel vm9, $0x2E80, v48;
	v49 =	vsel vm9, $0x8E80, v49  }
0x73: {  	v50 =	vsel vm9, $0xEE80, v50;
	v51 =	vsel vm9, $0x14E80, v51;
	v0 =	vsel vm8, $0x300, v0  }
0x74: {  	v1 =	vsel vm8, $0x6300, v1;
	v2 =	vsel vm8, $0xC300, v2;
	v6 =	vsel vm8, $0x12300, v6  }
0x75: {  	v7 =	vsel vm8, $0x700, v7;
	v8 =	vsel vm8, $0x6700, v8;
	v11 =	vsel vm8, $0x12700, v11  }
0x76: {  	v12 =	vsel vm8, $0xB00, v12;
	v13 =	vsel vm8, $0x6B00, v13;
	v14 =	vsel vm8, $0xCB00, v14  }
0x77: {  	v15 =	vsel vm8, $0x12B00, v15;
	v16 =	vsel vm8, $0xF00, v16;
	v17 =	vsel vm8, $0x6F00, v17  }
0x78: {  	v18 =	vsel vm8, $0xCF00, v18;
	v19 =	vsel vm8, $0x12F00, v19;
	v20 =	vsel vm8, $0x1300, v20  }
0x79: {  	v21 =	vsel vm8, $0x7300, v21;
	v22 =	vsel vm8, $0xD300, v22;
	v23 =	vsel vm8, $0x13300, v23  }
0x7a: {  	v24 =	vsel vm8, $0x1700, v24;
	v25 =	vsel vm8, $0x7700, v25;
	v26 =	vsel vm8, $0xD700, v26  }
0x7b: {  	v27 =	vsel vm8, $0x13700, v27;
	v28 =	vsel vm8, $0x1B00, v28;
	v29 =	vsel vm8, $0x7B00, v29  }
0x7c: {  	v30 =	vsel vm8, $0xDB00, v30;
	v31 =	vsel vm8, $0x13B00, v31;
	v32 =	vsel vm8, $0x1F00, v32  }
0x7d: {  	v33 =	vsel vm8, $0x7F00, v33;
	v34 =	vsel vm8, $0xDF00, v34;
	v35 =	vsel vm8, $0x13F00, v35  }
0x7e: {  	v36 =	vsel vm8, $0x2300, v36;
	v37 =	vsel vm8, $0x8300, v37;
	v38 =	vsel vm8, $0xE300, v38  }
0x7f: {  	v39 =	vsel vm8, $0x14300, v39;
	v40 =	vsel vm8, $0x2700, v40;
	v41 =	vsel vm8, $0x8700, v41  }
0x80: {  	v42 =	vsel vm8, $0xE700, v42;
	v43 =	vsel vm8, $0x14700, v43;
	v44 =	vsel vm8, $0x2B00, v44  }
0x81: {  	v45 =	vsel vm8, $0x8B00, v45;
	v46 =	vsel vm8, $0xEB00, v46;
	v47 =	vsel vm8, $0x14B00, v47  }
0x82: {  	v48 =	vsel vm8, $0x2F00, v48;
	v49 =	vsel vm8, $0x8F00, v49;
	v50 =	vsel vm8, $0xEF00, v50  }
0x83: {  	v51 =	vsel vm8, $0x14F00, v51;
	v0 =	vsel vm7, $0x380, v0;
	v1 =	vsel vm7, $0x6380, v1  }
0x84: {  	v2 =	vsel vm7, $0xC380, v2;
	v6 =	vsel vm7, $0x12380, v6;
	v7 =	vsel vm7, $0x780, v7  }
0x85: {  	v8 =	vsel vm7, $0x6780, v8;
	v11 =	vsel vm7, $0x12780, v11;
	v12 =	vsel vm7, $0xB80, v12  }
0x86: {  	v13 =	vsel vm7, $0x6B80, v13;
	v14 =	vsel vm7, $0xCB80, v14;
	v15 =	vsel vm7, $0x12B80, v15  }
0x87: {  	v16 =	vsel vm7, $0xF80, v16;
	v17 =	vsel vm7, $0x6F80, v17;
	v18 =	vsel vm7, $0xCF80, v18  }
0x88: {  	v19 =	vsel vm7, $0x12F80, v19;
	v20 =	vsel vm7, $0x1380, v20;
	v21 =	vsel vm7, $0x7380, v21  }
0x89: {  	v22 =	vsel vm7, $0xD380, v22;
	v23 =	vsel vm7, $0x13380, v23;
	v24 =	vsel vm7, $0x1780, v24  }
0x8a: {  	v25 =	vsel vm7, $0x7780, v25;
	v26 =	vsel vm7, $0xD780, v26;
	v27 =	vsel vm7, $0x13780, v27  }
0x8b: {  	v28 =	vsel vm7, $0x1B80, v28;
	v29 =	vsel vm7, $0x7B80, v29;
	v30 =	vsel vm7, $0xDB80, v30  }
0x8c: {  	v31 =	vsel vm7, $0x13B80, v31;
	v32 =	vsel vm7, $0x1F80, v32;
	v33 =	vsel vm7, $0x7F80, v33  }
0x8d: {  	v34 =	vsel vm7, $0xDF80, v34;
	v35 =	vsel vm7, $0x13F80, v35;
	v36 =	vsel vm7, $0x2380, v36  }
0x8e: {  	v37 =	vsel vm7, $0x8380, v37;
	v38 =	vsel vm7, $0xE380, v38;
	v39 =	vsel vm7, $0x14380, v39  }
0x8f: {  	v40 =	vsel vm7, $0x2780, v40;
	v41 =	vsel vm7, $0x8780, v41;
	v42 =	vsel vm7, $0xE780, v42  }
0x90: {  	v43 =	vsel vm7, $0x14780, v43;
	v44 =	vsel vm7, $0x2B80, v44;
	v45 =	vsel vm7, $0x8B80, v45  }
0x91: {  	v46 =	vsel vm7, $0xEB80, v46;
	v47 =	vsel vm7, $0x14B80, v47;
	v48 =	vsel vm7, $0x2F80, v48  }
0x92: {  	v49 =	vsel vm7, $0x8F80, v49;
	v50 =	vsel vm7, $0xEF80, v50;
	v51 =	vsel vm7, $0x14F80, v51  }
0x93: {  	v0 =	vsel vm6, $0x3000, v0;
	v1 =	vsel vm6, $0x9000, v1;
	v6 =	vsel vm6, $0x15000, v6  }
0x94: {  	v7 =	vsel vm6, $0x3400, v7;
	v8 =	vsel vm6, $0x9400, v8;
	v11 =	vsel vm6, $0x15400, v11  }
0x95: {  	v12 =	vsel vm6, $0x3800, v12;
	v13 =	vsel vm6, $0x9800, v13;
	v14 =	vsel vm6, $0xF800, v14  }
0x96: {  	v15 =	vsel vm6, $0x15800, v15;
	v16 =	vsel vm6, $0x3C00, v16;
	v17 =	vsel vm6, $0x9C00, v17  }
0x97: {  	v18 =	vsel vm6, $0xFC00, v18;
	v19 =	vsel vm6, $0x15C00, v19;
	v20 =	vsel vm6, $0x4000, v20  }
0x98: {  	v21 =	vsel vm6, $0xA000, v21;
	v22 =	vsel vm6, $0x10000, v22;
	v23 =	vsel vm6, $0x16000, v23  }
0x99: {  	v24 =	vsel vm6, $0x4400, v24;
	v25 =	vsel vm6, $0xA400, v25;
	v26 =	vsel vm6, $0x10400, v26  }
0x9a: {  	v27 =	vsel vm6, $0x16400, v27;
	v28 =	vsel vm6, $0x4800, v28;
	v29 =	vsel vm6, $0xA800, v29  }
0x9b: {  	v30 =	vsel vm6, $0x10800, v30;
	v31 =	vsel vm6, $0x16800, v31;
	v32 =	vsel vm6, $0x4C00, v32  }
0x9c: {  	v33 =	vsel vm6, $0xAC00, v33;
	v34 =	vsel vm6, $0x10C00, v34;
	v35 =	vsel vm6, $0x16C00, v35  }
0x9d: {  	v36 =	vsel vm6, $0x5000, v36;
	v37 =	vsel vm6, $0xB000, v37;
	v38 =	vsel vm6, $0x11000, v38  }
0x9e: {  	v39 =	vsel vm6, $0x17000, v39;
	v40 =	vsel vm6, $0x5400, v40;
	v41 =	vsel vm6, $0xB400, v41  }
0x9f: {  	v42 =	vsel vm6, $0x11400, v42;
	v43 =	vsel vm6, $0x17400, v43;
	v44 =	vsel vm6, $0x5800, v44  }
0xa0: {  	v45 =	vsel vm6, $0xB800, v45;
	v46 =	vsel vm6, $0x11800, v46;
	v47 =	vsel vm6, $0x17800, v47  }
0xa1: {  	v48 =	vsel vm6, $0x5C00, v48;
	v49 =	vsel vm6, $0xBC00, v49;
	v50 =	vsel vm6, $0x11C00, v50  }
0xa2: {  	v51 =	vsel vm6, $0x17C00, v51;
	v0 =	vsel vm0, $0x3080, v0;
	v1 =	vsel vm0, $0x9080, v1  }
0xa3: {  	v6 =	vsel vm0, $0x15080, v6;
	v7 =	vsel vm0, $0x3480, v7;
	v8 =	vsel vm0, $0x9480, v8  }
0xa4: {  	v11 =	vsel vm0, $0x15480, v11;
	v12 =	vsel vm0, $0x3880, v12;
	v13 =	vsel vm0, $0x9880, v13  }
0xa5: {  	v14 =	vsel vm0, $0xF880, v14;
	v15 =	vsel vm0, $0x15880, v15;
	v16 =	vsel vm0, $0x3C80, v16  }
0xa6: {  	v17 =	vsel vm0, $0x9C80, v17;
	v18 =	vsel vm0, $0xFC80, v18;
	v19 =	vsel vm0, $0x15C80, v19  }
0xa7: {  	v20 =	vsel vm0, $0x4080, v20;
	v21 =	vsel vm0, $0xA080, v21;
	v22 =	vsel vm0, $0x10080, v22  }
0xa8: {  	v23 =	vsel vm0, $0x16080, v23;
	v24 =	vsel vm0, $0x4480, v24;
	v25 =	vsel vm0, $0xA480, v25  }
0xa9: {  	v26 =	vsel vm0, $0x10480, v26;
	v27 =	vsel vm0, $0x16480, v27;
	v28 =	vsel vm0, $0x4880, v28  }
0xaa: {  	v29 =	vsel vm0, $0xA880, v29;
	v30 =	vsel vm0, $0x10880, v30;
	v31 =	vsel vm0, $0x16880, v31  }
0xab: {  	v32 =	vsel vm0, $0x4C80, v32;
	v33 =	vsel vm0, $0xAC80, v33;
	v34 =	vsel vm0, $0x10C80, v34  }
0xac: {  	v35 =	vsel vm0, $0x16C80, v35;
	v36 =	vsel vm0, $0x5080, v36;
	v37 =	vsel vm0, $0xB080, v37  }
0xad: {  	v38 =	vsel vm0, $0x11080, v38;
	v39 =	vsel vm0, $0x17080, v39;
	v40 =	vsel vm0, $0x5480, v40  }
0xae: {  	v41 =	vsel vm0, $0xB480, v41;
	v42 =	vsel vm0, $0x11480, v42;
	v43 =	vsel vm0, $0x17480, v43  }
0xaf: {  	v44 =	vsel vm0, $0x5880, v44;
	v45 =	vsel vm0, $0xB880, v45;
	v46 =	vsel vm0, $0x11880, v46  }
0xb0: {  	v47 =	vsel vm0, $0x17880, v47;
	v48 =	vsel vm0, $0x5C80, v48;
	v49 =	vsel vm0, $0xBC80, v49  }
0xb1: {  	v50 =	vsel vm0, $0x11C80, v50;
	v51 =	vsel vm0, $0x17C80, v51;
	v0 =	vsel vm1, $0x3100, v0  }
0xb2: {  	v6 =	vsel vm1, $0x15100, v6;
	v7 =	vsel vm1, $0x3500, v7;
	v8 =	vsel vm1, $0x9500, v8  }
0xb3: {  	v11 =	vsel vm1, $0x15500, v11;
	v12 =	vsel vm1, $0x3900, v12;
	v13 =	vsel vm1, $0x9900, v13  }
0xb4: {  	v14 =	vsel vm1, $0xF900, v14;
	v15 =	vsel vm1, $0x15900, v15;
	v16 =	vsel vm1, $0x3D00, v16  }
0xb5: {  	v17 =	vsel vm1, $0x9D00, v17;
	v18 =	vsel vm1, $0xFD00, v18;
	v19 =	vsel vm1, $0x15D00, v19  }
0xb6: {  	v20 =	vsel vm1, $0x4100, v20;
	v21 =	vsel vm1, $0xA100, v21;
	v22 =	vsel vm1, $0x10100, v22  }
0xb7: {  	v23 =	vsel vm1, $0x16100, v23;
	v24 =	vsel vm1, $0x4500, v24;
	v25 =	vsel vm1, $0xA500, v25  }
0xb8: {  	v26 =	vsel vm1, $0x10500, v26;
	v27 =	vsel vm1, $0x16500, v27;
	v28 =	vsel vm1, $0x4900, v28  }
0xb9: {  	v29 =	vsel vm1, $0xA900, v29;
	v30 =	vsel vm1, $0x10900, v30;
	v31 =	vsel vm1, $0x16900, v31  }
0xba: {  	v32 =	vsel vm1, $0x4D00, v32;
	v33 =	vsel vm1, $0xAD00, v33;
	v34 =	vsel vm1, $0x10D00, v34  }
0xbb: {  	v35 =	vsel vm1, $0x16D00, v35;
	v36 =	vsel vm1, $0x5100, v36;
	v37 =	vsel vm1, $0xB100, v37  }
0xbc: {  	v38 =	vsel vm1, $0x11100, v38;
	v39 =	vsel vm1, $0x17100, v39;
	v40 =	vsel vm1, $0x5500, v40  }
0xbd: {  	v41 =	vsel vm1, $0xB500, v41;
	v42 =	vsel vm1, $0x11500, v42;
	v43 =	vsel vm1, $0x17500, v43  }
0xbe: {  	v44 =	vsel vm1, $0x5900, v44;
	v45 =	vsel vm1, $0xB900, v45;
	v46 =	vsel vm1, $0x11900, v46  }
0xbf: {  	v47 =	vsel vm1, $0x17900, v47;
	v48 =	vsel vm1, $0x5D00, v48;
	v49 =	vsel vm1, $0xBD00, v49  }
0xc0: {  	v50 =	vsel vm1, $0x11D00, v50;
	v51 =	vsel vm1, $0x17D00, v51;
	v0 =	vsel vm2, $0x3180, v0  }
0xc1: {  	v6 =	vsel vm2, $0x15180, v6;
	v7 =	vsel vm2, $0x3580, v7;
	v8 =	vsel vm2, $0x9580, v8  }
0xc2: {  	v11 =	vsel vm2, $0x15580, v11;
	v12 =	vsel vm2, $0x3980, v12;
	v13 =	vsel vm2, $0x9980, v13  }
0xc3: {  	v14 =	vsel vm2, $0xF980, v14;
	v15 =	vsel vm2, $0x15980, v15;
	v16 =	vsel vm2, $0x3D80, v16  }
0xc4: {  	v17 =	vsel vm2, $0x9D80, v17;
	v18 =	vsel vm2, $0xFD80, v18;
	v19 =	vsel vm2, $0x15D80, v19  }
0xc5: {  	v20 =	vsel vm2, $0x4180, v20;
	v21 =	vsel vm2, $0xA180, v21;
	v22 =	vsel vm2, $0x10180, v22  }
0xc6: {  	v23 =	vsel vm2, $0x16180, v23;
	v24 =	vsel vm2, $0x4580, v24;
	v25 =	vsel vm2, $0xA580, v25  }
0xc7: {  	v26 =	vsel vm2, $0x10580, v26;
	v27 =	vsel vm2, $0x16580, v27;
	v28 =	vsel vm2, $0x4980, v28  }
0xc8: {  	v29 =	vsel vm2, $0xA980, v29;
	v30 =	vsel vm2, $0x10980, v30;
	v31 =	vsel vm2, $0x16980, v31  }
0xc9: {  	v32 =	vsel vm2, $0x4D80, v32;
	v33 =	vsel vm2, $0xAD80, v33;
	v34 =	vsel vm2, $0x10D80, v34  }
0xca: {  	v35 =	vsel vm2, $0x16D80, v35;
	v36 =	vsel vm2, $0x5180, v36;
	v37 =	vsel vm2, $0xB180, v37  }
0xcb: {  	v38 =	vsel vm2, $0x11180, v38;
	v39 =	vsel vm2, $0x17180, v39;
	v40 =	vsel vm2, $0x5580, v40  }
0xcc: {  	v41 =	vsel vm2, $0xB580, v41;
	v42 =	vsel vm2, $0x11580, v42;
	v43 =	vsel vm2, $0x17580, v43  }
0xcd: {  	v44 =	vsel vm2, $0x5980, v44;
	v45 =	vsel vm2, $0xB980, v45;
	v46 =	vsel vm2, $0x11980, v46  }
0xce: {  	v47 =	vsel vm2, $0x17980, v47;
	v48 =	vsel vm2, $0x5D80, v48;
	v49 =	vsel vm2, $0xBD80, v49  }
0xcf: {  	v50 =	vsel vm2, $0x11D80, v50;
	v51 =	vsel vm2, $0x17D80, v51;
	v0 =	vsel vm3, $0x3200, v0  }
0xd0: {  	v6 =	vsel vm3, $0x15200, v6;
	v9 =	vsel vm3, $0x3600, v7;
	v8 =	vsel vm3, $0x9600, v8  }
0xd1: {  	v11 =	vsel vm3, $0x15600, v11;
	v12 =	vsel vm3, $0x3A00, v12;
	v13 =	vsel vm3, $0x9A00, v13  }
0xd2: {  	v14 =	vsel vm3, $0xFA00, v14;
	v15 =	vsel vm3, $0x15A00, v15;
	v16 =	vsel vm3, $0x3E00, v16  }
0xd3: {  	v17 =	vsel vm3, $0x9E00, v17;
	v18 =	vsel vm3, $0xFE00, v18;
	v19 =	vsel vm3, $0x15E00, v19  }
0xd4: {  	v20 =	vsel vm3, $0x4200, v20;
	v21 =	vsel vm3, $0xA200, v21;
	v22 =	vsel vm3, $0x10200, v22  }
0xd5: {  	v23 =	vsel vm3, $0x16200, v23;
	v24 =	vsel vm3, $0x4600, v24;
	v25 =	vsel vm3, $0xA600, v25  }
0xd6: {  	v26 =	vsel vm3, $0x10600, v26;
	v27 =	vsel vm3, $0x16600, v27;
	v28 =	vsel vm3, $0x4A00, v28  }
0xd7: {  	v29 =	vsel vm3, $0xAA00, v29;
	v30 =	vsel vm3, $0x10A00, v30;
	v31 =	vsel vm3, $0x16A00, v31  }
0xd8: {  	v32 =	vsel vm3, $0x4E00, v32;
	v33 =	vsel vm3, $0xAE00, v33;
	v34 =	vsel vm3, $0x10E00, v34  }
0xd9: {  	v35 =	vsel vm3, $0x16E00, v35;
	v36 =	vsel vm3, $0x5200, v36;
	v37 =	vsel vm3, $0xB200, v37  }
0xda: {  	v38 =	vsel vm3, $0x11200, v38;
	v39 =	vsel vm3, $0x17200, v39;
	v40 =	vsel vm3, $0x5600, v40  }
0xdb: {  	v41 =	vsel vm3, $0xB600, v41;
	v42 =	vsel vm3, $0x11600, v42;
	v43 =	vsel vm3, $0x17600, v43  }
0xdc: {  	v44 =	vsel vm3, $0x5A00, v44;
	v45 =	vsel vm3, $0xBA00, v45;
	v46 =	vsel vm3, $0x11A00, v46  }
0xdd: {  	v47 =	vsel vm3, $0x17A00, v47;
	v48 =	vsel vm3, $0x5E00, v48;
	v49 =	vsel vm3, $0xBE00, v49  }
0xde: {  	v50 =	vsel vm3, $0x11E00, v50;
	v51 =	vsel vm3, $0x17E00, v51;
	v3 =	vsel vm4, $0x3280, v0  }
0xdf: {  	v0 =	vsel vm1, $0x9100, v1;
	v1 =	vsel vm6, $0xF000, v2;
	v2 =	vlaneseq.u32  }
0xe0: {  	v6 =	vsel vm4, $0x15280, v6;
	v9 =	vsel vm4, $0x3680, v9;
	v10 =	vsel vm4, $0x9680, v8  }
0xe1: {  	s3 =	rddreg [dreg:$0x0];
	v11 =	vsel vm4, $0x15680, v11;
	v12 =	vsel vm4, $0x3A80, v12;
	v13 =	vsel vm4, $0x9A80, v13  }
0xe2: {  	s0 =	rddreg [dreg:$0x1];
	v14 =	vsel vm4, $0xFA80, v14;
	v15 =	vsel vm4, $0x15A80, v15;
	v16 =	vsel vm4, $0x3E80, v16  }
0xe3: {  	s1 =	rddreg [dreg:$0x2];
	s2 =	simm.s32 $0x0;
	v17 =	vsel vm4, $0x9E80, v17;
	v18 =	vsel vm4, $0xFE80, v18;
	v19 =	vsel vm4, $0x15E80, v19  }
0xe4: {  	s5 =	simm.s32 $0x2280;
	[smem:$0x7FF] =	sst s2;
	v20 =	vsel vm4, $0x4280, v20;
	v21 =	vsel vm4, $0xA280, v21;
	v22 =	vsel vm4, $0x10280, v22  }
0xe5: {  	s11 =	simm.s32 $0x5280;
	_ =	strace $0x80000047;
	[dreg:$0x4] =	wrdreg s5;
	v23 =	vsel vm4, $0x16280, v23;
	v24 =	vsel vm4, $0x4680, v24;
	v25 =	vsel vm4, $0xA680, v25  }
0xe6: {  	s12 =	simm.s32 $0x8280;
	[dreg:$0x5] =	wrdreg s11;
	v26 =	vsel vm4, $0x10680, v26;
	v27 =	vsel vm4, $0x16680, v27;
	v28 =	vsel vm4, $0x4A80, v28  }
0xe7: {  	s13 =	simm.s32 $0xB280;
	[dreg:$0x6] =	wrdreg s12;
	v29 =	vsel vm4, $0xAA80, v29;
	v30 =	vsel vm4, $0x10A80, v30;
	v31 =	vsel vm4, $0x16A80, v31  }
0xe8: {  	s14 =	simm.s32 $0xE280;
	[dreg:$0x7] =	wrdreg s13;
	v32 =	vsel vm4, $0x4E80, v32;
	v33 =	vsel vm4, $0xAE80, v33;
	v34 =	vsel vm4, $0x10E80, v34  }
0xe9: {  	s16 =	simm.s32 $0x11280;
	[dreg:$0x8] =	wrdreg s14;
	v35 =	vsel vm4, $0x16E80, v35;
	v36 =	vsel vm4, $0x5280, v36;
	v37 =	vsel vm4, $0xB280, v37  }
0xea: {  	s4 =	srdreg.scid;
	s17 =	simm.s32 $0x14280;
	[dreg:$0x9] =	wrdreg s16;
	v38 =	vsel vm4, $0x11280, v38;
	v39 =	vsel vm4, $0x17280, v39;
	v40 =	vsel vm4, $0x5680, v40  }
0xeb: {  	s8 =	stileid.u32;
	s18 =	simm.s32 $0x17280;
	[dreg:$0xa] =	wrdreg s17;
	v41 =	vsel vm4, $0xB680, v41;
	v42 =	vsel vm4, $0x11680, v42;
	v43 =	vsel vm4, $0x17680, v43  }
0xec: {  	s19 =	simm.s32 $0x2680;
	s20 =	simm.s32 $0x5680;
	[dreg:$0xb] =	wrdreg s18;
	v44 =	vsel vm4, $0x5A80, v44;
	v45 =	vsel vm4, $0xBA80, v45;
	v46 =	vsel vm4, $0x11A80, v46  }
0xed: {  	s22 =	simm.s32 $0x8680;
	s23 =	simm.s32 $0xB680;
	[dreg:$0xc] =	wrdreg s19;
	v47 =	vsel vm4, $0x17A80, v47;
	v48 =	vsel vm4, $0x5E80, v48;
	v49 =	vsel vm4, $0xBE80, v49  }
0xee: {  	s25 =	simm.s32 $0xE680;
	s26 =	simm.s32 $0x11680;
	[dreg:$0xd] =	wrdreg s20;
	v50 =	vsel vm4, $0x11E80, v50;
	v51 =	vsel vm4, $0x17E80, v51;
	v0 =	vsel vm2, $0x9180, v0  }
0xef: {  	s28 =	simm.s32 $0x3280;
	s10 =	simm.s32 $0xBA80;
	[dreg:$0xe] =	wrdreg s22;
	v1 =	vsel vm0, $0xF080, v1;
	v6 =	vsel vm5, $0x15300, v6;
	v8 =	vsel vm5, $0x3700, v9  }
0xf0: {  	s29 =	simm.s32 $0xCA80;
	s30 =	simm.s32 $0xFA80;
	[dreg:$0xf] =	wrdreg s23;
	v9 =	vsel vm5, $0x9700, v10;
	v10 =	vimm.s32 $0xF780;
	v11 =	vsel vm5, $0x15700, v11  }
0xf1: {  	s31 =	simm.s32 $0x12A80;
	s4 =	sand.u32 $0x1, s4;
	[dreg:$0x10] =	wrdreg s25;
	v12 =	vsel vm5, $0x3B00, v12;
	v13 =	vsel vm5, $0x9B00, v13;
	v14 =	vsel vm5, $0xFB00, v14  }
0xf2: {  	s15 =	sshll.u32 s8, $0xA;
	s6 =	ssub.s32 $0x2, s4;
	[dreg:$0x11] =	wrdreg s26;
	v15 =	vsel vm5, $0x15B00, v15;
	v16 =	vsel vm5, $0x3F00, v16;
	v17 =	vsel vm5, $0x9F00, v17  }
0xf3: {  	s4 =	sshll.u32 s4, $0x9;
	[dreg:$0x17] =	wrdreg s10;
	s11 =	simm.s32 $0xEA80;
	v18 =	vsel vm5, $0xFF00, v18;
	v19 =	vsel vm5, $0x15F00, v19;
	v20 =	vsel vm5, $0x4300, v20  }
0xf4: {  	s23 =	simm.s32 $0x6280;
	s12 =	simm.s32 $0x11A80;
	[dreg:$0x18] =	wrdreg s11;
	v21 =	vsel vm5, $0xA300, v21;
	v22 =	vsel vm5, $0x10300, v22;
	v23 =	vsel vm5, $0x16300, v23  }
0xf5: {  	s25 =	simm.s32 $0xC280;
	s13 =	simm.s32 $0x14A80;
	[dreg:$0x19] =	wrdreg s12;
	v24 =	vsel vm5, $0x4700, v24;
	v25 =	vsel vm5, $0xA700, v25;
	v26 =	vsel vm5, $0x10700, v26  }
0xf6: {  	s26 =	simm.s32 $0xF280;
	s14 =	simm.s32 $0x17A80;
	[dreg:$0x1a] =	wrdreg s13;
	v27 =	vsel vm5, $0x16700, v27;
	v28 =	vsel vm5, $0x4B00, v28;
	v29 =	vsel vm5, $0xAB00, v29  }
0xf7: {  	s16 =	simm.s32 $0x5E80;
	s10 =	simm.s32 $0x9680;
	[dreg:$0x1b] =	wrdreg s14;
	v30 =	vsel vm5, $0x10B00, v30;
	v31 =	vsel vm5, $0x16B00, v31;
	v32 =	vsel vm5, $0x4F00, v32  }
0xf8: {  	s17 =	simm.s32 $0x8E80;
	s18 =	simm.s32 $0xBE80;
	[dreg:$0x1d] =	wrdreg s16;
	v33 =	vsel vm5, $0xAF00, v33;
	v34 =	vsel vm5, $0x10F00, v34;
	v35 =	vsel vm5, $0x16F00, v35  }
0xf9: {  	s19 =	simm.s32 $0xEE80;
	s20 =	simm.s32 $0x11E80;
	[dreg:$0x1e] =	wrdreg s17;
	v36 =	vsel vm5, $0x5300, v36;
	v37 =	vsel vm5, $0xB300, v37;
	v38 =	vsel vm5, $0x11300, v38  }
0xfa: {  	s22 =	simm.s32 $0x17E80;
	s7 =	sshrl.u32 s6, $0x1;
	[dreg:$0x1f] =	wrdreg s18;
	v39 =	vsel vm5, $0x17300, v39;
	v40 =	vsel vm5, $0x5700, v40;
	v41 =	vsel vm5, $0xB700, v41  }
0xfb: {  	s8 =	sor.u32 s4, s15;
	s11 =	simm.s32 $0xC680;
	[smem:$0x7FA] =	sst s19;
	v42 =	vsel vm5, $0x11700, v42;
	v43 =	vsel vm5, $0x17700, v43;
	v44 =	vsel vm5, $0x5B00, v44  }
0xfc: {  	s12 =	simm.s32 $0xF680;
	s13 =	simm.s32 $0x12680;
	[smem:$0x7FB] =	sst s20;
	v45 =	vsel vm5, $0xBB00, v45;
	v46 =	vsel vm5, $0x11B00, v46;
	v10 =	vsel vm14, $0xC400, v10  }
0xfd: {  	s14 =	simm.s32 $0x15680;
	[smem:$0x7FD] =	sst s22;
	s16 =	simm.s32 $0x6A80;
	v47 =	vsel vm5, $0x17B00, v47;
	v48 =	vsel vm5, $0x5F00, v48;
	v10 =	vsel vm13, $0xC480, v10  }
0xfe: {  	s17 =	simm.s32 $0x9A80;
	s18 =	simm.s32 $0x1;
	s19 =	simm.s32 $0x18280;
	v49 =	vsel vm5, $0xBF00, v49;
	v50 =	vsel vm5, $0x11F00, v50;
	v10 =	vsel vm12, $0xC500, v10  }
0xff: {  	s6 =	ssub.s32 s6, s7;
	s9 =	sshrl.u32 s8, $0x3;
	s21 =	sadd.s32 s8, s1;
	v51 =	vsel vm5, $0x17F00, v51;
	v4 =	vsel vm3, $0x9200, v0;
	v10 =	vsel vm11, $0xC580, v10  }
0x100: {  	s1 =	sadd.s32 s15, s1;
	s8 =	simm.s32 $0x280;
	s15 =	simm.s32 $0x2E80;
	v1 =	vsel vm1, $0xF100, v1;
	v0 =	vmul.u32 $0x80, v2;
	v10 =	vsel vm10, $0xC600, v10  }
0x101: {  	s3 =	sadd.s32 s3, s9;
	s5 =	sadd.s32 $0x180, s21;
	[dreg:$0x1c] =	wrdreg s15;
	v2 =	vsel vm4, $0x9280, v4;
	v4 =	vsel vm2, $0xF180, v1;
	v10 =	vsel vm9, $0xC680, v10  }
0x102: {  	s24 =	smax.u32 s6, $0x1;
	s7 =	sadd.s32 s4, s1;
	[smem:$0x7F7] =	sst s3;
	v1 =	vsel vm5, $0x3300, v3;
	v2 =	vsel vm5, $0x9300, v2;
	v10 =	vsel vm8, $0xC700, v10  }
0x103: {  	s4 =	simm.s32 $0x17680;
	s6 =	simm.s32 $0x5A80;
	[smem:$0x7F8] =	sst s5;
	v4 =	vsel vm3, $0xF200, v4;
	v3 =	vor.u32 $0x800, v0;
	v10 =	vsel vm7, $0xC780, v10  }
0x104: {  	s9 =	simm.s32 $0x8A80;
	s21 =	simm.s32 $0x14E80;
	[smem:$0x7F9] =	sst s24;
	v5 =	vor.u32 $0x1000, v0;
	v7 =	vor.u32 $0x1800, v0;
	v10 =	vsel vm6, $0xF400, v10  }
0x105: {  	s15 =	simm.s32 $0xA80;
	s1 =	simm.s32 $0x3A80;
	[dreg:$0x13] =	wrdreg s4;
	v52 =	vor.u32 $0x78, v0;
	v62 =	vor.u32 $0x878, v0;
	v10 =	vsel vm0, $0xF480, v10  }
0x106: {  	s3 =	simm.s32 $0x14680;
	s5 =	simm.s32 $0x2A80;
	[dreg:$0x15] =	wrdreg s6;
	v63 =	vor.u32 $0x1078, v0;
	v55 =	vor.u32 $0x1878, v0;
	v10 =	vsel vm1, $0xF500, v10  }
0x107: {  	s24 =	simm.s32 $0x9280;
	[dreg:$0x16] =	wrdreg s9;
	s4 =	simm.s32 $0x15280;
	v56 =	vor.u32 $0x79, v0;
	v57 =	vor.u32 $0x879, v0;
	v10 =	vsel vm2, $0xF580, v10  }
0x108: {  	s22 =	simm.s32 $0x0;
	s6 =	simm.s32 $0x3680;
	[smem:$0x7FC] =	sst s21;
	v58 =	vor.u32 $0x1079, v0;
	v59 =	vor.u32 $0x1879, v0;
	[tilespmem:$0x1FFD0] =	vst v52;
	v10 =	vsel vm3, $0xF600, v10  }
0x109: {  	s9 =	simm.s32 $0x6680;
	s21 =	simm.s32 $0x2;
	[dreg:$0x12] =	wrdreg s3;
	v60 =	vor.u32 $0x7A, v0;
	v4 =	vsel vm4, $0xF280, v4;
	[tilespmem:$0x1FFE0] =	vst v62;
	v10 =	vsel vm4, $0xF680, v10  }
0x10a: {  	[dreg:$0x14] =	wrdreg s5;
	s3 =	simm.s32 $0x12280;
	s5 =	simm.s32 $0x680;
	v61 =	vor.u32 $0x87A, v0;
	[tilespmem:$0x1FFF0] =	vst v63;
	v4 =	vsel vm5, $0xF300, v4;
	v10 =	vsel vm5, $0xF700, v10  }
.LBB2_1:
0x10b: {  	s20 =	sld [smem:$0x7F7];
	_ =	sdelay $0x1  }
0x10c: {  	[smem:$0x7F6] =	sst s22  }
0x10d: {  	[tilespmem:s2], [sflag:$0x2] =	stream.linear.gather [hbm4b:s20+s2], $0x200, $0x38;
	[tilespmem:$0x1A280] =	vst v63  }
0x10e: {  	_ =	swait.ge [sflag:s21], $0x200  }
0x10f: {  	[sflag:s21] =	ssyncset.done $0x0  }
0x110: {  	[sflag:s21] =	ssyncadd.s32 $0xFFFFFE00  }
0x111: {  	v62 =	vld [tilespmem:$0x0];
	_ =	sdelay $0x4  }
0x112: {  	v62 =	vshrl.u32 v62, $0x7  }
0x113: {  	v62 =	vshll.u32 v62, $0x7  }
0x114: {  	(v2sf) =	vpush v62, $0x1  }
0x115: {  	(v2sf) =	vpush v62, $0x0;
	_ =	sdelay $0xd  }
0x116: {  	s20 =	spop (v2sf)  }
0x117: {  	s22 =	spop (v2sf)  }
0x118: {  	s21 =	sand.u32 $0x1FFFFF80, s22  }
0x119: {  	s21 =	sadd.s32 s0, s21  }
0x11a: {  	[tilespmem:s8], [sflag:$0x1] =	stream.linear.gather [hbm4b:s21+s2], $0x400, $0x38;
	[tilespmem:$0x1A280] =	vst v63  }
0x11b: {  	s22 =	sadd.s32 $0xF4280, s21  }
0x11c: {  	[tilespmem:s28], [sflag:$0x1] =	stream.linear.gather [hbm4b:s22+s2], $0x400, $0x38;
	[tilespmem:$0x1A280] =	vst v63  }
0x11d: {  	s28 =	sadd.s32 $0x1E8500, s21  }
0x11e: {  	[tilespmem:s23], [sflag:$0x1] =	stream.linear.gather [hbm4b:s28+s2], $0x400, $0x38;
	[tilespmem:$0x1A280] =	vst v63  }
0x11f: {  	s23 =	sadd.s32 $0x2DC780, s21  }
0x120: {  	[tilespmem:s24], [sflag:$0x1] =	stream.linear.gather [hbm4b:s23+s2], $0x400, $0x38;
	[tilespmem:$0x1A280] =	vst v63  }
0x121: {  	s24 =	sadd.s32 $0x3D0A00, s21  }
0x122: {  	[tilespmem:s25], [sflag:$0x1] =	stream.linear.gather [hbm4b:s24+s2], $0x400, $0x38;
	[tilespmem:$0x1A280] =	vst v63  }
0x123: {  	s25 =	sadd.s32 $0x4C4C80, s21  }
0x124: {  	(v2sf) =	vpush v62, $0x3;
	[tilespmem:s26], [sflag:$0x1] =	stream.linear.gather [hbm4b:s25+s2], $0x400, $0x38;
	[tilespmem:$0x1A280] =	vst v63  }
0x125: {  	s28 =	sadd.s32 $0x5B8F00, s21  }
0x126: {  	(v2sf) =	vpush v62, $0x2;
	[tilespmem:s3], [sflag:$0x1] =	stream.linear.gather [hbm4b:s28+s2], $0x400, $0x38;
	[tilespmem:$0x1A280] =	vst v63  }
0x127: {  	s20 =	sand.u32 $0x1FFFFF80, s20;
	s21 =	sadd.s32 $0x6AD180, s21  }
0x128: {  	[tilespmem:s4], [sflag:$0x1] =	stream.linear.gather [hbm4b:s21+s2], $0x400, $0x38;
	[tilespmem:$0x1A280] =	vst v63  }
0x129: {  	s20 =	sadd.s32 s0, s20  }
0x12a: {  	[tilespmem:s5], [sflag:$0x1] =	stream.linear.gather [hbm4b:s20+s2], $0x400, $0x38;
	[tilespmem:$0x1A280] =	vst v63  }
0x12b: {  	s5 =	sadd.s32 $0xF4280, s20  }
0x12c: {  	[tilespmem:s6], [sflag:$0x1] =	stream.linear.gather [hbm4b:s5+s2], $0x400, $0x38;
	[tilespmem:$0x1A280] =	vst v63  }
0x12d: {  	s6 =	sadd.s32 $0x1E8500, s20  }
0x12e: {  	[tilespmem:s9], [sflag:$0x1] =	stream.linear.gather [hbm4b:s6+s2], $0x400, $0x38;
	[tilespmem:$0x1A280] =	vst v63  }
0x12f: {  	s9 =	sadd.s32 $0x2DC780, s20  }
0x130: {  	[tilespmem:s10], [sflag:$0x1] =	stream.linear.gather [hbm4b:s9+s2], $0x400, $0x38;
	[tilespmem:$0x1A280] =	vst v63  }
0x131: {  	s22 =	sadd.s32 $0x3D0A00, s20  }
0x132: {  	[tilespmem:s11], [sflag:$0x1] =	stream.linear.gather [hbm4b:s22+s2], $0x400, $0x38;
	[tilespmem:$0x1A280] =	vst v63  }
0x133: {  	s23 =	sadd.s32 $0x4C4C80, s20;
	s25 =	spop (v2sf)  }
0x134: {  	[tilespmem:s12], [sflag:$0x1] =	stream.linear.gather [hbm4b:s23+s2], $0x400, $0x38;
	[tilespmem:$0x1A280] =	vst v63  }
0x135: {  	s24 =	sadd.s32 $0x5B8F00, s20;
	s26 =	spop (v2sf)  }
0x136: {  	[tilespmem:s13], [sflag:$0x1] =	stream.linear.gather [hbm4b:s24+s2], $0x400, $0x38;
	[tilespmem:$0x1A280] =	vst v63  }
0x137: {  	s21 =	sand.u32 $0x1FFFFF80, s26;
	s20 =	sadd.s32 $0x6AD180, s20  }
0x138: {  	[tilespmem:s14], [sflag:$0x1] =	stream.linear.gather [hbm4b:s20+s2], $0x400, $0x38;
	[tilespmem:$0x1A280] =	vst v63  }
0x139: {  	s21 =	sadd.s32 s0, s21  }
0x13a: {  	[tilespmem:s15], [sflag:$0x1] =	stream.linear.gather [hbm4b:s21+s2], $0x400, $0x38;
	[tilespmem:$0x1A280] =	vst v63  }
0x13b: {  	s28 =	sadd.s32 $0xF4280, s21  }
0x13c: {  	[tilespmem:s1], [sflag:$0x1] =	stream.linear.gather [hbm4b:s28+s2], $0x400, $0x38;
	[tilespmem:$0x1A280] =	vst v63  }
0x13d: {  	s3 =	sadd.s32 $0x1E8500, s21  }
0x13e: {  	[tilespmem:s16], [sflag:$0x1] =	stream.linear.gather [hbm4b:s3+s2], $0x400, $0x38;
	[tilespmem:$0x1A280] =	vst v63  }
0x13f: {  	s4 =	sadd.s32 $0x2DC780, s21  }
0x140: {  	[tilespmem:s17], [sflag:$0x1] =	stream.linear.gather [hbm4b:s4+s2], $0x400, $0x38;
	[tilespmem:$0x1A280] =	vst v63  }
0x141: {  	s5 =	sadd.s32 $0x3D0A00, s21  }
0x142: {  	[tilespmem:s29], [sflag:$0x1] =	stream.linear.gather [hbm4b:s5+s2], $0x400, $0x38;
	[tilespmem:$0x1A280] =	vst v63  }
0x143: {  	s6 =	sadd.s32 $0x4C4C80, s21  }
0x144: {  	[tilespmem:s30], [sflag:$0x1] =	stream.linear.gather [hbm4b:s6+s2], $0x400, $0x38;
	[tilespmem:$0x1A280] =	vst v63  }
0x145: {  	s9 =	sadd.s32 $0x5B8F00, s21;
	s10 =	simm.s32 $0x15A80  }
0x146: {  	[tilespmem:s31], [sflag:$0x1] =	stream.linear.gather [hbm4b:s9+s2], $0x400, $0x38;
	[tilespmem:$0x1A280] =	vst v63  }
0x147: {  	s20 =	sand.u32 $0x1FFFFF80, s25;
	s21 =	sadd.s32 $0x6AD180, s21  }
0x148: {  	[tilespmem:s10], [sflag:$0x1] =	stream.linear.gather [hbm4b:s21+s2], $0x400, $0x38;
	[tilespmem:$0x1A280] =	vst v63  }
0x149: {  	s11 =	simm.s32 $0xE80;
	s20 =	sadd.s32 s0, s20  }
0x14a: {  	[tilespmem:s11], [sflag:$0x1] =	stream.linear.gather [hbm4b:s20+s2], $0x400, $0x38;
	[tilespmem:$0x1A280] =	vst v63  }
0x14b: {  	s13 =	simm.s32 $0x3E80;
	s12 =	sadd.s32 $0xF4280, s20  }
0x14c: {  	[tilespmem:s13], [sflag:$0x1] =	stream.linear.gather [hbm4b:s12+s2], $0x400, $0x38;
	[tilespmem:$0x1A280] =	vst v63  }
0x14d: {  	s14 =	sadd.s32 $0x1E8500, s20;
	s15 =	simm.s32 $0x6E80  }
0x14e: {  	[tilespmem:s15], [sflag:$0x1] =	stream.linear.gather [hbm4b:s14+s2], $0x400, $0x38;
	[tilespmem:$0x1A280] =	vst v63  }
0x14f: {  	s16 =	sadd.s32 $0x2DC780, s20;
	s17 =	simm.s32 $0x9E80  }
0x150: {  	[tilespmem:s17], [sflag:$0x1] =	stream.linear.gather [hbm4b:s16+s2], $0x400, $0x38;
	[tilespmem:$0x1A280] =	vst v63  }
0x151: {  	s23 =	simm.s32 $0xCE80;
	s22 =	sadd.s32 $0x3D0A00, s20  }
0x152: {  	[tilespmem:s23], [sflag:$0x1] =	stream.linear.gather [hbm4b:s22+s2], $0x400, $0x38;
	[tilespmem:$0x1A280] =	vst v63  }
0x153: {  	s25 =	simm.s32 $0xFE80;
	s24 =	sadd.s32 $0x4C4C80, s20  }
0x154: {  	[tilespmem:s25], [sflag:$0x1] =	stream.linear.gather [hbm4b:s24+s2], $0x400, $0x38;
	[tilespmem:$0x1A280] =	vst v63  }
0x155: {  	s26 =	sadd.s32 $0x5B8F00, s20;
	s28 =	simm.s32 $0x12E80  }
0x156: {  	[tilespmem:s28], [sflag:$0x1] =	stream.linear.gather [hbm4b:s26+s2], $0x400, $0x38;
	[tilespmem:$0x1A280] =	vst v63  }
0x157: {  	s3 =	simm.s32 $0x15E80;
	s20 =	sadd.s32 $0x6AD180, s20  }
0x158: {  	[tilespmem:s3], [sflag:$0x1] =	stream.linear.gather [hbm4b:s20+s2], $0x400, $0x38;
	[tilespmem:$0x1A280] =	vst v63  }
0x159: {  	v54 =	vld [tilespmem:$0x4];
	_ =	sdelay $0x4  }
0x15a: {  	v62 =	vshrl.u32 v54, $0x7  }
0x15b: {  	v62 =	vshll.u32 v62, $0x7  }
0x15c: {  	(v2sf) =	vpush v62, $0x1  }
0x15d: {  	(v2sf) =	vpush v62, $0x0;
	_ =	sdelay $0xd  }
0x15e: {  	s4 =	spop (v2sf)  }
0x15f: {  	s5 =	spop (v2sf)  }
0x160: {  	s21 =	sand.u32 $0x1FFFFF80, s5  }
0x161: {  	s6 =	simm.s32 $0x1280;
	s21 =	sadd.s32 s0, s21  }
0x162: {  	[tilespmem:s6], [sflag:$0x1] =	stream.linear.gather [hbm4b:s21+s2], $0x400, $0x38;
	[tilespmem:$0x1A280] =	vst v63  }
0x163: {  	s10 =	simm.s32 $0x4280;
	s9 =	sadd.s32 $0xF4280, s21  }
0x164: {  	[tilespmem:s10], [sflag:$0x1] =	stream.linear.gather [hbm4b:s9+s2], $0x400, $0x38;
	[tilespmem:$0x1A280] =	vst v63  }
0x165: {  	s12 =	simm.s32 $0x7280;
	s11 =	sadd.s32 $0x1E8500, s21  }
0x166: {  	[tilespmem:s12], [sflag:$0x1] =	stream.linear.gather [hbm4b:s11+s2], $0x400, $0x38;
	[tilespmem:$0x1A280] =	vst v63  }
0x167: {  	s14 =	simm.s32 $0xA280;
	s13 =	sadd.s32 $0x2DC780, s21  }
0x168: {  	[tilespmem:s14], [sflag:$0x1] =	stream.linear.gather [hbm4b:s13+s2], $0x400, $0x38;
	[tilespmem:$0x1A280] =	vst v63  }
0x169: {  	s16 =	simm.s32 $0xD280;
	s15 =	sadd.s32 $0x3D0A00, s21  }
0x16a: {  	[tilespmem:s16], [sflag:$0x1] =	stream.linear.gather [hbm4b:s15+s2], $0x400, $0x38;
	[tilespmem:$0x1A280] =	vst v63  }
0x16b: {  	s23 =	simm.s32 $0x10280;
	s17 =	sadd.s32 $0x4C4C80, s21  }
0x16c: {  	[tilespmem:s23], [sflag:$0x1] =	stream.linear.gather [hbm4b:s17+s2], $0x400, $0x38;
	[tilespmem:$0x1A280] =	vst v63  }
0x16d: {  	s25 =	simm.s32 $0x13280;
	s26 =	simm.s32 $0x16280;
	s24 =	sadd.s32 $0x5B8F00, s21  }
0x16e: {  	(v2sf) =	vpush v62, $0x3;
	[tilespmem:s25], [sflag:$0x1] =	stream.linear.gather [hbm4b:s24+s2], $0x400, $0x38;
	[tilespmem:$0x1A280] =	vst v63  }
0x16f: {  	s20 =	sand.u32 $0x1FFFFF80, s4;
	s21 =	sadd.s32 $0x6AD180, s21  }
0x170: {  	(v2sf) =	vpush v62, $0x2;
	[tilespmem:s26], [sflag:$0x1] =	stream.linear.gather [hbm4b:s21+s2], $0x400, $0x38;
	[tilespmem:$0x1A280] =	vst v63  }
0x171: {  	s28 =	simm.s32 $0x1680;
	s20 =	sadd.s32 s0, s20  }
0x172: {  	[tilespmem:s28], [sflag:$0x1] =	stream.linear.gather [hbm4b:s20+s2], $0x400, $0x38;
	[tilespmem:$0x1A280] =	vst v63  }
0x173: {  	s4 =	simm.s32 $0x4680;
	s3 =	sadd.s32 $0xF4280, s20  }
0x174: {  	[tilespmem:s4], [sflag:$0x1] =	stream.linear.gather [hbm4b:s3+s2], $0x400, $0x38;
	[tilespmem:$0x1A280] =	vst v63  }
0x175: {  	s5 =	sadd.s32 $0x1E8500, s20;
	s6 =	simm.s32 $0x7680  }
0x176: {  	[tilespmem:s6], [sflag:$0x1] =	stream.linear.gather [hbm4b:s5+s2], $0x400, $0x38;
	[tilespmem:$0x1A280] =	vst v63  }
0x177: {  	s9 =	sadd.s32 $0x2DC780, s20;
	s10 =	simm.s32 $0xA680  }
0x178: {  	[tilespmem:s10], [sflag:$0x1] =	stream.linear.gather [hbm4b:s9+s2], $0x400, $0x38;
	[tilespmem:$0x1A280] =	vst v63  }
0x179: {  	s11 =	sadd.s32 $0x3D0A00, s20;
	s12 =	simm.s32 $0xD680  }
0x17a: {  	[tilespmem:s12], [sflag:$0x1] =	stream.linear.gather [hbm4b:s11+s2], $0x400, $0x38;
	[tilespmem:$0x1A280] =	vst v63  }
0x17b: {  	s13 =	sadd.s32 $0x4C4C80, s20;
	s14 =	simm.s32 $0x10680  }
0x17c: {  	[tilespmem:s14], [sflag:$0x1] =	stream.linear.gather [hbm4b:s13+s2], $0x400, $0x38;
	[tilespmem:$0x1A280] =	vst v63  }
0x17d: {  	s15 =	sadd.s32 $0x5B8F00, s20;
	s16 =	simm.s32 $0x13680;
	s17 =	spop (v2sf)  }
0x17e: {  	[tilespmem:s16], [sflag:$0x1] =	stream.linear.gather [hbm4b:s15+s2], $0x400, $0x38;
	[tilespmem:$0x1A280] =	vst v63  }
0x17f: {  	s23 =	simm.s32 $0x16680;
	s24 =	spop (v2sf);
	s20 =	sadd.s32 $0x6AD180, s20  }
0x180: {  	[tilespmem:s23], [sflag:$0x1] =	stream.linear.gather [hbm4b:s20+s2], $0x400, $0x38;
	[tilespmem:$0x1A280] =	vst v63  }
0x181: {  	s20 =	sand.u32 $0x1FFFFF80, s24  }
0x182: {  	s25 =	simm.s32 $0x1A80;
	s20 =	sadd.s32 s0, s20  }
0x183: {  	[tilespmem:s25], [sflag:$0x1] =	stream.linear.gather [hbm4b:s20+s2], $0x400, $0x38;
	[tilespmem:$0x1A280] =	vst v63  }
0x184: {  	s28 =	simm.s32 $0x4A80;
	s26 =	sadd.s32 $0xF4280, s20  }
0x185: {  	[tilespmem:s28], [sflag:$0x1] =	stream.linear.gather [hbm4b:s26+s2], $0x400, $0x38;
	[tilespmem:$0x1A280] =	vst v63  }
0x186: {  	s3 =	simm.s32 $0x7A80;
	s1 =	sadd.s32 $0x1E8500, s20  }
0x187: {  	[tilespmem:s3], [sflag:$0x1] =	stream.linear.gather [hbm4b:s1+s2], $0x400, $0x38;
	[tilespmem:$0x1A280] =	vst v63  }
0x188: {  	s29 =	simm.s32 $0xCA80;
	s5 =	simm.s32 $0xAA80;
	s4 =	sadd.s32 $0x2DC780, s20  }
0x189: {  	[tilespmem:s5], [sflag:$0x1] =	stream.linear.gather [hbm4b:s4+s2], $0x400, $0x38;
	[tilespmem:$0x1A280] =	vst v63  }
0x18a: {  	s30 =	simm.s32 $0x12A80;
	s9 =	simm.s32 $0xDA80;
	s6 =	sadd.s32 $0x3D0A00, s20  }
0x18b: {  	[tilespmem:s9], [sflag:$0x1] =	stream.linear.gather [hbm4b:s6+s2], $0x400, $0x38;
	[tilespmem:$0x1A280] =	vst v63  }
0x18c: {  	s31 =	simm.s32 $0x7E80;
	s11 =	simm.s32 $0x10A80;
	s10 =	sadd.s32 $0x4C4C80, s20  }
0x18d: {  	[tilespmem:s11], [sflag:$0x1] =	stream.linear.gather [hbm4b:s10+s2], $0x400, $0x38;
	[tilespmem:$0x1A280] =	vst v63  }
0x18e: {  	s13 =	simm.s32 $0x13A80;
	s14 =	simm.s32 $0x16A80;
	s12 =	sadd.s32 $0x5B8F00, s20  }
0x18f: {  	[tilespmem:s13], [sflag:$0x1] =	stream.linear.gather [hbm4b:s12+s2], $0x400, $0x38;
	[tilespmem:$0x1A280] =	vst v63  }
0x190: {  	s15 =	sand.u32 $0x1FFFFF80, s17;
	s20 =	sadd.s32 $0x6AD180, s20  }
0x191: {  	[tilespmem:s14], [sflag:$0x1] =	stream.linear.gather [hbm4b:s20+s2], $0x400, $0x38;
	[tilespmem:$0x1A280] =	vst v63  }
0x192: {  	s22 =	simm.s32 $0x4E80;
	s16 =	simm.s32 $0x1E80;
	s20 =	sadd.s32 s0, s15  }
0x193: {  	[tilespmem:s16], [sflag:$0x1] =	stream.linear.gather [hbm4b:s20+s2], $0x400, $0x38;
	[tilespmem:$0x1A280] =	vst v63  }
0x194: {  	s21 =	simm.s32 $0x2;
	s1 =	simm.s32 $0xAE80;
	s17 =	sadd.s32 $0xF4280, s20  }
0x195: {  	[tilespmem:s22], [sflag:$0x1] =	stream.linear.gather [hbm4b:s17+s2], $0x400, $0x38;
	[tilespmem:$0x1A280] =	vst v63  }
0x196: {  	s3 =	simm.s32 $0x9A80;
	s5 =	simm.s32 $0x13E80;
	s23 =	sadd.s32 $0x1E8500, s20  }
0x197: {  	[tilespmem:s31], [sflag:$0x1] =	stream.linear.gather [hbm4b:s23+s2], $0x400, $0x38;
	[tilespmem:$0x1A280] =	vst v63  }
0x198: {  	s4 =	simm.s32 $0xFA80;
	s6 =	simm.s32 $0xDE80;
	s24 =	sadd.s32 $0x2DC780, s20  }
0x199: {  	[tilespmem:s1], [sflag:$0x1] =	stream.linear.gather [hbm4b:s24+s2], $0x400, $0x38;
	[tilespmem:$0x1A280] =	vst v63  }
0x19a: {  	s9 =	simm.s32 $0x10E80;
	s10 =	simm.s32 $0x16E80;
	s25 =	sadd.s32 $0x3D0A00, s20  }
0x19b: {  	[tilespmem:s6], [sflag:$0x1] =	stream.linear.gather [hbm4b:s25+s2], $0x400, $0x38;
	[tilespmem:$0x1A280] =	vst v63  }
0x19c: {  	s11 =	simm.s32 $0xC680;
	s12 =	simm.s32 $0xF680;
	s26 =	sadd.s32 $0x4C4C80, s20  }
0x19d: {  	[tilespmem:s9], [sflag:$0x1] =	stream.linear.gather [hbm4b:s26+s2], $0x400, $0x38;
	[tilespmem:$0x1A280] =	vst v63  }
0x19e: {  	s13 =	simm.s32 $0x12680;
	s14 =	simm.s32 $0x15680;
	s28 =	sadd.s32 $0x5B8F00, s20  }
0x19f: {  	[tilespmem:s5], [sflag:$0x1] =	stream.linear.gather [hbm4b:s28+s2], $0x400, $0x38;
	[tilespmem:$0x1A280] =	vst v63  }
0x1a0: {  	s15 =	simm.s32 $0xA80;
	s20 =	sadd.s32 $0x6AD180, s20;
	s16 =	simm.s32 $0x3A80  }
0x1a1: {  	[tilespmem:s10], [sflag:$0x1] =	stream.linear.gather [hbm4b:s20+s2], $0x400, $0x38;
	[tilespmem:$0x1A280] =	vst v63  }
0x1a2: {  	s22 =	simm.s32 $0x0;
	s17 =	simm.s32 $0x6A80;
	s20 =	simm.s32 $0x8  }
.LBB2_2:
0x1a3: {  	_ =	swait.ge [sflag:s18], $0x8000  }
0x1a4: {  	[sflag:s18] =	ssyncset.done $0x0  }
0x1a5: {  	[sflag:s18] =	ssyncadd.s32 $0xFFFF8000  }
0x1a6: {  	v62 =	vld [tilespmem:s20+$0x0];
	_ =	sdelay $0x4  }
0x1a7: {  	v62 =	vshrl.u32 v62, $0x7  }
0x1a8: {  	v62 =	vshll.u32 v62, $0x7  }
0x1a9: {  	(v2sf) =	vpush v62, $0x1  }
0x1aa: {  	(v2sf) =	vpush v62, $0x0;
	_ =	sdelay $0xd  }
0x1ab: {  	s23 =	spop (v2sf)  }
0x1ac: {  	s24 =	spop (v2sf)  }
0x1ad: {  	s24 =	sand.u32 $0x1FFFFF80, s24  }
0x1ae: {  	s25 =	rddreg [dreg:$0x4];
	s24 =	sadd.s32 s0, s24  }
0x1af: {  	[tilespmem:s25], [sflag:$0x1] =	stream.linear.gather [hbm4b:s24+s2], $0x400, $0x38;
	[tilespmem:$0x1A280] =	vst v63  }
0x1b0: {  	s26 =	rddreg [dreg:$0x5];
	s25 =	sadd.s32 $0xF4280, s24  }
0x1b1: {  	[tilespmem:s26], [sflag:$0x1] =	stream.linear.gather [hbm4b:s25+s2], $0x400, $0x38;
	[tilespmem:$0x1A280] =	vst v63  }
0x1b2: {  	s28 =	rddreg [dreg:$0x6];
	s25 =	sadd.s32 $0x1E8500, s24  }
0x1b3: {  	[tilespmem:s28], [sflag:$0x1] =	stream.linear.gather [hbm4b:s25+s2], $0x400, $0x38;
	[tilespmem:$0x1A280] =	vst v63  }
0x1b4: {  	s26 =	rddreg [dreg:$0x7];
	s25 =	sadd.s32 $0x2DC780, s24  }
0x1b5: {  	[tilespmem:s26], [sflag:$0x1] =	stream.linear.gather [hbm4b:s25+s2], $0x400, $0x38;
	[tilespmem:$0x1A280] =	vst v63  }
0x1b6: {  	s28 =	rddreg [dreg:$0x8];
	s25 =	sadd.s32 $0x3D0A00, s24  }
0x1b7: {  	[tilespmem:s28], [sflag:$0x1] =	stream.linear.gather [hbm4b:s25+s2], $0x400, $0x38;
	[tilespmem:$0x1A280] =	vst v63  }
0x1b8: {  	s26 =	rddreg [dreg:$0x9];
	s25 =	sadd.s32 $0x4C4C80, s24  }
0x1b9: {  	[tilespmem:s26], [sflag:$0x1] =	stream.linear.gather [hbm4b:s25+s2], $0x400, $0x38;
	[tilespmem:$0x1A280] =	vst v63  }
0x1ba: {  	s28 =	rddreg [dreg:$0xa];
	s25 =	sadd.s32 $0x5B8F00, s24  }
0x1bb: {  	[tilespmem:s28], [sflag:$0x1] =	stream.linear.gather [hbm4b:s25+s2], $0x400, $0x38;
	[tilespmem:$0x1A280] =	vst v63  }
0x1bc: {  	s23 =	sand.u32 $0x1FFFFF80, s23;
	s26 =	rddreg [dreg:$0xb];
	s24 =	sadd.s32 $0x6AD180, s24  }
0x1bd: {  	[tilespmem:s26], [sflag:$0x1] =	stream.linear.gather [hbm4b:s24+s2], $0x400, $0x38;
	[tilespmem:$0x1A280] =	vst v63  }
0x1be: {  	s23 =	sadd.s32 s0, s23;
	s26 =	rddreg [dreg:$0xc]  }
0x1bf: {  	(v2sf) =	vpush v62, $0x3;
	[tilespmem:s26], [sflag:$0x1] =	stream.linear.gather [hbm4b:s23+s2], $0x400, $0x38;
	[tilespmem:$0x1A280] =	vst v63  }
0x1c0: {  	(v2sf) =	vpush v62, $0x2;
	s25 =	rddreg [dreg:$0xd];
	s24 =	sadd.s32 $0xF4280, s23  }
0x1c1: {  	[tilespmem:s25], [sflag:$0x1] =	stream.linear.gather [hbm4b:s24+s2], $0x400, $0x38;
	[tilespmem:$0x1A280] =	vst v63  }
0x1c2: {  	s26 =	rddreg [dreg:$0xe];
	s24 =	sadd.s32 $0x1E8500, s23  }
0x1c3: {  	[tilespmem:s26], [sflag:$0x1] =	stream.linear.gather [hbm4b:s24+s2], $0x400, $0x38;
	[tilespmem:$0x1A280] =	vst v63  }
0x1c4: {  	s25 =	rddreg [dreg:$0xf];
	s24 =	sadd.s32 $0x2DC780, s23  }
0x1c5: {  	[tilespmem:s25], [sflag:$0x1] =	stream.linear.gather [hbm4b:s24+s2], $0x400, $0x38;
	[tilespmem:$0x1A280] =	vst v63  }
0x1c6: {  	s26 =	rddreg [dreg:$0x10];
	s24 =	sadd.s32 $0x3D0A00, s23  }
0x1c7: {  	[tilespmem:s26], [sflag:$0x1] =	stream.linear.gather [hbm4b:s24+s2], $0x400, $0x38;
	[tilespmem:$0x1A280] =	vst v63  }
0x1c8: {  	s25 =	rddreg [dreg:$0x11];
	s24 =	sadd.s32 $0x4C4C80, s23  }
0x1c9: {  	[tilespmem:s25], [sflag:$0x1] =	stream.linear.gather [hbm4b:s24+s2], $0x400, $0x38;
	[tilespmem:$0x1A280] =	vst v63  }
0x1ca: {  	s26 =	rddreg [dreg:$0x12];
	s24 =	sadd.s32 $0x5B8F00, s23  }
0x1cb: {  	[tilespmem:s26], [sflag:$0x1] =	stream.linear.gather [hbm4b:s24+s2], $0x400, $0x38;
	[tilespmem:$0x1A280] =	vst v63  }
0x1cc: {  	s25 =	rddreg [dreg:$0x13];
	s23 =	sadd.s32 $0x6AD180, s23  }
0x1cd: {  	[tilespmem:s25], [sflag:$0x1] =	stream.linear.gather [hbm4b:s23+s2], $0x400, $0x38;
	[tilespmem:$0x1A280] =	vst v63  }
0x1ce: {  	s23 =	spop (v2sf)  }
0x1cf: {  	s26 =	spop (v2sf)  }
0x1d0: {  	s28 =	rddreg [dreg:$0x16];
	s24 =	sand.u32 $0x1FFFFF80, s26  }
0x1d1: {  	s25 =	rddreg [dreg:$0x14];
	s24 =	sadd.s32 s0, s24  }
0x1d2: {  	[tilespmem:s25], [sflag:$0x1] =	stream.linear.gather [hbm4b:s24+s2], $0x400, $0x38;
	[tilespmem:$0x1A280] =	vst v63  }
0x1d3: {  	s26 =	rddreg [dreg:$0x15];
	s25 =	sadd.s32 $0xF4280, s24  }
0x1d4: {  	[tilespmem:s26], [sflag:$0x1] =	stream.linear.gather [hbm4b:s25+s2], $0x400, $0x38;
	[tilespmem:$0x1A280] =	vst v63  }
0x1d5: {  	s25 =	sadd.s32 $0x1E8500, s24;
	s26 =	rddreg [dreg:$0x17]  }
0x1d6: {  	[tilespmem:s28], [sflag:$0x1] =	stream.linear.gather [hbm4b:s25+s2], $0x400, $0x38;
	[tilespmem:$0x1A280] =	vst v63  }
0x1d7: {  	s25 =	sadd.s32 $0x2DC780, s24;
	s28 =	rddreg [dreg:$0x18]  }
0x1d8: {  	[tilespmem:s26], [sflag:$0x1] =	stream.linear.gather [hbm4b:s25+s2], $0x400, $0x38;
	[tilespmem:$0x1A280] =	vst v63  }
0x1d9: {  	s25 =	sadd.s32 $0x3D0A00, s24;
	s26 =	rddreg [dreg:$0x19]  }
0x1da: {  	[tilespmem:s28], [sflag:$0x1] =	stream.linear.gather [hbm4b:s25+s2], $0x400, $0x38;
	[tilespmem:$0x1A280] =	vst v63  }
0x1db: {  	s25 =	sadd.s32 $0x4C4C80, s24;
	s28 =	rddreg [dreg:$0x1a]  }
0x1dc: {  	[tilespmem:s26], [sflag:$0x1] =	stream.linear.gather [hbm4b:s25+s2], $0x400, $0x38;
	[tilespmem:$0x1A280] =	vst v63  }
0x1dd: {  	s25 =	sadd.s32 $0x5B8F00, s24;
	s26 =	rddreg [dreg:$0x1b]  }
0x1de: {  	[tilespmem:s28], [sflag:$0x1] =	stream.linear.gather [hbm4b:s25+s2], $0x400, $0x38;
	[tilespmem:$0x1A280] =	vst v63  }
0x1df: {  	s23 =	sand.u32 $0x1FFFFF80, s23;
	s24 =	sadd.s32 $0x6AD180, s24;
	s25 =	rddreg [dreg:$0x1d]  }
0x1e0: {  	[tilespmem:s26], [sflag:$0x1] =	stream.linear.gather [hbm4b:s24+s2], $0x400, $0x38;
	[tilespmem:$0x1A280] =	vst v63  }
0x1e1: {  	s23 =	sadd.s32 s0, s23;
	s26 =	rddreg [dreg:$0x1c]  }
0x1e2: {  	[tilespmem:s26], [sflag:$0x1] =	stream.linear.gather [hbm4b:s23+s2], $0x400, $0x38;
	[tilespmem:$0x1A280] =	vst v63  }
0x1e3: {  	s24 =	sadd.s32 $0xF4280, s23;
	s26 =	rddreg [dreg:$0x1e]  }
0x1e4: {  	[tilespmem:s25], [sflag:$0x1] =	stream.linear.gather [hbm4b:s24+s2], $0x400, $0x38;
	[tilespmem:$0x1A280] =	vst v63  }
0x1e5: {  	s24 =	sadd.s32 $0x1E8500, s23;
	s25 =	rddreg [dreg:$0x1f]  }
0x1e6: {  	[tilespmem:s26], [sflag:$0x1] =	stream.linear.gather [hbm4b:s24+s2], $0x400, $0x38;
	[tilespmem:$0x1A280] =	vst v63  }
0x1e7: {  	s24 =	sadd.s32 $0x2DC780, s23;
	s26 =	sld [smem:$0x7FA]  }
0x1e8: {  	[tilespmem:s25], [sflag:$0x1] =	stream.linear.gather [hbm4b:s24+s2], $0x400, $0x38;
	[tilespmem:$0x1A280] =	vst v63  }
0x1e9: {  	s24 =	sadd.s32 $0x3D0A00, s23;
	s25 =	sld [smem:$0x7FB]  }
0x1ea: {  	[tilespmem:s26], [sflag:$0x1] =	stream.linear.gather [hbm4b:s24+s2], $0x400, $0x38;
	[tilespmem:$0x1A280] =	vst v63  }
0x1eb: {  	s24 =	sadd.s32 $0x4C4C80, s23;
	s26 =	sld [smem:$0x7FC]  }
0x1ec: {  	[tilespmem:s25], [sflag:$0x1] =	stream.linear.gather [hbm4b:s24+s2], $0x400, $0x38;
	[tilespmem:$0x1A280] =	vst v63  }
0x1ed: {  	s24 =	sadd.s32 $0x5B8F00, s23;
	s25 =	sld [smem:$0x7FD]  }
0x1ee: {  	[tilespmem:s26], [sflag:$0x1] =	stream.linear.gather [hbm4b:s24+s2], $0x400, $0x38;
	[tilespmem:$0x1A280] =	vst v63  }
0x1ef: {  	s23 =	sadd.s32 $0x6AD180, s23  }
0x1f0: {  	[tilespmem:s25], [sflag:$0x1] =	stream.linear.gather [hbm4b:s23+s2], $0x400, $0x38;
	[tilespmem:$0x1A280] =	vst v63  }
0x1f1: {  	v54 =	vld [tilespmem:s20+$0xFFFFFFF8];
	_ =	sdelay $0x4  }
0x1f2: {  	v62 =	vand.u32 $0x7F, v54  }
0x1f3: {  	v63 =	vbroadcast v62, $0x0;
	_ =	sdelay $0x1  }
0x1f4: {  	v52 =	vor.u32 v1, v63;
	_ =	sdelay $0x3  }
0x1f5: {  	s23 =	sand.u32 $0x7C, s22  }
0x1f6: {  	v53 =	vor.u32 s23, v0;
	v52 =	vld.idx.msk [tilespmem:v52+s8+$0x0], $0xffff  }
0x1f7: {  	v54 =	vor.u32 v2, v63;
	_ =	sdelay $0x3  }
0x1f8: {  	[tilespmem:v53+s19+$0x0] =	vst.idx.msk $0xffff, v52  }
0x1f9: {  	v53 =	vor.u32 s23, v3;
	v52 =	vld.idx.msk [tilespmem:v54+s8+$0x0], $0xffff  }
0x1fa: {  	v54 =	vor.u32 v4, v63;
	_ =	sdelay $0x3  }
0x1fb: {  	[tilespmem:v53+s19+$0x0] =	vst.idx.msk $0xffff, v52  }
0x1fc: {  	v53 =	vor.u32 s23, v5;
	v52 =	vld.idx.msk [tilespmem:v54+s8+$0x0], $0xffff  }
0x1fd: {  	v63 =	vor.u32 v6, v63;
	_ =	sdelay $0x3  }
0x1fe: {  	[tilespmem:v53+s19+$0x0] =	vst.idx.msk $0xffff, v52;
	v52 =	vbroadcast v62, $0x1  }
0x1ff: {  	v54 =	vor.u32 s23, v7;
	v53 =	vld.idx.msk [tilespmem:v63+s8+$0x0], $0xffff  }
0x200: {  	v63 =	vor.u32 v8, v52;
	_ =	sdelay $0x3  }
0x201: {  	s26 =	sor.u32 $0x1, s23;
	[tilespmem:v54+s19+$0x0] =	vst.idx.msk $0xffff, v53  }
0x202: {  	v54 =	vor.u32 s26, v0;
	v53 =	vld.idx.msk [tilespmem:v63+s8+$0x0], $0xffff  }
0x203: {  	v63 =	vor.u32 v9, v52;
	_ =	sdelay $0x3  }
0x204: {  	[tilespmem:v54+s19+$0x0] =	vst.idx.msk $0xffff, v53  }
0x205: {  	v54 =	vor.u32 s26, v3;
	v53 =	vld.idx.msk [tilespmem:v63+s8+$0x0], $0xffff  }
0x206: {  	v63 =	vor.u32 v10, v52;
	_ =	sdelay $0x3  }
0x207: {  	[tilespmem:v54+s19+$0x0] =	vst.idx.msk $0xffff, v53  }
0x208: {  	v53 =	vld.idx.msk [tilespmem:v63+s8+$0x0], $0xffff;
	v63 =	vor.u32 s26, v5  }
0x209: {  	v52 =	vor.u32 v11, v52;
	_ =	sdelay $0x3  }
0x20a: {  	[tilespmem:v63+s19+$0x0] =	vst.idx.msk $0xffff, v53;
	v53 =	vbroadcast v62, $0x2  }
0x20b: {  	v54 =	vor.u32 s26, v7;
	v52 =	vld.idx.msk [tilespmem:v52+s8+$0x0], $0xffff  }
0x20c: {  	v63 =	vor.u32 v12, v53;
	_ =	sdelay $0x3  }
0x20d: {  	s25 =	sor.u32 $0x2, s23;
	[tilespmem:v54+s19+$0x0] =	vst.idx.msk $0xffff, v52  }
0x20e: {  	v54 =	vor.u32 s25, v0;
	v52 =	vld.idx.msk [tilespmem:v63+s8+$0x0], $0xffff  }
0x20f: {  	v63 =	vor.u32 v13, v53;
	_ =	sdelay $0x3  }
0x210: {  	[tilespmem:v54+s19+$0x0] =	vst.idx.msk $0xffff, v52  }
0x211: {  	v54 =	vor.u32 s25, v3;
	v52 =	vld.idx.msk [tilespmem:v63+s8+$0x0], $0xffff  }
0x212: {  	v63 =	vor.u32 v14, v53;
	_ =	sdelay $0x3  }
0x213: {  	[tilespmem:v54+s19+$0x0] =	vst.idx.msk $0xffff, v52  }
0x214: {  	v52 =	vld.idx.msk [tilespmem:v63+s8+$0x0], $0xffff;
	v63 =	vor.u32 s25, v5  }
0x215: {  	v53 =	vor.u32 v15, v53;
	_ =	sdelay $0x3  }
0x216: {  	[tilespmem:v63+s19+$0x0] =	vst.idx.msk $0xffff, v52;
	v52 =	vbroadcast v62, $0x3  }
0x217: {  	v54 =	vor.u32 s25, v7;
	v53 =	vld.idx.msk [tilespmem:v53+s8+$0x0], $0xffff  }
0x218: {  	v62 =	vor.u32 v16, v52;
	_ =	sdelay $0x3  }
0x219: {  	s23 =	sor.u32 $0x3, s23;
	[tilespmem:v54+s19+$0x0] =	vst.idx.msk $0xffff, v53  }
0x21a: {  	v54 =	vor.u32 s23, v0;
	v53 =	vld.idx.msk [tilespmem:v62+s8+$0x0], $0xffff  }
0x21b: {  	v62 =	vor.u32 v17, v52;
	_ =	sdelay $0x3  }
0x21c: {  	[tilespmem:v54+s19+$0x0] =	vst.idx.msk $0xffff, v53  }
0x21d: {  	v54 =	vor.u32 s23, v3;
	v53 =	vld.idx.msk [tilespmem:v62+s8+$0x0], $0xffff  }
0x21e: {  	v62 =	vor.u32 v18, v52;
	_ =	sdelay $0x3  }
0x21f: {  	[tilespmem:v54+s19+$0x0] =	vst.idx.msk $0xffff, v53  }
0x220: {  	v53 =	vld.idx.msk [tilespmem:v62+s8+$0x0], $0xffff;
	v62 =	vor.u32 s23, v5  }
0x221: {  	v52 =	vor.u32 v19, v52;
	_ =	sdelay $0x3  }
0x222: {  	[tilespmem:v62+s19+$0x0] =	vst.idx.msk $0xffff, v53  }
0x223: {  	v63 =	vor.u32 s23, v7;
	v52 =	vld.idx.msk [tilespmem:v52+s8+$0x0], $0xffff  }
0x224: {  	s26 =	sadd.s32 $0xFFFFFFFE, s21  }
0x225: {  	s24 =	sand.u32 $0x1F, s26  }
0x226: {  	p0 =	sne.s32 s24, $0x1F  }
0x227: {  	s24 =	simm.s32 @!p0 $0x400;
	s23 =	sadd.s32 @!p0 s22, s7  }
0x228: {  	s26 =	simm.s32 @!p0 $0x18280;
	s25 =	simm.s32 @!p0 $0x20000;
	s23 =	sadd.s32 @!p0 $0xFFFFFF84, s23;
	[tilespmem:v63+s19+$0x0] =	vst.idx.msk $0xffff, v52  }
0x229: {  	[hbm4b:s23+s24] =	stream.strided.scatter @!p0 [tilespmem:s26], [sflag:$0x3], $0x2000, s25, s24, $0x38;
	[tilespmem:$0x1A280] =	vst v63  }
0x22a: {  	s23 =	simm.s32 @!p0 $0x3  }
0x22b: {  	_ =	swait.ge @!p0 [sflag:s23], $0x2000  }
0x22c: {  	[sflag:s23] =	ssyncset.done @!p0 $0x0  }
0x22d: {  	[sflag:s23] =	ssyncadd.s32 @!p0 $0xFFFFE000  }
0x22e: {  	_ =	swait.ge [sflag:s18], $0x8000  }
0x22f: {  	[sflag:s18] =	ssyncset.done $0x0  }
0x230: {  	[sflag:s18] =	ssyncadd.s32 $0xFFFF8000  }
0x231: {  	v62 =	vld [tilespmem:s20+$0x4];
	_ =	sdelay $0x4  }
0x232: {  	v52 =	vshrl.u32 v62, $0x7  }
0x233: {  	v52 =	vshll.u32 v52, $0x7  }
0x234: {  	(v2sf) =	vpush v52, $0x1  }
0x235: {  	(v2sf) =	vpush v52, $0x0;
	_ =	sdelay $0xd  }
0x236: {  	s23 =	spop (v2sf)  }
0x237: {  	s25 =	spop (v2sf)  }
0x238: {  	s24 =	sand.u32 $0x1FFFFF80, s25  }
0x239: {  	s24 =	sadd.s32 s0, s24  }
0x23a: {  	[tilespmem:s8], [sflag:$0x1] =	stream.linear.gather [hbm4b:s24+s2], $0x400, $0x38;
	[tilespmem:$0x1A280] =	vst v63  }
0x23b: {  	s28 =	simm.s32 $0x3280;
	s23 =	sand.u32 $0x1FFFFF80, s23;
	s26 =	sadd.s32 $0xF4280, s24  }
0x23c: {  	[tilespmem:s28], [sflag:$0x1] =	stream.linear.gather [hbm4b:s26+s2], $0x400, $0x38;
	[tilespmem:$0x1A280] =	vst v63  }
0x23d: {  	s25 =	sadd.s32 $0x1E8500, s24;
	s26 =	simm.s32 $0x6280  }
0x23e: {  	[tilespmem:s26], [sflag:$0x1] =	stream.linear.gather [hbm4b:s25+s2], $0x400, $0x38;
	[tilespmem:$0x1A280] =	vst v63  }
0x23f: {  	s25 =	sadd.s32 $0x2DC780, s24;
	s26 =	simm.s32 $0x9280  }
0x240: {  	[tilespmem:s26], [sflag:$0x1] =	stream.linear.gather [hbm4b:s25+s2], $0x400, $0x38;
	[tilespmem:$0x1A280] =	vst v63  }
0x241: {  	s25 =	sadd.s32 $0x3D0A00, s24;
	s26 =	simm.s32 $0xC280  }
0x242: {  	[tilespmem:s26], [sflag:$0x1] =	stream.linear.gather [hbm4b:s25+s2], $0x400, $0x38;
	[tilespmem:$0x1A280] =	vst v63  }
0x243: {  	s25 =	sadd.s32 $0x4C4C80, s24;
	s26 =	simm.s32 $0xF280  }
0x244: {  	[tilespmem:s26], [sflag:$0x1] =	stream.linear.gather [hbm4b:s25+s2], $0x400, $0x38;
	[tilespmem:$0x1A280] =	vst v63  }
0x245: {  	s25 =	sadd.s32 $0x5B8F00, s24;
	s26 =	simm.s32 $0x12280  }
0x246: {  	[tilespmem:s26], [sflag:$0x1] =	stream.linear.gather [hbm4b:s25+s2], $0x400, $0x38;
	[tilespmem:$0x1A280] =	vst v63  }
0x247: {  	s24 =	sadd.s32 $0x6AD180, s24;
	s26 =	simm.s32 $0x15280  }
0x248: {  	[tilespmem:s26], [sflag:$0x1] =	stream.linear.gather [hbm4b:s24+s2], $0x400, $0x38;
	[tilespmem:$0x1A280] =	vst v63  }
0x249: {  	s23 =	sadd.s32 s0, s23;
	s26 =	simm.s32 $0x680  }
0x24a: {  	(v2sf) =	vpush v52, $0x3;
	[tilespmem:s26], [sflag:$0x1] =	stream.linear.gather [hbm4b:s23+s2], $0x400, $0x38;
	[tilespmem:$0x1A280] =	vst v63  }
0x24b: {  	(v2sf) =	vpush v52, $0x2;
	s25 =	sadd.s32 $0xF4280, s23;
	s26 =	simm.s32 $0x3680  }
0x24c: {  	[tilespmem:s26], [sflag:$0x1] =	stream.linear.gather [hbm4b:s25+s2], $0x400, $0x38;
	[tilespmem:$0x1A280] =	vst v63  }
0x24d: {  	s25 =	sadd.s32 $0x1E8500, s23;
	s26 =	simm.s32 $0x6680  }
0x24e: {  	[tilespmem:s26], [sflag:$0x1] =	stream.linear.gather [hbm4b:s25+s2], $0x400, $0x38;
	[tilespmem:$0x1A280] =	vst v63  }
0x24f: {  	s25 =	sadd.s32 $0x2DC780, s23;
	s26 =	simm.s32 $0x9680  }
0x250: {  	[tilespmem:s26], [sflag:$0x1] =	stream.linear.gather [hbm4b:s25+s2], $0x400, $0x38;
	[tilespmem:$0x1A280] =	vst v63  }
0x251: {  	s26 =	sadd.s32 $0x3D0A00, s23  }
0x252: {  	[tilespmem:s11], [sflag:$0x1] =	stream.linear.gather [hbm4b:s26+s2], $0x400, $0x38;
	[tilespmem:$0x1A280] =	vst v63  }
0x253: {  	s25 =	sadd.s32 $0x4C4C80, s23  }
0x254: {  	[tilespmem:s12], [sflag:$0x1] =	stream.linear.gather [hbm4b:s25+s2], $0x400, $0x38;
	[tilespmem:$0x1A280] =	vst v63  }
0x255: {  	s26 =	sadd.s32 $0x5B8F00, s23  }
0x256: {  	[tilespmem:s13], [sflag:$0x1] =	stream.linear.gather [hbm4b:s26+s2], $0x400, $0x38;
	[tilespmem:$0x1A280] =	vst v63  }
0x257: {  	s23 =	sadd.s32 $0x6AD180, s23  }
0x258: {  	[tilespmem:s14], [sflag:$0x1] =	stream.linear.gather [hbm4b:s23+s2], $0x400, $0x38;
	[tilespmem:$0x1A280] =	vst v63  }
0x259: {  	s23 =	spop (v2sf)  }
0x25a: {  	s25 =	spop (v2sf)  }
0x25b: {  	s24 =	sand.u32 $0x1FFFFF80, s25  }
0x25c: {  	s24 =	sadd.s32 s0, s24  }
0x25d: {  	[tilespmem:s15], [sflag:$0x1] =	stream.linear.gather [hbm4b:s24+s2], $0x400, $0x38;
	[tilespmem:$0x1A280] =	vst v63  }
0x25e: {  	s26 =	sadd.s32 $0xF4280, s24  }
0x25f: {  	[tilespmem:s16], [sflag:$0x1] =	stream.linear.gather [hbm4b:s26+s2], $0x400, $0x38;
	[tilespmem:$0x1A280] =	vst v63  }
0x260: {  	s26 =	sadd.s32 $0x1E8500, s24  }
0x261: {  	[tilespmem:s17], [sflag:$0x1] =	stream.linear.gather [hbm4b:s26+s2], $0x400, $0x38;
	[tilespmem:$0x1A280] =	vst v63  }
0x262: {  	s26 =	sadd.s32 $0x2DC780, s24  }
0x263: {  	[tilespmem:s3], [sflag:$0x1] =	stream.linear.gather [hbm4b:s26+s2], $0x400, $0x38;
	[tilespmem:$0x1A280] =	vst v63  }
0x264: {  	s26 =	sadd.s32 $0x3D0A00, s24  }
0x265: {  	[tilespmem:s29], [sflag:$0x1] =	stream.linear.gather [hbm4b:s26+s2], $0x400, $0x38;
	[tilespmem:$0x1A280] =	vst v63  }
0x266: {  	s26 =	sadd.s32 $0x4C4C80, s24  }
0x267: {  	[tilespmem:s4], [sflag:$0x1] =	stream.linear.gather [hbm4b:s26+s2], $0x400, $0x38;
	[tilespmem:$0x1A280] =	vst v63  }
0x268: {  	s23 =	sand.u32 $0x1FFFFF80, s23;
	s26 =	sadd.s32 $0x5B8F00, s24  }
0x269: {  	[tilespmem:s30], [sflag:$0x1] =	stream.linear.gather [hbm4b:s26+s2], $0x400, $0x38;
	[tilespmem:$0x1A280] =	vst v63  }
0x26a: {  	s24 =	sadd.s32 $0x6AD180, s24;
	s26 =	simm.s32 $0x15A80  }
0x26b: {  	[tilespmem:s26], [sflag:$0x1] =	stream.linear.gather [hbm4b:s24+s2], $0x400, $0x38;
	[tilespmem:$0x1A280] =	vst v63  }
0x26c: {  	s23 =	sadd.s32 s0, s23;
	s26 =	simm.s32 $0xE80  }
0x26d: {  	[tilespmem:s26], [sflag:$0x1] =	stream.linear.gather [hbm4b:s23+s2], $0x400, $0x38;
	[tilespmem:$0x1A280] =	vst v63  }
0x26e: {  	s25 =	sadd.s32 $0xF4280, s23;
	s26 =	simm.s32 $0x3E80  }
0x26f: {  	[tilespmem:s26], [sflag:$0x1] =	stream.linear.gather [hbm4b:s25+s2], $0x400, $0x38;
	[tilespmem:$0x1A280] =	vst v63  }
0x270: {  	s25 =	sadd.s32 $0x1E8500, s23;
	s26 =	simm.s32 $0x6E80  }
0x271: {  	[tilespmem:s26], [sflag:$0x1] =	stream.linear.gather [hbm4b:s25+s2], $0x400, $0x38;
	[tilespmem:$0x1A280] =	vst v63  }
0x272: {  	s25 =	sadd.s32 $0x2DC780, s23;
	s26 =	simm.s32 $0x9E80  }
0x273: {  	[tilespmem:s26], [sflag:$0x1] =	stream.linear.gather [hbm4b:s25+s2], $0x400, $0x38;
	[tilespmem:$0x1A280] =	vst v63  }
0x274: {  	s25 =	sadd.s32 $0x3D0A00, s23;
	s26 =	simm.s32 $0xCE80  }
0x275: {  	[tilespmem:s26], [sflag:$0x1] =	stream.linear.gather [hbm4b:s25+s2], $0x400, $0x38;
	[tilespmem:$0x1A280] =	vst v63  }
0x276: {  	s25 =	sadd.s32 $0x4C4C80, s23;
	s26 =	simm.s32 $0xFE80  }
0x277: {  	[tilespmem:s26], [sflag:$0x1] =	stream.linear.gather [hbm4b:s25+s2], $0x400, $0x38;
	[tilespmem:$0x1A280] =	vst v63  }
0x278: {  	s25 =	sadd.s32 $0x5B8F00, s23;
	s26 =	simm.s32 $0x12E80  }
0x279: {  	[tilespmem:s26], [sflag:$0x1] =	stream.linear.gather [hbm4b:s25+s2], $0x400, $0x38;
	[tilespmem:$0x1A280] =	vst v63  }
0x27a: {  	s23 =	sadd.s32 $0x6AD180, s23;
	s26 =	simm.s32 $0x15E80  }
0x27b: {  	[tilespmem:s26], [sflag:$0x1] =	stream.linear.gather [hbm4b:s23+s2], $0x400, $0x38;
	[tilespmem:$0x1A280] =	vst v63  }
0x27c: {  	v63 =	vld [tilespmem:s20+$0xFFFFFFFC];
	_ =	sdelay $0x4  }
0x27d: {  	v52 =	vand.u32 $0x7F, v63  }
0x27e: {  	v53 =	vbroadcast v52, $0x0;
	_ =	sdelay $0x1  }
0x27f: {  	v62 =	vor.u32 v20, v53;
	_ =	sdelay $0x2  }
0x280: {  	s25 =	sadd.s32 $0x4, s22  }
0x281: {  	s23 =	sand.u32 $0x7C, s25  }
0x282: {  	v54 =	vld.idx.msk [tilespmem:v62+s8+$0x0], $0xffff;
	v62 =	vor.u32 s23, v0  }
0x283: {  	v63 =	vor.u32 v21, v53;
	_ =	sdelay $0x3  }
0x284: {  	[tilespmem:v62+s19+$0x0] =	vst.idx.msk $0xffff, v54  }
0x285: {  	v62 =	vor.u32 s23, v3;
	v54 =	vld.idx.msk [tilespmem:v63+s8+$0x0], $0xffff  }
0x286: {  	v63 =	vor.u32 v22, v53;
	_ =	sdelay $0x3  }
0x287: {  	[tilespmem:v62+s19+$0x0] =	vst.idx.msk $0xffff, v54  }
0x288: {  	v62 =	vor.u32 s23, v5;
	v54 =	vld.idx.msk [tilespmem:v63+s8+$0x0], $0xffff  }
0x289: {  	v53 =	vor.u32 v23, v53;
	_ =	sdelay $0x3  }
0x28a: {  	[tilespmem:v62+s19+$0x0] =	vst.idx.msk $0xffff, v54;
	v54 =	vbroadcast v52, $0x1  }
0x28b: {  	v62 =	vor.u32 s23, v7;
	v53 =	vld.idx.msk [tilespmem:v53+s8+$0x0], $0xffff  }
0x28c: {  	v63 =	vor.u32 v24, v54;
	_ =	sdelay $0x3  }
0x28d: {  	s26 =	sor.u32 $0x1, s23;
	[tilespmem:v62+s19+$0x0] =	vst.idx.msk $0xffff, v53  }
0x28e: {  	v62 =	vor.u32 s26, v0;
	v53 =	vld.idx.msk [tilespmem:v63+s8+$0x0], $0xffff  }
0x28f: {  	v63 =	vor.u32 v25, v54;
	_ =	sdelay $0x3  }
0x290: {  	[tilespmem:v62+s19+$0x0] =	vst.idx.msk $0xffff, v53  }
0x291: {  	v62 =	vor.u32 s26, v3;
	v53 =	vld.idx.msk [tilespmem:v63+s8+$0x0], $0xffff  }
0x292: {  	v63 =	vor.u32 v26, v54;
	_ =	sdelay $0x3  }
0x293: {  	[tilespmem:v62+s19+$0x0] =	vst.idx.msk $0xffff, v53  }
0x294: {  	v62 =	vor.u32 s26, v5;
	v53 =	vld.idx.msk [tilespmem:v63+s8+$0x0], $0xffff  }
0x295: {  	v54 =	vor.u32 v27, v54;
	_ =	sdelay $0x3  }
0x296: {  	[tilespmem:v62+s19+$0x0] =	vst.idx.msk $0xffff, v53;
	v53 =	vbroadcast v52, $0x2  }
0x297: {  	v62 =	vor.u32 s26, v7;
	v54 =	vld.idx.msk [tilespmem:v54+s8+$0x0], $0xffff  }
0x298: {  	v63 =	vor.u32 v28, v53;
	_ =	sdelay $0x3  }
0x299: {  	s25 =	sor.u32 $0x2, s23;
	[tilespmem:v62+s19+$0x0] =	vst.idx.msk $0xffff, v54  }
0x29a: {  	v62 =	vor.u32 s25, v0;
	v54 =	vld.idx.msk [tilespmem:v63+s8+$0x0], $0xffff  }
0x29b: {  	v63 =	vor.u32 v29, v53;
	_ =	sdelay $0x3  }
0x29c: {  	[tilespmem:v62+s19+$0x0] =	vst.idx.msk $0xffff, v54  }
0x29d: {  	v62 =	vor.u32 s25, v3;
	v54 =	vld.idx.msk [tilespmem:v63+s8+$0x0], $0xffff  }
0x29e: {  	v63 =	vor.u32 v30, v53;
	_ =	sdelay $0x3  }
0x29f: {  	[tilespmem:v62+s19+$0x0] =	vst.idx.msk $0xffff, v54  }
0x2a0: {  	v62 =	vor.u32 s25, v5;
	v54 =	vld.idx.msk [tilespmem:v63+s8+$0x0], $0xffff  }
0x2a1: {  	v53 =	vor.u32 v31, v53;
	_ =	sdelay $0x3  }
0x2a2: {  	v52 =	vbroadcast v52, $0x3;
	[tilespmem:v62+s19+$0x0] =	vst.idx.msk $0xffff, v54  }
0x2a3: {  	v54 =	vor.u32 s25, v7;
	v53 =	vld.idx.msk [tilespmem:v53+s8+$0x0], $0xffff  }
0x2a4: {  	v62 =	vor.u32 v32, v52;
	_ =	sdelay $0x3  }
0x2a5: {  	s23 =	sor.u32 $0x3, s23;
	[tilespmem:v54+s19+$0x0] =	vst.idx.msk $0xffff, v53  }
0x2a6: {  	v54 =	vor.u32 s23, v0;
	v53 =	vld.idx.msk [tilespmem:v62+s8+$0x0], $0xffff  }
0x2a7: {  	v62 =	vor.u32 v33, v52;
	_ =	sdelay $0x3  }
0x2a8: {  	[tilespmem:v54+s19+$0x0] =	vst.idx.msk $0xffff, v53  }
0x2a9: {  	v54 =	vor.u32 s23, v3;
	v53 =	vld.idx.msk [tilespmem:v62+s8+$0x0], $0xffff  }
0x2aa: {  	v62 =	vor.u32 v34, v52;
	_ =	sdelay $0x3  }
0x2ab: {  	[tilespmem:v54+s19+$0x0] =	vst.idx.msk $0xffff, v53  }
0x2ac: {  	v63 =	vor.u32 s23, v5;
	v53 =	vld.idx.msk [tilespmem:v62+s8+$0x0], $0xffff  }
0x2ad: {  	v52 =	vor.u32 v35, v52;
	_ =	sdelay $0x3  }
0x2ae: {  	[tilespmem:v63+s19+$0x0] =	vst.idx.msk $0xffff, v53  }
0x2af: {  	v62 =	vor.u32 s23, v7;
	v52 =	vld.idx.msk [tilespmem:v52+s8+$0x0], $0xffff  }
0x2b0: {  	s26 =	sadd.s32 $0xFFFFFFFF, s21  }
0x2b1: {  	s24 =	sand.u32 $0x1F, s26  }
0x2b2: {  	p0 =	sne.s32 s24, $0x1F  }
0x2b3: {  	s24 =	simm.s32 @!p0 $0x400;
	s23 =	sadd.s32 @!p0 s22, s7  }
0x2b4: {  	s26 =	simm.s32 @!p0 $0x18280;
	s25 =	simm.s32 @!p0 $0x20000;
	s23 =	sadd.s32 @!p0 $0xFFFFFF88, s23;
	[tilespmem:v62+s19+$0x0] =	vst.idx.msk $0xffff, v52  }
0x2b5: {  	[hbm4b:s23+s24] =	stream.strided.scatter @!p0 [tilespmem:s26], [sflag:$0x3], $0x2000, s25, s24, $0x38;
	[tilespmem:$0x1A280] =	vst v63  }
0x2b6: {  	s23 =	simm.s32 @!p0 $0x3  }
0x2b7: {  	_ =	swait.ge @!p0 [sflag:s23], $0x2000  }
0x2b8: {  	[sflag:s23] =	ssyncset.done @!p0 $0x0  }
0x2b9: {  	[sflag:s23] =	ssyncadd.s32 @!p0 $0xFFFFE000  }
0x2ba: {  	_ =	swait.ge [sflag:s18], $0x8000  }
0x2bb: {  	[sflag:s18] =	ssyncset.done $0x0  }
0x2bc: {  	[sflag:s18] =	ssyncadd.s32 $0xFFFF8000  }
0x2bd: {  	v63 =	vld [tilespmem:s20+$0x8];
	_ =	sdelay $0x4  }
0x2be: {  	v52 =	vshrl.u32 v63, $0x7  }
0x2bf: {  	v52 =	vshll.u32 v52, $0x7  }
0x2c0: {  	(v2sf) =	vpush v52, $0x1  }
0x2c1: {  	(v2sf) =	vpush v52, $0x0;
	_ =	sdelay $0xd  }
0x2c2: {  	s23 =	spop (v2sf)  }
0x2c3: {  	s25 =	spop (v2sf)  }
0x2c4: {  	s24 =	sand.u32 $0x1FFFFF80, s25  }
0x2c5: {  	s26 =	simm.s32 $0x1280;
	s24 =	sadd.s32 s0, s24  }
0x2c6: {  	[tilespmem:s26], [sflag:$0x1] =	stream.linear.gather [hbm4b:s24+s2], $0x400, $0x38;
	[tilespmem:$0x1A280] =	vst v63  }
0x2c7: {  	s23 =	sand.u32 $0x1FFFFF80, s23;
	s25 =	sadd.s32 $0xF4280, s24;
	s26 =	simm.s32 $0x4280  }
0x2c8: {  	[tilespmem:s26], [sflag:$0x1] =	stream.linear.gather [hbm4b:s25+s2], $0x400, $0x38;
	[tilespmem:$0x1A280] =	vst v63  }
0x2c9: {  	s25 =	sadd.s32 $0x1E8500, s24;
	s26 =	simm.s32 $0x7280  }
0x2ca: {  	[tilespmem:s26], [sflag:$0x1] =	stream.linear.gather [hbm4b:s25+s2], $0x400, $0x38;
	[tilespmem:$0x1A280] =	vst v63  }
0x2cb: {  	s25 =	sadd.s32 $0x2DC780, s24;
	s26 =	simm.s32 $0xA280  }
0x2cc: {  	[tilespmem:s26], [sflag:$0x1] =	stream.linear.gather [hbm4b:s25+s2], $0x400, $0x38;
	[tilespmem:$0x1A280] =	vst v63  }
0x2cd: {  	s25 =	sadd.s32 $0x3D0A00, s24;
	s26 =	simm.s32 $0xD280  }
0x2ce: {  	[tilespmem:s26], [sflag:$0x1] =	stream.linear.gather [hbm4b:s25+s2], $0x400, $0x38;
	[tilespmem:$0x1A280] =	vst v63  }
0x2cf: {  	s25 =	sadd.s32 $0x4C4C80, s24;
	s26 =	simm.s32 $0x10280  }
0x2d0: {  	[tilespmem:s26], [sflag:$0x1] =	stream.linear.gather [hbm4b:s25+s2], $0x400, $0x38;
	[tilespmem:$0x1A280] =	vst v63  }
0x2d1: {  	s25 =	sadd.s32 $0x5B8F00, s24;
	s26 =	simm.s32 $0x13280  }
0x2d2: {  	(v2sf) =	vpush v52, $0x3;
	[tilespmem:s26], [sflag:$0x1] =	stream.linear.gather [hbm4b:s25+s2], $0x400, $0x38;
	[tilespmem:$0x1A280] =	vst v63  }
0x2d3: {  	s24 =	sadd.s32 $0x6AD180, s24;
	s26 =	simm.s32 $0x16280  }
0x2d4: {  	(v2sf) =	vpush v52, $0x2;
	[tilespmem:s26], [sflag:$0x1] =	stream.linear.gather [hbm4b:s24+s2], $0x400, $0x38;
	[tilespmem:$0x1A280] =	vst v63  }
0x2d5: {  	s23 =	sadd.s32 s0, s23;
	s26 =	simm.s32 $0x1680  }
0x2d6: {  	[tilespmem:s26], [sflag:$0x1] =	stream.linear.gather [hbm4b:s23+s2], $0x400, $0x38;
	[tilespmem:$0x1A280] =	vst v63  }
0x2d7: {  	s25 =	sadd.s32 $0xF4280, s23;
	s26 =	simm.s32 $0x4680  }
0x2d8: {  	[tilespmem:s26], [sflag:$0x1] =	stream.linear.gather [hbm4b:s25+s2], $0x400, $0x38;
	[tilespmem:$0x1A280] =	vst v63  }
0x2d9: {  	s25 =	sadd.s32 $0x1E8500, s23;
	s26 =	simm.s32 $0x7680  }
0x2da: {  	[tilespmem:s26], [sflag:$0x1] =	stream.linear.gather [hbm4b:s25+s2], $0x400, $0x38;
	[tilespmem:$0x1A280] =	vst v63  }
0x2db: {  	s25 =	sadd.s32 $0x2DC780, s23;
	s26 =	simm.s32 $0xA680  }
0x2dc: {  	[tilespmem:s26], [sflag:$0x1] =	stream.linear.gather [hbm4b:s25+s2], $0x400, $0x38;
	[tilespmem:$0x1A280] =	vst v63  }
0x2dd: {  	s25 =	sadd.s32 $0x3D0A00, s23;
	s26 =	simm.s32 $0xD680  }
0x2de: {  	[tilespmem:s26], [sflag:$0x1] =	stream.linear.gather [hbm4b:s25+s2], $0x400, $0x38;
	[tilespmem:$0x1A280] =	vst v63  }
0x2df: {  	s25 =	sadd.s32 $0x4C4C80, s23;
	s26 =	simm.s32 $0x10680  }
0x2e0: {  	[tilespmem:s26], [sflag:$0x1] =	stream.linear.gather [hbm4b:s25+s2], $0x400, $0x38;
	[tilespmem:$0x1A280] =	vst v63  }
0x2e1: {  	s24 =	spop (v2sf);
	s25 =	sadd.s32 $0x5B8F00, s23;
	s26 =	simm.s32 $0x13680  }
0x2e2: {  	[tilespmem:s26], [sflag:$0x1] =	stream.linear.gather [hbm4b:s25+s2], $0x400, $0x38;
	[tilespmem:$0x1A280] =	vst v63  }
0x2e3: {  	s23 =	sadd.s32 $0x6AD180, s23;
	s26 =	simm.s32 $0x16680;
	s25 =	spop (v2sf)  }
0x2e4: {  	[tilespmem:s26], [sflag:$0x1] =	stream.linear.gather [hbm4b:s23+s2], $0x400, $0x38;
	[tilespmem:$0x1A280] =	vst v63  }
0x2e5: {  	s23 =	sand.u32 $0x1FFFFF80, s25  }
0x2e6: {  	s26 =	simm.s32 $0x1A80;
	s23 =	sadd.s32 s0, s23  }
0x2e7: {  	[tilespmem:s26], [sflag:$0x1] =	stream.linear.gather [hbm4b:s23+s2], $0x400, $0x38;
	[tilespmem:$0x1A280] =	vst v63  }
0x2e8: {  	s25 =	sadd.s32 $0xF4280, s23;
	s26 =	simm.s32 $0x4A80  }
0x2e9: {  	[tilespmem:s26], [sflag:$0x1] =	stream.linear.gather [hbm4b:s25+s2], $0x400, $0x38;
	[tilespmem:$0x1A280] =	vst v63  }
0x2ea: {  	s25 =	sadd.s32 $0x1E8500, s23;
	s26 =	simm.s32 $0x7A80  }
0x2eb: {  	[tilespmem:s26], [sflag:$0x1] =	stream.linear.gather [hbm4b:s25+s2], $0x400, $0x38;
	[tilespmem:$0x1A280] =	vst v63  }
0x2ec: {  	s25 =	sadd.s32 $0x2DC780, s23;
	s26 =	simm.s32 $0xAA80  }
0x2ed: {  	[tilespmem:s26], [sflag:$0x1] =	stream.linear.gather [hbm4b:s25+s2], $0x400, $0x38;
	[tilespmem:$0x1A280] =	vst v63  }
0x2ee: {  	s25 =	sadd.s32 $0x3D0A00, s23;
	s26 =	simm.s32 $0xDA80  }
0x2ef: {  	[tilespmem:s26], [sflag:$0x1] =	stream.linear.gather [hbm4b:s25+s2], $0x400, $0x38;
	[tilespmem:$0x1A280] =	vst v63  }
0x2f0: {  	s25 =	sadd.s32 $0x4C4C80, s23;
	s26 =	simm.s32 $0x10A80  }
0x2f1: {  	[tilespmem:s26], [sflag:$0x1] =	stream.linear.gather [hbm4b:s25+s2], $0x400, $0x38;
	[tilespmem:$0x1A280] =	vst v63  }
0x2f2: {  	s25 =	sadd.s32 $0x5B8F00, s23  }
0x2f3: {  	s26 =	simm.s32 $0x13A80;
	s23 =	sadd.s32 $0x6AD180, s23  }
0x2f4: {  	[tilespmem:s26], [sflag:$0x1] =	stream.linear.gather [hbm4b:s25+s2], $0x400, $0x38;
	[tilespmem:$0x1A280] =	vst v63  }
0x2f5: {  	s26 =	simm.s32 $0x16A80;
	s25 =	sand.u32 $0x1FFFFF80, s24  }
0x2f6: {  	[tilespmem:s26], [sflag:$0x1] =	stream.linear.gather [hbm4b:s23+s2], $0x400, $0x38;
	[tilespmem:$0x1A280] =	vst v63  }
0x2f7: {  	s23 =	sadd.s32 s0, s25;
	s26 =	simm.s32 $0x1E80  }
0x2f8: {  	[tilespmem:s26], [sflag:$0x1] =	stream.linear.gather [hbm4b:s23+s2], $0x400, $0x38;
	[tilespmem:$0x1A280] =	vst v63  }
0x2f9: {  	s25 =	sadd.s32 $0xF4280, s23;
	s26 =	simm.s32 $0x4E80  }
0x2fa: {  	[tilespmem:s26], [sflag:$0x1] =	stream.linear.gather [hbm4b:s25+s2], $0x400, $0x38;
	[tilespmem:$0x1A280] =	vst v63  }
0x2fb: {  	s26 =	sadd.s32 $0x1E8500, s23  }
0x2fc: {  	[tilespmem:s31], [sflag:$0x1] =	stream.linear.gather [hbm4b:s26+s2], $0x400, $0x38;
	[tilespmem:$0x1A280] =	vst v63  }
0x2fd: {  	s25 =	sadd.s32 $0x2DC780, s23  }
0x2fe: {  	[tilespmem:s1], [sflag:$0x1] =	stream.linear.gather [hbm4b:s25+s2], $0x400, $0x38;
	[tilespmem:$0x1A280] =	vst v63  }
0x2ff: {  	s26 =	sadd.s32 $0x3D0A00, s23  }
0x300: {  	[tilespmem:s6], [sflag:$0x1] =	stream.linear.gather [hbm4b:s26+s2], $0x400, $0x38;
	[tilespmem:$0x1A280] =	vst v63  }
0x301: {  	s25 =	sadd.s32 $0x4C4C80, s23  }
0x302: {  	[tilespmem:s9], [sflag:$0x1] =	stream.linear.gather [hbm4b:s25+s2], $0x400, $0x38;
	[tilespmem:$0x1A280] =	vst v63  }
0x303: {  	s26 =	sadd.s32 $0x5B8F00, s23  }
0x304: {  	[tilespmem:s5], [sflag:$0x1] =	stream.linear.gather [hbm4b:s26+s2], $0x400, $0x38;
	[tilespmem:$0x1A280] =	vst v63  }
0x305: {  	s23 =	sadd.s32 $0x6AD180, s23  }
0x306: {  	[tilespmem:s10], [sflag:$0x1] =	stream.linear.gather [hbm4b:s23+s2], $0x400, $0x38;
	[tilespmem:$0x1A280] =	vst v63  }
0x307: {  	v62 =	vld [tilespmem:s20+$0x0];
	_ =	sdelay $0x4  }
0x308: {  	v52 =	vand.u32 $0x7F, v62  }
0x309: {  	v53 =	vbroadcast v52, $0x0;
	_ =	sdelay $0x1  }
0x30a: {  	v63 =	vor.u32 v36, v53;
	_ =	sdelay $0x2  }
0x30b: {  	s25 =	sadd.s32 $0x8, s22  }
0x30c: {  	s23 =	sand.u32 $0x7C, s25  }
0x30d: {  	v62 =	vor.u32 s23, v0;
	v54 =	vld.idx.msk [tilespmem:v63+s8+$0x0], $0xffff  }
0x30e: {  	v63 =	vor.u32 v37, v53;
	_ =	sdelay $0x3  }
0x30f: {  	[tilespmem:v62+s19+$0x0] =	vst.idx.msk $0xffff, v54  }
0x310: {  	v62 =	vor.u32 s23, v3;
	v54 =	vld.idx.msk [tilespmem:v63+s8+$0x0], $0xffff  }
0x311: {  	v63 =	vor.u32 v38, v53;
	_ =	sdelay $0x3  }
0x312: {  	[tilespmem:v62+s19+$0x0] =	vst.idx.msk $0xffff, v54  }
0x313: {  	v62 =	vor.u32 s23, v5;
	v54 =	vld.idx.msk [tilespmem:v63+s8+$0x0], $0xffff  }
0x314: {  	v53 =	vor.u32 v39, v53;
	_ =	sdelay $0x3  }
0x315: {  	[tilespmem:v62+s19+$0x0] =	vst.idx.msk $0xffff, v54;
	v54 =	vbroadcast v52, $0x1  }
0x316: {  	v62 =	vor.u32 s23, v7;
	v53 =	vld.idx.msk [tilespmem:v53+s8+$0x0], $0xffff  }
0x317: {  	v63 =	vor.u32 v40, v54;
	_ =	sdelay $0x3  }
0x318: {  	s26 =	sor.u32 $0x1, s23;
	[tilespmem:v62+s19+$0x0] =	vst.idx.msk $0xffff, v53  }
0x319: {  	v62 =	vor.u32 s26, v0;
	v53 =	vld.idx.msk [tilespmem:v63+s8+$0x0], $0xffff  }
0x31a: {  	v63 =	vor.u32 v41, v54;
	_ =	sdelay $0x3  }
0x31b: {  	[tilespmem:v62+s19+$0x0] =	vst.idx.msk $0xffff, v53  }
0x31c: {  	v62 =	vor.u32 s26, v3;
	v53 =	vld.idx.msk [tilespmem:v63+s8+$0x0], $0xffff  }
0x31d: {  	v63 =	vor.u32 v42, v54;
	_ =	sdelay $0x3  }
0x31e: {  	[tilespmem:v62+s19+$0x0] =	vst.idx.msk $0xffff, v53  }
0x31f: {  	v62 =	vor.u32 s26, v5;
	v53 =	vld.idx.msk [tilespmem:v63+s8+$0x0], $0xffff  }
0x320: {  	v54 =	vor.u32 v43, v54;
	_ =	sdelay $0x3  }
0x321: {  	[tilespmem:v62+s19+$0x0] =	vst.idx.msk $0xffff, v53;
	v53 =	vbroadcast v52, $0x2  }
0x322: {  	v62 =	vor.u32 s26, v7;
	v54 =	vld.idx.msk [tilespmem:v54+s8+$0x0], $0xffff  }
0x323: {  	v63 =	vor.u32 v44, v53;
	_ =	sdelay $0x3  }
0x324: {  	s25 =	sor.u32 $0x2, s23;
	[tilespmem:v62+s19+$0x0] =	vst.idx.msk $0xffff, v54  }
0x325: {  	v62 =	vor.u32 s25, v0;
	v54 =	vld.idx.msk [tilespmem:v63+s8+$0x0], $0xffff  }
0x326: {  	v63 =	vor.u32 v45, v53;
	_ =	sdelay $0x3  }
0x327: {  	[tilespmem:v62+s19+$0x0] =	vst.idx.msk $0xffff, v54  }
0x328: {  	v62 =	vor.u32 s25, v3;
	v54 =	vld.idx.msk [tilespmem:v63+s8+$0x0], $0xffff  }
0x329: {  	v63 =	vor.u32 v46, v53;
	_ =	sdelay $0x3  }
0x32a: {  	[tilespmem:v62+s19+$0x0] =	vst.idx.msk $0xffff, v54  }
0x32b: {  	v62 =	vor.u32 s25, v5;
	v54 =	vld.idx.msk [tilespmem:v63+s8+$0x0], $0xffff  }
0x32c: {  	v53 =	vor.u32 v47, v53;
	_ =	sdelay $0x3  }
0x32d: {  	v52 =	vbroadcast v52, $0x3;
	[tilespmem:v62+s19+$0x0] =	vst.idx.msk $0xffff, v54  }
0x32e: {  	v54 =	vor.u32 s25, v7;
	v53 =	vld.idx.msk [tilespmem:v53+s8+$0x0], $0xffff  }
0x32f: {  	v62 =	vor.u32 v48, v52;
	_ =	sdelay $0x3  }
0x330: {  	s23 =	sor.u32 $0x3, s23;
	[tilespmem:v54+s19+$0x0] =	vst.idx.msk $0xffff, v53  }
0x331: {  	v54 =	vor.u32 s23, v0;
	v53 =	vld.idx.msk [tilespmem:v62+s8+$0x0], $0xffff  }
0x332: {  	v62 =	vor.u32 v49, v52;
	_ =	sdelay $0x3  }
0x333: {  	[tilespmem:v54+s19+$0x0] =	vst.idx.msk $0xffff, v53  }
0x334: {  	v54 =	vor.u32 s23, v3;
	v53 =	vld.idx.msk [tilespmem:v62+s8+$0x0], $0xffff  }
0x335: {  	v62 =	vor.u32 v50, v52;
	_ =	sdelay $0x3  }
0x336: {  	[tilespmem:v54+s19+$0x0] =	vst.idx.msk $0xffff, v53  }
0x337: {  	v53 =	vld.idx.msk [tilespmem:v62+s8+$0x0], $0xffff;
	v62 =	vor.u32 s23, v5  }
0x338: {  	v52 =	vor.u32 v51, v52;
	_ =	sdelay $0x3  }
0x339: {  	[tilespmem:v62+s19+$0x0] =	vst.idx.msk $0xffff, v53  }
0x33a: {  	v63 =	vor.u32 s23, v7;
	v52 =	vld.idx.msk [tilespmem:v52+s8+$0x0], $0xffff  }
0x33b: {  	s26 =	sand.u32 $0x1F, s21  }
0x33c: {  	p0 =	sne.s32 s26, $0x1F  }
0x33d: {  	s24 =	simm.s32 @!p0 $0x400  }
0x33e: {  	s26 =	simm.s32 @!p0 $0x18280;
	s23 =	sadd.s32 @!p0 s22, s7;
	s22 =	sadd.s32 $0xC, s22  }
0x33f: {  	s25 =	simm.s32 @!p0 $0x20000;
	s23 =	sadd.s32 @!p0 $0xFFFFFF8C, s23;
	p1 =	sne.s32 s22, $0x1F8;
	[tilespmem:v63+s19+$0x0] =	vst.idx.msk $0xffff, v52  }
0x340: {  	[hbm4b:s23+s24] =	stream.strided.scatter @!p0 [tilespmem:s26], [sflag:$0x2], $0x2000, s25, s24, $0x38;
	[tilespmem:$0x1A280] =	vst v63  }
.Ltmp0:
0x341: {  	_ = 	snop;
	(pc) =	sbr.rel @p1 .LBB2_2-.Ltmp0, $4  }
0x342: {  	s23 =	simm.s32 @!p0 $0x2  }
0x343: {  	_ =	swait.ge @!p0 [sflag:s23], $0x2000  }
0x344: {  	[sflag:s23] =	ssyncset.done @!p0 $0x0  }
0x345: {  	s20 =	sadd.s32 $0xC, s20;
	s21 =	sadd.s32 $0x3, s21;
	[sflag:s23] =	ssyncadd.s32 @!p0 $0xFFFFE000  }
0x346: {  	_ =	swait.ge [sflag:s18], $0x8000  }
0x347: {  	[sflag:s18] =	ssyncset.done $0x0  }
0x348: {  	[sflag:s18] =	ssyncadd.s32 $0xFFFF8000  }
0x349: {  	v52 =	vld [tilespmem:$0x1F8];
	_ =	sdelay $0x4  }
0x34a: {  	v52 =	vand.u32 $0x7F, v52  }
0x34b: {  	v53 =	vbroadcast v52, $0x0;
	_ =	sdelay $0x1  }
0x34c: {  	v54 =	vor.u32 v1, v53;
	_ =	sdelay $0x1  }
0x34d: {  	v63 =	vld [tilespmem:$0x1FFD0];
	_ =	sdelay $0x2  }
0x34e: {  	v54 =	vld.idx.msk [tilespmem:v54+s8+$0x0], $0xffff;
	_ =	sdelay $0x2  }
0x34f: {  	v62 =	vor.u32 v2, v53;
	_ =	sdelay $0x1  }
0x350: {  	[tilespmem:v63+s19+$0x0] =	vst.idx.msk $0xffff, v54;
	v63 =	vld [tilespmem:$0x1FFE0];
	_ =	sdelay $0x2  }
0x351: {  	v54 =	vld.idx.msk [tilespmem:v62+s8+$0x0], $0xffff  }
0x352: {  	v62 =	vor.u32 v4, v53;
	_ =	sdelay $0x3  }
0x353: {  	[tilespmem:v63+s19+$0x0] =	vst.idx.msk $0xffff, v54  }
0x354: {  	v54 =	vld.idx.msk [tilespmem:v62+s8+$0x0], $0xffff  }
0x355: {  	v62 =	vld [tilespmem:$0x1FFF0];
	_ =	sdelay $0x3  }
0x356: {  	v53 =	vor.u32 v6, v53;
	_ =	sdelay $0x3  }
0x357: {  	[tilespmem:v62+s19+$0x0] =	vst.idx.msk $0xffff, v54;
	v54 =	vbroadcast v52, $0x1  }
0x358: {  	v53 =	vld.idx.msk [tilespmem:v53+s8+$0x0], $0xffff  }
0x359: {  	v62 =	vor.u32 v8, v54;
	_ =	sdelay $0x3  }
0x35a: {  	[tilespmem:v55+s19+$0x0] =	vst.idx.msk $0xffff, v53  }
0x35b: {  	v53 =	vld.idx.msk [tilespmem:v62+s8+$0x0], $0xffff  }
0x35c: {  	v62 =	vor.u32 v9, v54;
	_ =	sdelay $0x3  }
0x35d: {  	[tilespmem:v56+s19+$0x0] =	vst.idx.msk $0xffff, v53  }
0x35e: {  	v53 =	vld.idx.msk [tilespmem:v62+s8+$0x0], $0xffff  }
0x35f: {  	v62 =	vor.u32 v10, v54;
	_ =	sdelay $0x3  }
0x360: {  	[tilespmem:v57+s19+$0x0] =	vst.idx.msk $0xffff, v53  }
0x361: {  	v53 =	vld.idx.msk [tilespmem:v62+s8+$0x0], $0xffff  }
0x362: {  	v54 =	vor.u32 v11, v54;
	_ =	sdelay $0x3  }
0x363: {  	[tilespmem:v58+s19+$0x0] =	vst.idx.msk $0xffff, v53;
	v53 =	vbroadcast v52, $0x2  }
0x364: {  	v54 =	vld.idx.msk [tilespmem:v54+s8+$0x0], $0xffff  }
0x365: {  	v62 =	vor.u32 v12, v53;
	_ =	sdelay $0x3  }
0x366: {  	[tilespmem:v59+s19+$0x0] =	vst.idx.msk $0xffff, v54  }
0x367: {  	v54 =	vld.idx.msk [tilespmem:v62+s8+$0x0], $0xffff  }
0x368: {  	v62 =	vor.u32 v13, v53;
	_ =	sdelay $0x3  }
0x369: {  	[tilespmem:v60+s19+$0x0] =	vst.idx.msk $0xffff, v54  }
0x36a: {  	v54 =	vld.idx.msk [tilespmem:v62+s8+$0x0], $0xffff  }
0x36b: {  	v62 =	vor.u32 v14, v53;
	_ =	sdelay $0x3  }
0x36c: {  	[tilespmem:v61+s19+$0x0] =	vst.idx.msk $0xffff, v54  }
0x36d: {  	v54 =	vld.idx.msk [tilespmem:v62+s8+$0x0], $0xffff;
	v62 =	vor.u32 $0x107A, v0  }
0x36e: {  	v53 =	vor.u32 v15, v53;
	_ =	sdelay $0x3  }
0x36f: {  	v52 =	vbroadcast v52, $0x3;
	[tilespmem:v62+s19+$0x0] =	vst.idx.msk $0xffff, v54  }
0x370: {  	v54 =	vor.u32 $0x187A, v0;
	v53 =	vld.idx.msk [tilespmem:v53+s8+$0x0], $0xffff  }
0x371: {  	v62 =	vor.u32 v16, v52;
	_ =	sdelay $0x3  }
0x372: {  	[tilespmem:v54+s19+$0x0] =	vst.idx.msk $0xffff, v53  }
0x373: {  	v54 =	vor.u32 $0x7B, v0;
	v53 =	vld.idx.msk [tilespmem:v62+s8+$0x0], $0xffff  }
0x374: {  	v62 =	vor.u32 v17, v52;
	_ =	sdelay $0x3  }
0x375: {  	[tilespmem:v54+s19+$0x0] =	vst.idx.msk $0xffff, v53  }
0x376: {  	v54 =	vor.u32 $0x87B, v0;
	v53 =	vld.idx.msk [tilespmem:v62+s8+$0x0], $0xffff  }
0x377: {  	v62 =	vor.u32 v18, v52;
	_ =	sdelay $0x3  }
0x378: {  	[tilespmem:v54+s19+$0x0] =	vst.idx.msk $0xffff, v53  }
0x379: {  	v53 =	vld.idx.msk [tilespmem:v62+s8+$0x0], $0xffff;
	v62 =	vor.u32 $0x107B, v0  }
0x37a: {  	v52 =	vor.u32 v19, v52;
	_ =	sdelay $0x3  }
0x37b: {  	[tilespmem:v62+s19+$0x0] =	vst.idx.msk $0xffff, v53  }
0x37c: {  	v63 =	vor.u32 $0x187B, v0;
	v52 =	vld.idx.msk [tilespmem:v52+s8+$0x0], $0xffff;
	_ =	sdelay $0x4  }
0x37d: {  	[tilespmem:v63+s19+$0x0] =	vst.idx.msk $0xffff, v52  }
0x37e: {  	_ =	swait.ge [sflag:s18], $0x8000  }
0x37f: {  	[sflag:s18] =	ssyncset.done $0x0  }
0x380: {  	[sflag:s18] =	ssyncadd.s32 $0xFFFF8000  }
0x381: {  	v62 =	vld [tilespmem:$0x1FC];
	_ =	sdelay $0x4  }
0x382: {  	v52 =	vand.u32 $0x7F, v62  }
0x383: {  	v53 =	vbroadcast v52, $0x0;
	_ =	sdelay $0x1  }
0x384: {  	v63 =	vor.u32 v20, v53;
	_ =	sdelay $0x4  }
0x385: {  	v62 =	vor.u32 $0x7C, v0;
	v54 =	vld.idx.msk [tilespmem:v63+s8+$0x0], $0xffff  }
0x386: {  	v63 =	vor.u32 v21, v53;
	_ =	sdelay $0x3  }
0x387: {  	[tilespmem:v62+s19+$0x0] =	vst.idx.msk $0xffff, v54  }
0x388: {  	v62 =	vor.u32 $0x87C, v0;
	v54 =	vld.idx.msk [tilespmem:v63+s8+$0x0], $0xffff  }
0x389: {  	v63 =	vor.u32 v22, v53;
	_ =	sdelay $0x3  }
0x38a: {  	[tilespmem:v62+s19+$0x0] =	vst.idx.msk $0xffff, v54  }
0x38b: {  	v62 =	vor.u32 $0x107C, v0;
	v54 =	vld.idx.msk [tilespmem:v63+s8+$0x0], $0xffff  }
0x38c: {  	v53 =	vor.u32 v23, v53;
	_ =	sdelay $0x3  }
0x38d: {  	[tilespmem:v62+s19+$0x0] =	vst.idx.msk $0xffff, v54;
	v54 =	vbroadcast v52, $0x1  }
0x38e: {  	v62 =	vor.u32 $0x187C, v0;
	v53 =	vld.idx.msk [tilespmem:v53+s8+$0x0], $0xffff  }
0x38f: {  	v63 =	vor.u32 v24, v54;
	_ =	sdelay $0x3  }
0x390: {  	[tilespmem:v62+s19+$0x0] =	vst.idx.msk $0xffff, v53  }
0x391: {  	v62 =	vor.u32 $0x7D, v0;
	v53 =	vld.idx.msk [tilespmem:v63+s8+$0x0], $0xffff  }
0x392: {  	v63 =	vor.u32 v25, v54;
	_ =	sdelay $0x3  }
0x393: {  	[tilespmem:v62+s19+$0x0] =	vst.idx.msk $0xffff, v53  }
0x394: {  	v62 =	vor.u32 $0x87D, v0;
	v53 =	vld.idx.msk [tilespmem:v63+s8+$0x0], $0xffff  }
0x395: {  	v63 =	vor.u32 v26, v54;
	_ =	sdelay $0x3  }
0x396: {  	[tilespmem:v62+s19+$0x0] =	vst.idx.msk $0xffff, v53  }
0x397: {  	v62 =	vor.u32 $0x107D, v0;
	v53 =	vld.idx.msk [tilespmem:v63+s8+$0x0], $0xffff  }
0x398: {  	v54 =	vor.u32 v27, v54;
	_ =	sdelay $0x3  }
0x399: {  	[tilespmem:v62+s19+$0x0] =	vst.idx.msk $0xffff, v53;
	v53 =	vbroadcast v52, $0x2  }
0x39a: {  	v62 =	vor.u32 $0x187D, v0;
	v54 =	vld.idx.msk [tilespmem:v54+s8+$0x0], $0xffff  }
0x39b: {  	v63 =	vor.u32 v28, v53;
	_ =	sdelay $0x3  }
0x39c: {  	[tilespmem:v62+s19+$0x0] =	vst.idx.msk $0xffff, v54  }
0x39d: {  	v62 =	vor.u32 $0x7E, v0;
	v54 =	vld.idx.msk [tilespmem:v63+s8+$0x0], $0xffff  }
0x39e: {  	v63 =	vor.u32 v29, v53;
	_ =	sdelay $0x3  }
0x39f: {  	[tilespmem:v62+s19+$0x0] =	vst.idx.msk $0xffff, v54  }
0x3a0: {  	v62 =	vor.u32 $0x87E, v0;
	v54 =	vld.idx.msk [tilespmem:v63+s8+$0x0], $0xffff  }
0x3a1: {  	v63 =	vor.u32 v30, v53;
	_ =	sdelay $0x3  }
0x3a2: {  	[tilespmem:v62+s19+$0x0] =	vst.idx.msk $0xffff, v54  }
0x3a3: {  	v62 =	vor.u32 $0x107E, v0;
	v54 =	vld.idx.msk [tilespmem:v63+s8+$0x0], $0xffff  }
0x3a4: {  	v53 =	vor.u32 v31, v53;
	_ =	sdelay $0x3  }
0x3a5: {  	v52 =	vbroadcast v52, $0x3;
	[tilespmem:v62+s19+$0x0] =	vst.idx.msk $0xffff, v54  }
0x3a6: {  	v54 =	vor.u32 $0x187E, v0;
	v53 =	vld.idx.msk [tilespmem:v53+s8+$0x0], $0xffff  }
0x3a7: {  	v62 =	vor.u32 v32, v52;
	_ =	sdelay $0x3  }
0x3a8: {  	[tilespmem:v54+s19+$0x0] =	vst.idx.msk $0xffff, v53  }
0x3a9: {  	v54 =	vor.u32 $0x7F, v0;
	v53 =	vld.idx.msk [tilespmem:v62+s8+$0x0], $0xffff  }
0x3aa: {  	v62 =	vor.u32 v33, v52;
	_ =	sdelay $0x3  }
0x3ab: {  	[tilespmem:v54+s19+$0x0] =	vst.idx.msk $0xffff, v53  }
0x3ac: {  	v54 =	vor.u32 $0x87F, v0;
	v53 =	vld.idx.msk [tilespmem:v62+s8+$0x0], $0xffff  }
0x3ad: {  	v62 =	vor.u32 v34, v52;
	_ =	sdelay $0x3  }
0x3ae: {  	[tilespmem:v54+s19+$0x0] =	vst.idx.msk $0xffff, v53  }
0x3af: {  	v53 =	vld.idx.msk [tilespmem:v62+s8+$0x0], $0xffff;
	v62 =	vor.u32 $0x107F, v0  }
0x3b0: {  	v52 =	vor.u32 v35, v52;
	_ =	sdelay $0x3  }
0x3b1: {  	[tilespmem:v62+s19+$0x0] =	vst.idx.msk $0xffff, v53  }
0x3b2: {  	v63 =	vor.u32 $0x187F, v0;
	v52 =	vld.idx.msk [tilespmem:v52+s8+$0x0], $0xffff;
	_ =	sdelay $0x2  }
0x3b3: {  	s20 =	sld [smem:$0x7F8];
	_ =	sdelay $0x1  }
0x3b4: {  	s1 =	simm.s32 $0x400;
	s3 =	simm.s32 $0x20000;
	s21 =	simm.s32 $0x2;
	[tilespmem:v63+s19+$0x0] =	vst.idx.msk $0xffff, v52  }
0x3b5: {  	[hbm4b:s20+s1] =	stream.strided.scatter [tilespmem:s19], [sflag:$0x2], $0x2000, s3, s1, $0x38;
	[tilespmem:$0x1A280] =	vst v63  }
0x3b6: {  	_ =	swait.ge [sflag:s21], $0x2000  }
0x3b7: {  	s22 =	sld [smem:$0x7F6]  }
0x3b8: {  	s23 =	simm.s32 $0x6280;
	s24 =	simm.s32 $0x9280;
	s26 =	sld [smem:$0x7F9]  }
0x3b9: {  	s25 =	simm.s32 $0xC280;
	s4 =	simm.s32 $0x15280;
	s5 =	simm.s32 $0x680  }
0x3ba: {  	s6 =	simm.s32 $0x3680;
	s9 =	simm.s32 $0x6680;
	s22 =	sadd.s32 $0x1, s22  }
0x3bb: {  	s10 =	simm.s32 $0x9680;
	s11 =	simm.s32 $0xC680;
	p0 =	sne.s32 s22, s26  }
.Ltmp1:
0x3bc: {  	s12 =	simm.s32 $0xF680;
	s13 =	simm.s32 $0x12680;
	(pc) =	sbr.rel @p0 .LBB2_1-.Ltmp1, $4  }
0x3bd: {  	s14 =	simm.s32 $0x15680;
	s15 =	simm.s32 $0xA80;
	s16 =	simm.s32 $0x6A80  }
0x3be: {  	s17 =	simm.s32 $0x9A80;
	s29 =	simm.s32 $0xCA80;
	s30 =	simm.s32 $0xFA80  }
0x3bf: {  	s31 =	simm.s32 $0x12A80;
	s3 =	simm.s32 $0x12280;
	[sflag:s21] =	ssyncset.done $0x0  }
0x3c0: {  	s1 =	simm.s32 $0x3A80;
	[sflag:s21] =	ssyncadd.s32 $0xFFFFE000;
	s26 =	simm.s32 $0xF280  }
0x3c1: {  	_ =	sfence.sel $0x180000  }
0x3c2: {  	[bflag:$0x0] =	sbarrier.arrive $0xFFFF  }
0x3c3: {  	_ =	strace $0x90000047  }
0x3c4: {  	s0 =	stileid.u32;
	[bflag:$0x2] =	sbarrier.arrive $0xFFFF  }
0x3c5: {  	p0 =	sne.s32 s0, $0x0;
	s0 =	rddreg [dreg:$0x3]  }
0x3c6: {  	s0 =	sadd.s32 @!p0 $0x100000, s0  }
0x3c7: {  	[sflag:s0] =	ssyncadd.tile.s32 @!p0 $0x1;
	_ =	shalt  }
.Lfunc_end2:
_tile_overlayer_lowered:
.L_overlay_start_2:
0x3c8: {  	(tag) =	ssettag $0x2  }
0x3c9: {  	s0 =	rddreg [dreg:$0x0];
	s2 =	stileid.u32  }
0x3ca: {  	s1 =	rddreg [dreg:$0x1];
	p0 =	sne.s32 s2, $0x0  }
0x3cb: {  	s3 =	rddreg [dreg:$0x2];
	[bflag:$0x3] =	sbarrier.arrive $0xFFFF;
	s2 =	simm.s32 @!p0 $0x1C02  }
0x3cc: {  	[timem:s3], [sflag:s2] =	dma.local @!p0 [hbm:s0], s1  }
0x3cd: {  	s0 =	simm.s32 @!p0 $0x2  }
0x3ce: {  	_ =	swait.ge @!p0 [sflag:s0], s1  }
0x3cf: {  	s1 =	ssub.s32 @!p0 $0x0, s1;
	[sflag:s0] =	ssyncset.done @!p0 $0x0  }
0x3d0: {  	[sflag:s0] =	ssyncadd.s32 @!p0 s1  }
0x3d1: {  	[bflag:$0x3] =	sbarrier.arrive $0xFFFF  }
0x3d2: {  	_ =	shalt  }

</sc_bundles>
